<compile_context>
chip_gen: v7x
topology: tpu7x:2x2x1
jax: 0.10.2.dev20260603
libtpu: 0.0.44.dev20260713+nightly
codegen_flags: <defaults>
</compile_context>

<pallas_src>
import functools

import numpy as np
import jax
import jax.numpy as jnp
from jax import lax
from jax.experimental import pallas as pl
from jax.experimental.pallas import tpu as pltpu
import jax.experimental.pallas.tpu_sc as plsc

_T = 0.1
_P = 2048
_NMAX = 10240
_K = 5120
_S = _P + _NMAX
_EPS = 1e-8
_NEG = -1e9

_NSUB = 16
_SPAD = _S + 8
_JT = 1024
_R = 64


def _code_body(lab_ref, code_ref):
    x = lab_ref[0]
    fg = x > 0
    f = fg.astype(jnp.float32)
    H, W = f.shape
    band = (jnp.abs(lax.broadcasted_iota(jnp.int32, (H, H), 0)
                    - lax.broadcasted_iota(jnp.int32, (H, H), 1))
            <= 5).astype(jnp.float32)
    s1 = jax.lax.dot_general(f, band, (((1,), (0,)), ((), ())),
                             preferred_element_type=jnp.float32)
    s2 = jax.lax.dot_general(band, s1, (((1,), (0,)), ((), ())),
                             preferred_element_type=jnp.float32)
    rim = (s2 > 0.5) & (~fg)
    code_ref[0] = jnp.where(fg, 1, jnp.where(rim, 2, 0)).astype(jnp.int32)


def _label_code(labels_i32):
    B, H, W = labels_i32.shape
    return pl.pallas_call(
        _code_body,
        grid=(B,),
        in_specs=[pl.BlockSpec((1, H, W), lambda b: (b, 0, 0))],
        out_specs=pl.BlockSpec((1, H, W), lambda b: (b, 0, 0)),
        out_shape=jax.ShapeDtypeStruct((B, H, W), jnp.int32),
    )(labels_i32)


def _compact_body(code_hbm, sel_hbm, cnt_hbm,
                  codebuf, fgbuf, rimbuf, cntbuf, allcnt, zbuf, idxmat,
                  cntout, shcnt, sem, pb1, pb2):
    b = lax.axis_index("c")
    sid = lax.axis_index("s")
    HW = 512 * 512
    chunk = HW // _NSUB
    iota = lax.iota(jnp.int32, 16)

    pltpu.sync_copy(code_hbm.at[pl.ds(b * HW + sid * chunk, chunk)], codebuf)

    def body(i, carry):
        c1v, c2v = carry
        v = codebuf[pl.ds(i * 16, 16)]
        pix = sid * chunk + i * 16 + iota
        m1 = v == 1
        i1 = m1.astype(jnp.int32)
        t1 = c1v + plsc.cumsum(i1) - i1
        plsc.store_scatter(fgbuf, [t1], pix, mask=m1)
        c1v = c1v + plsc.all_reduce_population_count(m1)
        m2 = v == 2
        i2 = m2.astype(jnp.int32)
        t2 = c2v + plsc.cumsum(i2) - i2
        plsc.store_scatter(rimbuf, [t2], pix, mask=m2)
        c2v = c2v + plsc.all_reduce_population_count(m2)
        return c1v, c2v

    zero16 = jnp.zeros((16,), jnp.int32)
    c1v, c2v = lax.fori_loop(0, chunk // 16, body, (zero16, zero16))
    c1 = c1v[0]
    c2 = c2v[0]

    zshare = _S // _NSUB
    z16 = jnp.zeros((16,), jnp.int32)
    for g in range(zshare // 16):
        zbuf[pl.ds(g * 16, 16)] = z16
    pltpu.sync_copy(zbuf, sel_hbm.at[pl.ds(b * _SPAD + sid * zshare, zshare)])

    cntbuf[...] = jnp.where(iota == 0, c1, jnp.where(iota == 1, c2, 0))
    pltpu.sync_copy(cntbuf, shcnt.at[sid])
    plsc.subcore_barrier()
    pltpu.sync_copy(shcnt, allcnt)
    pfx1 = jnp.int32(0)
    pfx2 = jnp.int32(0)
    tot1 = jnp.int32(0)
    tot2 = jnp.int32(0)
    for r in range(_NSUB):
        row = allcnt[r]
        a1 = row[0]
        a2 = row[1]
        mine = jnp.int32(r) < sid
        pfx1 = pfx1 + jnp.where(mine, a1, 0)
        pfx2 = pfx2 + jnp.where(mine, a2, 0)
        tot1 = tot1 + a1
        tot2 = tot2 + a2

    @pl.when(sid == 0)
    def _():
        cntout[...] = jnp.where(iota == 0, tot1, jnp.where(iota == 1, tot2, 0))
        pltpu.sync_copy(cntout, cnt_hbm.at[pl.ds(b * 16, 16)])

    def scatter(buf, pfx, cnt, limit, out_base, row_off):
        n = jnp.minimum(jnp.maximum(limit - pfx, 0), cnt)
        nch = (n + 127) // 128
        dummy = b * _SPAD + _S

        def chunk_body(j, _):
            @pl.when(j < nch)
            def _():
                @pl.when(j >= 16)
                def _():
                    pltpu.make_async_copy(
                        sel_hbm.at[pl.ds(0, 128)],
                        codebuf.at[pl.ds(0, 128)], sem).wait()
                for g in range(8):
                    slot = j * 128 + g * 16 + iota
                    tgt = jnp.where(slot < n, out_base + pfx + slot, dummy)
                    idxmat[row_off + j, pl.ds(g * 16, 16)] = tgt
                pltpu.async_copy(
                    buf.at[pl.ds(j * 128, 128)],
                    sel_hbm.at[idxmat.at[row_off + j]], sem)
            return 0

        lax.fori_loop(0, chunk // 128, chunk_body, 0)

        def drain(j, _):
            @pl.when(j < jnp.minimum(nch, 16))
            def _():
                pltpu.make_async_copy(
                    sel_hbm.at[pl.ds(0, 128)],
                    codebuf.at[pl.ds(0, 128)], sem).wait()
            return 0

        lax.fori_loop(0, 16, drain, 0)

    scatter(fgbuf, pfx1, c1, jnp.int32(_P), b * _SPAD, 0)
    scatter(rimbuf, pfx2, c2, jnp.int32(_NMAX), b * _SPAD + _P, 128)


def _compact(code_flat, B):
    HW = 512 * 512
    chunk = HW // _NSUB
    mesh = plsc.VectorSubcoreMesh(core_axis_name="c", subcore_axis_name="s")
    return pl.kernel(
        _compact_body,
        out_type=(
            jax.ShapeDtypeStruct((B * _SPAD,), jnp.int32),
            jax.ShapeDtypeStruct((B * 16,), jnp.int32),
        ),
        mesh=mesh,
        name="sc_compact",
        compiler_params=pltpu.CompilerParams(needs_layout_passes=False),
        scratch_types=[
            pltpu.VMEM((chunk,), jnp.int32),
            pltpu.VMEM((chunk + 16,), jnp.int32),
            pltpu.VMEM((chunk + 16,), jnp.int32),
            pltpu.VMEM((16,), jnp.int32),
            pltpu.VMEM((_NSUB, 16), jnp.int32),
            pltpu.VMEM((_S // _NSUB,), jnp.int32),
            pltpu.VMEM((256, 128), jnp.int32),
            pltpu.VMEM((16,), jnp.int32),
            pltpu.VMEM_SHARED((_NSUB, 16), jnp.int32),
            pltpu.SemaphoreType.DMA,
            pltpu.VMEM((16,), jnp.int32),
            pltpu.VMEM((16,), jnp.int32),
        ],
    )(code_flat)


def _gather_body(feat_hbm, sel_hbm, g_hbm,
                 selbuf, fb, urows, rowbuf, out0, out1, idxc, sem, pb1):
    b = lax.axis_index("c")
    sid = lax.axis_index("s")
    C = 96
    iota = lax.iota(jnp.int32, 16)

    pltpu.sync_copy(sel_hbm.at[pl.ds(b * _SPAD, _S)], selbuf)

    def meta(k, uv):
        sl = selbuf[pl.ds(k * 16, 16)]
        rows = lax.shift_right_logical(sl, 9)
        ln = jnp.bitwise_and(sl, 511)
        selbuf[pl.ds(k * 16, 16)] = rows
        pidx = k * 16 - 1 + iota
        mok = pidx >= 0
        prev = plsc.load_gather(selbuf, [jnp.maximum(pidx, 0)], mask=mok)
        new = (rows != prev) | (~mok)
        ni = new.astype(jnp.int32)
        rank = uv + plsc.cumsum(ni) - ni
        fb[pl.ds(k * 16, 16)] = rank * 512 + ln
        plsc.store_scatter(urows, [rank], rows, mask=new)
        return uv + plsc.all_reduce_population_count(new)

    uv = lax.fori_loop(0, _S // 16, meta, jnp.zeros((16,), jnp.int32))
    U = uv[0]

    def chan2(pi, _):
        c0 = sid * (C // _NSUB) + pi * 2
        base0 = (b * C + c0) * 512

        def chunk_body(q, _):
            @pl.when(q * _R < U)
            def _():
                for g in range(_R // 16):
                    slot = q * _R + g * 16 + iota
                    uv = urows[pl.ds(q * _R + g * 16, 16)]
                    rv = jnp.where(slot < U, uv, 0)
                    idxc[pl.ds(g * 16, 16)] = base0 + rv
                    idxc[pl.ds(_R + g * 16, 16)] = base0 + 512 + rv
                pltpu.async_copy(feat_hbm.at[idxc], rowbuf, sem).wait()
                qoff = q * (_R * 512)

                def extract(k, _):
                    fbv = fb[pl.ds(k * 16, 16)]
                    loc = fbv - qoff
                    m = (loc >= 0) & (loc < _R * 512)
                    lc = jnp.minimum(jnp.maximum(loc, 0), _R * 512 - 1)
                    r0 = lax.shift_right_logical(lc, 9)
                    ln = jnp.bitwise_and(lc, 511)
                    tgt = k * 16 + iota
                    v0 = plsc.load_gather(rowbuf, [r0, ln], mask=m)
                    plsc.store_scatter(out0, [tgt], v0, mask=m)
                    v1 = plsc.load_gather(rowbuf, [r0 + _R, ln], mask=m)
                    plsc.store_scatter(out1, [tgt], v1, mask=m)
                    return 0

                lax.fori_loop(0, _S // 16, extract, 0, unroll=4)
            return 0

        lax.fori_loop(0, _S // _R, chunk_body, 0)
        pltpu.sync_copy(out0, g_hbm.at[pl.ds((b * C + c0) * _S, _S)])
        pltpu.sync_copy(out1, g_hbm.at[pl.ds((b * C + c0 + 1) * _S, _S)])
        return 0

    lax.fori_loop(0, C // _NSUB // 2, chan2, 0)


def _gather(feat2d, sel, B, C):
    mesh = plsc.VectorSubcoreMesh(core_axis_name="c", subcore_axis_name="s")
    return pl.kernel(
        _gather_body,
        out_type=jax.ShapeDtypeStruct((B * C * _S,), jnp.float32),
        mesh=mesh,
        name="sc_gather",
        compiler_params=pltpu.CompilerParams(needs_layout_passes=False),
        scratch_types=[
            pltpu.VMEM((_S,), jnp.int32),
            pltpu.VMEM((_S,), jnp.int32),
            pltpu.VMEM((_S + 16,), jnp.int32),
            pltpu.VMEM((2 * _R, 512), jnp.float32),
            pltpu.VMEM((_S,), jnp.float32),
            pltpu.VMEM((_S,), jnp.float32),
            pltpu.VMEM((2 * _R,), jnp.int32),
            pltpu.SemaphoreType.DMA,
            pltpu.VMEM((16,), jnp.int32),
        ],
    )(feat2d, sel)


def _monokey(x):
    u = lax.bitcast_convert_type(x, jnp.int32)
    return jnp.where(
        u >= 0, u,
        jnp.bitwise_xor(jnp.bitwise_not(u), jnp.int32(-2147483648)))


_BITS = [np.int32(np.uint32(1 << b)) for b in range(31, -1, -1)]


def _select_topk(scores2d, k_i32):
    key = _monokey(scores2d)
    ts = jnp.int32(-2147483648)
    for inc in _BITS:
        cand = ts + jnp.int32(inc)
        c = jnp.sum((key >= cand).astype(jnp.int32))
        ts = jnp.where(c >= k_i32, cand, ts)
    gt = key > ts
    eq = key == ts
    slots = (k_i32 - jnp.sum(gt.astype(jnp.int32))).astype(jnp.float32)
    E = eq.astype(jnp.float32)
    r, l = E.shape
    Ut = (lax.broadcasted_iota(jnp.int32, (l, l), 0)
          <= lax.broadcasted_iota(jnp.int32, (l, l), 1)).astype(jnp.float32)
    incl = jax.lax.dot_general(E, Ut, (((1,), (0,)), ((), ())),
                               preferred_element_type=jnp.float32)
    Lt = (lax.broadcasted_iota(jnp.int32, (r, r), 1)
          < lax.broadcasted_iota(jnp.int32, (r, r), 0)).astype(jnp.float32)
    rowsum = jnp.sum(E, axis=1, keepdims=True)
    off = jax.lax.dot_general(Lt, rowsum, (((1,), (0,)), ((), ())),
                              preferred_element_type=jnp.float32)
    tierank = incl + off - E
    return gt | (eq & (tierank < slots))


def _dotT(a, b):
    return jax.lax.dot_general(a, b, (((0,), (0,)), ((), ())),
                               preferred_element_type=jnp.float32)


def _loss_body(g_ref, cnt_ref, out_ref, gn_ref, w_ref):
    v_p = jnp.minimum(cnt_ref[0, 0, 0], _P)
    v_c = jnp.minimum(cnt_ref[0, 0, 1], _NMAX)

    G = g_ref[0]
    inv = 1.0 / (jnp.sqrt(jnp.sum(G * G, axis=0, keepdims=True)) + _EPS)
    gn_ref[...] = G * inv
    Gp = gn_ref[:, :_P]

    irow = lax.broadcasted_iota(jnp.int32, (_P, _JT), 0)

    def cm_tile(jt, _):
        off = pl.multiple_of(_P + jt * _JT, _JT)
        s = _dotT(Gp, gn_ref[:, pl.ds(off, _JT)])
        s = jnp.where(irow < v_p, s, _NEG)
        woff = pl.multiple_of(jt * _JT, _JT)
        w_ref[0, pl.ds(woff, _JT)] = jnp.max(s, axis=0)
        return 0

    lax.fori_loop(0, _NMAX // _JT, cm_tile, 0, unroll=False)
    colmax = w_ref[0, :_NMAX].reshape(80, 128)

    jc = (lax.broadcasted_iota(jnp.int32, (80, 128), 0) * 128
          + lax.broadcasted_iota(jnp.int32, (80, 128), 1))
    valid = jc < v_c
    hard = jnp.where(valid, colmax, _NEG)
    easy = jnp.where(valid, -colmax, _NEG)
    w = (_select_topk(hard, jnp.int32(_K)).astype(jnp.float32)
         + _select_topk(easy, jnp.int32(_K)).astype(jnp.float32))
    w_ref[0, :_NMAX] = jnp.where(valid, w, 0.0).reshape(1, _NMAX)[0]
    w_ref[0, _NMAX:] = jnp.zeros((_S - _NMAX,), jnp.float32)

    def dn_tile(jt, carry):
        D, N = carry
        off = pl.multiple_of(jt * _JT, _JT)
        s = _dotT(Gp, gn_ref[:, pl.ds(off, _JT)]) * (1.0 / _T)
        jglob = lax.broadcasted_iota(jnp.int32, (_P, _JT), 1) + jt * _JT
        m = (jglob < v_p) & (jglob != irow)
        woff = pl.multiple_of(
            jnp.where(jt >= _P // _JT, jt * _JT - _P, _NMAX), _JT)
        wt = w_ref[0, pl.ds(woff, _JT)].reshape(1, _JT)
        mf = m.astype(jnp.float32)
        e = jnp.exp(s)
        D = D + jnp.sum(e * (mf + wt), axis=1, keepdims=True)
        N = N + jnp.sum(jnp.where(m, s, 0.0), axis=1, keepdims=True)
        return D, N

    D, N = lax.fori_loop(
        0, _S // _JT, dn_tile,
        (jnp.zeros((_P, 1), jnp.float32), jnp.zeros((_P, 1), jnp.float32)),
        unroll=False)

    v_pf = v_p.astype(jnp.float32)
    ir = lax.broadcasted_iota(jnp.int32, (_P, 1), 0)
    contrib = (v_pf - 1.0) * jnp.log(D) - N
    loss_sum = jnp.sum(jnp.where(ir < v_p, contrib, 0.0))
    npair = jnp.maximum(v_pf * v_pf - v_pf, 1.0)
    out_ref[...] = jnp.where(v_p > 1, loss_sum / npair, 0.0).reshape(1, 1, 1)


def _loss(g3d, counts, B, C):
    return pl.pallas_call(
        _loss_body,
        grid=(B,),
        in_specs=[
            pl.BlockSpec((1, C, _S), lambda b: (b, 0, 0)),
            pl.BlockSpec((1, 1, 16), lambda b: (b, 0, 0),
                         memory_space=pltpu.SMEM),
        ],
        out_specs=pl.BlockSpec((1, 1, 1), lambda b: (b, 0, 0)),
        out_shape=jax.ShapeDtypeStruct((B, 1, 1), jnp.float32),
        scratch_shapes=[
            pltpu.VMEM((C, _S), jnp.float32),
            pltpu.VMEM((1, _S), jnp.float32),
        ],
    )(g3d, counts)


def kernel(features, labels):
    B, C, H, W = features.shape
    code = _label_code(labels.astype(jnp.int32))
    code_flat = code.reshape(B * H * W)
    sel, counts = _compact(code_flat, B)
    feat2d = features.reshape(B * C * H, W)
    g_flat = _gather(feat2d, sel, B, C)
    g3d = g_flat.reshape(B, C, _S)
    losses = _loss(g3d, counts.reshape(B, 1, 16), B, C)
    return jnp.mean(losses[:, 0, 0])

# --- scband reference (transcript-rebuilt; emitter-appended) ---
"""Pipeline reference for scband-improved-pixelwise-boundary-contrastive-loss-88038239634234 (READ-ONLY COPY).

The authoritative reference and input builder live on the scoring server;
editing this copy changes nothing except your own understanding.
"""

import jax, jax.numpy as jnp
import numpy as np
from jax import lax

TEMPERATURE = 0.1
MAX_POS = 2048
NEG_POS_RATIO = 5.0
HARD_NEG_RATIO = 0.5
DILATION_K = 11
EPS = 1e-08


def setup_inputs(seed: int = 0) -> dict:
    key = jax.random.key(seed)
    k1, k2 = jax.random.split(key)
    features = jax.random.normal(k1, (2, 96, 512, 512), dtype=jnp.float32)
    labels = jax.random.randint(k2, (2, 512, 512), 0, 2).astype(jnp.int64)
    return {"features": features, "labels": labels}


def _dilate(fg):
    # fg: [B, H, W] bool -> dilated bool via max-pool with SAME padding
    x = fg.astype(jnp.float32)
    d = lax.reduce_window(x, -jnp.inf, lax.max,
                          (1, DILATION_K, DILATION_K), (1, 1, 1), 'SAME')
    return d > 0


def _per_image_loss(feat, fg, rim):
    # feat: [HW, C] L2-normalized; fg, rim: [HW] bool
    P = MAX_POS
    Nmax = int(NEG_POS_RATIO * MAX_POS)
    num_hard = int(HARD_NEG_RATIO * Nmax)

    pos_order = jnp.argsort(jnp.where(fg, 0, 1))
    pos_idx = pos_order[:P]
    pos_valid = fg[pos_idx]
    neg_order = jnp.argsort(jnp.where(rim, 0, 1))
    cand_idx = neg_order[:Nmax]
    cand_valid = rim[cand_idx]

    pos_feats = feat[pos_idx]      # [P, C]
    cand_feats = feat[cand_idx]    # [Nmax, C]

    # hard negative mining: negatives most similar to any positive
    sim_pc = pos_feats @ cand_feats.T                      # [P, Nmax]
    max_sim = jnp.max(jnp.where(pos_valid[:, None], sim_pc, -1e9), axis=0)
    hard_scores = jnp.where(cand_valid, max_sim, -1e9)
    _, hard_sel = lax.top_k(hard_scores, num_hard)
    easy_scores = jnp.where(cand_valid, -max_sim, -1e9)
    _, easy_sel = lax.top_k(easy_scores, Nmax - num_hard)
    sel = jnp.concatenate([hard_sel, easy_sel])
    neg_feats = cand_feats[sel]
    neg_valid = cand_valid[sel]

    sim_pp = (pos_feats @ pos_feats.T) / TEMPERATURE       # [P, P]
    sim_pn = (pos_feats @ neg_feats.T) / TEMPERATURE       # [P, Nmax]

    eye = jnp.eye(P, dtype=bool)
    pair_valid = pos_valid[:, None] & pos_valid[None, :] & (~eye)
    neg_mask = pos_valid[:, None] & neg_valid[None, :]

    all_sim = jnp.concatenate([sim_pp, sim_pn], axis=1)
    all_mask = jnp.concatenate([pair_valid, neg_mask], axis=1)
    masked = jnp.where(all_mask, all_sim, -1e9)
    lse = jax.nn.logsumexp(masked, axis=1)                 # [P]
    log_prob = sim_pp - lse[:, None]
    loss_sum = (-jnp.where(pair_valid, log_prob, 0.0)).sum()
    n_pairs = jnp.maximum(pair_valid.sum(), 1).astype(jnp.float32)
    return loss_sum / n_pairs


def reference(features, labels):
    B, C, H, W = features.shape
    fg = labels > 0                                        # [B, H, W]
    rim = _dilate(fg) & (~fg)                              # rim band around lesion
    feat = features.reshape(B, C, H * W).transpose(0, 2, 1)  # [B, HW, C]
    feat = feat / (jnp.linalg.norm(feat, axis=-1, keepdims=True) + EPS)
    losses = [_per_image_loss(feat[b], fg[b].reshape(-1), rim[b].reshape(-1))
              for b in range(B)]
    return jnp.stack(losses).mean()

if __name__ == "__main__":
    import jax
    _d = setup_inputs()
    print(jax.jit(kernel)(*tuple(_d.values())))

</pallas_src>

<mosaic_0001>
#map = affine_map<(d0, d1) -> (0)>
module attributes {stable_mosaic.version = 14 : i64} {
  func.func @sc_compact(%arg0: i32, %arg1: i32, %arg2: memref<524288xi32, #tpu.memory_space<hbm>>, %arg3: memref<24592xi32, #tpu.memory_space<hbm>>, %arg4: memref<32xi32, #tpu.memory_space<hbm>>, %arg5: memref<16384xi32, #tpu.memory_space<vmem>>, %arg6: memref<16400xi32, #tpu.memory_space<vmem>>, %arg7: memref<16400xi32, #tpu.memory_space<vmem>>, %arg8: memref<16xi32, #tpu.memory_space<vmem>>, %arg9: memref<16x16xi32, #tpu.memory_space<vmem>>, %arg10: memref<768xi32, #tpu.memory_space<vmem>>, %arg11: memref<256x128xi32, #tpu.memory_space<vmem>>, %arg12: memref<16xi32, #tpu.memory_space<vmem>>, %arg13: memref<16x16xi32, #tpu.memory_space<vmem_shared>>, %arg14: memref<!tpu.dma_semaphore, #tpu.memory_space<semaphore_mem>>, %arg15: memref<16xi32, #tpu.memory_space<vmem>>, %arg16: memref<16xi32, #tpu.memory_space<vmem>>) attributes {dimension_semantics = [#tpu.dimension_semantics<core_parallel>, #tpu.dimension_semantics<subcore_parallel>], iteration_bounds = array<i64: 2, 16>, scalar_prefetch = 0 : i64, scratch_operands = 12 : i64, tpu.core_type = #tpu.core_type<sc_vector_subcore>, window_params = [{transform_indices = #map}, {transform_indices = #map}, {transform_indices = #map}]} {
    %iota3A = tpu.iota {dimensions = array<i32: 0>} : vector<16xi32>
    %mul3A = arith.constant 262144 : i32
    %mul3A_0 = arith.muli %arg0, %mul3A : i32
    %mul3A_1 = arith.constant 16384 : i32
    %mul3A_2 = arith.muli %arg1, %mul3A_1 : i32
    %add3A = arith.addi %mul3A_0, %mul3A_2 : i32
    "tpu.region"() ({
      %run_scoped3A = tpu.sem_alloc : memref<!tpu.dma_semaphore, #tpu.memory_space<semaphore_mem>>
      %dma_start3A = tpu.memref_slice %arg2[%add3A] : memref<524288xi32, #tpu.memory_space<hbm>> -> memref<16384xi32, #tpu.memory_space<hbm>>
      %dma_start3A_513 = tpu.memref_slice %arg2[%add3A] : memref<524288xi32, #tpu.memory_space<hbm>> -> memref<16384xi32, #tpu.memory_space<hbm>>
      tpu.enqueue_dma source(%dma_start3A_513 : memref<16384xi32, #tpu.memory_space<hbm>>) target(%arg5 : memref<16384xi32, #tpu.memory_space<vmem>>) target_semaphore(%run_scoped3A : memref<!tpu.dma_semaphore, #tpu.memory_space<semaphore_mem>>)
      %dma_wait3A = tpu.memref_slice %arg2[%add3A] : memref<524288xi32, #tpu.memory_space<hbm>> -> memref<16384xi32, #tpu.memory_space<hbm>>
      %dma_wait3A_514 = tpu.memref_slice %arg2[%add3A] : memref<524288xi32, #tpu.memory_space<hbm>> -> memref<16384xi32, #tpu.memory_space<hbm>>
      tpu.wait_dma2 semaphore(%run_scoped3A : memref<!tpu.dma_semaphore, #tpu.memory_space<semaphore_mem>>) src(%dma_wait3A_514 : memref<16384xi32, #tpu.memory_space<hbm>>) dst(%arg5 : memref<16384xi32, #tpu.memory_space<vmem>>)
      tpu.yield
    }) : () -> ()
    %broadcast_in_dim3A = arith.constant 0 : i32
    %broadcast_in_dim3A_3 = vector.broadcast %broadcast_in_dim3A : i32 to vector<16xi32>
    %scan3A = arith.constant 0 : i32
    %scan3A_4 = arith.constant 1024 : i32
    %scan3A_5 = arith.addi %scan3A, %scan3A_4 : i32
    %scan3A_6 = arith.constant 1 : i32
    %scan3A_7:2 = scf.for %scan3A_513 = %scan3A to %scan3A_5 step %scan3A_6 iter_args(%scan3A_514 = %broadcast_in_dim3A_3, %scan3A_515 = %broadcast_in_dim3A_3) -> (vector<16xi32>, vector<16xi32>)  : i32 {
      %mul3A_516 = arith.constant 16 : i32
      %mul3A_517 = arith.muli %scan3A_513, %mul3A_516 : i32
      %get3A_518 = arith.index_cast %mul3A_517 : i32 to index
      %get3A_519 = tpu.vector_load %arg5[%get3A_518] {strides = array<i32>} : memref<16384xi32, #tpu.memory_space<vmem>>, vector<16xi32>,
      %mul3A_520 = arith.constant 16384 : i32
      %mul3A_521 = arith.muli %arg1, %mul3A_520 : i32
      %mul3A_522 = arith.constant 16 : i32
      %mul3A_523 = arith.muli %scan3A_513, %mul3A_522 : i32
      %add3A_524 = arith.addi %mul3A_521, %mul3A_523 : i32
      %add3A_525 = vector.broadcast %add3A_524 : i32 to vector<16xi32>
      %add3A_526 = arith.addi %add3A_525, %iota3A : vector<16xi32>
      %eq3A_527 = arith.constant 1 : i32
      %eq3A_528 = vector.broadcast %eq3A_527 : i32 to vector<16xi32>
      %eq3A_529 = arith.cmpi eq, %get3A_519, %eq3A_528 : vector<16xi32>
      %convert_element_type3A_530 = arith.extui %eq3A_529 : vector<16xi1> to vector<16xi32>
      %broadcast_in_dim3A_531 = arith.constant true
      %broadcast_in_dim3A_532 = vector.broadcast %broadcast_in_dim3A_531 : i1 to vector<16xi1>
      %masked_cumsum3A = tpu.scan <sum>, %convert_element_type3A_530 masked %broadcast_in_dim3A_532 : vector<16xi32>, vector<16xi1> -> vector<16xi32>
      %add3A_533 = arith.addi %scan3A_514, %masked_cumsum3A : vector<16xi32>
      %sub3A_534 = arith.subi %add3A_533, %convert_element_type3A_530 : vector<16xi32>
      tpu.vector_store_idx %arg6[%sub3A_534], %add3A_526 masked %eq3A_529 : memref<16400xi32, #tpu.memory_space<vmem>>[vector<16xi32>], vector<16xi32>, vector<16xi1>
      %all_reduce_population_count3A = tpu.all_reduce %eq3A_529 {dim = 0 : i64, kind = #tpu.reduction_kind<sum>} : vector<16xi1> -> vector<16xi32>
      %add3A_535 = arith.addi %scan3A_514, %all_reduce_population_count3A : vector<16xi32>
      %eq3A_536 = arith.constant 2 : i32
      %eq3A_537 = vector.broadcast %eq3A_536 : i32 to vector<16xi32>
      %eq3A_538 = arith.cmpi eq, %get3A_519, %eq3A_537 : vector<16xi32>
      %convert_element_type3A_539 = arith.extui %eq3A_538 : vector<16xi1> to vector<16xi32>
      %broadcast_in_dim3A_540 = arith.constant true
      %broadcast_in_dim3A_541 = vector.broadcast %broadcast_in_dim3A_540 : i1 to vector<16xi1>
      %masked_cumsum3A_542 = tpu.scan <sum>, %convert_element_type3A_539 masked %broadcast_in_dim3A_541 : vector<16xi32>, vector<16xi1> -> vector<16xi32>
      %add3A_543 = arith.addi %scan3A_515, %masked_cumsum3A_542 : vector<16xi32>
      %sub3A_544 = arith.subi %add3A_543, %convert_element_type3A_539 : vector<16xi32>
      tpu.vector_store_idx %arg7[%sub3A_544], %add3A_526 masked %eq3A_538 : memref<16400xi32, #tpu.memory_space<vmem>>[vector<16xi32>], vector<16xi32>, vector<16xi1>
      %all_reduce_population_count3A_545 = tpu.all_reduce %eq3A_538 {dim = 0 : i64, kind = #tpu.reduction_kind<sum>} : vector<16xi1> -> vector<16xi32>
      %add3A_546 = arith.addi %scan3A_515, %all_reduce_population_count3A_545 : vector<16xi32>
      scf.yield %add3A_535, %add3A_546 : vector<16xi32>, vector<16xi32>
    }
    %scan3A_8 = arith.constant 1024 : i32
    %slice3A = vector.extract_strided_slice %scan3A_7#0 {offsets = [0], sizes = [1], strides = [1]} : vector<16xi32> to vector<1xi32>
    %squeeze3A = vector.extract %slice3A[0] : i32 from vector<1xi32>
    %slice3A_9 = vector.extract_strided_slice %scan3A_7#1 {offsets = [0], sizes = [1], strides = [1]} : vector<16xi32> to vector<1xi32>
    %squeeze3A_10 = vector.extract %slice3A_9[0] : i32 from vector<1xi32>
    %broadcast_in_dim3A_11 = arith.constant 0 : i32
    %broadcast_in_dim3A_12 = vector.broadcast %broadcast_in_dim3A_11 : i32 to vector<16xi32>
    %swap3A = arith.constant 0 : index
    %swap3A_13 = tpu.vector_load %arg10[%swap3A] {strides = array<i32>} : memref<768xi32, #tpu.memory_space<vmem>>, vector<16xi32>,
    tpu.vector_store %arg10[%swap3A], %broadcast_in_dim3A_12 {strides = array<i32>} : memref<768xi32, #tpu.memory_space<vmem>>, vector<16xi32>,
    %swap3A_14 = arith.constant 16 : index
    %swap3A_15 = tpu.vector_load %arg10[%swap3A_14] {strides = array<i32>} : memref<768xi32, #tpu.memory_space<vmem>>, vector<16xi32>,
    tpu.vector_store %arg10[%swap3A_14], %broadcast_in_dim3A_12 {strides = array<i32>} : memref<768xi32, #tpu.memory_space<vmem>>, vector<16xi32>,
    %swap3A_16 = arith.constant 32 : index
    %swap3A_17 = tpu.vector_load %arg10[%swap3A_16] {strides = array<i32>} : memref<768xi32, #tpu.memory_space<vmem>>, vector<16xi32>,
    tpu.vector_store %arg10[%swap3A_16], %broadcast_in_dim3A_12 {strides = array<i32>} : memref<768xi32, #tpu.memory_space<vmem>>, vector<16xi32>,
    %swap3A_18 = arith.constant 48 : index
    %swap3A_19 = tpu.vector_load %arg10[%swap3A_18] {strides = array<i32>} : memref<768xi32, #tpu.memory_space<vmem>>, vector<16xi32>,
    tpu.vector_store %arg10[%swap3A_18], %broadcast_in_dim3A_12 {strides = array<i32>} : memref<768xi32, #tpu.memory_space<vmem>>, vector<16xi32>,
    %swap3A_20 = arith.constant 64 : index
    %swap3A_21 = tpu.vector_load %arg10[%swap3A_20] {strides = array<i32>} : memref<768xi32, #tpu.memory_space<vmem>>, vector<16xi32>,
    tpu.vector_store %arg10[%swap3A_20], %broadcast_in_dim3A_12 {strides = array<i32>} : memref<768xi32, #tpu.memory_space<vmem>>, vector<16xi32>,
    %swap3A_22 = arith.constant 80 : index
    %swap3A_23 = tpu.vector_load %arg10[%swap3A_22] {strides = array<i32>} : memref<768xi32, #tpu.memory_space<vmem>>, vector<16xi32>,
    tpu.vector_store %arg10[%swap3A_22], %broadcast_in_dim3A_12 {strides = array<i32>} : memref<768xi32, #tpu.memory_space<vmem>>, vector<16xi32>,
    %swap3A_24 = arith.constant 96 : index
    %swap3A_25 = tpu.vector_load %arg10[%swap3A_24] {strides = array<i32>} : memref<768xi32, #tpu.memory_space<vmem>>, vector<16xi32>,
    tpu.vector_store %arg10[%swap3A_24], %broadcast_in_dim3A_12 {strides = array<i32>} : memref<768xi32, #tpu.memory_space<vmem>>, vector<16xi32>,
    %swap3A_26 = arith.constant 112 : index
    %swap3A_27 = tpu.vector_load %arg10[%swap3A_26] {strides = array<i32>} : memref<768xi32, #tpu.memory_space<vmem>>, vector<16xi32>,
    tpu.vector_store %arg10[%swap3A_26], %broadcast_in_dim3A_12 {strides = array<i32>} : memref<768xi32, #tpu.memory_space<vmem>>, vector<16xi32>,
    %swap3A_28 = arith.constant 128 : index
    %swap3A_29 = tpu.vector_load %arg10[%swap3A_28] {strides = array<i32>} : memref<768xi32, #tpu.memory_space<vmem>>, vector<16xi32>,
    tpu.vector_store %arg10[%swap3A_28], %broadcast_in_dim3A_12 {strides = array<i32>} : memref<768xi32, #tpu.memory_space<vmem>>, vector<16xi32>,
    %swap3A_30 = arith.constant 144 : index
    %swap3A_31 = tpu.vector_load %arg10[%swap3A_30] {strides = array<i32>} : memref<768xi32, #tpu.memory_space<vmem>>, vector<16xi32>,
    tpu.vector_store %arg10[%swap3A_30], %broadcast_in_dim3A_12 {strides = array<i32>} : memref<768xi32, #tpu.memory_space<vmem>>, vector<16xi32>,
    %swap3A_32 = arith.constant 160 : index
    %swap3A_33 = tpu.vector_load %arg10[%swap3A_32] {strides = array<i32>} : memref<768xi32, #tpu.memory_space<vmem>>, vector<16xi32>,
    tpu.vector_store %arg10[%swap3A_32], %broadcast_in_dim3A_12 {strides = array<i32>} : memref<768xi32, #tpu.memory_space<vmem>>, vector<16xi32>,
    %swap3A_34 = arith.constant 176 : index
    %swap3A_35 = tpu.vector_load %arg10[%swap3A_34] {strides = array<i32>} : memref<768xi32, #tpu.memory_space<vmem>>, vector<16xi32>,
    tpu.vector_store %arg10[%swap3A_34], %broadcast_in_dim3A_12 {strides = array<i32>} : memref<768xi32, #tpu.memory_space<vmem>>, vector<16xi32>,
    %swap3A_36 = arith.constant 192 : index
    %swap3A_37 = tpu.vector_load %arg10[%swap3A_36] {strides = array<i32>} : memref<768xi32, #tpu.memory_space<vmem>>, vector<16xi32>,
    tpu.vector_store %arg10[%swap3A_36], %broadcast_in_dim3A_12 {strides = array<i32>} : memref<768xi32, #tpu.memory_space<vmem>>, vector<16xi32>,
    %swap3A_38 = arith.constant 208 : index
    %swap3A_39 = tpu.vector_load %arg10[%swap3A_38] {strides = array<i32>} : memref<768xi32, #tpu.memory_space<vmem>>, vector<16xi32>,
    tpu.vector_store %arg10[%swap3A_38], %broadcast_in_dim3A_12 {strides = array<i32>} : memref<768xi32, #tpu.memory_space<vmem>>, vector<16xi32>,
    %swap3A_40 = arith.constant 224 : index
    %swap3A_41 = tpu.vector_load %arg10[%swap3A_40] {strides = array<i32>} : memref<768xi32, #tpu.memory_space<vmem>>, vector<16xi32>,
    tpu.vector_store %arg10[%swap3A_40], %broadcast_in_dim3A_12 {strides = array<i32>} : memref<768xi32, #tpu.memory_space<vmem>>, vector<16xi32>,
    %swap3A_42 = arith.constant 240 : index
    %swap3A_43 = tpu.vector_load %arg10[%swap3A_42] {strides = array<i32>} : memref<768xi32, #tpu.memory_space<vmem>>, vector<16xi32>,
    tpu.vector_store %arg10[%swap3A_42], %broadcast_in_dim3A_12 {strides = array<i32>} : memref<768xi32, #tpu.memory_space<vmem>>, vector<16xi32>,
    %swap3A_44 = arith.constant 256 : index
    %swap3A_45 = tpu.vector_load %arg10[%swap3A_44] {strides = array<i32>} : memref<768xi32, #tpu.memory_space<vmem>>, vector<16xi32>,
    tpu.vector_store %arg10[%swap3A_44], %broadcast_in_dim3A_12 {strides = array<i32>} : memref<768xi32, #tpu.memory_space<vmem>>, vector<16xi32>,
    %swap3A_46 = arith.constant 272 : index
    %swap3A_47 = tpu.vector_load %arg10[%swap3A_46] {strides = array<i32>} : memref<768xi32, #tpu.memory_space<vmem>>, vector<16xi32>,
    tpu.vector_store %arg10[%swap3A_46], %broadcast_in_dim3A_12 {strides = array<i32>} : memref<768xi32, #tpu.memory_space<vmem>>, vector<16xi32>,
    %swap3A_48 = arith.constant 288 : index
    %swap3A_49 = tpu.vector_load %arg10[%swap3A_48] {strides = array<i32>} : memref<768xi32, #tpu.memory_space<vmem>>, vector<16xi32>,
    tpu.vector_store %arg10[%swap3A_48], %broadcast_in_dim3A_12 {strides = array<i32>} : memref<768xi32, #tpu.memory_space<vmem>>, vector<16xi32>,
    %swap3A_50 = arith.constant 304 : index
    %swap3A_51 = tpu.vector_load %arg10[%swap3A_50] {strides = array<i32>} : memref<768xi32, #tpu.memory_space<vmem>>, vector<16xi32>,
    tpu.vector_store %arg10[%swap3A_50], %broadcast_in_dim3A_12 {strides = array<i32>} : memref<768xi32, #tpu.memory_space<vmem>>, vector<16xi32>,
    %swap3A_52 = arith.constant 320 : index
    %swap3A_53 = tpu.vector_load %arg10[%swap3A_52] {strides = array<i32>} : memref<768xi32, #tpu.memory_space<vmem>>, vector<16xi32>,
    tpu.vector_store %arg10[%swap3A_52], %broadcast_in_dim3A_12 {strides = array<i32>} : memref<768xi32, #tpu.memory_space<vmem>>, vector<16xi32>,
    %swap3A_54 = arith.constant 336 : index
    %swap3A_55 = tpu.vector_load %arg10[%swap3A_54] {strides = array<i32>} : memref<768xi32, #tpu.memory_space<vmem>>, vector<16xi32>,
    tpu.vector_store %arg10[%swap3A_54], %broadcast_in_dim3A_12 {strides = array<i32>} : memref<768xi32, #tpu.memory_space<vmem>>, vector<16xi32>,
    %swap3A_56 = arith.constant 352 : index
    %swap3A_57 = tpu.vector_load %arg10[%swap3A_56] {strides = array<i32>} : memref<768xi32, #tpu.memory_space<vmem>>, vector<16xi32>,
    tpu.vector_store %arg10[%swap3A_56], %broadcast_in_dim3A_12 {strides = array<i32>} : memref<768xi32, #tpu.memory_space<vmem>>, vector<16xi32>,
    %swap3A_58 = arith.constant 368 : index
    %swap3A_59 = tpu.vector_load %arg10[%swap3A_58] {strides = array<i32>} : memref<768xi32, #tpu.memory_space<vmem>>, vector<16xi32>,
    tpu.vector_store %arg10[%swap3A_58], %broadcast_in_dim3A_12 {strides = array<i32>} : memref<768xi32, #tpu.memory_space<vmem>>, vector<16xi32>,
    %swap3A_60 = arith.constant 384 : index
    %swap3A_61 = tpu.vector_load %arg10[%swap3A_60] {strides = array<i32>} : memref<768xi32, #tpu.memory_space<vmem>>, vector<16xi32>,
    tpu.vector_store %arg10[%swap3A_60], %broadcast_in_dim3A_12 {strides = array<i32>} : memref<768xi32, #tpu.memory_space<vmem>>, vector<16xi32>,
    %swap3A_62 = arith.constant 400 : index
    %swap3A_63 = tpu.vector_load %arg10[%swap3A_62] {strides = array<i32>} : memref<768xi32, #tpu.memory_space<vmem>>, vector<16xi32>,
    tpu.vector_store %arg10[%swap3A_62], %broadcast_in_dim3A_12 {strides = array<i32>} : memref<768xi32, #tpu.memory_space<vmem>>, vector<16xi32>,
    %swap3A_64 = arith.constant 416 : index
    %swap3A_65 = tpu.vector_load %arg10[%swap3A_64] {strides = array<i32>} : memref<768xi32, #tpu.memory_space<vmem>>, vector<16xi32>,
    tpu.vector_store %arg10[%swap3A_64], %broadcast_in_dim3A_12 {strides = array<i32>} : memref<768xi32, #tpu.memory_space<vmem>>, vector<16xi32>,
    %swap3A_66 = arith.constant 432 : index
    %swap3A_67 = tpu.vector_load %arg10[%swap3A_66] {strides = array<i32>} : memref<768xi32, #tpu.memory_space<vmem>>, vector<16xi32>,
    tpu.vector_store %arg10[%swap3A_66], %broadcast_in_dim3A_12 {strides = array<i32>} : memref<768xi32, #tpu.memory_space<vmem>>, vector<16xi32>,
    %swap3A_68 = arith.constant 448 : index
    %swap3A_69 = tpu.vector_load %arg10[%swap3A_68] {strides = array<i32>} : memref<768xi32, #tpu.memory_space<vmem>>, vector<16xi32>,
    tpu.vector_store %arg10[%swap3A_68], %broadcast_in_dim3A_12 {strides = array<i32>} : memref<768xi32, #tpu.memory_space<vmem>>, vector<16xi32>,
    %swap3A_70 = arith.constant 464 : index
    %swap3A_71 = tpu.vector_load %arg10[%swap3A_70] {strides = array<i32>} : memref<768xi32, #tpu.memory_space<vmem>>, vector<16xi32>,
    tpu.vector_store %arg10[%swap3A_70], %broadcast_in_dim3A_12 {strides = array<i32>} : memref<768xi32, #tpu.memory_space<vmem>>, vector<16xi32>,
    %swap3A_72 = arith.constant 480 : index
    %swap3A_73 = tpu.vector_load %arg10[%swap3A_72] {strides = array<i32>} : memref<768xi32, #tpu.memory_space<vmem>>, vector<16xi32>,
    tpu.vector_store %arg10[%swap3A_72], %broadcast_in_dim3A_12 {strides = array<i32>} : memref<768xi32, #tpu.memory_space<vmem>>, vector<16xi32>,
    %swap3A_74 = arith.constant 496 : index
    %swap3A_75 = tpu.vector_load %arg10[%swap3A_74] {strides = array<i32>} : memref<768xi32, #tpu.memory_space<vmem>>, vector<16xi32>,
    tpu.vector_store %arg10[%swap3A_74], %broadcast_in_dim3A_12 {strides = array<i32>} : memref<768xi32, #tpu.memory_space<vmem>>, vector<16xi32>,
    %swap3A_76 = arith.constant 512 : index
    %swap3A_77 = tpu.vector_load %arg10[%swap3A_76] {strides = array<i32>} : memref<768xi32, #tpu.memory_space<vmem>>, vector<16xi32>,
    tpu.vector_store %arg10[%swap3A_76], %broadcast_in_dim3A_12 {strides = array<i32>} : memref<768xi32, #tpu.memory_space<vmem>>, vector<16xi32>,
    %swap3A_78 = arith.constant 528 : index
    %swap3A_79 = tpu.vector_load %arg10[%swap3A_78] {strides = array<i32>} : memref<768xi32, #tpu.memory_space<vmem>>, vector<16xi32>,
    tpu.vector_store %arg10[%swap3A_78], %broadcast_in_dim3A_12 {strides = array<i32>} : memref<768xi32, #tpu.memory_space<vmem>>, vector<16xi32>,
    %swap3A_80 = arith.constant 544 : index
    %swap3A_81 = tpu.vector_load %arg10[%swap3A_80] {strides = array<i32>} : memref<768xi32, #tpu.memory_space<vmem>>, vector<16xi32>,
    tpu.vector_store %arg10[%swap3A_80], %broadcast_in_dim3A_12 {strides = array<i32>} : memref<768xi32, #tpu.memory_space<vmem>>, vector<16xi32>,
    %swap3A_82 = arith.constant 560 : index
    %swap3A_83 = tpu.vector_load %arg10[%swap3A_82] {strides = array<i32>} : memref<768xi32, #tpu.memory_space<vmem>>, vector<16xi32>,
    tpu.vector_store %arg10[%swap3A_82], %broadcast_in_dim3A_12 {strides = array<i32>} : memref<768xi32, #tpu.memory_space<vmem>>, vector<16xi32>,
    %swap3A_84 = arith.constant 576 : index
    %swap3A_85 = tpu.vector_load %arg10[%swap3A_84] {strides = array<i32>} : memref<768xi32, #tpu.memory_space<vmem>>, vector<16xi32>,
    tpu.vector_store %arg10[%swap3A_84], %broadcast_in_dim3A_12 {strides = array<i32>} : memref<768xi32, #tpu.memory_space<vmem>>, vector<16xi32>,
    %swap3A_86 = arith.constant 592 : index
    %swap3A_87 = tpu.vector_load %arg10[%swap3A_86] {strides = array<i32>} : memref<768xi32, #tpu.memory_space<vmem>>, vector<16xi32>,
    tpu.vector_store %arg10[%swap3A_86], %broadcast_in_dim3A_12 {strides = array<i32>} : memref<768xi32, #tpu.memory_space<vmem>>, vector<16xi32>,
    %swap3A_88 = arith.constant 608 : index
    %swap3A_89 = tpu.vector_load %arg10[%swap3A_88] {strides = array<i32>} : memref<768xi32, #tpu.memory_space<vmem>>, vector<16xi32>,
    tpu.vector_store %arg10[%swap3A_88], %broadcast_in_dim3A_12 {strides = array<i32>} : memref<768xi32, #tpu.memory_space<vmem>>, vector<16xi32>,
    %swap3A_90 = arith.constant 624 : index
    %swap3A_91 = tpu.vector_load %arg10[%swap3A_90] {strides = array<i32>} : memref<768xi32, #tpu.memory_space<vmem>>, vector<16xi32>,
    tpu.vector_store %arg10[%swap3A_90], %broadcast_in_dim3A_12 {strides = array<i32>} : memref<768xi32, #tpu.memory_space<vmem>>, vector<16xi32>,
    %swap3A_92 = arith.constant 640 : index
    %swap3A_93 = tpu.vector_load %arg10[%swap3A_92] {strides = array<i32>} : memref<768xi32, #tpu.memory_space<vmem>>, vector<16xi32>,
    tpu.vector_store %arg10[%swap3A_92], %broadcast_in_dim3A_12 {strides = array<i32>} : memref<768xi32, #tpu.memory_space<vmem>>, vector<16xi32>,
    %swap3A_94 = arith.constant 656 : index
    %swap3A_95 = tpu.vector_load %arg10[%swap3A_94] {strides = array<i32>} : memref<768xi32, #tpu.memory_space<vmem>>, vector<16xi32>,
    tpu.vector_store %arg10[%swap3A_94], %broadcast_in_dim3A_12 {strides = array<i32>} : memref<768xi32, #tpu.memory_space<vmem>>, vector<16xi32>,
    %swap3A_96 = arith.constant 672 : index
    %swap3A_97 = tpu.vector_load %arg10[%swap3A_96] {strides = array<i32>} : memref<768xi32, #tpu.memory_space<vmem>>, vector<16xi32>,
    tpu.vector_store %arg10[%swap3A_96], %broadcast_in_dim3A_12 {strides = array<i32>} : memref<768xi32, #tpu.memory_space<vmem>>, vector<16xi32>,
    %swap3A_98 = arith.constant 688 : index
    %swap3A_99 = tpu.vector_load %arg10[%swap3A_98] {strides = array<i32>} : memref<768xi32, #tpu.memory_space<vmem>>, vector<16xi32>,
    tpu.vector_store %arg10[%swap3A_98], %broadcast_in_dim3A_12 {strides = array<i32>} : memref<768xi32, #tpu.memory_space<vmem>>, vector<16xi32>,
    %swap3A_100 = arith.constant 704 : index
    %swap3A_101 = tpu.vector_load %arg10[%swap3A_100] {strides = array<i32>} : memref<768xi32, #tpu.memory_space<vmem>>, vector<16xi32>,
    tpu.vector_store %arg10[%swap3A_100], %broadcast_in_dim3A_12 {strides = array<i32>} : memref<768xi32, #tpu.memory_space<vmem>>, vector<16xi32>,
    %swap3A_102 = arith.constant 720 : index
    %swap3A_103 = tpu.vector_load %arg10[%swap3A_102] {strides = array<i32>} : memref<768xi32, #tpu.memory_space<vmem>>, vector<16xi32>,
    tpu.vector_store %arg10[%swap3A_102], %broadcast_in_dim3A_12 {strides = array<i32>} : memref<768xi32, #tpu.memory_space<vmem>>, vector<16xi32>,
    %swap3A_104 = arith.constant 736 : index
    %swap3A_105 = tpu.vector_load %arg10[%swap3A_104] {strides = array<i32>} : memref<768xi32, #tpu.memory_space<vmem>>, vector<16xi32>,
    tpu.vector_store %arg10[%swap3A_104], %broadcast_in_dim3A_12 {strides = array<i32>} : memref<768xi32, #tpu.memory_space<vmem>>, vector<16xi32>,
    %swap3A_106 = arith.constant 752 : index
    %swap3A_107 = tpu.vector_load %arg10[%swap3A_106] {strides = array<i32>} : memref<768xi32, #tpu.memory_space<vmem>>, vector<16xi32>,
    tpu.vector_store %arg10[%swap3A_106], %broadcast_in_dim3A_12 {strides = array<i32>} : memref<768xi32, #tpu.memory_space<vmem>>, vector<16xi32>,
    %mul3A_108 = arith.constant 12296 : i32
    %mul3A_109 = arith.muli %arg0, %mul3A_108 : i32
    %mul3A_110 = arith.constant 768 : i32
    %mul3A_111 = arith.muli %arg1, %mul3A_110 : i32
    %add3A_112 = arith.addi %mul3A_109, %mul3A_111 : i32
    "tpu.region"() ({
      %run_scoped3A = tpu.sem_alloc : memref<!tpu.dma_semaphore, #tpu.memory_space<semaphore_mem>>
      %dma_start3A = tpu.memref_slice %arg3[%add3A_112] : memref<24592xi32, #tpu.memory_space<hbm>> -> memref<768xi32, #tpu.memory_space<hbm>>
      %dma_start3A_513 = tpu.memref_slice %arg3[%add3A_112] : memref<24592xi32, #tpu.memory_space<hbm>> -> memref<768xi32, #tpu.memory_space<hbm>>
      tpu.enqueue_dma source(%arg10 : memref<768xi32, #tpu.memory_space<vmem>>) target(%dma_start3A_513 : memref<768xi32, #tpu.memory_space<hbm>>) target_semaphore(%run_scoped3A : memref<!tpu.dma_semaphore, #tpu.memory_space<semaphore_mem>>)
      %dma_wait3A = tpu.memref_slice %arg3[%add3A_112] : memref<24592xi32, #tpu.memory_space<hbm>> -> memref<768xi32, #tpu.memory_space<hbm>>
      %dma_wait3A_514 = tpu.memref_slice %arg3[%add3A_112] : memref<24592xi32, #tpu.memory_space<hbm>> -> memref<768xi32, #tpu.memory_space<hbm>>
      tpu.wait_dma2 semaphore(%run_scoped3A : memref<!tpu.dma_semaphore, #tpu.memory_space<semaphore_mem>>) src(%arg10 : memref<768xi32, #tpu.memory_space<vmem>>) dst(%dma_wait3A_514 : memref<768xi32, #tpu.memory_space<hbm>>)
      tpu.yield
    }) : () -> ()
    %eq3A = arith.constant 0 : i32
    %eq3A_113 = vector.broadcast %eq3A : i32 to vector<16xi32>
    %eq3A_114 = arith.cmpi eq, %iota3A, %eq3A_113 : vector<16xi32>
    %eq3A_115 = arith.constant 1 : i32
    %eq3A_116 = vector.broadcast %eq3A_115 : i32 to vector<16xi32>
    %eq3A_117 = arith.cmpi eq, %iota3A, %eq3A_116 : vector<16xi32>
    %jit3A = arith.constant 0 : i32
    %broadcast_in_dim3A_118 = vector.broadcast %squeeze3A_10 : i32 to vector<16xi32>
    %broadcast_in_dim3A_119 = vector.broadcast %jit3A : i32 to vector<16xi32>
    %select_n3A = arith.select %eq3A_117, %broadcast_in_dim3A_118, %broadcast_in_dim3A_119 : vector<16xi1>, vector<16xi32>
    %broadcast_in_dim3A_120 = vector.broadcast %squeeze3A : i32 to vector<16xi32>
    %select_n3A_121 = arith.select %eq3A_114, %broadcast_in_dim3A_120, %select_n3A : vector<16xi1>, vector<16xi32>
    %swap3A_122 = arith.constant 0 : index
    %swap3A_123 = tpu.vector_load %arg8[%swap3A_122] {strides = array<i32>} : memref<16xi32, #tpu.memory_space<vmem>>, vector<16xi32>,
    tpu.vector_store %arg8[%swap3A_122], %select_n3A_121 {strides = array<i32>} : memref<16xi32, #tpu.memory_space<vmem>>, vector<16xi32>,
    "tpu.region"() ({
      %run_scoped3A = tpu.sem_alloc : memref<!tpu.dma_semaphore, #tpu.memory_space<semaphore_mem>>
      %dma_start3A = arith.constant 0 : i32
      %dma_start3A_513 = tpu.memref_slice %arg13[%arg1, %dma_start3A] : memref<16x16xi32, #tpu.memory_space<vmem_shared>> -> memref<1x16xi32, #tpu.memory_space<vmem_shared>>
      %dma_start3A_514 = tpu.memref_squeeze %dma_start3A_513 : memref<1x16xi32, #tpu.memory_space<vmem_shared>> -> memref<16xi32, #tpu.memory_space<vmem_shared>>
      %dma_start3A_515 = arith.constant 0 : i32
      %dma_start3A_516 = tpu.memref_slice %arg13[%arg1, %dma_start3A_515] : memref<16x16xi32, #tpu.memory_space<vmem_shared>> -> memref<1x16xi32, #tpu.memory_space<vmem_shared>>
      %dma_start3A_517 = tpu.memref_squeeze %dma_start3A_516 : memref<1x16xi32, #tpu.memory_space<vmem_shared>> -> memref<16xi32, #tpu.memory_space<vmem_shared>>
      tpu.enqueue_dma source(%arg8 : memref<16xi32, #tpu.memory_space<vmem>>) target(%dma_start3A_517 : memref<16xi32, #tpu.memory_space<vmem_shared>>) target_semaphore(%run_scoped3A : memref<!tpu.dma_semaphore, #tpu.memory_space<semaphore_mem>>)
      %dma_wait3A = arith.constant 0 : i32
      %dma_wait3A_518 = tpu.memref_slice %arg13[%arg1, %dma_wait3A] : memref<16x16xi32, #tpu.memory_space<vmem_shared>> -> memref<1x16xi32, #tpu.memory_space<vmem_shared>>
      %dma_wait3A_519 = tpu.memref_squeeze %dma_wait3A_518 : memref<1x16xi32, #tpu.memory_space<vmem_shared>> -> memref<16xi32, #tpu.memory_space<vmem_shared>>
      %dma_wait3A_520 = arith.constant 0 : i32
      %dma_wait3A_521 = tpu.memref_slice %arg13[%arg1, %dma_wait3A_520] : memref<16x16xi32, #tpu.memory_space<vmem_shared>> -> memref<1x16xi32, #tpu.memory_space<vmem_shared>>
      %dma_wait3A_522 = tpu.memref_squeeze %dma_wait3A_521 : memref<1x16xi32, #tpu.memory_space<vmem_shared>> -> memref<16xi32, #tpu.memory_space<vmem_shared>>
      tpu.wait_dma2 semaphore(%run_scoped3A : memref<!tpu.dma_semaphore, #tpu.memory_space<semaphore_mem>>) src(%arg8 : memref<16xi32, #tpu.memory_space<vmem>>) dst(%dma_wait3A_522 : memref<16xi32, #tpu.memory_space<vmem_shared>>)
      tpu.yield
    }) : () -> ()
    %barrier3A = arith.constant 0 : index
    tpu.barrier barrier_id(%barrier3A)
    "tpu.region"() ({
      %run_scoped3A = tpu.sem_alloc : memref<!tpu.dma_semaphore, #tpu.memory_space<semaphore_mem>>
      tpu.enqueue_dma source(%arg13 : memref<16x16xi32, #tpu.memory_space<vmem_shared>>) target(%arg9 : memref<16x16xi32, #tpu.memory_space<vmem>>) target_semaphore(%run_scoped3A : memref<!tpu.dma_semaphore, #tpu.memory_space<semaphore_mem>>)
      tpu.wait_dma2 semaphore(%run_scoped3A : memref<!tpu.dma_semaphore, #tpu.memory_space<semaphore_mem>>) src(%arg13 : memref<16x16xi32, #tpu.memory_space<vmem_shared>>) dst(%arg9 : memref<16x16xi32, #tpu.memory_space<vmem>>)
      tpu.yield
    }) : () -> ()
    %get3A = arith.constant 0 : i32
    %get3A_124 = arith.index_cast %get3A : i32 to index
    %get3A_125 = arith.constant 0 : index
    %get3A_126 = tpu.vector_load %arg9[%get3A_124, %get3A_125] {strides = array<i32>} : memref<16x16xi32, #tpu.memory_space<vmem>>, vector<16xi32>,
    %slice3A_127 = vector.extract_strided_slice %get3A_126 {offsets = [0], sizes = [1], strides = [1]} : vector<16xi32> to vector<1xi32>
    %squeeze3A_128 = vector.extract %slice3A_127[0] : i32 from vector<1xi32>
    %slice3A_129 = vector.extract_strided_slice %get3A_126 {offsets = [1], sizes = [1], strides = [1]} : vector<16xi32> to vector<1xi32>
    %squeeze3A_130 = vector.extract %slice3A_129[0] : i32 from vector<1xi32>
    %lt3A = arith.constant 0 : i32
    %lt3A_131 = arith.cmpi slt, %lt3A, %arg1 : i32
    %jit3A_132 = arith.constant 0 : i32
    %select_n3A_133 = arith.select %lt3A_131, %squeeze3A_128, %jit3A_132 : i32
    %add3A_134 = arith.constant 0 : i32
    %add3A_135 = arith.addi %add3A_134, %select_n3A_133 : i32
    %jit3A_136 = arith.constant 0 : i32
    %select_n3A_137 = arith.select %lt3A_131, %squeeze3A_130, %jit3A_136 : i32
    %add3A_138 = arith.constant 0 : i32
    %add3A_139 = arith.addi %add3A_138, %select_n3A_137 : i32
    %add3A_140 = arith.constant 0 : i32
    %add3A_141 = arith.addi %add3A_140, %squeeze3A_128 : i32
    %add3A_142 = arith.constant 0 : i32
    %add3A_143 = arith.addi %add3A_142, %squeeze3A_130 : i32
    %get3A_144 = arith.constant 1 : i32
    %get3A_145 = arith.index_cast %get3A_144 : i32 to index
    %get3A_146 = arith.constant 0 : index
    %get3A_147 = tpu.vector_load %arg9[%get3A_145, %get3A_146] {strides = array<i32>} : memref<16x16xi32, #tpu.memory_space<vmem>>, vector<16xi32>,
    %slice3A_148 = vector.extract_strided_slice %get3A_147 {offsets = [0], sizes = [1], strides = [1]} : vector<16xi32> to vector<1xi32>
    %squeeze3A_149 = vector.extract %slice3A_148[0] : i32 from vector<1xi32>
    %slice3A_150 = vector.extract_strided_slice %get3A_147 {offsets = [1], sizes = [1], strides = [1]} : vector<16xi32> to vector<1xi32>
    %squeeze3A_151 = vector.extract %slice3A_150[0] : i32 from vector<1xi32>
    %lt3A_152 = arith.constant 1 : i32
    %lt3A_153 = arith.cmpi slt, %lt3A_152, %arg1 : i32
    %jit3A_154 = arith.constant 0 : i32
    %select_n3A_155 = arith.select %lt3A_153, %squeeze3A_149, %jit3A_154 : i32
    %add3A_156 = arith.addi %add3A_135, %select_n3A_155 : i32
    %jit3A_157 = arith.constant 0 : i32
    %select_n3A_158 = arith.select %lt3A_153, %squeeze3A_151, %jit3A_157 : i32
    %add3A_159 = arith.addi %add3A_139, %select_n3A_158 : i32
    %add3A_160 = arith.addi %add3A_141, %squeeze3A_149 : i32
    %add3A_161 = arith.addi %add3A_143, %squeeze3A_151 : i32
    %get3A_162 = arith.constant 2 : i32
    %get3A_163 = arith.index_cast %get3A_162 : i32 to index
    %get3A_164 = arith.constant 0 : index
    %get3A_165 = tpu.vector_load %arg9[%get3A_163, %get3A_164] {strides = array<i32>} : memref<16x16xi32, #tpu.memory_space<vmem>>, vector<16xi32>,
    %slice3A_166 = vector.extract_strided_slice %get3A_165 {offsets = [0], sizes = [1], strides = [1]} : vector<16xi32> to vector<1xi32>
    %squeeze3A_167 = vector.extract %slice3A_166[0] : i32 from vector<1xi32>
    %slice3A_168 = vector.extract_strided_slice %get3A_165 {offsets = [1], sizes = [1], strides = [1]} : vector<16xi32> to vector<1xi32>
    %squeeze3A_169 = vector.extract %slice3A_168[0] : i32 from vector<1xi32>
    %lt3A_170 = arith.constant 2 : i32
    %lt3A_171 = arith.cmpi slt, %lt3A_170, %arg1 : i32
    %jit3A_172 = arith.constant 0 : i32
    %select_n3A_173 = arith.select %lt3A_171, %squeeze3A_167, %jit3A_172 : i32
    %add3A_174 = arith.addi %add3A_156, %select_n3A_173 : i32
    %jit3A_175 = arith.constant 0 : i32
    %select_n3A_176 = arith.select %lt3A_171, %squeeze3A_169, %jit3A_175 : i32
    %add3A_177 = arith.addi %add3A_159, %select_n3A_176 : i32
    %add3A_178 = arith.addi %add3A_160, %squeeze3A_167 : i32
    %add3A_179 = arith.addi %add3A_161, %squeeze3A_169 : i32
    %get3A_180 = arith.constant 3 : i32
    %get3A_181 = arith.index_cast %get3A_180 : i32 to index
    %get3A_182 = arith.constant 0 : index
    %get3A_183 = tpu.vector_load %arg9[%get3A_181, %get3A_182] {strides = array<i32>} : memref<16x16xi32, #tpu.memory_space<vmem>>, vector<16xi32>,
    %slice3A_184 = vector.extract_strided_slice %get3A_183 {offsets = [0], sizes = [1], strides = [1]} : vector<16xi32> to vector<1xi32>
    %squeeze3A_185 = vector.extract %slice3A_184[0] : i32 from vector<1xi32>
    %slice3A_186 = vector.extract_strided_slice %get3A_183 {offsets = [1], sizes = [1], strides = [1]} : vector<16xi32> to vector<1xi32>
    %squeeze3A_187 = vector.extract %slice3A_186[0] : i32 from vector<1xi32>
    %lt3A_188 = arith.constant 3 : i32
    %lt3A_189 = arith.cmpi slt, %lt3A_188, %arg1 : i32
    %jit3A_190 = arith.constant 0 : i32
    %select_n3A_191 = arith.select %lt3A_189, %squeeze3A_185, %jit3A_190 : i32
    %add3A_192 = arith.addi %add3A_174, %select_n3A_191 : i32
    %jit3A_193 = arith.constant 0 : i32
    %select_n3A_194 = arith.select %lt3A_189, %squeeze3A_187, %jit3A_193 : i32
    %add3A_195 = arith.addi %add3A_177, %select_n3A_194 : i32
    %add3A_196 = arith.addi %add3A_178, %squeeze3A_185 : i32
    %add3A_197 = arith.addi %add3A_179, %squeeze3A_187 : i32
    %get3A_198 = arith.constant 4 : i32
    %get3A_199 = arith.index_cast %get3A_198 : i32 to index
    %get3A_200 = arith.constant 0 : index
    %get3A_201 = tpu.vector_load %arg9[%get3A_199, %get3A_200] {strides = array<i32>} : memref<16x16xi32, #tpu.memory_space<vmem>>, vector<16xi32>,
    %slice3A_202 = vector.extract_strided_slice %get3A_201 {offsets = [0], sizes = [1], strides = [1]} : vector<16xi32> to vector<1xi32>
    %squeeze3A_203 = vector.extract %slice3A_202[0] : i32 from vector<1xi32>
    %slice3A_204 = vector.extract_strided_slice %get3A_201 {offsets = [1], sizes = [1], strides = [1]} : vector<16xi32> to vector<1xi32>
    %squeeze3A_205 = vector.extract %slice3A_204[0] : i32 from vector<1xi32>
    %lt3A_206 = arith.constant 4 : i32
    %lt3A_207 = arith.cmpi slt, %lt3A_206, %arg1 : i32
    %jit3A_208 = arith.constant 0 : i32
    %select_n3A_209 = arith.select %lt3A_207, %squeeze3A_203, %jit3A_208 : i32
    %add3A_210 = arith.addi %add3A_192, %select_n3A_209 : i32
    %jit3A_211 = arith.constant 0 : i32
    %select_n3A_212 = arith.select %lt3A_207, %squeeze3A_205, %jit3A_211 : i32
    %add3A_213 = arith.addi %add3A_195, %select_n3A_212 : i32
    %add3A_214 = arith.addi %add3A_196, %squeeze3A_203 : i32
    %add3A_215 = arith.addi %add3A_197, %squeeze3A_205 : i32
    %get3A_216 = arith.constant 5 : i32
    %get3A_217 = arith.index_cast %get3A_216 : i32 to index
    %get3A_218 = arith.constant 0 : index
    %get3A_219 = tpu.vector_load %arg9[%get3A_217, %get3A_218] {strides = array<i32>} : memref<16x16xi32, #tpu.memory_space<vmem>>, vector<16xi32>,
    %slice3A_220 = vector.extract_strided_slice %get3A_219 {offsets = [0], sizes = [1], strides = [1]} : vector<16xi32> to vector<1xi32>
    %squeeze3A_221 = vector.extract %slice3A_220[0] : i32 from vector<1xi32>
    %slice3A_222 = vector.extract_strided_slice %get3A_219 {offsets = [1], sizes = [1], strides = [1]} : vector<16xi32> to vector<1xi32>
    %squeeze3A_223 = vector.extract %slice3A_222[0] : i32 from vector<1xi32>
    %lt3A_224 = arith.constant 5 : i32
    %lt3A_225 = arith.cmpi slt, %lt3A_224, %arg1 : i32
    %jit3A_226 = arith.constant 0 : i32
    %select_n3A_227 = arith.select %lt3A_225, %squeeze3A_221, %jit3A_226 : i32
    %add3A_228 = arith.addi %add3A_210, %select_n3A_227 : i32
    %jit3A_229 = arith.constant 0 : i32
    %select_n3A_230 = arith.select %lt3A_225, %squeeze3A_223, %jit3A_229 : i32
    %add3A_231 = arith.addi %add3A_213, %select_n3A_230 : i32
    %add3A_232 = arith.addi %add3A_214, %squeeze3A_221 : i32
    %add3A_233 = arith.addi %add3A_215, %squeeze3A_223 : i32
    %get3A_234 = arith.constant 6 : i32
    %get3A_235 = arith.index_cast %get3A_234 : i32 to index
    %get3A_236 = arith.constant 0 : index
    %get3A_237 = tpu.vector_load %arg9[%get3A_235, %get3A_236] {strides = array<i32>} : memref<16x16xi32, #tpu.memory_space<vmem>>, vector<16xi32>,
    %slice3A_238 = vector.extract_strided_slice %get3A_237 {offsets = [0], sizes = [1], strides = [1]} : vector<16xi32> to vector<1xi32>
    %squeeze3A_239 = vector.extract %slice3A_238[0] : i32 from vector<1xi32>
    %slice3A_240 = vector.extract_strided_slice %get3A_237 {offsets = [1], sizes = [1], strides = [1]} : vector<16xi32> to vector<1xi32>
    %squeeze3A_241 = vector.extract %slice3A_240[0] : i32 from vector<1xi32>
    %lt3A_242 = arith.constant 6 : i32
    %lt3A_243 = arith.cmpi slt, %lt3A_242, %arg1 : i32
    %jit3A_244 = arith.constant 0 : i32
    %select_n3A_245 = arith.select %lt3A_243, %squeeze3A_239, %jit3A_244 : i32
    %add3A_246 = arith.addi %add3A_228, %select_n3A_245 : i32
    %jit3A_247 = arith.constant 0 : i32
    %select_n3A_248 = arith.select %lt3A_243, %squeeze3A_241, %jit3A_247 : i32
    %add3A_249 = arith.addi %add3A_231, %select_n3A_248 : i32
    %add3A_250 = arith.addi %add3A_232, %squeeze3A_239 : i32
    %add3A_251 = arith.addi %add3A_233, %squeeze3A_241 : i32
    %get3A_252 = arith.constant 7 : i32
    %get3A_253 = arith.index_cast %get3A_252 : i32 to index
    %get3A_254 = arith.constant 0 : index
    %get3A_255 = tpu.vector_load %arg9[%get3A_253, %get3A_254] {strides = array<i32>} : memref<16x16xi32, #tpu.memory_space<vmem>>, vector<16xi32>,
    %slice3A_256 = vector.extract_strided_slice %get3A_255 {offsets = [0], sizes = [1], strides = [1]} : vector<16xi32> to vector<1xi32>
    %squeeze3A_257 = vector.extract %slice3A_256[0] : i32 from vector<1xi32>
    %slice3A_258 = vector.extract_strided_slice %get3A_255 {offsets = [1], sizes = [1], strides = [1]} : vector<16xi32> to vector<1xi32>
    %squeeze3A_259 = vector.extract %slice3A_258[0] : i32 from vector<1xi32>
    %lt3A_260 = arith.constant 7 : i32
    %lt3A_261 = arith.cmpi slt, %lt3A_260, %arg1 : i32
    %jit3A_262 = arith.constant 0 : i32
    %select_n3A_263 = arith.select %lt3A_261, %squeeze3A_257, %jit3A_262 : i32
    %add3A_264 = arith.addi %add3A_246, %select_n3A_263 : i32
    %jit3A_265 = arith.constant 0 : i32
    %select_n3A_266 = arith.select %lt3A_261, %squeeze3A_259, %jit3A_265 : i32
    %add3A_267 = arith.addi %add3A_249, %select_n3A_266 : i32
    %add3A_268 = arith.addi %add3A_250, %squeeze3A_257 : i32
    %add3A_269 = arith.addi %add3A_251, %squeeze3A_259 : i32
    %get3A_270 = arith.constant 8 : i32
    %get3A_271 = arith.index_cast %get3A_270 : i32 to index
    %get3A_272 = arith.constant 0 : index
    %get3A_273 = tpu.vector_load %arg9[%get3A_271, %get3A_272] {strides = array<i32>} : memref<16x16xi32, #tpu.memory_space<vmem>>, vector<16xi32>,
    %slice3A_274 = vector.extract_strided_slice %get3A_273 {offsets = [0], sizes = [1], strides = [1]} : vector<16xi32> to vector<1xi32>
    %squeeze3A_275 = vector.extract %slice3A_274[0] : i32 from vector<1xi32>
    %slice3A_276 = vector.extract_strided_slice %get3A_273 {offsets = [1], sizes = [1], strides = [1]} : vector<16xi32> to vector<1xi32>
    %squeeze3A_277 = vector.extract %slice3A_276[0] : i32 from vector<1xi32>
    %lt3A_278 = arith.constant 8 : i32
    %lt3A_279 = arith.cmpi slt, %lt3A_278, %arg1 : i32
    %jit3A_280 = arith.constant 0 : i32
    %select_n3A_281 = arith.select %lt3A_279, %squeeze3A_275, %jit3A_280 : i32
    %add3A_282 = arith.addi %add3A_264, %select_n3A_281 : i32
    %jit3A_283 = arith.constant 0 : i32
    %select_n3A_284 = arith.select %lt3A_279, %squeeze3A_277, %jit3A_283 : i32
    %add3A_285 = arith.addi %add3A_267, %select_n3A_284 : i32
    %add3A_286 = arith.addi %add3A_268, %squeeze3A_275 : i32
    %add3A_287 = arith.addi %add3A_269, %squeeze3A_277 : i32
    %get3A_288 = arith.constant 9 : i32
    %get3A_289 = arith.index_cast %get3A_288 : i32 to index
    %get3A_290 = arith.constant 0 : index
    %get3A_291 = tpu.vector_load %arg9[%get3A_289, %get3A_290] {strides = array<i32>} : memref<16x16xi32, #tpu.memory_space<vmem>>, vector<16xi32>,
    %slice3A_292 = vector.extract_strided_slice %get3A_291 {offsets = [0], sizes = [1], strides = [1]} : vector<16xi32> to vector<1xi32>
    %squeeze3A_293 = vector.extract %slice3A_292[0] : i32 from vector<1xi32>
    %slice3A_294 = vector.extract_strided_slice %get3A_291 {offsets = [1], sizes = [1], strides = [1]} : vector<16xi32> to vector<1xi32>
    %squeeze3A_295 = vector.extract %slice3A_294[0] : i32 from vector<1xi32>
    %lt3A_296 = arith.constant 9 : i32
    %lt3A_297 = arith.cmpi slt, %lt3A_296, %arg1 : i32
    %jit3A_298 = arith.constant 0 : i32
    %select_n3A_299 = arith.select %lt3A_297, %squeeze3A_293, %jit3A_298 : i32
    %add3A_300 = arith.addi %add3A_282, %select_n3A_299 : i32
    %jit3A_301 = arith.constant 0 : i32
    %select_n3A_302 = arith.select %lt3A_297, %squeeze3A_295, %jit3A_301 : i32
    %add3A_303 = arith.addi %add3A_285, %select_n3A_302 : i32
    %add3A_304 = arith.addi %add3A_286, %squeeze3A_293 : i32
    %add3A_305 = arith.addi %add3A_287, %squeeze3A_295 : i32
    %get3A_306 = arith.constant 10 : i32
    %get3A_307 = arith.index_cast %get3A_306 : i32 to index
    %get3A_308 = arith.constant 0 : index
    %get3A_309 = tpu.vector_load %arg9[%get3A_307, %get3A_308] {strides = array<i32>} : memref<16x16xi32, #tpu.memory_space<vmem>>, vector<16xi32>,
    %slice3A_310 = vector.extract_strided_slice %get3A_309 {offsets = [0], sizes = [1], strides = [1]} : vector<16xi32> to vector<1xi32>
    %squeeze3A_311 = vector.extract %slice3A_310[0] : i32 from vector<1xi32>
    %slice3A_312 = vector.extract_strided_slice %get3A_309 {offsets = [1], sizes = [1], strides = [1]} : vector<16xi32> to vector<1xi32>
    %squeeze3A_313 = vector.extract %slice3A_312[0] : i32 from vector<1xi32>
    %lt3A_314 = arith.constant 10 : i32
    %lt3A_315 = arith.cmpi slt, %lt3A_314, %arg1 : i32
    %jit3A_316 = arith.constant 0 : i32
    %select_n3A_317 = arith.select %lt3A_315, %squeeze3A_311, %jit3A_316 : i32
    %add3A_318 = arith.addi %add3A_300, %select_n3A_317 : i32
    %jit3A_319 = arith.constant 0 : i32
    %select_n3A_320 = arith.select %lt3A_315, %squeeze3A_313, %jit3A_319 : i32
    %add3A_321 = arith.addi %add3A_303, %select_n3A_320 : i32
    %add3A_322 = arith.addi %add3A_304, %squeeze3A_311 : i32
    %add3A_323 = arith.addi %add3A_305, %squeeze3A_313 : i32
    %get3A_324 = arith.constant 11 : i32
    %get3A_325 = arith.index_cast %get3A_324 : i32 to index
    %get3A_326 = arith.constant 0 : index
    %get3A_327 = tpu.vector_load %arg9[%get3A_325, %get3A_326] {strides = array<i32>} : memref<16x16xi32, #tpu.memory_space<vmem>>, vector<16xi32>,
    %slice3A_328 = vector.extract_strided_slice %get3A_327 {offsets = [0], sizes = [1], strides = [1]} : vector<16xi32> to vector<1xi32>
    %squeeze3A_329 = vector.extract %slice3A_328[0] : i32 from vector<1xi32>
    %slice3A_330 = vector.extract_strided_slice %get3A_327 {offsets = [1], sizes = [1], strides = [1]} : vector<16xi32> to vector<1xi32>
    %squeeze3A_331 = vector.extract %slice3A_330[0] : i32 from vector<1xi32>
    %lt3A_332 = arith.constant 11 : i32
    %lt3A_333 = arith.cmpi slt, %lt3A_332, %arg1 : i32
    %jit3A_334 = arith.constant 0 : i32
    %select_n3A_335 = arith.select %lt3A_333, %squeeze3A_329, %jit3A_334 : i32
    %add3A_336 = arith.addi %add3A_318, %select_n3A_335 : i32
    %jit3A_337 = arith.constant 0 : i32
    %select_n3A_338 = arith.select %lt3A_333, %squeeze3A_331, %jit3A_337 : i32
    %add3A_339 = arith.addi %add3A_321, %select_n3A_338 : i32
    %add3A_340 = arith.addi %add3A_322, %squeeze3A_329 : i32
    %add3A_341 = arith.addi %add3A_323, %squeeze3A_331 : i32
    %get3A_342 = arith.constant 12 : i32
    %get3A_343 = arith.index_cast %get3A_342 : i32 to index
    %get3A_344 = arith.constant 0 : index
    %get3A_345 = tpu.vector_load %arg9[%get3A_343, %get3A_344] {strides = array<i32>} : memref<16x16xi32, #tpu.memory_space<vmem>>, vector<16xi32>,
    %slice3A_346 = vector.extract_strided_slice %get3A_345 {offsets = [0], sizes = [1], strides = [1]} : vector<16xi32> to vector<1xi32>
    %squeeze3A_347 = vector.extract %slice3A_346[0] : i32 from vector<1xi32>
    %slice3A_348 = vector.extract_strided_slice %get3A_345 {offsets = [1], sizes = [1], strides = [1]} : vector<16xi32> to vector<1xi32>
    %squeeze3A_349 = vector.extract %slice3A_348[0] : i32 from vector<1xi32>
    %lt3A_350 = arith.constant 12 : i32
    %lt3A_351 = arith.cmpi slt, %lt3A_350, %arg1 : i32
    %jit3A_352 = arith.constant 0 : i32
    %select_n3A_353 = arith.select %lt3A_351, %squeeze3A_347, %jit3A_352 : i32
    %add3A_354 = arith.addi %add3A_336, %select_n3A_353 : i32
    %jit3A_355 = arith.constant 0 : i32
    %select_n3A_356 = arith.select %lt3A_351, %squeeze3A_349, %jit3A_355 : i32
    %add3A_357 = arith.addi %add3A_339, %select_n3A_356 : i32
    %add3A_358 = arith.addi %add3A_340, %squeeze3A_347 : i32
    %add3A_359 = arith.addi %add3A_341, %squeeze3A_349 : i32
    %get3A_360 = arith.constant 13 : i32
    %get3A_361 = arith.index_cast %get3A_360 : i32 to index
    %get3A_362 = arith.constant 0 : index
    %get3A_363 = tpu.vector_load %arg9[%get3A_361, %get3A_362] {strides = array<i32>} : memref<16x16xi32, #tpu.memory_space<vmem>>, vector<16xi32>,
    %slice3A_364 = vector.extract_strided_slice %get3A_363 {offsets = [0], sizes = [1], strides = [1]} : vector<16xi32> to vector<1xi32>
    %squeeze3A_365 = vector.extract %slice3A_364[0] : i32 from vector<1xi32>
    %slice3A_366 = vector.extract_strided_slice %get3A_363 {offsets = [1], sizes = [1], strides = [1]} : vector<16xi32> to vector<1xi32>
    %squeeze3A_367 = vector.extract %slice3A_366[0] : i32 from vector<1xi32>
    %lt3A_368 = arith.constant 13 : i32
    %lt3A_369 = arith.cmpi slt, %lt3A_368, %arg1 : i32
    %jit3A_370 = arith.constant 0 : i32
    %select_n3A_371 = arith.select %lt3A_369, %squeeze3A_365, %jit3A_370 : i32
    %add3A_372 = arith.addi %add3A_354, %select_n3A_371 : i32
    %jit3A_373 = arith.constant 0 : i32
    %select_n3A_374 = arith.select %lt3A_369, %squeeze3A_367, %jit3A_373 : i32
    %add3A_375 = arith.addi %add3A_357, %select_n3A_374 : i32
    %add3A_376 = arith.addi %add3A_358, %squeeze3A_365 : i32
    %add3A_377 = arith.addi %add3A_359, %squeeze3A_367 : i32
    %get3A_378 = arith.constant 14 : i32
    %get3A_379 = arith.index_cast %get3A_378 : i32 to index
    %get3A_380 = arith.constant 0 : index
    %get3A_381 = tpu.vector_load %arg9[%get3A_379, %get3A_380] {strides = array<i32>} : memref<16x16xi32, #tpu.memory_space<vmem>>, vector<16xi32>,
    %slice3A_382 = vector.extract_strided_slice %get3A_381 {offsets = [0], sizes = [1], strides = [1]} : vector<16xi32> to vector<1xi32>
    %squeeze3A_383 = vector.extract %slice3A_382[0] : i32 from vector<1xi32>
    %slice3A_384 = vector.extract_strided_slice %get3A_381 {offsets = [1], sizes = [1], strides = [1]} : vector<16xi32> to vector<1xi32>
    %squeeze3A_385 = vector.extract %slice3A_384[0] : i32 from vector<1xi32>
    %lt3A_386 = arith.constant 14 : i32
    %lt3A_387 = arith.cmpi slt, %lt3A_386, %arg1 : i32
    %jit3A_388 = arith.constant 0 : i32
    %select_n3A_389 = arith.select %lt3A_387, %squeeze3A_383, %jit3A_388 : i32
    %add3A_390 = arith.addi %add3A_372, %select_n3A_389 : i32
    %jit3A_391 = arith.constant 0 : i32
    %select_n3A_392 = arith.select %lt3A_387, %squeeze3A_385, %jit3A_391 : i32
    %add3A_393 = arith.addi %add3A_375, %select_n3A_392 : i32
    %add3A_394 = arith.addi %add3A_376, %squeeze3A_383 : i32
    %add3A_395 = arith.addi %add3A_377, %squeeze3A_385 : i32
    %get3A_396 = arith.constant 15 : i32
    %get3A_397 = arith.index_cast %get3A_396 : i32 to index
    %get3A_398 = arith.constant 0 : index
    %get3A_399 = tpu.vector_load %arg9[%get3A_397, %get3A_398] {strides = array<i32>} : memref<16x16xi32, #tpu.memory_space<vmem>>, vector<16xi32>,
    %slice3A_400 = vector.extract_strided_slice %get3A_399 {offsets = [0], sizes = [1], strides = [1]} : vector<16xi32> to vector<1xi32>
    %squeeze3A_401 = vector.extract %slice3A_400[0] : i32 from vector<1xi32>
    %slice3A_402 = vector.extract_strided_slice %get3A_399 {offsets = [1], sizes = [1], strides = [1]} : vector<16xi32> to vector<1xi32>
    %squeeze3A_403 = vector.extract %slice3A_402[0] : i32 from vector<1xi32>
    %lt3A_404 = arith.constant 15 : i32
    %lt3A_405 = arith.cmpi slt, %lt3A_404, %arg1 : i32
    %jit3A_406 = arith.constant 0 : i32
    %select_n3A_407 = arith.select %lt3A_405, %squeeze3A_401, %jit3A_406 : i32
    %add3A_408 = arith.addi %add3A_390, %select_n3A_407 : i32
    %jit3A_409 = arith.constant 0 : i32
    %select_n3A_410 = arith.select %lt3A_405, %squeeze3A_403, %jit3A_409 : i32
    %add3A_411 = arith.addi %add3A_393, %select_n3A_410 : i32
    %add3A_412 = arith.addi %add3A_394, %squeeze3A_401 : i32
    %add3A_413 = arith.addi %add3A_395, %squeeze3A_403 : i32
    %eq3A_414 = arith.constant 0 : i32
    %eq3A_415 = arith.cmpi eq, %arg1, %eq3A_414 : i32
    %convert_element_type3A = arith.extui %eq3A_415 : i1 to i32
    %cond3A = arith.constant 0 : i32
    %cond3A_416 = arith.cmpi ne, %convert_element_type3A, %cond3A : i32
    scf.if %cond3A_416 {
      %eq3A_513 = arith.constant 0 : i32
      %eq3A_514 = vector.broadcast %eq3A_513 : i32 to vector<16xi32>
      %eq3A_515 = arith.cmpi eq, %iota3A, %eq3A_514 : vector<16xi32>
      %eq3A_516 = arith.constant 1 : i32
      %eq3A_517 = vector.broadcast %eq3A_516 : i32 to vector<16xi32>
      %eq3A_518 = arith.cmpi eq, %iota3A, %eq3A_517 : vector<16xi32>
      %jit3A_519 = arith.constant 0 : i32
      %broadcast_in_dim3A_520 = vector.broadcast %add3A_413 : i32 to vector<16xi32>
      %broadcast_in_dim3A_521 = vector.broadcast %jit3A_519 : i32 to vector<16xi32>
      %select_n3A_522 = arith.select %eq3A_518, %broadcast_in_dim3A_520, %broadcast_in_dim3A_521 : vector<16xi1>, vector<16xi32>
      %broadcast_in_dim3A_523 = vector.broadcast %add3A_412 : i32 to vector<16xi32>
      %select_n3A_524 = arith.select %eq3A_515, %broadcast_in_dim3A_523, %select_n3A_522 : vector<16xi1>, vector<16xi32>
      %swap3A_525 = arith.constant 0 : index
      %swap3A_526 = tpu.vector_load %arg12[%swap3A_525] {strides = array<i32>} : memref<16xi32, #tpu.memory_space<vmem>>, vector<16xi32>,
      tpu.vector_store %arg12[%swap3A_525], %select_n3A_524 {strides = array<i32>} : memref<16xi32, #tpu.memory_space<vmem>>, vector<16xi32>,
      %mul3A_527 = arith.constant 16 : i32
      %mul3A_528 = arith.muli %arg0, %mul3A_527 : i32
      "tpu.region"() ({
        %run_scoped3A = tpu.sem_alloc : memref<!tpu.dma_semaphore, #tpu.memory_space<semaphore_mem>>
        %dma_start3A = tpu.memref_slice %arg4[%mul3A_528] : memref<32xi32, #tpu.memory_space<hbm>> -> memref<16xi32, #tpu.memory_space<hbm>>
        %dma_start3A_529 = tpu.memref_slice %arg4[%mul3A_528] : memref<32xi32, #tpu.memory_space<hbm>> -> memref<16xi32, #tpu.memory_space<hbm>>
        tpu.enqueue_dma source(%arg12 : memref<16xi32, #tpu.memory_space<vmem>>) target(%dma_start3A_529 : memref<16xi32, #tpu.memory_space<hbm>>) target_semaphore(%run_scoped3A : memref<!tpu.dma_semaphore, #tpu.memory_space<semaphore_mem>>)
        %dma_wait3A = tpu.memref_slice %arg4[%mul3A_528] : memref<32xi32, #tpu.memory_space<hbm>> -> memref<16xi32, #tpu.memory_space<hbm>>
        %dma_wait3A_530 = tpu.memref_slice %arg4[%mul3A_528] : memref<32xi32, #tpu.memory_space<hbm>> -> memref<16xi32, #tpu.memory_space<hbm>>
        tpu.wait_dma2 semaphore(%run_scoped3A : memref<!tpu.dma_semaphore, #tpu.memory_space<semaphore_mem>>) src(%arg12 : memref<16xi32, #tpu.memory_space<vmem>>) dst(%dma_wait3A_530 : memref<16xi32, #tpu.memory_space<hbm>>)
        tpu.yield
      }) : () -> ()
    } else {
    }
    %mul3A_417 = arith.constant 12296 : i32
    %mul3A_418 = arith.muli %arg0, %mul3A_417 : i32
    %sub3A = arith.constant 2048 : i32
    %sub3A_419 = arith.subi %sub3A, %add3A_408 : i32
    %max3A = arith.constant 0 : i32
    %max3A_420 = arith.maxsi %sub3A_419, %max3A : i32
    %min3A = arith.minsi %max3A_420, %squeeze3A : i32
    %add3A_421 = arith.constant 127 : i32
    %add3A_422 = arith.addi %min3A, %add3A_421 : i32
    %jit3A_423 = arith.constant 128 : i32
    %div3A = arith.divsi %add3A_422, %jit3A_423 : i32
    %sign3A = arith.constant 0 : i32
    %sign3A_424 = arith.cmpi sgt, %add3A_422, %sign3A : i32
    %sign3A_425 = arith.extui %sign3A_424 : i1 to i32
    %sign3A_426 = arith.constant 0 : i32
    %sign3A_427 = arith.cmpi slt, %add3A_422, %sign3A_426 : i32
    %sign3A_428 = arith.extui %sign3A_427 : i1 to i32
    %sign3A_429 = arith.subi %sign3A_425, %sign3A_428 : i32
    %sign3A_430 = arith.constant 0 : i32
    %sign3A_431 = arith.cmpi sgt, %jit3A_423, %sign3A_430 : i32
    %sign3A_432 = arith.extui %sign3A_431 : i1 to i32
    %sign3A_433 = arith.constant 0 : i32
    %sign3A_434 = arith.cmpi slt, %jit3A_423, %sign3A_433 : i32
    %sign3A_435 = arith.extui %sign3A_434 : i1 to i32
    %sign3A_436 = arith.subi %sign3A_432, %sign3A_435 : i32
    %ne3A = arith.cmpi ne, %sign3A_429, %sign3A_436 : i32
    %rem3A = arith.remsi %add3A_422, %jit3A_423 : i32
    %ne3A_437 = arith.constant 0 : i32
    %ne3A_438 = arith.cmpi ne, %rem3A, %ne3A_437 : i32
    %and3A = arith.andi %ne3A, %ne3A_438 : i1
    %sub3A_439 = arith.constant 1 : i32
    %sub3A_440 = arith.subi %div3A, %sub3A_439 : i32
    %select_n3A_441 = arith.select %and3A, %sub3A_440, %div3A : i32
    %mul3A_442 = arith.constant 12296 : i32
    %mul3A_443 = arith.muli %arg0, %mul3A_442 : i32
    %add3A_444 = arith.constant 12288 : i32
    %add3A_445 = arith.addi %mul3A_443, %add3A_444 : i32
    %scan3A_446 = arith.constant 0 : i32
    %scan3A_447 = arith.constant 0 : i32
    %scan3A_448 = arith.constant 128 : i32
    %scan3A_449 = arith.addi %scan3A_447, %scan3A_448 : i32
    %scan3A_450 = arith.constant 1 : i32
    %scan3A_451 = scf.for %scan3A_513 = %scan3A_447 to %scan3A_449 step %scan3A_450 iter_args(%scan3A_514 = %scan3A_446) -> (i32)  : i32 {
      %lt3A_515 = arith.cmpi slt, %scan3A_513, %select_n3A_441 : i32
      %convert_element_type3A_516 = arith.extui %lt3A_515 : i1 to i32
      %cond3A_517 = arith.constant 0 : i32
      %cond3A_518 = arith.cmpi ne, %convert_element_type3A_516, %cond3A_517 : i32
      scf.if %cond3A_518 {
        %ge3A = arith.constant 16 : i32
        %ge3A_520 = arith.cmpi sge, %scan3A_513, %ge3A : i32
        %convert_element_type3A_521 = arith.extui %ge3A_520 : i1 to i32
        %cond3A_522 = arith.constant 0 : i32
        %cond3A_523 = arith.cmpi ne, %convert_element_type3A_521, %cond3A_522 : i32
        scf.if %cond3A_523 {
          %dma_wait3A = arith.constant 0 : i32
          %dma_wait3A_677 = tpu.memref_slice %arg5[%dma_wait3A] : memref<16384xi32, #tpu.memory_space<vmem>> -> memref<128xi32, #tpu.memory_space<vmem>>
          %dma_wait3A_678 = arith.constant 0 : i32
          %dma_wait3A_679 = tpu.memref_slice %arg3[%dma_wait3A_678] : memref<24592xi32, #tpu.memory_space<hbm>> -> memref<128xi32, #tpu.memory_space<hbm>>
          %dma_wait3A_680 = arith.constant 0 : i32
          %dma_wait3A_681 = tpu.memref_slice %arg5[%dma_wait3A_680] : memref<16384xi32, #tpu.memory_space<vmem>> -> memref<128xi32, #tpu.memory_space<vmem>>
          %dma_wait3A_682 = arith.constant 0 : i32
          %dma_wait3A_683 = tpu.memref_slice %arg3[%dma_wait3A_682] : memref<24592xi32, #tpu.memory_space<hbm>> -> memref<128xi32, #tpu.memory_space<hbm>>
          tpu.wait_dma2 semaphore(%arg14 : memref<!tpu.dma_semaphore, #tpu.memory_space<semaphore_mem>>) src(%dma_wait3A_683 : memref<128xi32, #tpu.memory_space<hbm>>) dst(%dma_wait3A_681 : memref<128xi32, #tpu.memory_space<vmem>>)
        } else {
        }
        %mul3A_524 = arith.constant 128 : i32
        %mul3A_525 = arith.muli %scan3A_513, %mul3A_524 : i32
        %add3A_526 = arith.constant 0 : i32
        %add3A_527 = arith.addi %mul3A_525, %add3A_526 : i32
        %add3A_528 = vector.broadcast %add3A_527 : i32 to vector<16xi32>
        %add3A_529 = arith.addi %add3A_528, %iota3A : vector<16xi32>
        %lt3A_530 = vector.broadcast %min3A : i32 to vector<16xi32>
        %lt3A_531 = arith.cmpi slt, %add3A_529, %lt3A_530 : vector<16xi32>
        %add3A_532 = arith.addi %mul3A_418, %add3A_408 : i32
        %add3A_533 = vector.broadcast %add3A_532 : i32 to vector<16xi32>
        %add3A_534 = arith.addi %add3A_533, %add3A_529 : vector<16xi32>
        %broadcast_in_dim3A_535 = vector.broadcast %add3A_445 : i32 to vector<16xi32>
        %select_n3A_536 = arith.select %lt3A_531, %add3A_534, %broadcast_in_dim3A_535 : vector<16xi1>, vector<16xi32>
        %add3A_537 = arith.constant 0 : i32
        %add3A_538 = arith.addi %add3A_537, %scan3A_513 : i32
        %swap3A_539 = arith.index_cast %add3A_538 : i32 to index
        %swap3A_540 = arith.constant 0 : index
        %swap3A_541 = tpu.vector_load %arg11[%swap3A_539, %swap3A_540] {strides = array<i32>} : memref<256x128xi32, #tpu.memory_space<vmem>>, vector<16xi32>,
        tpu.vector_store %arg11[%swap3A_539, %swap3A_540], %select_n3A_536 {strides = array<i32>} : memref<256x128xi32, #tpu.memory_space<vmem>>, vector<16xi32>,
        %mul3A_542 = arith.constant 128 : i32
        %mul3A_543 = arith.muli %scan3A_513, %mul3A_542 : i32
        %add3A_544 = arith.constant 16 : i32
        %add3A_545 = arith.addi %mul3A_543, %add3A_544 : i32
        %add3A_546 = vector.broadcast %add3A_545 : i32 to vector<16xi32>
        %add3A_547 = arith.addi %add3A_546, %iota3A : vector<16xi32>
        %lt3A_548 = vector.broadcast %min3A : i32 to vector<16xi32>
        %lt3A_549 = arith.cmpi slt, %add3A_547, %lt3A_548 : vector<16xi32>
        %add3A_550 = arith.addi %mul3A_418, %add3A_408 : i32
        %add3A_551 = vector.broadcast %add3A_550 : i32 to vector<16xi32>
        %add3A_552 = arith.addi %add3A_551, %add3A_547 : vector<16xi32>
        %broadcast_in_dim3A_553 = vector.broadcast %add3A_445 : i32 to vector<16xi32>
        %select_n3A_554 = arith.select %lt3A_549, %add3A_552, %broadcast_in_dim3A_553 : vector<16xi1>, vector<16xi32>
        %add3A_555 = arith.constant 0 : i32
        %add3A_556 = arith.addi %add3A_555, %scan3A_513 : i32
        %swap3A_557 = arith.index_cast %add3A_556 : i32 to index
        %swap3A_558 = arith.constant 16 : index
        %swap3A_559 = tpu.vector_load %arg11[%swap3A_557, %swap3A_558] {strides = array<i32>} : memref<256x128xi32, #tpu.memory_space<vmem>>, vector<16xi32>,
        tpu.vector_store %arg11[%swap3A_557, %swap3A_558], %select_n3A_554 {strides = array<i32>} : memref<256x128xi32, #tpu.memory_space<vmem>>, vector<16xi32>,
        %mul3A_560 = arith.constant 128 : i32
        %mul3A_561 = arith.muli %scan3A_513, %mul3A_560 : i32
        %add3A_562 = arith.constant 32 : i32
        %add3A_563 = arith.addi %mul3A_561, %add3A_562 : i32
        %add3A_564 = vector.broadcast %add3A_563 : i32 to vector<16xi32>
        %add3A_565 = arith.addi %add3A_564, %iota3A : vector<16xi32>
        %lt3A_566 = vector.broadcast %min3A : i32 to vector<16xi32>
        %lt3A_567 = arith.cmpi slt, %add3A_565, %lt3A_566 : vector<16xi32>
        %add3A_568 = arith.addi %mul3A_418, %add3A_408 : i32
        %add3A_569 = vector.broadcast %add3A_568 : i32 to vector<16xi32>
        %add3A_570 = arith.addi %add3A_569, %add3A_565 : vector<16xi32>
        %broadcast_in_dim3A_571 = vector.broadcast %add3A_445 : i32 to vector<16xi32>
        %select_n3A_572 = arith.select %lt3A_567, %add3A_570, %broadcast_in_dim3A_571 : vector<16xi1>, vector<16xi32>
        %add3A_573 = arith.constant 0 : i32
        %add3A_574 = arith.addi %add3A_573, %scan3A_513 : i32
        %swap3A_575 = arith.index_cast %add3A_574 : i32 to index
        %swap3A_576 = arith.constant 32 : index
        %swap3A_577 = tpu.vector_load %arg11[%swap3A_575, %swap3A_576] {strides = array<i32>} : memref<256x128xi32, #tpu.memory_space<vmem>>, vector<16xi32>,
        tpu.vector_store %arg11[%swap3A_575, %swap3A_576], %select_n3A_572 {strides = array<i32>} : memref<256x128xi32, #tpu.memory_space<vmem>>, vector<16xi32>,
        %mul3A_578 = arith.constant 128 : i32
        %mul3A_579 = arith.muli %scan3A_513, %mul3A_578 : i32
        %add3A_580 = arith.constant 48 : i32
        %add3A_581 = arith.addi %mul3A_579, %add3A_580 : i32
        %add3A_582 = vector.broadcast %add3A_581 : i32 to vector<16xi32>
        %add3A_583 = arith.addi %add3A_582, %iota3A : vector<16xi32>
        %lt3A_584 = vector.broadcast %min3A : i32 to vector<16xi32>
        %lt3A_585 = arith.cmpi slt, %add3A_583, %lt3A_584 : vector<16xi32>
        %add3A_586 = arith.addi %mul3A_418, %add3A_408 : i32
        %add3A_587 = vector.broadcast %add3A_586 : i32 to vector<16xi32>
        %add3A_588 = arith.addi %add3A_587, %add3A_583 : vector<16xi32>
        %broadcast_in_dim3A_589 = vector.broadcast %add3A_445 : i32 to vector<16xi32>
        %select_n3A_590 = arith.select %lt3A_585, %add3A_588, %broadcast_in_dim3A_589 : vector<16xi1>, vector<16xi32>
        %add3A_591 = arith.constant 0 : i32
        %add3A_592 = arith.addi %add3A_591, %scan3A_513 : i32
        %swap3A_593 = arith.index_cast %add3A_592 : i32 to index
        %swap3A_594 = arith.constant 48 : index
        %swap3A_595 = tpu.vector_load %arg11[%swap3A_593, %swap3A_594] {strides = array<i32>} : memref<256x128xi32, #tpu.memory_space<vmem>>, vector<16xi32>,
        tpu.vector_store %arg11[%swap3A_593, %swap3A_594], %select_n3A_590 {strides = array<i32>} : memref<256x128xi32, #tpu.memory_space<vmem>>, vector<16xi32>,
        %mul3A_596 = arith.constant 128 : i32
        %mul3A_597 = arith.muli %scan3A_513, %mul3A_596 : i32
        %add3A_598 = arith.constant 64 : i32
        %add3A_599 = arith.addi %mul3A_597, %add3A_598 : i32
        %add3A_600 = vector.broadcast %add3A_599 : i32 to vector<16xi32>
        %add3A_601 = arith.addi %add3A_600, %iota3A : vector<16xi32>
        %lt3A_602 = vector.broadcast %min3A : i32 to vector<16xi32>
        %lt3A_603 = arith.cmpi slt, %add3A_601, %lt3A_602 : vector<16xi32>
        %add3A_604 = arith.addi %mul3A_418, %add3A_408 : i32
        %add3A_605 = vector.broadcast %add3A_604 : i32 to vector<16xi32>
        %add3A_606 = arith.addi %add3A_605, %add3A_601 : vector<16xi32>
        %broadcast_in_dim3A_607 = vector.broadcast %add3A_445 : i32 to vector<16xi32>
        %select_n3A_608 = arith.select %lt3A_603, %add3A_606, %broadcast_in_dim3A_607 : vector<16xi1>, vector<16xi32>
        %add3A_609 = arith.constant 0 : i32
        %add3A_610 = arith.addi %add3A_609, %scan3A_513 : i32
        %swap3A_611 = arith.index_cast %add3A_610 : i32 to index
        %swap3A_612 = arith.constant 64 : index
        %swap3A_613 = tpu.vector_load %arg11[%swap3A_611, %swap3A_612] {strides = array<i32>} : memref<256x128xi32, #tpu.memory_space<vmem>>, vector<16xi32>,
        tpu.vector_store %arg11[%swap3A_611, %swap3A_612], %select_n3A_608 {strides = array<i32>} : memref<256x128xi32, #tpu.memory_space<vmem>>, vector<16xi32>,
        %mul3A_614 = arith.constant 128 : i32
        %mul3A_615 = arith.muli %scan3A_513, %mul3A_614 : i32
        %add3A_616 = arith.constant 80 : i32
        %add3A_617 = arith.addi %mul3A_615, %add3A_616 : i32
        %add3A_618 = vector.broadcast %add3A_617 : i32 to vector<16xi32>
        %add3A_619 = arith.addi %add3A_618, %iota3A : vector<16xi32>
        %lt3A_620 = vector.broadcast %min3A : i32 to vector<16xi32>
        %lt3A_621 = arith.cmpi slt, %add3A_619, %lt3A_620 : vector<16xi32>
        %add3A_622 = arith.addi %mul3A_418, %add3A_408 : i32
        %add3A_623 = vector.broadcast %add3A_622 : i32 to vector<16xi32>
        %add3A_624 = arith.addi %add3A_623, %add3A_619 : vector<16xi32>
        %broadcast_in_dim3A_625 = vector.broadcast %add3A_445 : i32 to vector<16xi32>
        %select_n3A_626 = arith.select %lt3A_621, %add3A_624, %broadcast_in_dim3A_625 : vector<16xi1>, vector<16xi32>
        %add3A_627 = arith.constant 0 : i32
        %add3A_628 = arith.addi %add3A_627, %scan3A_513 : i32
        %swap3A_629 = arith.index_cast %add3A_628 : i32 to index
        %swap3A_630 = arith.constant 80 : index
        %swap3A_631 = tpu.vector_load %arg11[%swap3A_629, %swap3A_630] {strides = array<i32>} : memref<256x128xi32, #tpu.memory_space<vmem>>, vector<16xi32>,
        tpu.vector_store %arg11[%swap3A_629, %swap3A_630], %select_n3A_626 {strides = array<i32>} : memref<256x128xi32, #tpu.memory_space<vmem>>, vector<16xi32>,
        %mul3A_632 = arith.constant 128 : i32
        %mul3A_633 = arith.muli %scan3A_513, %mul3A_632 : i32
        %add3A_634 = arith.constant 96 : i32
        %add3A_635 = arith.addi %mul3A_633, %add3A_634 : i32
        %add3A_636 = vector.broadcast %add3A_635 : i32 to vector<16xi32>
        %add3A_637 = arith.addi %add3A_636, %iota3A : vector<16xi32>
        %lt3A_638 = vector.broadcast %min3A : i32 to vector<16xi32>
        %lt3A_639 = arith.cmpi slt, %add3A_637, %lt3A_638 : vector<16xi32>
        %add3A_640 = arith.addi %mul3A_418, %add3A_408 : i32
        %add3A_641 = vector.broadcast %add3A_640 : i32 to vector<16xi32>
        %add3A_642 = arith.addi %add3A_641, %add3A_637 : vector<16xi32>
        %broadcast_in_dim3A_643 = vector.broadcast %add3A_445 : i32 to vector<16xi32>
        %select_n3A_644 = arith.select %lt3A_639, %add3A_642, %broadcast_in_dim3A_643 : vector<16xi1>, vector<16xi32>
        %add3A_645 = arith.constant 0 : i32
        %add3A_646 = arith.addi %add3A_645, %scan3A_513 : i32
        %swap3A_647 = arith.index_cast %add3A_646 : i32 to index
        %swap3A_648 = arith.constant 96 : index
        %swap3A_649 = tpu.vector_load %arg11[%swap3A_647, %swap3A_648] {strides = array<i32>} : memref<256x128xi32, #tpu.memory_space<vmem>>, vector<16xi32>,
        tpu.vector_store %arg11[%swap3A_647, %swap3A_648], %select_n3A_644 {strides = array<i32>} : memref<256x128xi32, #tpu.memory_space<vmem>>, vector<16xi32>,
        %mul3A_650 = arith.constant 128 : i32
        %mul3A_651 = arith.muli %scan3A_513, %mul3A_650 : i32
        %add3A_652 = arith.constant 112 : i32
        %add3A_653 = arith.addi %mul3A_651, %add3A_652 : i32
        %add3A_654 = vector.broadcast %add3A_653 : i32 to vector<16xi32>
        %add3A_655 = arith.addi %add3A_654, %iota3A : vector<16xi32>
        %lt3A_656 = vector.broadcast %min3A : i32 to vector<16xi32>
        %lt3A_657 = arith.cmpi slt, %add3A_655, %lt3A_656 : vector<16xi32>
        %add3A_658 = arith.addi %mul3A_418, %add3A_408 : i32
        %add3A_659 = vector.broadcast %add3A_658 : i32 to vector<16xi32>
        %add3A_660 = arith.addi %add3A_659, %add3A_655 : vector<16xi32>
        %broadcast_in_dim3A_661 = vector.broadcast %add3A_445 : i32 to vector<16xi32>
        %select_n3A_662 = arith.select %lt3A_657, %add3A_660, %broadcast_in_dim3A_661 : vector<16xi1>, vector<16xi32>
        %add3A_663 = arith.constant 0 : i32
        %add3A_664 = arith.addi %add3A_663, %scan3A_513 : i32
        %swap3A_665 = arith.index_cast %add3A_664 : i32 to index
        %swap3A_666 = arith.constant 112 : index
        %swap3A_667 = tpu.vector_load %arg11[%swap3A_665, %swap3A_666] {strides = array<i32>} : memref<256x128xi32, #tpu.memory_space<vmem>>, vector<16xi32>,
        tpu.vector_store %arg11[%swap3A_665, %swap3A_666], %select_n3A_662 {strides = array<i32>} : memref<256x128xi32, #tpu.memory_space<vmem>>, vector<16xi32>,
        %mul3A_668 = arith.constant 128 : i32
        %mul3A_669 = arith.muli %scan3A_513, %mul3A_668 : i32
        %add3A_670 = arith.constant 0 : i32
        %add3A_671 = arith.addi %add3A_670, %scan3A_513 : i32
        %dma_start3A = tpu.memref_slice %arg6[%mul3A_669] : memref<16400xi32, #tpu.memory_space<vmem>> -> memref<128xi32, #tpu.memory_space<vmem>>
        %dma_start3A_672 = arith.constant 0 : i32
        %dma_start3A_673 = tpu.memref_slice %arg11[%add3A_671, %dma_start3A_672] : memref<256x128xi32, #tpu.memory_space<vmem>> -> memref<1x128xi32, #tpu.memory_space<vmem>>
        %dma_start3A_674 = tpu.memref_squeeze %dma_start3A_673 : memref<1x128xi32, #tpu.memory_space<vmem>> -> memref<128xi32, #tpu.memory_space<vmem>>
        %dma_start3A_675 = arith.constant 0 : i32
        %dma_start3A_676 = tpu.memref_slice %arg3[%dma_start3A_675] : memref<24592xi32, #tpu.memory_space<hbm>> -> memref<24592xi32, #tpu.memory_space<hbm>>
        tpu.enqueue_indirect_dma source(%dma_start3A : memref<128xi32, #tpu.memory_space<vmem>>) target(%dma_start3A_676 : memref<24592xi32, #tpu.memory_space<hbm>>) offsets(%dma_start3A_674 : memref<128xi32, #tpu.memory_space<vmem>>) semaphore(%arg14 : memref<!tpu.dma_semaphore, #tpu.memory_space<semaphore_mem>>)
      } else {
      }
      %scan3A_519 = arith.constant 0 : i32
      scf.yield %scan3A_519 : i32
    }
    %scan3A_452 = arith.constant 128 : i32
    %scan3A_453 = arith.constant 0 : i32
    %scan3A_454 = arith.constant 0 : i32
    %scan3A_455 = arith.constant 16 : i32
    %scan3A_456 = arith.addi %scan3A_454, %scan3A_455 : i32
    %scan3A_457 = arith.constant 1 : i32
    %scan3A_458 = scf.for %scan3A_513 = %scan3A_454 to %scan3A_456 step %scan3A_457 iter_args(%scan3A_514 = %scan3A_453) -> (i32)  : i32 {
      %min3A_515 = arith.constant 16 : i32
      %min3A_516 = arith.minsi %select_n3A_441, %min3A_515 : i32
      %lt3A_517 = arith.cmpi slt, %scan3A_513, %min3A_516 : i32
      %convert_element_type3A_518 = arith.extui %lt3A_517 : i1 to i32
      %cond3A_519 = arith.constant 0 : i32
      %cond3A_520 = arith.cmpi ne, %convert_element_type3A_518, %cond3A_519 : i32
      scf.if %cond3A_520 {
        %dma_wait3A = arith.constant 0 : i32
        %dma_wait3A_522 = tpu.memref_slice %arg5[%dma_wait3A] : memref<16384xi32, #tpu.memory_space<vmem>> -> memref<128xi32, #tpu.memory_space<vmem>>
        %dma_wait3A_523 = arith.constant 0 : i32
        %dma_wait3A_524 = tpu.memref_slice %arg3[%dma_wait3A_523] : memref<24592xi32, #tpu.memory_space<hbm>> -> memref<128xi32, #tpu.memory_space<hbm>>
        %dma_wait3A_525 = arith.constant 0 : i32
        %dma_wait3A_526 = tpu.memref_slice %arg5[%dma_wait3A_525] : memref<16384xi32, #tpu.memory_space<vmem>> -> memref<128xi32, #tpu.memory_space<vmem>>
        %dma_wait3A_527 = arith.constant 0 : i32
        %dma_wait3A_528 = tpu.memref_slice %arg3[%dma_wait3A_527] : memref<24592xi32, #tpu.memory_space<hbm>> -> memref<128xi32, #tpu.memory_space<hbm>>
        tpu.wait_dma2 semaphore(%arg14 : memref<!tpu.dma_semaphore, #tpu.memory_space<semaphore_mem>>) src(%dma_wait3A_528 : memref<128xi32, #tpu.memory_space<hbm>>) dst(%dma_wait3A_526 : memref<128xi32, #tpu.memory_space<vmem>>)
      } else {
      }
      %scan3A_521 = arith.constant 0 : i32
      scf.yield %scan3A_521 : i32
    }
    %scan3A_459 = arith.constant 16 : i32
    %mul3A_460 = arith.constant 12296 : i32
    %mul3A_461 = arith.muli %arg0, %mul3A_460 : i32
    %add3A_462 = arith.constant 2048 : i32
    %add3A_463 = arith.addi %mul3A_461, %add3A_462 : i32
    %sub3A_464 = arith.constant 10240 : i32
    %sub3A_465 = arith.subi %sub3A_464, %add3A_411 : i32
    %max3A_466 = arith.constant 0 : i32
    %max3A_467 = arith.maxsi %sub3A_465, %max3A_466 : i32
    %min3A_468 = arith.minsi %max3A_467, %squeeze3A_10 : i32
    %add3A_469 = arith.constant 127 : i32
    %add3A_470 = arith.addi %min3A_468, %add3A_469 : i32
    %jit3A_471 = arith.constant 128 : i32
    %div3A_472 = arith.divsi %add3A_470, %jit3A_471 : i32
    %sign3A_473 = arith.constant 0 : i32
    %sign3A_474 = arith.cmpi sgt, %add3A_470, %sign3A_473 : i32
    %sign3A_475 = arith.extui %sign3A_474 : i1 to i32
    %sign3A_476 = arith.constant 0 : i32
    %sign3A_477 = arith.cmpi slt, %add3A_470, %sign3A_476 : i32
    %sign3A_478 = arith.extui %sign3A_477 : i1 to i32
    %sign3A_479 = arith.subi %sign3A_475, %sign3A_478 : i32
    %sign3A_480 = arith.constant 0 : i32
    %sign3A_481 = arith.cmpi sgt, %jit3A_471, %sign3A_480 : i32
    %sign3A_482 = arith.extui %sign3A_481 : i1 to i32
    %sign3A_483 = arith.constant 0 : i32
    %sign3A_484 = arith.cmpi slt, %jit3A_471, %sign3A_483 : i32
    %sign3A_485 = arith.extui %sign3A_484 : i1 to i32
    %sign3A_486 = arith.subi %sign3A_482, %sign3A_485 : i32
    %ne3A_487 = arith.cmpi ne, %sign3A_479, %sign3A_486 : i32
    %rem3A_488 = arith.remsi %add3A_470, %jit3A_471 : i32
    %ne3A_489 = arith.constant 0 : i32
    %ne3A_490 = arith.cmpi ne, %rem3A_488, %ne3A_489 : i32
    %and3A_491 = arith.andi %ne3A_487, %ne3A_490 : i1
    %sub3A_492 = arith.constant 1 : i32
    %sub3A_493 = arith.subi %div3A_472, %sub3A_492 : i32
    %select_n3A_494 = arith.select %and3A_491, %sub3A_493, %div3A_472 : i32
    %mul3A_495 = arith.constant 12296 : i32
    %mul3A_496 = arith.muli %arg0, %mul3A_495 : i32
    %add3A_497 = arith.constant 12288 : i32
    %add3A_498 = arith.addi %mul3A_496, %add3A_497 : i32
    %scan3A_499 = arith.constant 0 : i32
    %scan3A_500 = arith.constant 0 : i32
    %scan3A_501 = arith.constant 128 : i32
    %scan3A_502 = arith.addi %scan3A_500, %scan3A_501 : i32
    %scan3A_503 = arith.constant 1 : i32
    %scan3A_504 = scf.for %scan3A_513 = %scan3A_500 to %scan3A_502 step %scan3A_503 iter_args(%scan3A_514 = %scan3A_499) -> (i32)  : i32 {
      %lt3A_515 = arith.cmpi slt, %scan3A_513, %select_n3A_494 : i32
      %convert_element_type3A_516 = arith.extui %lt3A_515 : i1 to i32
      %cond3A_517 = arith.constant 0 : i32
      %cond3A_518 = arith.cmpi ne, %convert_element_type3A_516, %cond3A_517 : i32
      scf.if %cond3A_518 {
        %ge3A = arith.constant 16 : i32
        %ge3A_520 = arith.cmpi sge, %scan3A_513, %ge3A : i32
        %convert_element_type3A_521 = arith.extui %ge3A_520 : i1 to i32
        %cond3A_522 = arith.constant 0 : i32
        %cond3A_523 = arith.cmpi ne, %convert_element_type3A_521, %cond3A_522 : i32
        scf.if %cond3A_523 {
          %dma_wait3A = arith.constant 0 : i32
          %dma_wait3A_677 = tpu.memref_slice %arg5[%dma_wait3A] : memref<16384xi32, #tpu.memory_space<vmem>> -> memref<128xi32, #tpu.memory_space<vmem>>
          %dma_wait3A_678 = arith.constant 0 : i32
          %dma_wait3A_679 = tpu.memref_slice %arg3[%dma_wait3A_678] : memref<24592xi32, #tpu.memory_space<hbm>> -> memref<128xi32, #tpu.memory_space<hbm>>
          %dma_wait3A_680 = arith.constant 0 : i32
          %dma_wait3A_681 = tpu.memref_slice %arg5[%dma_wait3A_680] : memref<16384xi32, #tpu.memory_space<vmem>> -> memref<128xi32, #tpu.memory_space<vmem>>
          %dma_wait3A_682 = arith.constant 0 : i32
          %dma_wait3A_683 = tpu.memref_slice %arg3[%dma_wait3A_682] : memref<24592xi32, #tpu.memory_space<hbm>> -> memref<128xi32, #tpu.memory_space<hbm>>
          tpu.wait_dma2 semaphore(%arg14 : memref<!tpu.dma_semaphore, #tpu.memory_space<semaphore_mem>>) src(%dma_wait3A_683 : memref<128xi32, #tpu.memory_space<hbm>>) dst(%dma_wait3A_681 : memref<128xi32, #tpu.memory_space<vmem>>)
        } else {
        }
        %mul3A_524 = arith.constant 128 : i32
        %mul3A_525 = arith.muli %scan3A_513, %mul3A_524 : i32
        %add3A_526 = arith.constant 0 : i32
        %add3A_527 = arith.addi %mul3A_525, %add3A_526 : i32
        %add3A_528 = vector.broadcast %add3A_527 : i32 to vector<16xi32>
        %add3A_529 = arith.addi %add3A_528, %iota3A : vector<16xi32>
        %lt3A_530 = vector.broadcast %min3A_468 : i32 to vector<16xi32>
        %lt3A_531 = arith.cmpi slt, %add3A_529, %lt3A_530 : vector<16xi32>
        %add3A_532 = arith.addi %add3A_463, %add3A_411 : i32
        %add3A_533 = vector.broadcast %add3A_532 : i32 to vector<16xi32>
        %add3A_534 = arith.addi %add3A_533, %add3A_529 : vector<16xi32>
        %broadcast_in_dim3A_535 = vector.broadcast %add3A_498 : i32 to vector<16xi32>
        %select_n3A_536 = arith.select %lt3A_531, %add3A_534, %broadcast_in_dim3A_535 : vector<16xi1>, vector<16xi32>
        %add3A_537 = arith.constant 128 : i32
        %add3A_538 = arith.addi %add3A_537, %scan3A_513 : i32
        %swap3A_539 = arith.index_cast %add3A_538 : i32 to index
        %swap3A_540 = arith.constant 0 : index
        %swap3A_541 = tpu.vector_load %arg11[%swap3A_539, %swap3A_540] {strides = array<i32>} : memref<256x128xi32, #tpu.memory_space<vmem>>, vector<16xi32>,
        tpu.vector_store %arg11[%swap3A_539, %swap3A_540], %select_n3A_536 {strides = array<i32>} : memref<256x128xi32, #tpu.memory_space<vmem>>, vector<16xi32>,
        %mul3A_542 = arith.constant 128 : i32
        %mul3A_543 = arith.muli %scan3A_513, %mul3A_542 : i32
        %add3A_544 = arith.constant 16 : i32
        %add3A_545 = arith.addi %mul3A_543, %add3A_544 : i32
        %add3A_546 = vector.broadcast %add3A_545 : i32 to vector<16xi32>
        %add3A_547 = arith.addi %add3A_546, %iota3A : vector<16xi32>
        %lt3A_548 = vector.broadcast %min3A_468 : i32 to vector<16xi32>
        %lt3A_549 = arith.cmpi slt, %add3A_547, %lt3A_548 : vector<16xi32>
        %add3A_550 = arith.addi %add3A_463, %add3A_411 : i32
        %add3A_551 = vector.broadcast %add3A_550 : i32 to vector<16xi32>
        %add3A_552 = arith.addi %add3A_551, %add3A_547 : vector<16xi32>
        %broadcast_in_dim3A_553 = vector.broadcast %add3A_498 : i32 to vector<16xi32>
        %select_n3A_554 = arith.select %lt3A_549, %add3A_552, %broadcast_in_dim3A_553 : vector<16xi1>, vector<16xi32>
        %add3A_555 = arith.constant 128 : i32
        %add3A_556 = arith.addi %add3A_555, %scan3A_513 : i32
        %swap3A_557 = arith.index_cast %add3A_556 : i32 to index
        %swap3A_558 = arith.constant 16 : index
        %swap3A_559 = tpu.vector_load %arg11[%swap3A_557, %swap3A_558] {strides = array<i32>} : memref<256x128xi32, #tpu.memory_space<vmem>>, vector<16xi32>,
        tpu.vector_store %arg11[%swap3A_557, %swap3A_558], %select_n3A_554 {strides = array<i32>} : memref<256x128xi32, #tpu.memory_space<vmem>>, vector<16xi32>,
        %mul3A_560 = arith.constant 128 : i32
        %mul3A_561 = arith.muli %scan3A_513, %mul3A_560 : i32
        %add3A_562 = arith.constant 32 : i32
        %add3A_563 = arith.addi %mul3A_561, %add3A_562 : i32
        %add3A_564 = vector.broadcast %add3A_563 : i32 to vector<16xi32>
        %add3A_565 = arith.addi %add3A_564, %iota3A : vector<16xi32>
        %lt3A_566 = vector.broadcast %min3A_468 : i32 to vector<16xi32>
        %lt3A_567 = arith.cmpi slt, %add3A_565, %lt3A_566 : vector<16xi32>
        %add3A_568 = arith.addi %add3A_463, %add3A_411 : i32
        %add3A_569 = vector.broadcast %add3A_568 : i32 to vector<16xi32>
        %add3A_570 = arith.addi %add3A_569, %add3A_565 : vector<16xi32>
        %broadcast_in_dim3A_571 = vector.broadcast %add3A_498 : i32 to vector<16xi32>
        %select_n3A_572 = arith.select %lt3A_567, %add3A_570, %broadcast_in_dim3A_571 : vector<16xi1>, vector<16xi32>
        %add3A_573 = arith.constant 128 : i32
        %add3A_574 = arith.addi %add3A_573, %scan3A_513 : i32
        %swap3A_575 = arith.index_cast %add3A_574 : i32 to index
        %swap3A_576 = arith.constant 32 : index
        %swap3A_577 = tpu.vector_load %arg11[%swap3A_575, %swap3A_576] {strides = array<i32>} : memref<256x128xi32, #tpu.memory_space<vmem>>, vector<16xi32>,
        tpu.vector_store %arg11[%swap3A_575, %swap3A_576], %select_n3A_572 {strides = array<i32>} : memref<256x128xi32, #tpu.memory_space<vmem>>, vector<16xi32>,
        %mul3A_578 = arith.constant 128 : i32
        %mul3A_579 = arith.muli %scan3A_513, %mul3A_578 : i32
        %add3A_580 = arith.constant 48 : i32
        %add3A_581 = arith.addi %mul3A_579, %add3A_580 : i32
        %add3A_582 = vector.broadcast %add3A_581 : i32 to vector<16xi32>
        %add3A_583 = arith.addi %add3A_582, %iota3A : vector<16xi32>
        %lt3A_584 = vector.broadcast %min3A_468 : i32 to vector<16xi32>
        %lt3A_585 = arith.cmpi slt, %add3A_583, %lt3A_584 : vector<16xi32>
        %add3A_586 = arith.addi %add3A_463, %add3A_411 : i32
        %add3A_587 = vector.broadcast %add3A_586 : i32 to vector<16xi32>
        %add3A_588 = arith.addi %add3A_587, %add3A_583 : vector<16xi32>
        %broadcast_in_dim3A_589 = vector.broadcast %add3A_498 : i32 to vector<16xi32>
        %select_n3A_590 = arith.select %lt3A_585, %add3A_588, %broadcast_in_dim3A_589 : vector<16xi1>, vector<16xi32>
        %add3A_591 = arith.constant 128 : i32
        %add3A_592 = arith.addi %add3A_591, %scan3A_513 : i32
        %swap3A_593 = arith.index_cast %add3A_592 : i32 to index
        %swap3A_594 = arith.constant 48 : index
        %swap3A_595 = tpu.vector_load %arg11[%swap3A_593, %swap3A_594] {strides = array<i32>} : memref<256x128xi32, #tpu.memory_space<vmem>>, vector<16xi32>,
        tpu.vector_store %arg11[%swap3A_593, %swap3A_594], %select_n3A_590 {strides = array<i32>} : memref<256x128xi32, #tpu.memory_space<vmem>>, vector<16xi32>,
        %mul3A_596 = arith.constant 128 : i32
        %mul3A_597 = arith.muli %scan3A_513, %mul3A_596 : i32
        %add3A_598 = arith.constant 64 : i32
        %add3A_599 = arith.addi %mul3A_597, %add3A_598 : i32
        %add3A_600 = vector.broadcast %add3A_599 : i32 to vector<16xi32>
        %add3A_601 = arith.addi %add3A_600, %iota3A : vector<16xi32>
        %lt3A_602 = vector.broadcast %min3A_468 : i32 to vector<16xi32>
        %lt3A_603 = arith.cmpi slt, %add3A_601, %lt3A_602 : vector<16xi32>
        %add3A_604 = arith.addi %add3A_463, %add3A_411 : i32
        %add3A_605 = vector.broadcast %add3A_604 : i32 to vector<16xi32>
        %add3A_606 = arith.addi %add3A_605, %add3A_601 : vector<16xi32>
        %broadcast_in_dim3A_607 = vector.broadcast %add3A_498 : i32 to vector<16xi32>
        %select_n3A_608 = arith.select %lt3A_603, %add3A_606, %broadcast_in_dim3A_607 : vector<16xi1>, vector<16xi32>
        %add3A_609 = arith.constant 128 : i32
        %add3A_610 = arith.addi %add3A_609, %scan3A_513 : i32
        %swap3A_611 = arith.index_cast %add3A_610 : i32 to index
        %swap3A_612 = arith.constant 64 : index
        %swap3A_613 = tpu.vector_load %arg11[%swap3A_611, %swap3A_612] {strides = array<i32>} : memref<256x128xi32, #tpu.memory_space<vmem>>, vector<16xi32>,
        tpu.vector_store %arg11[%swap3A_611, %swap3A_612], %select_n3A_608 {strides = array<i32>} : memref<256x128xi32, #tpu.memory_space<vmem>>, vector<16xi32>,
        %mul3A_614 = arith.constant 128 : i32
        %mul3A_615 = arith.muli %scan3A_513, %mul3A_614 : i32
        %add3A_616 = arith.constant 80 : i32
        %add3A_617 = arith.addi %mul3A_615, %add3A_616 : i32
        %add3A_618 = vector.broadcast %add3A_617 : i32 to vector<16xi32>
        %add3A_619 = arith.addi %add3A_618, %iota3A : vector<16xi32>
        %lt3A_620 = vector.broadcast %min3A_468 : i32 to vector<16xi32>
        %lt3A_621 = arith.cmpi slt, %add3A_619, %lt3A_620 : vector<16xi32>
        %add3A_622 = arith.addi %add3A_463, %add3A_411 : i32
        %add3A_623 = vector.broadcast %add3A_622 : i32 to vector<16xi32>
        %add3A_624 = arith.addi %add3A_623, %add3A_619 : vector<16xi32>
        %broadcast_in_dim3A_625 = vector.broadcast %add3A_498 : i32 to vector<16xi32>
        %select_n3A_626 = arith.select %lt3A_621, %add3A_624, %broadcast_in_dim3A_625 : vector<16xi1>, vector<16xi32>
        %add3A_627 = arith.constant 128 : i32
        %add3A_628 = arith.addi %add3A_627, %scan3A_513 : i32
        %swap3A_629 = arith.index_cast %add3A_628 : i32 to index
        %swap3A_630 = arith.constant 80 : index
        %swap3A_631 = tpu.vector_load %arg11[%swap3A_629, %swap3A_630] {strides = array<i32>} : memref<256x128xi32, #tpu.memory_space<vmem>>, vector<16xi32>,
        tpu.vector_store %arg11[%swap3A_629, %swap3A_630], %select_n3A_626 {strides = array<i32>} : memref<256x128xi32, #tpu.memory_space<vmem>>, vector<16xi32>,
        %mul3A_632 = arith.constant 128 : i32
        %mul3A_633 = arith.muli %scan3A_513, %mul3A_632 : i32
        %add3A_634 = arith.constant 96 : i32
        %add3A_635 = arith.addi %mul3A_633, %add3A_634 : i32
        %add3A_636 = vector.broadcast %add3A_635 : i32 to vector<16xi32>
        %add3A_637 = arith.addi %add3A_636, %iota3A : vector<16xi32>
        %lt3A_638 = vector.broadcast %min3A_468 : i32 to vector<16xi32>
        %lt3A_639 = arith.cmpi slt, %add3A_637, %lt3A_638 : vector<16xi32>
        %add3A_640 = arith.addi %add3A_463, %add3A_411 : i32
        %add3A_641 = vector.broadcast %add3A_640 : i32 to vector<16xi32>
        %add3A_642 = arith.addi %add3A_641, %add3A_637 : vector<16xi32>
        %broadcast_in_dim3A_643 = vector.broadcast %add3A_498 : i32 to vector<16xi32>
        %select_n3A_644 = arith.select %lt3A_639, %add3A_642, %broadcast_in_dim3A_643 : vector<16xi1>, vector<16xi32>
        %add3A_645 = arith.constant 128 : i32
        %add3A_646 = arith.addi %add3A_645, %scan3A_513 : i32
        %swap3A_647 = arith.index_cast %add3A_646 : i32 to index
        %swap3A_648 = arith.constant 96 : index
        %swap3A_649 = tpu.vector_load %arg11[%swap3A_647, %swap3A_648] {strides = array<i32>} : memref<256x128xi32, #tpu.memory_space<vmem>>, vector<16xi32>,
        tpu.vector_store %arg11[%swap3A_647, %swap3A_648], %select_n3A_644 {strides = array<i32>} : memref<256x128xi32, #tpu.memory_space<vmem>>, vector<16xi32>,
        %mul3A_650 = arith.constant 128 : i32
        %mul3A_651 = arith.muli %scan3A_513, %mul3A_650 : i32
        %add3A_652 = arith.constant 112 : i32
        %add3A_653 = arith.addi %mul3A_651, %add3A_652 : i32
        %add3A_654 = vector.broadcast %add3A_653 : i32 to vector<16xi32>
        %add3A_655 = arith.addi %add3A_654, %iota3A : vector<16xi32>
        %lt3A_656 = vector.broadcast %min3A_468 : i32 to vector<16xi32>
        %lt3A_657 = arith.cmpi slt, %add3A_655, %lt3A_656 : vector<16xi32>
        %add3A_658 = arith.addi %add3A_463, %add3A_411 : i32
        %add3A_659 = vector.broadcast %add3A_658 : i32 to vector<16xi32>
        %add3A_660 = arith.addi %add3A_659, %add3A_655 : vector<16xi32>
        %broadcast_in_dim3A_661 = vector.broadcast %add3A_498 : i32 to vector<16xi32>
        %select_n3A_662 = arith.select %lt3A_657, %add3A_660, %broadcast_in_dim3A_661 : vector<16xi1>, vector<16xi32>
        %add3A_663 = arith.constant 128 : i32
        %add3A_664 = arith.addi %add3A_663, %scan3A_513 : i32
        %swap3A_665 = arith.index_cast %add3A_664 : i32 to index
        %swap3A_666 = arith.constant 112 : index
        %swap3A_667 = tpu.vector_load %arg11[%swap3A_665, %swap3A_666] {strides = array<i32>} : memref<256x128xi32, #tpu.memory_space<vmem>>, vector<16xi32>,
        tpu.vector_store %arg11[%swap3A_665, %swap3A_666], %select_n3A_662 {strides = array<i32>} : memref<256x128xi32, #tpu.memory_space<vmem>>, vector<16xi32>,
        %mul3A_668 = arith.constant 128 : i32
        %mul3A_669 = arith.muli %scan3A_513, %mul3A_668 : i32
        %add3A_670 = arith.constant 128 : i32
        %add3A_671 = arith.addi %add3A_670, %scan3A_513 : i32
        %dma_start3A = tpu.memref_slice %arg7[%mul3A_669] : memref<16400xi32, #tpu.memory_space<vmem>> -> memref<128xi32, #tpu.memory_space<vmem>>
        %dma_start3A_672 = arith.constant 0 : i32
        %dma_start3A_673 = tpu.memref_slice %arg11[%add3A_671, %dma_start3A_672] : memref<256x128xi32, #tpu.memory_space<vmem>> -> memref<1x128xi32, #tpu.memory_space<vmem>>
        %dma_start3A_674 = tpu.memref_squeeze %dma_start3A_673 : memref<1x128xi32, #tpu.memory_space<vmem>> -> memref<128xi32, #tpu.memory_space<vmem>>
        %dma_start3A_675 = arith.constant 0 : i32
        %dma_start3A_676 = tpu.memref_slice %arg3[%dma_start3A_675] : memref<24592xi32, #tpu.memory_space<hbm>> -> memref<24592xi32, #tpu.memory_space<hbm>>
        tpu.enqueue_indirect_dma source(%dma_start3A : memref<128xi32, #tpu.memory_space<vmem>>) target(%dma_start3A_676 : memref<24592xi32, #tpu.memory_space<hbm>>) offsets(%dma_start3A_674 : memref<128xi32, #tpu.memory_space<vmem>>) semaphore(%arg14 : memref<!tpu.dma_semaphore, #tpu.memory_space<semaphore_mem>>)
      } else {
      }
      %scan3A_519 = arith.constant 0 : i32
      scf.yield %scan3A_519 : i32
    }
    %scan3A_505 = arith.constant 128 : i32
    %scan3A_506 = arith.constant 0 : i32
    %scan3A_507 = arith.constant 0 : i32
    %scan3A_508 = arith.constant 16 : i32
    %scan3A_509 = arith.addi %scan3A_507, %scan3A_508 : i32
    %scan3A_510 = arith.constant 1 : i32
    %scan3A_511 = scf.for %scan3A_513 = %scan3A_507 to %scan3A_509 step %scan3A_510 iter_args(%scan3A_514 = %scan3A_506) -> (i32)  : i32 {
      %min3A_515 = arith.constant 16 : i32
      %min3A_516 = arith.minsi %select_n3A_494, %min3A_515 : i32
      %lt3A_517 = arith.cmpi slt, %scan3A_513, %min3A_516 : i32
      %convert_element_type3A_518 = arith.extui %lt3A_517 : i1 to i32
      %cond3A_519 = arith.constant 0 : i32
      %cond3A_520 = arith.cmpi ne, %convert_element_type3A_518, %cond3A_519 : i32
      scf.if %cond3A_520 {
        %dma_wait3A = arith.constant 0 : i32
        %dma_wait3A_522 = tpu.memref_slice %arg5[%dma_wait3A] : memref<16384xi32, #tpu.memory_space<vmem>> -> memref<128xi32, #tpu.memory_space<vmem>>
        %dma_wait3A_523 = arith.constant 0 : i32
        %dma_wait3A_524 = tpu.memref_slice %arg3[%dma_wait3A_523] : memref<24592xi32, #tpu.memory_space<hbm>> -> memref<128xi32, #tpu.memory_space<hbm>>
        %dma_wait3A_525 = arith.constant 0 : i32
        %dma_wait3A_526 = tpu.memref_slice %arg5[%dma_wait3A_525] : memref<16384xi32, #tpu.memory_space<vmem>> -> memref<128xi32, #tpu.memory_space<vmem>>
        %dma_wait3A_527 = arith.constant 0 : i32
        %dma_wait3A_528 = tpu.memref_slice %arg3[%dma_wait3A_527] : memref<24592xi32, #tpu.memory_space<hbm>> -> memref<128xi32, #tpu.memory_space<hbm>>
        tpu.wait_dma2 semaphore(%arg14 : memref<!tpu.dma_semaphore, #tpu.memory_space<semaphore_mem>>) src(%dma_wait3A_528 : memref<128xi32, #tpu.memory_space<hbm>>) dst(%dma_wait3A_526 : memref<128xi32, #tpu.memory_space<vmem>>)
      } else {
      }
      %scan3A_521 = arith.constant 0 : i32
      scf.yield %scan3A_521 : i32
    }
    %scan3A_512 = arith.constant 16 : i32
    return
  }
}

#map = affine_map<(d0, d1) -> (0, 0)>
#map1 = affine_map<(d0, d1) -> (0)>
module attributes {stable_mosaic.version = 14 : i64} {
  func.func @sc_gather(%arg0: i32, %arg1: i32, %arg2: memref<98304x512xf32, #tpu.memory_space<hbm>>, %arg3: memref<24592xi32, #tpu.memory_space<hbm>>, %arg4: memref<2359296xf32, #tpu.memory_space<hbm>>, %arg5: memref<12288xi32, #tpu.memory_space<vmem>>, %arg6: memref<12288xi32, #tpu.memory_space<vmem>>, %arg7: memref<12304xi32, #tpu.memory_space<vmem>>, %arg8: memref<128x512xf32, #tpu.memory_space<vmem>>, %arg9: memref<12288xf32, #tpu.memory_space<vmem>>, %arg10: memref<12288xf32, #tpu.memory_space<vmem>>, %arg11: memref<128xi32, #tpu.memory_space<vmem>>, %arg12: memref<!tpu.dma_semaphore, #tpu.memory_space<semaphore_mem>>, %arg13: memref<16xi32, #tpu.memory_space<vmem>>) attributes {dimension_semantics = [#tpu.dimension_semantics<core_parallel>, #tpu.dimension_semantics<subcore_parallel>], iteration_bounds = array<i64: 2, 16>, scalar_prefetch = 0 : i64, scratch_operands = 9 : i64, tpu.core_type = #tpu.core_type<sc_vector_subcore>, window_params = [{transform_indices = #map}, {transform_indices = #map1}, {transform_indices = #map1}]} {
    %iota3A = tpu.iota {dimensions = array<i32: 0>} : vector<16xi32>
    %mul3A = arith.constant 12296 : i32
    %mul3A_0 = arith.muli %arg0, %mul3A : i32
    "tpu.region"() ({
      %run_scoped3A = tpu.sem_alloc : memref<!tpu.dma_semaphore, #tpu.memory_space<semaphore_mem>>
      %dma_start3A = tpu.memref_slice %arg3[%mul3A_0] : memref<24592xi32, #tpu.memory_space<hbm>> -> memref<12288xi32, #tpu.memory_space<hbm>>
      %dma_start3A_14 = tpu.memref_slice %arg3[%mul3A_0] : memref<24592xi32, #tpu.memory_space<hbm>> -> memref<12288xi32, #tpu.memory_space<hbm>>
      tpu.enqueue_dma source(%dma_start3A_14 : memref<12288xi32, #tpu.memory_space<hbm>>) target(%arg5 : memref<12288xi32, #tpu.memory_space<vmem>>) target_semaphore(%run_scoped3A : memref<!tpu.dma_semaphore, #tpu.memory_space<semaphore_mem>>)
      %dma_wait3A = tpu.memref_slice %arg3[%mul3A_0] : memref<24592xi32, #tpu.memory_space<hbm>> -> memref<12288xi32, #tpu.memory_space<hbm>>
      %dma_wait3A_15 = tpu.memref_slice %arg3[%mul3A_0] : memref<24592xi32, #tpu.memory_space<hbm>> -> memref<12288xi32, #tpu.memory_space<hbm>>
      tpu.wait_dma2 semaphore(%run_scoped3A : memref<!tpu.dma_semaphore, #tpu.memory_space<semaphore_mem>>) src(%dma_wait3A_15 : memref<12288xi32, #tpu.memory_space<hbm>>) dst(%arg5 : memref<12288xi32, #tpu.memory_space<vmem>>)
      tpu.yield
    }) : () -> ()
    %broadcast_in_dim3A = arith.constant 0 : i32
    %broadcast_in_dim3A_1 = vector.broadcast %broadcast_in_dim3A : i32 to vector<16xi32>
    %scan3A = arith.constant 0 : i32
    %scan3A_2 = arith.constant 768 : i32
    %scan3A_3 = arith.addi %scan3A, %scan3A_2 : i32
    %scan3A_4 = arith.constant 1 : i32
    %scan3A_5 = scf.for %scan3A_14 = %scan3A to %scan3A_3 step %scan3A_4 iter_args(%scan3A_15 = %broadcast_in_dim3A_1) -> (vector<16xi32>)  : i32 {
      %mul3A_16 = arith.constant 16 : i32
      %mul3A_17 = arith.muli %scan3A_14, %mul3A_16 : i32
      %get3A = arith.index_cast %mul3A_17 : i32 to index
      %get3A_18 = tpu.vector_load %arg5[%get3A] {strides = array<i32>} : memref<12288xi32, #tpu.memory_space<vmem>>, vector<16xi32>,
      %shift_right_logical3A = arith.constant 9 : i32
      %shift_right_logical3A_19 = vector.broadcast %shift_right_logical3A : i32 to vector<16xi32>
      %shift_right_logical3A_20 = arith.shrui %get3A_18, %shift_right_logical3A_19 : vector<16xi32>
      %and3A = arith.constant 511 : i32
      %and3A_21 = vector.broadcast %and3A : i32 to vector<16xi32>
      %and3A_22 = arith.andi %get3A_18, %and3A_21 : vector<16xi32>
      %mul3A_23 = arith.constant 16 : i32
      %mul3A_24 = arith.muli %scan3A_14, %mul3A_23 : i32
      %swap3A = arith.index_cast %mul3A_24 : i32 to index
      %swap3A_25 = tpu.vector_load %arg5[%swap3A] {strides = array<i32>} : memref<12288xi32, #tpu.memory_space<vmem>>, vector<16xi32>,
      tpu.vector_store %arg5[%swap3A], %shift_right_logical3A_20 {strides = array<i32>} : memref<12288xi32, #tpu.memory_space<vmem>>, vector<16xi32>,
      %mul3A_26 = arith.constant 16 : i32
      %mul3A_27 = arith.muli %scan3A_14, %mul3A_26 : i32
      %sub3A = arith.constant 1 : i32
      %sub3A_28 = arith.subi %mul3A_27, %sub3A : i32
      %add3A = vector.broadcast %sub3A_28 : i32 to vector<16xi32>
      %add3A_29 = arith.addi %add3A, %iota3A : vector<16xi32>
      %ge3A = arith.constant 0 : i32
      %ge3A_30 = vector.broadcast %ge3A : i32 to vector<16xi32>
      %ge3A_31 = arith.cmpi sge, %add3A_29, %ge3A_30 : vector<16xi32>
      %max3A = arith.constant 0 : i32
      %max3A_32 = vector.broadcast %max3A : i32 to vector<16xi32>
      %max3A_33 = arith.maxsi %add3A_29, %max3A_32 : vector<16xi32>
      %gather3A = tpu.vector_load_idx %arg5[%max3A_33] masked %ge3A_31 : memref<12288xi32, #tpu.memory_space<vmem>>[vector<16xi32>], vector<16xi32>, vector<16xi1>
      %ne3A = arith.cmpi ne, %shift_right_logical3A_20, %gather3A : vector<16xi32>
      %not3A = arith.constant dense<true> : vector<16xi1>
      %not3A_34 = arith.xori %ge3A_31, %not3A : vector<16xi1>
      %or3A = arith.ori %ne3A, %not3A_34 : vector<16xi1>
      %convert_element_type3A = arith.extui %or3A : vector<16xi1> to vector<16xi32>
      %broadcast_in_dim3A_35 = arith.constant true
      %broadcast_in_dim3A_36 = vector.broadcast %broadcast_in_dim3A_35 : i1 to vector<16xi1>
      %masked_cumsum3A = tpu.scan <sum>, %convert_element_type3A masked %broadcast_in_dim3A_36 : vector<16xi32>, vector<16xi1> -> vector<16xi32>
      %add3A_37 = arith.addi %scan3A_15, %masked_cumsum3A : vector<16xi32>
      %sub3A_38 = arith.subi %add3A_37, %convert_element_type3A : vector<16xi32>
      %mul3A_39 = arith.constant 512 : i32
      %mul3A_40 = vector.broadcast %mul3A_39 : i32 to vector<16xi32>
      %mul3A_41 = arith.muli %sub3A_38, %mul3A_40 : vector<16xi32>
      %add3A_42 = arith.addi %mul3A_41, %and3A_22 : vector<16xi32>
      %mul3A_43 = arith.constant 16 : i32
      %mul3A_44 = arith.muli %scan3A_14, %mul3A_43 : i32
      %swap3A_45 = arith.index_cast %mul3A_44 : i32 to index
      %swap3A_46 = tpu.vector_load %arg6[%swap3A_45] {strides = array<i32>} : memref<12288xi32, #tpu.memory_space<vmem>>, vector<16xi32>,
      tpu.vector_store %arg6[%swap3A_45], %add3A_42 {strides = array<i32>} : memref<12288xi32, #tpu.memory_space<vmem>>, vector<16xi32>,
      tpu.vector_store_idx %arg7[%sub3A_38], %shift_right_logical3A_20 masked %or3A : memref<12304xi32, #tpu.memory_space<vmem>>[vector<16xi32>], vector<16xi32>, vector<16xi1>
      %all_reduce_population_count3A = tpu.all_reduce %or3A {dim = 0 : i64, kind = #tpu.reduction_kind<sum>} : vector<16xi1> -> vector<16xi32>
      %add3A_47 = arith.addi %scan3A_15, %all_reduce_population_count3A : vector<16xi32>
      scf.yield %add3A_47 : vector<16xi32>
    }
    %scan3A_6 = arith.constant 768 : i32
    %slice3A = vector.extract_strided_slice %scan3A_5 {offsets = [0], sizes = [1], strides = [1]} : vector<16xi32> to vector<1xi32>
    %squeeze3A = vector.extract %slice3A[0] : i32 from vector<1xi32>
    %scan3A_7 = arith.constant 0 : i32
    %scan3A_8 = arith.constant 0 : i32
    %scan3A_9 = arith.constant 3 : i32
    %scan3A_10 = arith.addi %scan3A_8, %scan3A_9 : i32
    %scan3A_11 = arith.constant 1 : i32
    %scan3A_12 = scf.for %scan3A_14 = %scan3A_8 to %scan3A_10 step %scan3A_11 iter_args(%scan3A_15 = %scan3A_7) -> (i32)  : i32 {
      %mul3A_16 = arith.constant 6 : i32
      %mul3A_17 = arith.muli %arg1, %mul3A_16 : i32
      %mul3A_18 = arith.constant 2 : i32
      %mul3A_19 = arith.muli %scan3A_14, %mul3A_18 : i32
      %add3A = arith.addi %mul3A_17, %mul3A_19 : i32
      %mul3A_20 = arith.constant 96 : i32
      %mul3A_21 = arith.muli %arg0, %mul3A_20 : i32
      %add3A_22 = arith.addi %mul3A_21, %add3A : i32
      %mul3A_23 = arith.constant 512 : i32
      %mul3A_24 = arith.muli %add3A_22, %mul3A_23 : i32
      %scan3A_25 = arith.constant 0 : i32
      %scan3A_26 = arith.constant 0 : i32
      %scan3A_27 = arith.constant 192 : i32
      %scan3A_28 = arith.addi %scan3A_26, %scan3A_27 : i32
      %scan3A_29 = arith.constant 1 : i32
      %scan3A_30 = scf.for %scan3A_45 = %scan3A_26 to %scan3A_28 step %scan3A_29 iter_args(%scan3A_46 = %scan3A_25) -> (i32)  : i32 {
        %mul3A_47 = arith.constant 64 : i32
        %mul3A_48 = arith.muli %scan3A_45, %mul3A_47 : i32
        %lt3A = arith.cmpi slt, %mul3A_48, %squeeze3A : i32
        %convert_element_type3A = arith.extui %lt3A : i1 to i32
        %cond3A = arith.constant 0 : i32
        %cond3A_49 = arith.cmpi ne, %convert_element_type3A, %cond3A : i32
        scf.if %cond3A_49 {
          %mul3A_51 = arith.constant 64 : i32
          %mul3A_52 = arith.muli %scan3A_45, %mul3A_51 : i32
          %add3A_53 = arith.constant 0 : i32
          %add3A_54 = arith.addi %mul3A_52, %add3A_53 : i32
          %add3A_55 = vector.broadcast %add3A_54 : i32 to vector<16xi32>
          %add3A_56 = arith.addi %add3A_55, %iota3A : vector<16xi32>
          %mul3A_57 = arith.constant 64 : i32
          %mul3A_58 = arith.muli %scan3A_45, %mul3A_57 : i32
          %add3A_59 = arith.constant 0 : i32
          %add3A_60 = arith.addi %mul3A_58, %add3A_59 : i32
          %get3A = arith.index_cast %add3A_60 : i32 to index
          %get3A_61 = tpu.vector_load %arg7[%get3A] {strides = array<i32>} : memref<12304xi32, #tpu.memory_space<vmem>>, vector<16xi32>,
          %lt3A_62 = vector.broadcast %squeeze3A : i32 to vector<16xi32>
          %lt3A_63 = arith.cmpi slt, %add3A_56, %lt3A_62 : vector<16xi32>
          %jit3A = arith.constant 0 : i32
          %broadcast_in_dim3A_64 = vector.broadcast %jit3A : i32 to vector<16xi32>
          %select_n3A = arith.select %lt3A_63, %get3A_61, %broadcast_in_dim3A_64 : vector<16xi1>, vector<16xi32>
          %add3A_65 = vector.broadcast %mul3A_24 : i32 to vector<16xi32>
          %add3A_66 = arith.addi %add3A_65, %select_n3A : vector<16xi32>
          %swap3A = arith.constant 0 : index
          %swap3A_67 = tpu.vector_load %arg11[%swap3A] {strides = array<i32>} : memref<128xi32, #tpu.memory_space<vmem>>, vector<16xi32>,
          tpu.vector_store %arg11[%swap3A], %add3A_66 {strides = array<i32>} : memref<128xi32, #tpu.memory_space<vmem>>, vector<16xi32>,
          %add3A_68 = arith.constant 512 : i32
          %add3A_69 = arith.addi %mul3A_24, %add3A_68 : i32
          %add3A_70 = vector.broadcast %add3A_69 : i32 to vector<16xi32>
          %add3A_71 = arith.addi %add3A_70, %select_n3A : vector<16xi32>
          %swap3A_72 = arith.constant 64 : index
          %swap3A_73 = tpu.vector_load %arg11[%swap3A_72] {strides = array<i32>} : memref<128xi32, #tpu.memory_space<vmem>>, vector<16xi32>,
          tpu.vector_store %arg11[%swap3A_72], %add3A_71 {strides = array<i32>} : memref<128xi32, #tpu.memory_space<vmem>>, vector<16xi32>,
          %mul3A_74 = arith.constant 64 : i32
          %mul3A_75 = arith.muli %scan3A_45, %mul3A_74 : i32
          %add3A_76 = arith.constant 16 : i32
          %add3A_77 = arith.addi %mul3A_75, %add3A_76 : i32
          %add3A_78 = vector.broadcast %add3A_77 : i32 to vector<16xi32>
          %add3A_79 = arith.addi %add3A_78, %iota3A : vector<16xi32>
          %mul3A_80 = arith.constant 64 : i32
          %mul3A_81 = arith.muli %scan3A_45, %mul3A_80 : i32
          %add3A_82 = arith.constant 16 : i32
          %add3A_83 = arith.addi %mul3A_81, %add3A_82 : i32
          %get3A_84 = arith.index_cast %add3A_83 : i32 to index
          %get3A_85 = tpu.vector_load %arg7[%get3A_84] {strides = array<i32>} : memref<12304xi32, #tpu.memory_space<vmem>>, vector<16xi32>,
          %lt3A_86 = vector.broadcast %squeeze3A : i32 to vector<16xi32>
          %lt3A_87 = arith.cmpi slt, %add3A_79, %lt3A_86 : vector<16xi32>
          %jit3A_88 = arith.constant 0 : i32
          %broadcast_in_dim3A_89 = vector.broadcast %jit3A_88 : i32 to vector<16xi32>
          %select_n3A_90 = arith.select %lt3A_87, %get3A_85, %broadcast_in_dim3A_89 : vector<16xi1>, vector<16xi32>
          %add3A_91 = vector.broadcast %mul3A_24 : i32 to vector<16xi32>
          %add3A_92 = arith.addi %add3A_91, %select_n3A_90 : vector<16xi32>
          %swap3A_93 = arith.constant 16 : index
          %swap3A_94 = tpu.vector_load %arg11[%swap3A_93] {strides = array<i32>} : memref<128xi32, #tpu.memory_space<vmem>>, vector<16xi32>,
          tpu.vector_store %arg11[%swap3A_93], %add3A_92 {strides = array<i32>} : memref<128xi32, #tpu.memory_space<vmem>>, vector<16xi32>,
          %add3A_95 = arith.constant 512 : i32
          %add3A_96 = arith.addi %mul3A_24, %add3A_95 : i32
          %add3A_97 = vector.broadcast %add3A_96 : i32 to vector<16xi32>
          %add3A_98 = arith.addi %add3A_97, %select_n3A_90 : vector<16xi32>
          %swap3A_99 = arith.constant 80 : index
          %swap3A_100 = tpu.vector_load %arg11[%swap3A_99] {strides = array<i32>} : memref<128xi32, #tpu.memory_space<vmem>>, vector<16xi32>,
          tpu.vector_store %arg11[%swap3A_99], %add3A_98 {strides = array<i32>} : memref<128xi32, #tpu.memory_space<vmem>>, vector<16xi32>,
          %mul3A_101 = arith.constant 64 : i32
          %mul3A_102 = arith.muli %scan3A_45, %mul3A_101 : i32
          %add3A_103 = arith.constant 32 : i32
          %add3A_104 = arith.addi %mul3A_102, %add3A_103 : i32
          %add3A_105 = vector.broadcast %add3A_104 : i32 to vector<16xi32>
          %add3A_106 = arith.addi %add3A_105, %iota3A : vector<16xi32>
          %mul3A_107 = arith.constant 64 : i32
          %mul3A_108 = arith.muli %scan3A_45, %mul3A_107 : i32
          %add3A_109 = arith.constant 32 : i32
          %add3A_110 = arith.addi %mul3A_108, %add3A_109 : i32
          %get3A_111 = arith.index_cast %add3A_110 : i32 to index
          %get3A_112 = tpu.vector_load %arg7[%get3A_111] {strides = array<i32>} : memref<12304xi32, #tpu.memory_space<vmem>>, vector<16xi32>,
          %lt3A_113 = vector.broadcast %squeeze3A : i32 to vector<16xi32>
          %lt3A_114 = arith.cmpi slt, %add3A_106, %lt3A_113 : vector<16xi32>
          %jit3A_115 = arith.constant 0 : i32
          %broadcast_in_dim3A_116 = vector.broadcast %jit3A_115 : i32 to vector<16xi32>
          %select_n3A_117 = arith.select %lt3A_114, %get3A_112, %broadcast_in_dim3A_116 : vector<16xi1>, vector<16xi32>
          %add3A_118 = vector.broadcast %mul3A_24 : i32 to vector<16xi32>
          %add3A_119 = arith.addi %add3A_118, %select_n3A_117 : vector<16xi32>
          %swap3A_120 = arith.constant 32 : index
          %swap3A_121 = tpu.vector_load %arg11[%swap3A_120] {strides = array<i32>} : memref<128xi32, #tpu.memory_space<vmem>>, vector<16xi32>,
          tpu.vector_store %arg11[%swap3A_120], %add3A_119 {strides = array<i32>} : memref<128xi32, #tpu.memory_space<vmem>>, vector<16xi32>,
          %add3A_122 = arith.constant 512 : i32
          %add3A_123 = arith.addi %mul3A_24, %add3A_122 : i32
          %add3A_124 = vector.broadcast %add3A_123 : i32 to vector<16xi32>
          %add3A_125 = arith.addi %add3A_124, %select_n3A_117 : vector<16xi32>
          %swap3A_126 = arith.constant 96 : index
          %swap3A_127 = tpu.vector_load %arg11[%swap3A_126] {strides = array<i32>} : memref<128xi32, #tpu.memory_space<vmem>>, vector<16xi32>,
          tpu.vector_store %arg11[%swap3A_126], %add3A_125 {strides = array<i32>} : memref<128xi32, #tpu.memory_space<vmem>>, vector<16xi32>,
          %mul3A_128 = arith.constant 64 : i32
          %mul3A_129 = arith.muli %scan3A_45, %mul3A_128 : i32
          %add3A_130 = arith.constant 48 : i32
          %add3A_131 = arith.addi %mul3A_129, %add3A_130 : i32
          %add3A_132 = vector.broadcast %add3A_131 : i32 to vector<16xi32>
          %add3A_133 = arith.addi %add3A_132, %iota3A : vector<16xi32>
          %mul3A_134 = arith.constant 64 : i32
          %mul3A_135 = arith.muli %scan3A_45, %mul3A_134 : i32
          %add3A_136 = arith.constant 48 : i32
          %add3A_137 = arith.addi %mul3A_135, %add3A_136 : i32
          %get3A_138 = arith.index_cast %add3A_137 : i32 to index
          %get3A_139 = tpu.vector_load %arg7[%get3A_138] {strides = array<i32>} : memref<12304xi32, #tpu.memory_space<vmem>>, vector<16xi32>,
          %lt3A_140 = vector.broadcast %squeeze3A : i32 to vector<16xi32>
          %lt3A_141 = arith.cmpi slt, %add3A_133, %lt3A_140 : vector<16xi32>
          %jit3A_142 = arith.constant 0 : i32
          %broadcast_in_dim3A_143 = vector.broadcast %jit3A_142 : i32 to vector<16xi32>
          %select_n3A_144 = arith.select %lt3A_141, %get3A_139, %broadcast_in_dim3A_143 : vector<16xi1>, vector<16xi32>
          %add3A_145 = vector.broadcast %mul3A_24 : i32 to vector<16xi32>
          %add3A_146 = arith.addi %add3A_145, %select_n3A_144 : vector<16xi32>
          %swap3A_147 = arith.constant 48 : index
          %swap3A_148 = tpu.vector_load %arg11[%swap3A_147] {strides = array<i32>} : memref<128xi32, #tpu.memory_space<vmem>>, vector<16xi32>,
          tpu.vector_store %arg11[%swap3A_147], %add3A_146 {strides = array<i32>} : memref<128xi32, #tpu.memory_space<vmem>>, vector<16xi32>,
          %add3A_149 = arith.constant 512 : i32
          %add3A_150 = arith.addi %mul3A_24, %add3A_149 : i32
          %add3A_151 = vector.broadcast %add3A_150 : i32 to vector<16xi32>
          %add3A_152 = arith.addi %add3A_151, %select_n3A_144 : vector<16xi32>
          %swap3A_153 = arith.constant 112 : index
          %swap3A_154 = tpu.vector_load %arg11[%swap3A_153] {strides = array<i32>} : memref<128xi32, #tpu.memory_space<vmem>>, vector<16xi32>,
          tpu.vector_store %arg11[%swap3A_153], %add3A_152 {strides = array<i32>} : memref<128xi32, #tpu.memory_space<vmem>>, vector<16xi32>,
          %dma_start3A = arith.constant 0 : i32
          %dma_start3A_155 = arith.constant 0 : i32
          %dma_start3A_156 = tpu.memref_slice %arg2[%dma_start3A, %dma_start3A_155] : memref<98304x512xf32, #tpu.memory_space<hbm>> -> memref<98304x512xf32, #tpu.memory_space<hbm>>
          tpu.enqueue_indirect_dma source(%dma_start3A_156 : memref<98304x512xf32, #tpu.memory_space<hbm>>) target(%arg8 : memref<128x512xf32, #tpu.memory_space<vmem>>) offsets(%arg11 : memref<128xi32, #tpu.memory_space<vmem>>) semaphore(%arg12 : memref<!tpu.dma_semaphore, #tpu.memory_space<semaphore_mem>>)
          %dma_wait3A = arith.constant 0 : i32
          %dma_wait3A_157 = arith.constant 0 : i32
          %dma_wait3A_158 = tpu.memref_slice %arg2[%dma_wait3A, %dma_wait3A_157] : memref<98304x512xf32, #tpu.memory_space<hbm>> -> memref<98304x512xf32, #tpu.memory_space<hbm>>
          tpu.wait_indirect_dma semaphore(%arg12 : memref<!tpu.dma_semaphore, #tpu.memory_space<semaphore_mem>>) src(%dma_wait3A_158 : memref<98304x512xf32, #tpu.memory_space<hbm>>) dst(%arg8 : memref<128x512xf32, #tpu.memory_space<vmem>>)
          %mul3A_159 = arith.constant 32768 : i32
          %mul3A_160 = arith.muli %scan3A_45, %mul3A_159 : i32
          %scan3A_161 = arith.constant 0 : i32
          %scan3A_162 = arith.constant 0 : i32
          %scan3A_163 = arith.constant 768 : i32
          %scan3A_164 = arith.addi %scan3A_162, %scan3A_163 : i32
          %scan3A_165 = arith.constant 4 : i32
          %scan3A_166 = scf.for %scan3A_168 = %scan3A_162 to %scan3A_164 step %scan3A_165 iter_args(%scan3A_169 = %scan3A_161) -> (i32)  : i32 {
            %mul3A_170 = arith.constant 16 : i32
            %mul3A_171 = arith.muli %scan3A_168, %mul3A_170 : i32
            %get3A_172 = arith.index_cast %mul3A_171 : i32 to index
            %get3A_173 = tpu.vector_load %arg6[%get3A_172] {strides = array<i32>} : memref<12288xi32, #tpu.memory_space<vmem>>, vector<16xi32>,
            %sub3A = vector.broadcast %mul3A_160 : i32 to vector<16xi32>
            %sub3A_174 = arith.subi %get3A_173, %sub3A : vector<16xi32>
            %ge3A = arith.constant 0 : i32
            %ge3A_175 = vector.broadcast %ge3A : i32 to vector<16xi32>
            %ge3A_176 = arith.cmpi sge, %sub3A_174, %ge3A_175 : vector<16xi32>
            %lt3A_177 = arith.constant 32768 : i32
            %lt3A_178 = vector.broadcast %lt3A_177 : i32 to vector<16xi32>
            %lt3A_179 = arith.cmpi slt, %sub3A_174, %lt3A_178 : vector<16xi32>
            %and3A = arith.andi %ge3A_176, %lt3A_179 : vector<16xi1>
            %max3A = arith.constant 0 : i32
            %max3A_180 = vector.broadcast %max3A : i32 to vector<16xi32>
            %max3A_181 = arith.maxsi %sub3A_174, %max3A_180 : vector<16xi32>
            %min3A = arith.constant 32767 : i32
            %min3A_182 = vector.broadcast %min3A : i32 to vector<16xi32>
            %min3A_183 = arith.minsi %max3A_181, %min3A_182 : vector<16xi32>
            %shift_right_logical3A = arith.constant 9 : i32
            %shift_right_logical3A_184 = vector.broadcast %shift_right_logical3A : i32 to vector<16xi32>
            %shift_right_logical3A_185 = arith.shrui %min3A_183, %shift_right_logical3A_184 : vector<16xi32>
            %and3A_186 = arith.constant 511 : i32
            %and3A_187 = vector.broadcast %and3A_186 : i32 to vector<16xi32>
            %and3A_188 = arith.andi %min3A_183, %and3A_187 : vector<16xi32>
            %mul3A_189 = arith.constant 16 : i32
            %mul3A_190 = arith.muli %scan3A_168, %mul3A_189 : i32
            %add3A_191 = vector.broadcast %mul3A_190 : i32 to vector<16xi32>
            %add3A_192 = arith.addi %add3A_191, %iota3A : vector<16xi32>
            %gather3A = tpu.vector_load_idx %arg8[%shift_right_logical3A_185, %and3A_188] masked %and3A : memref<128x512xf32, #tpu.memory_space<vmem>>[vector<16xi32>, vector<16xi32>], vector<16xf32>, vector<16xi1>
            tpu.vector_store_idx %arg9[%add3A_192], %gather3A masked %and3A : memref<12288xf32, #tpu.memory_space<vmem>>[vector<16xi32>], vector<16xf32>, vector<16xi1>
            %add3A_193 = arith.constant 64 : i32
            %add3A_194 = vector.broadcast %add3A_193 : i32 to vector<16xi32>
            %add3A_195 = arith.addi %shift_right_logical3A_185, %add3A_194 : vector<16xi32>
            %gather3A_196 = tpu.vector_load_idx %arg8[%add3A_195, %and3A_188] masked %and3A : memref<128x512xf32, #tpu.memory_space<vmem>>[vector<16xi32>, vector<16xi32>], vector<16xf32>, vector<16xi1>
            tpu.vector_store_idx %arg10[%add3A_192], %gather3A_196 masked %and3A : memref<12288xf32, #tpu.memory_space<vmem>>[vector<16xi32>], vector<16xf32>, vector<16xi1>
            %scan3A_197 = arith.constant 0 : i32
            %scan3A_198 = arith.constant 1 : i32
            %scan3A_199 = arith.addi %scan3A_168, %scan3A_198 : i32
            %mul3A_200 = arith.constant 16 : i32
            %mul3A_201 = arith.muli %scan3A_199, %mul3A_200 : i32
            %get3A_202 = arith.index_cast %mul3A_201 : i32 to index
            %get3A_203 = tpu.vector_load %arg6[%get3A_202] {strides = array<i32>} : memref<12288xi32, #tpu.memory_space<vmem>>, vector<16xi32>,
            %sub3A_204 = vector.broadcast %mul3A_160 : i32 to vector<16xi32>
            %sub3A_205 = arith.subi %get3A_203, %sub3A_204 : vector<16xi32>
            %ge3A_206 = arith.constant 0 : i32
            %ge3A_207 = vector.broadcast %ge3A_206 : i32 to vector<16xi32>
            %ge3A_208 = arith.cmpi sge, %sub3A_205, %ge3A_207 : vector<16xi32>
            %lt3A_209 = arith.constant 32768 : i32
            %lt3A_210 = vector.broadcast %lt3A_209 : i32 to vector<16xi32>
            %lt3A_211 = arith.cmpi slt, %sub3A_205, %lt3A_210 : vector<16xi32>
            %and3A_212 = arith.andi %ge3A_208, %lt3A_211 : vector<16xi1>
            %max3A_213 = arith.constant 0 : i32
            %max3A_214 = vector.broadcast %max3A_213 : i32 to vector<16xi32>
            %max3A_215 = arith.maxsi %sub3A_205, %max3A_214 : vector<16xi32>
            %min3A_216 = arith.constant 32767 : i32
            %min3A_217 = vector.broadcast %min3A_216 : i32 to vector<16xi32>
            %min3A_218 = arith.minsi %max3A_215, %min3A_217 : vector<16xi32>
            %shift_right_logical3A_219 = arith.constant 9 : i32
            %shift_right_logical3A_220 = vector.broadcast %shift_right_logical3A_219 : i32 to vector<16xi32>
            %shift_right_logical3A_221 = arith.shrui %min3A_218, %shift_right_logical3A_220 : vector<16xi32>
            %and3A_222 = arith.constant 511 : i32
            %and3A_223 = vector.broadcast %and3A_222 : i32 to vector<16xi32>
            %and3A_224 = arith.andi %min3A_218, %and3A_223 : vector<16xi32>
            %mul3A_225 = arith.constant 16 : i32
            %mul3A_226 = arith.muli %scan3A_199, %mul3A_225 : i32
            %add3A_227 = vector.broadcast %mul3A_226 : i32 to vector<16xi32>
            %add3A_228 = arith.addi %add3A_227, %iota3A : vector<16xi32>
            %gather3A_229 = tpu.vector_load_idx %arg8[%shift_right_logical3A_221, %and3A_224] masked %and3A_212 : memref<128x512xf32, #tpu.memory_space<vmem>>[vector<16xi32>, vector<16xi32>], vector<16xf32>, vector<16xi1>
            tpu.vector_store_idx %arg9[%add3A_228], %gather3A_229 masked %and3A_212 : memref<12288xf32, #tpu.memory_space<vmem>>[vector<16xi32>], vector<16xf32>, vector<16xi1>
            %add3A_230 = arith.constant 64 : i32
            %add3A_231 = vector.broadcast %add3A_230 : i32 to vector<16xi32>
            %add3A_232 = arith.addi %shift_right_logical3A_221, %add3A_231 : vector<16xi32>
            %gather3A_233 = tpu.vector_load_idx %arg8[%add3A_232, %and3A_224] masked %and3A_212 : memref<128x512xf32, #tpu.memory_space<vmem>>[vector<16xi32>, vector<16xi32>], vector<16xf32>, vector<16xi1>
            tpu.vector_store_idx %arg10[%add3A_228], %gather3A_233 masked %and3A_212 : memref<12288xf32, #tpu.memory_space<vmem>>[vector<16xi32>], vector<16xf32>, vector<16xi1>
            %scan3A_234 = arith.constant 0 : i32
            %scan3A_235 = arith.constant 2 : i32
            %scan3A_236 = arith.addi %scan3A_168, %scan3A_235 : i32
            %mul3A_237 = arith.constant 16 : i32
            %mul3A_238 = arith.muli %scan3A_236, %mul3A_237 : i32
            %get3A_239 = arith.index_cast %mul3A_238 : i32 to index
            %get3A_240 = tpu.vector_load %arg6[%get3A_239] {strides = array<i32>} : memref<12288xi32, #tpu.memory_space<vmem>>, vector<16xi32>,
            %sub3A_241 = vector.broadcast %mul3A_160 : i32 to vector<16xi32>
            %sub3A_242 = arith.subi %get3A_240, %sub3A_241 : vector<16xi32>
            %ge3A_243 = arith.constant 0 : i32
            %ge3A_244 = vector.broadcast %ge3A_243 : i32 to vector<16xi32>
            %ge3A_245 = arith.cmpi sge, %sub3A_242, %ge3A_244 : vector<16xi32>
            %lt3A_246 = arith.constant 32768 : i32
            %lt3A_247 = vector.broadcast %lt3A_246 : i32 to vector<16xi32>
            %lt3A_248 = arith.cmpi slt, %sub3A_242, %lt3A_247 : vector<16xi32>
            %and3A_249 = arith.andi %ge3A_245, %lt3A_248 : vector<16xi1>
            %max3A_250 = arith.constant 0 : i32
            %max3A_251 = vector.broadcast %max3A_250 : i32 to vector<16xi32>
            %max3A_252 = arith.maxsi %sub3A_242, %max3A_251 : vector<16xi32>
            %min3A_253 = arith.constant 32767 : i32
            %min3A_254 = vector.broadcast %min3A_253 : i32 to vector<16xi32>
            %min3A_255 = arith.minsi %max3A_252, %min3A_254 : vector<16xi32>
            %shift_right_logical3A_256 = arith.constant 9 : i32
            %shift_right_logical3A_257 = vector.broadcast %shift_right_logical3A_256 : i32 to vector<16xi32>
            %shift_right_logical3A_258 = arith.shrui %min3A_255, %shift_right_logical3A_257 : vector<16xi32>
            %and3A_259 = arith.constant 511 : i32
            %and3A_260 = vector.broadcast %and3A_259 : i32 to vector<16xi32>
            %and3A_261 = arith.andi %min3A_255, %and3A_260 : vector<16xi32>
            %mul3A_262 = arith.constant 16 : i32
            %mul3A_263 = arith.muli %scan3A_236, %mul3A_262 : i32
            %add3A_264 = vector.broadcast %mul3A_263 : i32 to vector<16xi32>
            %add3A_265 = arith.addi %add3A_264, %iota3A : vector<16xi32>
            %gather3A_266 = tpu.vector_load_idx %arg8[%shift_right_logical3A_258, %and3A_261] masked %and3A_249 : memref<128x512xf32, #tpu.memory_space<vmem>>[vector<16xi32>, vector<16xi32>], vector<16xf32>, vector<16xi1>
            tpu.vector_store_idx %arg9[%add3A_265], %gather3A_266 masked %and3A_249 : memref<12288xf32, #tpu.memory_space<vmem>>[vector<16xi32>], vector<16xf32>, vector<16xi1>
            %add3A_267 = arith.constant 64 : i32
            %add3A_268 = vector.broadcast %add3A_267 : i32 to vector<16xi32>
            %add3A_269 = arith.addi %shift_right_logical3A_258, %add3A_268 : vector<16xi32>
            %gather3A_270 = tpu.vector_load_idx %arg8[%add3A_269, %and3A_261] masked %and3A_249 : memref<128x512xf32, #tpu.memory_space<vmem>>[vector<16xi32>, vector<16xi32>], vector<16xf32>, vector<16xi1>
            tpu.vector_store_idx %arg10[%add3A_265], %gather3A_270 masked %and3A_249 : memref<12288xf32, #tpu.memory_space<vmem>>[vector<16xi32>], vector<16xf32>, vector<16xi1>
            %scan3A_271 = arith.constant 0 : i32
            %scan3A_272 = arith.constant 3 : i32
            %scan3A_273 = arith.addi %scan3A_168, %scan3A_272 : i32
            %mul3A_274 = arith.constant 16 : i32
            %mul3A_275 = arith.muli %scan3A_273, %mul3A_274 : i32
            %get3A_276 = arith.index_cast %mul3A_275 : i32 to index
            %get3A_277 = tpu.vector_load %arg6[%get3A_276] {strides = array<i32>} : memref<12288xi32, #tpu.memory_space<vmem>>, vector<16xi32>,
            %sub3A_278 = vector.broadcast %mul3A_160 : i32 to vector<16xi32>
            %sub3A_279 = arith.subi %get3A_277, %sub3A_278 : vector<16xi32>
            %ge3A_280 = arith.constant 0 : i32
            %ge3A_281 = vector.broadcast %ge3A_280 : i32 to vector<16xi32>
            %ge3A_282 = arith.cmpi sge, %sub3A_279, %ge3A_281 : vector<16xi32>
            %lt3A_283 = arith.constant 32768 : i32
            %lt3A_284 = vector.broadcast %lt3A_283 : i32 to vector<16xi32>
            %lt3A_285 = arith.cmpi slt, %sub3A_279, %lt3A_284 : vector<16xi32>
            %and3A_286 = arith.andi %ge3A_282, %lt3A_285 : vector<16xi1>
            %max3A_287 = arith.constant 0 : i32
            %max3A_288 = vector.broadcast %max3A_287 : i32 to vector<16xi32>
            %max3A_289 = arith.maxsi %sub3A_279, %max3A_288 : vector<16xi32>
            %min3A_290 = arith.constant 32767 : i32
            %min3A_291 = vector.broadcast %min3A_290 : i32 to vector<16xi32>
            %min3A_292 = arith.minsi %max3A_289, %min3A_291 : vector<16xi32>
            %shift_right_logical3A_293 = arith.constant 9 : i32
            %shift_right_logical3A_294 = vector.broadcast %shift_right_logical3A_293 : i32 to vector<16xi32>
            %shift_right_logical3A_295 = arith.shrui %min3A_292, %shift_right_logical3A_294 : vector<16xi32>
            %and3A_296 = arith.constant 511 : i32
            %and3A_297 = vector.broadcast %and3A_296 : i32 to vector<16xi32>
            %and3A_298 = arith.andi %min3A_292, %and3A_297 : vector<16xi32>
            %mul3A_299 = arith.constant 16 : i32
            %mul3A_300 = arith.muli %scan3A_273, %mul3A_299 : i32
            %add3A_301 = vector.broadcast %mul3A_300 : i32 to vector<16xi32>
            %add3A_302 = arith.addi %add3A_301, %iota3A : vector<16xi32>
            %gather3A_303 = tpu.vector_load_idx %arg8[%shift_right_logical3A_295, %and3A_298] masked %and3A_286 : memref<128x512xf32, #tpu.memory_space<vmem>>[vector<16xi32>, vector<16xi32>], vector<16xf32>, vector<16xi1>
            tpu.vector_store_idx %arg9[%add3A_302], %gather3A_303 masked %and3A_286 : memref<12288xf32, #tpu.memory_space<vmem>>[vector<16xi32>], vector<16xf32>, vector<16xi1>
            %add3A_304 = arith.constant 64 : i32
            %add3A_305 = vector.broadcast %add3A_304 : i32 to vector<16xi32>
            %add3A_306 = arith.addi %shift_right_logical3A_295, %add3A_305 : vector<16xi32>
            %gather3A_307 = tpu.vector_load_idx %arg8[%add3A_306, %and3A_298] masked %and3A_286 : memref<128x512xf32, #tpu.memory_space<vmem>>[vector<16xi32>, vector<16xi32>], vector<16xf32>, vector<16xi1>
            tpu.vector_store_idx %arg10[%add3A_302], %gather3A_307 masked %and3A_286 : memref<12288xf32, #tpu.memory_space<vmem>>[vector<16xi32>], vector<16xf32>, vector<16xi1>
            %scan3A_308 = arith.constant 0 : i32
            scf.yield %scan3A_308 : i32
          }
          %scan3A_167 = arith.constant 768 : i32
        } else {
        }
        %scan3A_50 = arith.constant 0 : i32
        scf.yield %scan3A_50 : i32
      }
      %scan3A_31 = arith.constant 192 : i32
      %mul3A_32 = arith.constant 96 : i32
      %mul3A_33 = arith.muli %arg0, %mul3A_32 : i32
      %add3A_34 = arith.addi %mul3A_33, %add3A : i32
      %mul3A_35 = arith.constant 12288 : i32
      %mul3A_36 = arith.muli %add3A_34, %mul3A_35 : i32
      "tpu.region"() ({
        %run_scoped3A = tpu.sem_alloc : memref<!tpu.dma_semaphore, #tpu.memory_space<semaphore_mem>>
        %dma_start3A = tpu.memref_slice %arg4[%mul3A_36] : memref<2359296xf32, #tpu.memory_space<hbm>> -> memref<12288xf32, #tpu.memory_space<hbm>>
        %dma_start3A_45 = tpu.memref_slice %arg4[%mul3A_36] : memref<2359296xf32, #tpu.memory_space<hbm>> -> memref<12288xf32, #tpu.memory_space<hbm>>
        tpu.enqueue_dma source(%arg9 : memref<12288xf32, #tpu.memory_space<vmem>>) target(%dma_start3A_45 : memref<12288xf32, #tpu.memory_space<hbm>>) target_semaphore(%run_scoped3A : memref<!tpu.dma_semaphore, #tpu.memory_space<semaphore_mem>>)
        %dma_wait3A = tpu.memref_slice %arg4[%mul3A_36] : memref<2359296xf32, #tpu.memory_space<hbm>> -> memref<12288xf32, #tpu.memory_space<hbm>>
        %dma_wait3A_46 = tpu.memref_slice %arg4[%mul3A_36] : memref<2359296xf32, #tpu.memory_space<hbm>> -> memref<12288xf32, #tpu.memory_space<hbm>>
        tpu.wait_dma2 semaphore(%run_scoped3A : memref<!tpu.dma_semaphore, #tpu.memory_space<semaphore_mem>>) src(%arg9 : memref<12288xf32, #tpu.memory_space<vmem>>) dst(%dma_wait3A_46 : memref<12288xf32, #tpu.memory_space<hbm>>)
        tpu.yield
      }) : () -> ()
      %mul3A_37 = arith.constant 96 : i32
      %mul3A_38 = arith.muli %arg0, %mul3A_37 : i32
      %add3A_39 = arith.addi %mul3A_38, %add3A : i32
      %add3A_40 = arith.constant 1 : i32
      %add3A_41 = arith.addi %add3A_39, %add3A_40 : i32
      %mul3A_42 = arith.constant 12288 : i32
      %mul3A_43 = arith.muli %add3A_41, %mul3A_42 : i32
      "tpu.region"() ({
        %run_scoped3A = tpu.sem_alloc : memref<!tpu.dma_semaphore, #tpu.memory_space<semaphore_mem>>
        %dma_start3A = tpu.memref_slice %arg4[%mul3A_43] : memref<2359296xf32, #tpu.memory_space<hbm>> -> memref<12288xf32, #tpu.memory_space<hbm>>
        %dma_start3A_45 = tpu.memref_slice %arg4[%mul3A_43] : memref<2359296xf32, #tpu.memory_space<hbm>> -> memref<12288xf32, #tpu.memory_space<hbm>>
        tpu.enqueue_dma source(%arg10 : memref<12288xf32, #tpu.memory_space<vmem>>) target(%dma_start3A_45 : memref<12288xf32, #tpu.memory_space<hbm>>) target_semaphore(%run_scoped3A : memref<!tpu.dma_semaphore, #tpu.memory_space<semaphore_mem>>)
        %dma_wait3A = tpu.memref_slice %arg4[%mul3A_43] : memref<2359296xf32, #tpu.memory_space<hbm>> -> memref<12288xf32, #tpu.memory_space<hbm>>
        %dma_wait3A_46 = tpu.memref_slice %arg4[%mul3A_43] : memref<2359296xf32, #tpu.memory_space<hbm>> -> memref<12288xf32, #tpu.memory_space<hbm>>
        tpu.wait_dma2 semaphore(%run_scoped3A : memref<!tpu.dma_semaphore, #tpu.memory_space<semaphore_mem>>) src(%arg10 : memref<12288xf32, #tpu.memory_space<vmem>>) dst(%dma_wait3A_46 : memref<12288xf32, #tpu.memory_space<hbm>>)
        tpu.yield
      }) : () -> ()
      %scan3A_44 = arith.constant 0 : i32
      scf.yield %scan3A_44 : i32
    }
    %scan3A_13 = arith.constant 3 : i32
    return
  }
}

module attributes {stable_mosaic.version = 14 : i64} {
  func.func @_code_body(%arg0: i32, %arg1: memref<1x512x512xi32, #tpu.memory_space<vmem>>, %arg2: memref<1x512x512xi32, #tpu.memory_space<vmem>>) attributes {dimension_semantics = [#tpu.dimension_semantics<arbitrary>], iteration_bounds = array<i64: 2>, scalar_prefetch = 0 : i64, scratch_operands = 0 : i64, tpu.core_type = #tpu.core_type<tc>, window_params = [{transform_indices = @transform_0, window_bounds = array<i64: 1, 512, 512>}, {transform_indices = @transform_1, window_bounds = array<i64: 1, 512, 512>}]} {
    %get3A = arith.constant 0 : index
    %get3A_0 = arith.constant 0 : index
    %get3A_1 = arith.constant 0 : index
    %get3A_2 = vector.load %arg1[%get3A, %get3A_0, %get3A_1] : memref<1x512x512xi32, #tpu.memory_space<vmem>>, vector<1x512x512xi32>
    %get3A_3 = vector.shape_cast %get3A_2 : vector<1x512x512xi32> to vector<512x512xi32>
    %gt3A = arith.constant 0 : i32
    %gt3A_4 = vector.broadcast %gt3A : i32 to vector<512x512xi32>
    %gt3A_5 = arith.cmpi sgt, %get3A_3, %gt3A_4 : vector<512x512xi32>
    %convert_element_type3A = arith.extui %gt3A_5 : vector<512x512xi1> to vector<512x512xi32>
    %convert_element_type3A_6 = arith.sitofp %convert_element_type3A : vector<512x512xi32> to vector<512x512xf32>
    %iota3A = tpu.iota {dimensions = array<i32: 0>} : vector<512x512xi32>
    %iota3A_7 = tpu.iota {dimensions = array<i32: 1>} : vector<512x512xi32>
    %sub3A = arith.subi %iota3A, %iota3A_7 : vector<512x512xi32>
    %abs3A = math.absi %sub3A : vector<512x512xi32>
    %le3A = arith.constant 5 : i32
    %le3A_8 = vector.broadcast %le3A : i32 to vector<512x512xi32>
    %le3A_9 = arith.cmpi sle, %abs3A, %le3A_8 : vector<512x512xi32>
    %convert_element_type3A_10 = arith.extui %le3A_9 : vector<512x512xi1> to vector<512x512xi32>
    %convert_element_type3A_11 = arith.sitofp %convert_element_type3A_10 : vector<512x512xi32> to vector<512x512xf32>
    %dot_general3A = arith.constant dense<0.000000e+00> : vector<512x512xf32>
    %dot_general3A_12 = tpu.matmul %convert_element_type3A_6, %convert_element_type3A_11, %dot_general3A {dimension_numbers = #tpu.dot_dimension_numbers<[1], [0], [0], [1], [0, 0, 1, 1], [], []>, transpose_lhs_hint = false} : vector<512x512xf32>, vector<512x512xf32>, vector<512x512xf32> -> vector<512x512xf32>
    %dot_general3A_13 = arith.constant dense<0.000000e+00> : vector<512x512xf32>
    %dot_general3A_14 = tpu.matmul %convert_element_type3A_11, %dot_general3A_12, %dot_general3A_13 {dimension_numbers = #tpu.dot_dimension_numbers<[1], [0], [0], [1], [0, 0, 1, 1], [], []>, transpose_lhs_hint = false} : vector<512x512xf32>, vector<512x512xf32>, vector<512x512xf32> -> vector<512x512xf32>
    %gt3A_15 = arith.constant 5.000000e-01 : f32
    %gt3A_16 = vector.broadcast %gt3A_15 : f32 to vector<512x512xf32>
    %gt3A_17 = arith.cmpf ogt, %dot_general3A_14, %gt3A_16 : vector<512x512xf32>
    %not3A = arith.constant dense<true> : vector<512x512xi1>
    %not3A_18 = arith.xori %gt3A_5, %not3A : vector<512x512xi1>
    %and3A = arith.andi %gt3A_17, %not3A_18 : vector<512x512xi1>
    %jit3A = arith.constant 2 : i32
    %jit3A_19 = arith.constant 0 : i32
    %broadcast_in_dim3A = vector.broadcast %jit3A : i32 to vector<512x512xi32>
    %broadcast_in_dim3A_20 = vector.broadcast %jit3A_19 : i32 to vector<512x512xi32>
    %select_n3A = arith.select %and3A, %broadcast_in_dim3A, %broadcast_in_dim3A_20 : vector<512x512xi1>, vector<512x512xi32>
    %jit3A_21 = arith.constant 1 : i32
    %broadcast_in_dim3A_22 = vector.broadcast %jit3A_21 : i32 to vector<512x512xi32>
    %select_n3A_23 = arith.select %gt3A_5, %broadcast_in_dim3A_22, %select_n3A : vector<512x512xi1>, vector<512x512xi32>
    %swap3A = arith.constant 0 : index
    %swap3A_24 = arith.constant 0 : index
    %swap3A_25 = arith.constant 0 : index
    %swap3A_26 = vector.load %arg2[%swap3A, %swap3A_24, %swap3A_25] : memref<1x512x512xi32, #tpu.memory_space<vmem>>, vector<1x512x512xi32>
    %swap3A_27 = vector.shape_cast %swap3A_26 : vector<1x512x512xi32> to vector<512x512xi32>
    %swap3A_28 = vector.shape_cast %select_n3A_23 : vector<512x512xi32> to vector<1x512x512xi32>
    tpu.vector_store %arg2[%swap3A, %swap3A_24, %swap3A_25], %swap3A_28 {strides = array<i32>} : memref<1x512x512xi32, #tpu.memory_space<vmem>>, vector<1x512x512xi32>,
    return
  }
  func.func @transform_0(%arg0: i32) -> (i32, i32, i32) {
    %c0_i32 = arith.constant 0 : i32
    %c0_i32_0 = arith.constant 0 : i32
    %c0_i32_1 = arith.constant 0 : i32
    return %arg0, %c0_i32, %c0_i32_0 : i32, i32, i32
  }
  func.func @transform_1(%arg0: i32) -> (i32, i32, i32) {
    %c0_i32 = arith.constant 0 : i32
    %c0_i32_0 = arith.constant 0 : i32
    %c0_i32_1 = arith.constant 0 : i32
    return %arg0, %c0_i32, %c0_i32_0 : i32, i32, i32
  }
}

module attributes {stable_mosaic.version = 14 : i64} {
  func.func @_loss_body(%arg0: i32, %arg1: memref<1x96x12288xf32, #tpu.memory_space<vmem>>, %arg2: memref<1x1x16xi32, #tpu.memory_space<smem>>, %arg3: memref<1x1x1xf32, #tpu.memory_space<vmem>>, %arg4: memref<96x12288xf32, #tpu.memory_space<vmem>>, %arg5: memref<1x12288xf32, #tpu.memory_space<vmem>>) attributes {dimension_semantics = [#tpu.dimension_semantics<arbitrary>], iteration_bounds = array<i64: 2>, scalar_prefetch = 0 : i64, scratch_operands = 2 : i64, tpu.core_type = #tpu.core_type<tc>, window_params = [{transform_indices = @transform_0, window_bounds = array<i64: 1, 96, 12288>}, {transform_indices = @transform_1, window_bounds = array<i64: 1, 1, 16>}, {transform_indices = @transform_2, window_bounds = array<i64: 1, 1, 1>}]} {
    %get3A = arith.constant 0 : index
    %get3A_0 = arith.constant 0 : index
    %get3A_1 = arith.constant 0 : index
    %get3A_2 = memref.load %arg2[%get3A, %get3A_0, %get3A_1] : memref<1x1x16xi32, #tpu.memory_space<smem>>
    %min3A = arith.constant 2048 : i32
    %min3A_3 = arith.minsi %get3A_2, %min3A : i32
    %get3A_4 = arith.constant 0 : index
    %get3A_5 = arith.constant 0 : index
    %get3A_6 = arith.constant 1 : index
    %get3A_7 = memref.load %arg2[%get3A_4, %get3A_5, %get3A_6] : memref<1x1x16xi32, #tpu.memory_space<smem>>
    %min3A_8 = arith.constant 10240 : i32
    %min3A_9 = arith.minsi %get3A_7, %min3A_8 : i32
    %get3A_10 = arith.constant 0 : index
    %get3A_11 = arith.constant 0 : index
    %get3A_12 = arith.constant 0 : index
    %get3A_13 = vector.load %arg1[%get3A_10, %get3A_11, %get3A_12] : memref<1x96x12288xf32, #tpu.memory_space<vmem>>, vector<1x96x12288xf32>
    %get3A_14 = vector.shape_cast %get3A_13 : vector<1x96x12288xf32> to vector<96x12288xf32>
    %mul3A = arith.mulf %get3A_14, %get3A_14 : vector<96x12288xf32>
    %reduce_sum3A = arith.constant dense<0.000000e+00> : vector<12288xf32>
    %reduce_sum3A_15 = vector.multi_reduction <add>, %mul3A, %reduce_sum3A [0] : vector<96x12288xf32> to vector<12288xf32>
    %broadcast_in_dim3A = vector.shape_cast %reduce_sum3A_15 : vector<12288xf32> to vector<1x12288xf32>
    %sqrt3A = math.sqrt %broadcast_in_dim3A : vector<1x12288xf32>
    %add3A = arith.constant 9.99999993E-9 : f32
    %add3A_16 = vector.broadcast %add3A : f32 to vector<1x12288xf32>
    %add3A_17 = arith.addf %sqrt3A, %add3A_16 : vector<1x12288xf32>
    %div3A = arith.constant 1.000000e+00 : f32
    %div3A_18 = vector.broadcast %div3A : f32 to vector<1x12288xf32>
    %div3A_19 = arith.divf %div3A_18, %add3A_17 : vector<1x12288xf32>
    %mul3A_20 = vector.broadcast %div3A_19 : vector<1x12288xf32> to vector<96x12288xf32>
    %mul3A_21 = arith.mulf %get3A_14, %mul3A_20 : vector<96x12288xf32>
    %swap3A = arith.constant 0 : index
    %swap3A_22 = arith.constant 0 : index
    %swap3A_23 = vector.load %arg4[%swap3A, %swap3A_22] : memref<96x12288xf32, #tpu.memory_space<vmem>>, vector<96x12288xf32>
    tpu.vector_store %arg4[%swap3A, %swap3A_22], %mul3A_21 {strides = array<i32>} : memref<96x12288xf32, #tpu.memory_space<vmem>>, vector<96x12288xf32>,
    %get3A_24 = arith.constant 0 : index
    %get3A_25 = arith.constant 0 : index
    %get3A_26 = vector.load %arg4[%get3A_24, %get3A_25] : memref<96x12288xf32, #tpu.memory_space<vmem>>, vector<96x2048xf32>
    %iota3A = tpu.iota {dimensions = array<i32: 0>} : vector<2048x1024xi32>
    %scan3A = arith.constant 0 : i32
    %scan3A_27 = arith.constant 10 : i32
    %scan3A_28 = arith.addi %scan3A, %scan3A_27 : i32
    %scan3A_29 = arith.constant 1 : i32
    scf.for %scan3A_1031 = %scan3A to %scan3A_28 step %scan3A_29  : i32 {
      %mul3A_1032 = arith.constant 1024 : i32
      %mul3A_1033 = arith.muli %scan3A_1031, %mul3A_1032 : i32
      %add3A_1034 = arith.constant 2048 : i32
      %add3A_1035 = arith.addi %add3A_1034, %mul3A_1033 : i32
      %multiple_of3A = tpu.assume_multiple %add3A_1035, 1024 : i32
      %get3A_1036 = arith.constant 0 : index
      %get3A_1037 = arith.index_cast %multiple_of3A : i32 to index
      %get3A_1038 = vector.load %arg4[%get3A_1036, %get3A_1037] : memref<96x12288xf32, #tpu.memory_space<vmem>>, vector<96x1024xf32>
      %dot_general3A_1039 = arith.constant dense<0.000000e+00> : vector<2048x1024xf32>
      %dot_general3A_1040 = tpu.matmul %get3A_26, %get3A_1038, %dot_general3A_1039 {dimension_numbers = #tpu.dot_dimension_numbers<[0], [0], [1], [1], [0, 1, 1, 1], [], []>, transpose_lhs_hint = false} : vector<96x2048xf32>, vector<96x1024xf32>, vector<2048x1024xf32> -> vector<2048x1024xf32>
      %lt3A_1041 = vector.broadcast %min3A_3 : i32 to vector<2048x1024xi32>
      %lt3A_1042 = arith.cmpi slt, %iota3A, %lt3A_1041 : vector<2048x1024xi32>
      %jit3A_1043 = arith.constant -1.000000e+09 : f32
      %broadcast_in_dim3A_1044 = vector.broadcast %jit3A_1043 : f32 to vector<2048x1024xf32>
      %select_n3A_1045 = arith.select %lt3A_1042, %dot_general3A_1040, %broadcast_in_dim3A_1044 : vector<2048x1024xi1>, vector<2048x1024xf32>
      %mul3A_1046 = arith.constant 1024 : i32
      %mul3A_1047 = arith.muli %scan3A_1031, %mul3A_1046 : i32
      %multiple_of3A_1048 = tpu.assume_multiple %mul3A_1047, 1024 : i32
      %reduce_max3A = arith.constant dense<0xFF800000> : vector<1024xf32>
      %reduce_max3A_1049 = vector.multi_reduction <maximumf>, %select_n3A_1045, %reduce_max3A [0] : vector<2048x1024xf32> to vector<1024xf32>
      %swap3A_1050 = arith.constant 0 : index
      %swap3A_1051 = arith.index_cast %multiple_of3A_1048 : i32 to index
      %swap3A_1052 = vector.load %arg5[%swap3A_1050, %swap3A_1051] : memref<1x12288xf32, #tpu.memory_space<vmem>>, vector<1x1024xf32>
      %swap3A_1053 = vector.shape_cast %swap3A_1052 : vector<1x1024xf32> to vector<1024xf32>
      %swap3A_1054 = vector.shape_cast %reduce_max3A_1049 : vector<1024xf32> to vector<1x1024xf32>
      tpu.vector_store %arg5[%swap3A_1050, %swap3A_1051], %swap3A_1054 {strides = array<i32>} : memref<1x12288xf32, #tpu.memory_space<vmem>>, vector<1x1024xf32>,
    }
    %scan3A_30 = arith.constant 10 : i32
    %get3A_31 = arith.constant 0 : index
    %get3A_32 = arith.constant 0 : index
    %get3A_33 = vector.load %arg5[%get3A_31, %get3A_32] : memref<1x12288xf32, #tpu.memory_space<vmem>>, vector<1x10240xf32>
    %get3A_34 = vector.shape_cast %get3A_33 : vector<1x10240xf32> to vector<10240xf32>
    %reshape3A = vector.shape_cast %get3A_34 : vector<10240xf32> to vector<80x128xf32>
    %iota3A_35 = tpu.iota {dimensions = array<i32: 0>} : vector<80x128xi32>
    %mul3A_36 = arith.constant 128 : i32
    %mul3A_37 = vector.broadcast %mul3A_36 : i32 to vector<80x128xi32>
    %mul3A_38 = arith.muli %iota3A_35, %mul3A_37 : vector<80x128xi32>
    %iota3A_39 = tpu.iota {dimensions = array<i32: 1>} : vector<80x128xi32>
    %add3A_40 = arith.addi %mul3A_38, %iota3A_39 : vector<80x128xi32>
    %lt3A = vector.broadcast %min3A_9 : i32 to vector<80x128xi32>
    %lt3A_41 = arith.cmpi slt, %add3A_40, %lt3A : vector<80x128xi32>
    %jit3A = arith.constant -1.000000e+09 : f32
    %broadcast_in_dim3A_42 = vector.broadcast %jit3A : f32 to vector<80x128xf32>
    %select_n3A = arith.select %lt3A_41, %reshape3A, %broadcast_in_dim3A_42 : vector<80x128xi1>, vector<80x128xf32>
    %neg3A = arith.constant 0.000000e+00 : f32
    %neg3A_43 = vector.broadcast %neg3A : f32 to vector<80x128xf32>
    %neg3A_44 = arith.subf %neg3A_43, %reshape3A : vector<80x128xf32>
    %jit3A_45 = arith.constant -1.000000e+09 : f32
    %broadcast_in_dim3A_46 = vector.broadcast %jit3A_45 : f32 to vector<80x128xf32>
    %select_n3A_47 = arith.select %lt3A_41, %neg3A_44, %broadcast_in_dim3A_46 : vector<80x128xi1>, vector<80x128xf32>
    %bitcast_convert_type3A = tpu.bitcast %select_n3A : vector<80x128xf32> -> vector<80x128xi32>
    %ge3A = arith.constant 0 : i32
    %ge3A_48 = vector.broadcast %ge3A : i32 to vector<80x128xi32>
    %ge3A_49 = arith.cmpi sge, %bitcast_convert_type3A, %ge3A_48 : vector<80x128xi32>
    %not3A = arith.constant dense<-1> : vector<80x128xi32>
    %not3A_50 = arith.xori %bitcast_convert_type3A, %not3A : vector<80x128xi32>
    %xor3A = arith.constant -2147483648 : i32
    %xor3A_51 = vector.broadcast %xor3A : i32 to vector<80x128xi32>
    %xor3A_52 = arith.xori %not3A_50, %xor3A_51 : vector<80x128xi32>
    %select_n3A_53 = arith.select %ge3A_49, %bitcast_convert_type3A, %xor3A_52 : vector<80x128xi1>, vector<80x128xi32>
    %add3A_54 = arith.constant -2147483648 : i32
    %add3A_55 = arith.constant -2147483648 : i32
    %add3A_56 = arith.addi %add3A_54, %add3A_55 : i32
    %ge3A_57 = vector.broadcast %add3A_56 : i32 to vector<80x128xi32>
    %ge3A_58 = arith.cmpi sge, %select_n3A_53, %ge3A_57 : vector<80x128xi32>
    %convert_element_type3A = arith.extui %ge3A_58 : vector<80x128xi1> to vector<80x128xi32>
    %reduce_sum3A_59 = vector.shape_cast %convert_element_type3A : vector<80x128xi32> to vector<1x80x128xi32>
    %reduce_sum3A_60 = arith.constant dense<0> : vector<1xi32>
    %reduce_sum3A_61 = vector.multi_reduction <add>, %reduce_sum3A_59, %reduce_sum3A_60 [1, 2] : vector<1x80x128xi32> to vector<1xi32>
    %reduce_sum3A_62 = vector.shape_cast %reduce_sum3A_61 : vector<1xi32> to vector<1x1x1xi32>
    %reduce_sum3A_63 = vector.extract %reduce_sum3A_62[0, 0, 0] : i32 from vector<1x1x1xi32>
    %ge3A_64 = arith.constant 5120 : i32
    %ge3A_65 = arith.cmpi sge, %reduce_sum3A_63, %ge3A_64 : i32
    %jit3A_66 = arith.constant -2147483648 : i32
    %select_n3A_67 = arith.select %ge3A_65, %add3A_56, %jit3A_66 : i32
    %add3A_68 = arith.constant 1073741824 : i32
    %add3A_69 = arith.addi %select_n3A_67, %add3A_68 : i32
    %ge3A_70 = vector.broadcast %add3A_69 : i32 to vector<80x128xi32>
    %ge3A_71 = arith.cmpi sge, %select_n3A_53, %ge3A_70 : vector<80x128xi32>
    %convert_element_type3A_72 = arith.extui %ge3A_71 : vector<80x128xi1> to vector<80x128xi32>
    %reduce_sum3A_73 = vector.shape_cast %convert_element_type3A_72 : vector<80x128xi32> to vector<1x80x128xi32>
    %reduce_sum3A_74 = arith.constant dense<0> : vector<1xi32>
    %reduce_sum3A_75 = vector.multi_reduction <add>, %reduce_sum3A_73, %reduce_sum3A_74 [1, 2] : vector<1x80x128xi32> to vector<1xi32>
    %reduce_sum3A_76 = vector.shape_cast %reduce_sum3A_75 : vector<1xi32> to vector<1x1x1xi32>
    %reduce_sum3A_77 = vector.extract %reduce_sum3A_76[0, 0, 0] : i32 from vector<1x1x1xi32>
    %ge3A_78 = arith.constant 5120 : i32
    %ge3A_79 = arith.cmpi sge, %reduce_sum3A_77, %ge3A_78 : i32
    %select_n3A_80 = arith.select %ge3A_79, %add3A_69, %select_n3A_67 : i32
    %add3A_81 = arith.constant 536870912 : i32
    %add3A_82 = arith.addi %select_n3A_80, %add3A_81 : i32
    %ge3A_83 = vector.broadcast %add3A_82 : i32 to vector<80x128xi32>
    %ge3A_84 = arith.cmpi sge, %select_n3A_53, %ge3A_83 : vector<80x128xi32>
    %convert_element_type3A_85 = arith.extui %ge3A_84 : vector<80x128xi1> to vector<80x128xi32>
    %reduce_sum3A_86 = vector.shape_cast %convert_element_type3A_85 : vector<80x128xi32> to vector<1x80x128xi32>
    %reduce_sum3A_87 = arith.constant dense<0> : vector<1xi32>
    %reduce_sum3A_88 = vector.multi_reduction <add>, %reduce_sum3A_86, %reduce_sum3A_87 [1, 2] : vector<1x80x128xi32> to vector<1xi32>
    %reduce_sum3A_89 = vector.shape_cast %reduce_sum3A_88 : vector<1xi32> to vector<1x1x1xi32>
    %reduce_sum3A_90 = vector.extract %reduce_sum3A_89[0, 0, 0] : i32 from vector<1x1x1xi32>
    %ge3A_91 = arith.constant 5120 : i32
    %ge3A_92 = arith.cmpi sge, %reduce_sum3A_90, %ge3A_91 : i32
    %select_n3A_93 = arith.select %ge3A_92, %add3A_82, %select_n3A_80 : i32
    %add3A_94 = arith.constant 268435456 : i32
    %add3A_95 = arith.addi %select_n3A_93, %add3A_94 : i32
    %ge3A_96 = vector.broadcast %add3A_95 : i32 to vector<80x128xi32>
    %ge3A_97 = arith.cmpi sge, %select_n3A_53, %ge3A_96 : vector<80x128xi32>
    %convert_element_type3A_98 = arith.extui %ge3A_97 : vector<80x128xi1> to vector<80x128xi32>
    %reduce_sum3A_99 = vector.shape_cast %convert_element_type3A_98 : vector<80x128xi32> to vector<1x80x128xi32>
    %reduce_sum3A_100 = arith.constant dense<0> : vector<1xi32>
    %reduce_sum3A_101 = vector.multi_reduction <add>, %reduce_sum3A_99, %reduce_sum3A_100 [1, 2] : vector<1x80x128xi32> to vector<1xi32>
    %reduce_sum3A_102 = vector.shape_cast %reduce_sum3A_101 : vector<1xi32> to vector<1x1x1xi32>
    %reduce_sum3A_103 = vector.extract %reduce_sum3A_102[0, 0, 0] : i32 from vector<1x1x1xi32>
    %ge3A_104 = arith.constant 5120 : i32
    %ge3A_105 = arith.cmpi sge, %reduce_sum3A_103, %ge3A_104 : i32
    %select_n3A_106 = arith.select %ge3A_105, %add3A_95, %select_n3A_93 : i32
    %add3A_107 = arith.constant 134217728 : i32
    %add3A_108 = arith.addi %select_n3A_106, %add3A_107 : i32
    %ge3A_109 = vector.broadcast %add3A_108 : i32 to vector<80x128xi32>
    %ge3A_110 = arith.cmpi sge, %select_n3A_53, %ge3A_109 : vector<80x128xi32>
    %convert_element_type3A_111 = arith.extui %ge3A_110 : vector<80x128xi1> to vector<80x128xi32>
    %reduce_sum3A_112 = vector.shape_cast %convert_element_type3A_111 : vector<80x128xi32> to vector<1x80x128xi32>
    %reduce_sum3A_113 = arith.constant dense<0> : vector<1xi32>
    %reduce_sum3A_114 = vector.multi_reduction <add>, %reduce_sum3A_112, %reduce_sum3A_113 [1, 2] : vector<1x80x128xi32> to vector<1xi32>
    %reduce_sum3A_115 = vector.shape_cast %reduce_sum3A_114 : vector<1xi32> to vector<1x1x1xi32>
    %reduce_sum3A_116 = vector.extract %reduce_sum3A_115[0, 0, 0] : i32 from vector<1x1x1xi32>
    %ge3A_117 = arith.constant 5120 : i32
    %ge3A_118 = arith.cmpi sge, %reduce_sum3A_116, %ge3A_117 : i32
    %select_n3A_119 = arith.select %ge3A_118, %add3A_108, %select_n3A_106 : i32
    %add3A_120 = arith.constant 67108864 : i32
    %add3A_121 = arith.addi %select_n3A_119, %add3A_120 : i32
    %ge3A_122 = vector.broadcast %add3A_121 : i32 to vector<80x128xi32>
    %ge3A_123 = arith.cmpi sge, %select_n3A_53, %ge3A_122 : vector<80x128xi32>
    %convert_element_type3A_124 = arith.extui %ge3A_123 : vector<80x128xi1> to vector<80x128xi32>
    %reduce_sum3A_125 = vector.shape_cast %convert_element_type3A_124 : vector<80x128xi32> to vector<1x80x128xi32>
    %reduce_sum3A_126 = arith.constant dense<0> : vector<1xi32>
    %reduce_sum3A_127 = vector.multi_reduction <add>, %reduce_sum3A_125, %reduce_sum3A_126 [1, 2] : vector<1x80x128xi32> to vector<1xi32>
    %reduce_sum3A_128 = vector.shape_cast %reduce_sum3A_127 : vector<1xi32> to vector<1x1x1xi32>
    %reduce_sum3A_129 = vector.extract %reduce_sum3A_128[0, 0, 0] : i32 from vector<1x1x1xi32>
    %ge3A_130 = arith.constant 5120 : i32
    %ge3A_131 = arith.cmpi sge, %reduce_sum3A_129, %ge3A_130 : i32
    %select_n3A_132 = arith.select %ge3A_131, %add3A_121, %select_n3A_119 : i32
    %add3A_133 = arith.constant 33554432 : i32
    %add3A_134 = arith.addi %select_n3A_132, %add3A_133 : i32
    %ge3A_135 = vector.broadcast %add3A_134 : i32 to vector<80x128xi32>
    %ge3A_136 = arith.cmpi sge, %select_n3A_53, %ge3A_135 : vector<80x128xi32>
    %convert_element_type3A_137 = arith.extui %ge3A_136 : vector<80x128xi1> to vector<80x128xi32>
    %reduce_sum3A_138 = vector.shape_cast %convert_element_type3A_137 : vector<80x128xi32> to vector<1x80x128xi32>
    %reduce_sum3A_139 = arith.constant dense<0> : vector<1xi32>
    %reduce_sum3A_140 = vector.multi_reduction <add>, %reduce_sum3A_138, %reduce_sum3A_139 [1, 2] : vector<1x80x128xi32> to vector<1xi32>
    %reduce_sum3A_141 = vector.shape_cast %reduce_sum3A_140 : vector<1xi32> to vector<1x1x1xi32>
    %reduce_sum3A_142 = vector.extract %reduce_sum3A_141[0, 0, 0] : i32 from vector<1x1x1xi32>
    %ge3A_143 = arith.constant 5120 : i32
    %ge3A_144 = arith.cmpi sge, %reduce_sum3A_142, %ge3A_143 : i32
    %select_n3A_145 = arith.select %ge3A_144, %add3A_134, %select_n3A_132 : i32
    %add3A_146 = arith.constant 16777216 : i32
    %add3A_147 = arith.addi %select_n3A_145, %add3A_146 : i32
    %ge3A_148 = vector.broadcast %add3A_147 : i32 to vector<80x128xi32>
    %ge3A_149 = arith.cmpi sge, %select_n3A_53, %ge3A_148 : vector<80x128xi32>
    %convert_element_type3A_150 = arith.extui %ge3A_149 : vector<80x128xi1> to vector<80x128xi32>
    %reduce_sum3A_151 = vector.shape_cast %convert_element_type3A_150 : vector<80x128xi32> to vector<1x80x128xi32>
    %reduce_sum3A_152 = arith.constant dense<0> : vector<1xi32>
    %reduce_sum3A_153 = vector.multi_reduction <add>, %reduce_sum3A_151, %reduce_sum3A_152 [1, 2] : vector<1x80x128xi32> to vector<1xi32>
    %reduce_sum3A_154 = vector.shape_cast %reduce_sum3A_153 : vector<1xi32> to vector<1x1x1xi32>
    %reduce_sum3A_155 = vector.extract %reduce_sum3A_154[0, 0, 0] : i32 from vector<1x1x1xi32>
    %ge3A_156 = arith.constant 5120 : i32
    %ge3A_157 = arith.cmpi sge, %reduce_sum3A_155, %ge3A_156 : i32
    %select_n3A_158 = arith.select %ge3A_157, %add3A_147, %select_n3A_145 : i32
    %add3A_159 = arith.constant 8388608 : i32
    %add3A_160 = arith.addi %select_n3A_158, %add3A_159 : i32
    %ge3A_161 = vector.broadcast %add3A_160 : i32 to vector<80x128xi32>
    %ge3A_162 = arith.cmpi sge, %select_n3A_53, %ge3A_161 : vector<80x128xi32>
    %convert_element_type3A_163 = arith.extui %ge3A_162 : vector<80x128xi1> to vector<80x128xi32>
    %reduce_sum3A_164 = vector.shape_cast %convert_element_type3A_163 : vector<80x128xi32> to vector<1x80x128xi32>
    %reduce_sum3A_165 = arith.constant dense<0> : vector<1xi32>
    %reduce_sum3A_166 = vector.multi_reduction <add>, %reduce_sum3A_164, %reduce_sum3A_165 [1, 2] : vector<1x80x128xi32> to vector<1xi32>
    %reduce_sum3A_167 = vector.shape_cast %reduce_sum3A_166 : vector<1xi32> to vector<1x1x1xi32>
    %reduce_sum3A_168 = vector.extract %reduce_sum3A_167[0, 0, 0] : i32 from vector<1x1x1xi32>
    %ge3A_169 = arith.constant 5120 : i32
    %ge3A_170 = arith.cmpi sge, %reduce_sum3A_168, %ge3A_169 : i32
    %select_n3A_171 = arith.select %ge3A_170, %add3A_160, %select_n3A_158 : i32
    %add3A_172 = arith.constant 4194304 : i32
    %add3A_173 = arith.addi %select_n3A_171, %add3A_172 : i32
    %ge3A_174 = vector.broadcast %add3A_173 : i32 to vector<80x128xi32>
    %ge3A_175 = arith.cmpi sge, %select_n3A_53, %ge3A_174 : vector<80x128xi32>
    %convert_element_type3A_176 = arith.extui %ge3A_175 : vector<80x128xi1> to vector<80x128xi32>
    %reduce_sum3A_177 = vector.shape_cast %convert_element_type3A_176 : vector<80x128xi32> to vector<1x80x128xi32>
    %reduce_sum3A_178 = arith.constant dense<0> : vector<1xi32>
    %reduce_sum3A_179 = vector.multi_reduction <add>, %reduce_sum3A_177, %reduce_sum3A_178 [1, 2] : vector<1x80x128xi32> to vector<1xi32>
    %reduce_sum3A_180 = vector.shape_cast %reduce_sum3A_179 : vector<1xi32> to vector<1x1x1xi32>
    %reduce_sum3A_181 = vector.extract %reduce_sum3A_180[0, 0, 0] : i32 from vector<1x1x1xi32>
    %ge3A_182 = arith.constant 5120 : i32
    %ge3A_183 = arith.cmpi sge, %reduce_sum3A_181, %ge3A_182 : i32
    %select_n3A_184 = arith.select %ge3A_183, %add3A_173, %select_n3A_171 : i32
    %add3A_185 = arith.constant 2097152 : i32
    %add3A_186 = arith.addi %select_n3A_184, %add3A_185 : i32
    %ge3A_187 = vector.broadcast %add3A_186 : i32 to vector<80x128xi32>
    %ge3A_188 = arith.cmpi sge, %select_n3A_53, %ge3A_187 : vector<80x128xi32>
    %convert_element_type3A_189 = arith.extui %ge3A_188 : vector<80x128xi1> to vector<80x128xi32>
    %reduce_sum3A_190 = vector.shape_cast %convert_element_type3A_189 : vector<80x128xi32> to vector<1x80x128xi32>
    %reduce_sum3A_191 = arith.constant dense<0> : vector<1xi32>
    %reduce_sum3A_192 = vector.multi_reduction <add>, %reduce_sum3A_190, %reduce_sum3A_191 [1, 2] : vector<1x80x128xi32> to vector<1xi32>
    %reduce_sum3A_193 = vector.shape_cast %reduce_sum3A_192 : vector<1xi32> to vector<1x1x1xi32>
    %reduce_sum3A_194 = vector.extract %reduce_sum3A_193[0, 0, 0] : i32 from vector<1x1x1xi32>
    %ge3A_195 = arith.constant 5120 : i32
    %ge3A_196 = arith.cmpi sge, %reduce_sum3A_194, %ge3A_195 : i32
    %select_n3A_197 = arith.select %ge3A_196, %add3A_186, %select_n3A_184 : i32
    %add3A_198 = arith.constant 1048576 : i32
    %add3A_199 = arith.addi %select_n3A_197, %add3A_198 : i32
    %ge3A_200 = vector.broadcast %add3A_199 : i32 to vector<80x128xi32>
    %ge3A_201 = arith.cmpi sge, %select_n3A_53, %ge3A_200 : vector<80x128xi32>
    %convert_element_type3A_202 = arith.extui %ge3A_201 : vector<80x128xi1> to vector<80x128xi32>
    %reduce_sum3A_203 = vector.shape_cast %convert_element_type3A_202 : vector<80x128xi32> to vector<1x80x128xi32>
    %reduce_sum3A_204 = arith.constant dense<0> : vector<1xi32>
    %reduce_sum3A_205 = vector.multi_reduction <add>, %reduce_sum3A_203, %reduce_sum3A_204 [1, 2] : vector<1x80x128xi32> to vector<1xi32>
    %reduce_sum3A_206 = vector.shape_cast %reduce_sum3A_205 : vector<1xi32> to vector<1x1x1xi32>
    %reduce_sum3A_207 = vector.extract %reduce_sum3A_206[0, 0, 0] : i32 from vector<1x1x1xi32>
    %ge3A_208 = arith.constant 5120 : i32
    %ge3A_209 = arith.cmpi sge, %reduce_sum3A_207, %ge3A_208 : i32
    %select_n3A_210 = arith.select %ge3A_209, %add3A_199, %select_n3A_197 : i32
    %add3A_211 = arith.constant 524288 : i32
    %add3A_212 = arith.addi %select_n3A_210, %add3A_211 : i32
    %ge3A_213 = vector.broadcast %add3A_212 : i32 to vector<80x128xi32>
    %ge3A_214 = arith.cmpi sge, %select_n3A_53, %ge3A_213 : vector<80x128xi32>
    %convert_element_type3A_215 = arith.extui %ge3A_214 : vector<80x128xi1> to vector<80x128xi32>
    %reduce_sum3A_216 = vector.shape_cast %convert_element_type3A_215 : vector<80x128xi32> to vector<1x80x128xi32>
    %reduce_sum3A_217 = arith.constant dense<0> : vector<1xi32>
    %reduce_sum3A_218 = vector.multi_reduction <add>, %reduce_sum3A_216, %reduce_sum3A_217 [1, 2] : vector<1x80x128xi32> to vector<1xi32>
    %reduce_sum3A_219 = vector.shape_cast %reduce_sum3A_218 : vector<1xi32> to vector<1x1x1xi32>
    %reduce_sum3A_220 = vector.extract %reduce_sum3A_219[0, 0, 0] : i32 from vector<1x1x1xi32>
    %ge3A_221 = arith.constant 5120 : i32
    %ge3A_222 = arith.cmpi sge, %reduce_sum3A_220, %ge3A_221 : i32
    %select_n3A_223 = arith.select %ge3A_222, %add3A_212, %select_n3A_210 : i32
    %add3A_224 = arith.constant 262144 : i32
    %add3A_225 = arith.addi %select_n3A_223, %add3A_224 : i32
    %ge3A_226 = vector.broadcast %add3A_225 : i32 to vector<80x128xi32>
    %ge3A_227 = arith.cmpi sge, %select_n3A_53, %ge3A_226 : vector<80x128xi32>
    %convert_element_type3A_228 = arith.extui %ge3A_227 : vector<80x128xi1> to vector<80x128xi32>
    %reduce_sum3A_229 = vector.shape_cast %convert_element_type3A_228 : vector<80x128xi32> to vector<1x80x128xi32>
    %reduce_sum3A_230 = arith.constant dense<0> : vector<1xi32>
    %reduce_sum3A_231 = vector.multi_reduction <add>, %reduce_sum3A_229, %reduce_sum3A_230 [1, 2] : vector<1x80x128xi32> to vector<1xi32>
    %reduce_sum3A_232 = vector.shape_cast %reduce_sum3A_231 : vector<1xi32> to vector<1x1x1xi32>
    %reduce_sum3A_233 = vector.extract %reduce_sum3A_232[0, 0, 0] : i32 from vector<1x1x1xi32>
    %ge3A_234 = arith.constant 5120 : i32
    %ge3A_235 = arith.cmpi sge, %reduce_sum3A_233, %ge3A_234 : i32
    %select_n3A_236 = arith.select %ge3A_235, %add3A_225, %select_n3A_223 : i32
    %add3A_237 = arith.constant 131072 : i32
    %add3A_238 = arith.addi %select_n3A_236, %add3A_237 : i32
    %ge3A_239 = vector.broadcast %add3A_238 : i32 to vector<80x128xi32>
    %ge3A_240 = arith.cmpi sge, %select_n3A_53, %ge3A_239 : vector<80x128xi32>
    %convert_element_type3A_241 = arith.extui %ge3A_240 : vector<80x128xi1> to vector<80x128xi32>
    %reduce_sum3A_242 = vector.shape_cast %convert_element_type3A_241 : vector<80x128xi32> to vector<1x80x128xi32>
    %reduce_sum3A_243 = arith.constant dense<0> : vector<1xi32>
    %reduce_sum3A_244 = vector.multi_reduction <add>, %reduce_sum3A_242, %reduce_sum3A_243 [1, 2] : vector<1x80x128xi32> to vector<1xi32>
    %reduce_sum3A_245 = vector.shape_cast %reduce_sum3A_244 : vector<1xi32> to vector<1x1x1xi32>
    %reduce_sum3A_246 = vector.extract %reduce_sum3A_245[0, 0, 0] : i32 from vector<1x1x1xi32>
    %ge3A_247 = arith.constant 5120 : i32
    %ge3A_248 = arith.cmpi sge, %reduce_sum3A_246, %ge3A_247 : i32
    %select_n3A_249 = arith.select %ge3A_248, %add3A_238, %select_n3A_236 : i32
    %add3A_250 = arith.constant 65536 : i32
    %add3A_251 = arith.addi %select_n3A_249, %add3A_250 : i32
    %ge3A_252 = vector.broadcast %add3A_251 : i32 to vector<80x128xi32>
    %ge3A_253 = arith.cmpi sge, %select_n3A_53, %ge3A_252 : vector<80x128xi32>
    %convert_element_type3A_254 = arith.extui %ge3A_253 : vector<80x128xi1> to vector<80x128xi32>
    %reduce_sum3A_255 = vector.shape_cast %convert_element_type3A_254 : vector<80x128xi32> to vector<1x80x128xi32>
    %reduce_sum3A_256 = arith.constant dense<0> : vector<1xi32>
    %reduce_sum3A_257 = vector.multi_reduction <add>, %reduce_sum3A_255, %reduce_sum3A_256 [1, 2] : vector<1x80x128xi32> to vector<1xi32>
    %reduce_sum3A_258 = vector.shape_cast %reduce_sum3A_257 : vector<1xi32> to vector<1x1x1xi32>
    %reduce_sum3A_259 = vector.extract %reduce_sum3A_258[0, 0, 0] : i32 from vector<1x1x1xi32>
    %ge3A_260 = arith.constant 5120 : i32
    %ge3A_261 = arith.cmpi sge, %reduce_sum3A_259, %ge3A_260 : i32
    %select_n3A_262 = arith.select %ge3A_261, %add3A_251, %select_n3A_249 : i32
    %add3A_263 = arith.constant 32768 : i32
    %add3A_264 = arith.addi %select_n3A_262, %add3A_263 : i32
    %ge3A_265 = vector.broadcast %add3A_264 : i32 to vector<80x128xi32>
    %ge3A_266 = arith.cmpi sge, %select_n3A_53, %ge3A_265 : vector<80x128xi32>
    %convert_element_type3A_267 = arith.extui %ge3A_266 : vector<80x128xi1> to vector<80x128xi32>
    %reduce_sum3A_268 = vector.shape_cast %convert_element_type3A_267 : vector<80x128xi32> to vector<1x80x128xi32>
    %reduce_sum3A_269 = arith.constant dense<0> : vector<1xi32>
    %reduce_sum3A_270 = vector.multi_reduction <add>, %reduce_sum3A_268, %reduce_sum3A_269 [1, 2] : vector<1x80x128xi32> to vector<1xi32>
    %reduce_sum3A_271 = vector.shape_cast %reduce_sum3A_270 : vector<1xi32> to vector<1x1x1xi32>
    %reduce_sum3A_272 = vector.extract %reduce_sum3A_271[0, 0, 0] : i32 from vector<1x1x1xi32>
    %ge3A_273 = arith.constant 5120 : i32
    %ge3A_274 = arith.cmpi sge, %reduce_sum3A_272, %ge3A_273 : i32
    %select_n3A_275 = arith.select %ge3A_274, %add3A_264, %select_n3A_262 : i32
    %add3A_276 = arith.constant 16384 : i32
    %add3A_277 = arith.addi %select_n3A_275, %add3A_276 : i32
    %ge3A_278 = vector.broadcast %add3A_277 : i32 to vector<80x128xi32>
    %ge3A_279 = arith.cmpi sge, %select_n3A_53, %ge3A_278 : vector<80x128xi32>
    %convert_element_type3A_280 = arith.extui %ge3A_279 : vector<80x128xi1> to vector<80x128xi32>
    %reduce_sum3A_281 = vector.shape_cast %convert_element_type3A_280 : vector<80x128xi32> to vector<1x80x128xi32>
    %reduce_sum3A_282 = arith.constant dense<0> : vector<1xi32>
    %reduce_sum3A_283 = vector.multi_reduction <add>, %reduce_sum3A_281, %reduce_sum3A_282 [1, 2] : vector<1x80x128xi32> to vector<1xi32>
    %reduce_sum3A_284 = vector.shape_cast %reduce_sum3A_283 : vector<1xi32> to vector<1x1x1xi32>
    %reduce_sum3A_285 = vector.extract %reduce_sum3A_284[0, 0, 0] : i32 from vector<1x1x1xi32>
    %ge3A_286 = arith.constant 5120 : i32
    %ge3A_287 = arith.cmpi sge, %reduce_sum3A_285, %ge3A_286 : i32
    %select_n3A_288 = arith.select %ge3A_287, %add3A_277, %select_n3A_275 : i32
    %add3A_289 = arith.constant 8192 : i32
    %add3A_290 = arith.addi %select_n3A_288, %add3A_289 : i32
    %ge3A_291 = vector.broadcast %add3A_290 : i32 to vector<80x128xi32>
    %ge3A_292 = arith.cmpi sge, %select_n3A_53, %ge3A_291 : vector<80x128xi32>
    %convert_element_type3A_293 = arith.extui %ge3A_292 : vector<80x128xi1> to vector<80x128xi32>
    %reduce_sum3A_294 = vector.shape_cast %convert_element_type3A_293 : vector<80x128xi32> to vector<1x80x128xi32>
    %reduce_sum3A_295 = arith.constant dense<0> : vector<1xi32>
    %reduce_sum3A_296 = vector.multi_reduction <add>, %reduce_sum3A_294, %reduce_sum3A_295 [1, 2] : vector<1x80x128xi32> to vector<1xi32>
    %reduce_sum3A_297 = vector.shape_cast %reduce_sum3A_296 : vector<1xi32> to vector<1x1x1xi32>
    %reduce_sum3A_298 = vector.extract %reduce_sum3A_297[0, 0, 0] : i32 from vector<1x1x1xi32>
    %ge3A_299 = arith.constant 5120 : i32
    %ge3A_300 = arith.cmpi sge, %reduce_sum3A_298, %ge3A_299 : i32
    %select_n3A_301 = arith.select %ge3A_300, %add3A_290, %select_n3A_288 : i32
    %add3A_302 = arith.constant 4096 : i32
    %add3A_303 = arith.addi %select_n3A_301, %add3A_302 : i32
    %ge3A_304 = vector.broadcast %add3A_303 : i32 to vector<80x128xi32>
    %ge3A_305 = arith.cmpi sge, %select_n3A_53, %ge3A_304 : vector<80x128xi32>
    %convert_element_type3A_306 = arith.extui %ge3A_305 : vector<80x128xi1> to vector<80x128xi32>
    %reduce_sum3A_307 = vector.shape_cast %convert_element_type3A_306 : vector<80x128xi32> to vector<1x80x128xi32>
    %reduce_sum3A_308 = arith.constant dense<0> : vector<1xi32>
    %reduce_sum3A_309 = vector.multi_reduction <add>, %reduce_sum3A_307, %reduce_sum3A_308 [1, 2] : vector<1x80x128xi32> to vector<1xi32>
    %reduce_sum3A_310 = vector.shape_cast %reduce_sum3A_309 : vector<1xi32> to vector<1x1x1xi32>
    %reduce_sum3A_311 = vector.extract %reduce_sum3A_310[0, 0, 0] : i32 from vector<1x1x1xi32>
    %ge3A_312 = arith.constant 5120 : i32
    %ge3A_313 = arith.cmpi sge, %reduce_sum3A_311, %ge3A_312 : i32
    %select_n3A_314 = arith.select %ge3A_313, %add3A_303, %select_n3A_301 : i32
    %add3A_315 = arith.constant 2048 : i32
    %add3A_316 = arith.addi %select_n3A_314, %add3A_315 : i32
    %ge3A_317 = vector.broadcast %add3A_316 : i32 to vector<80x128xi32>
    %ge3A_318 = arith.cmpi sge, %select_n3A_53, %ge3A_317 : vector<80x128xi32>
    %convert_element_type3A_319 = arith.extui %ge3A_318 : vector<80x128xi1> to vector<80x128xi32>
    %reduce_sum3A_320 = vector.shape_cast %convert_element_type3A_319 : vector<80x128xi32> to vector<1x80x128xi32>
    %reduce_sum3A_321 = arith.constant dense<0> : vector<1xi32>
    %reduce_sum3A_322 = vector.multi_reduction <add>, %reduce_sum3A_320, %reduce_sum3A_321 [1, 2] : vector<1x80x128xi32> to vector<1xi32>
    %reduce_sum3A_323 = vector.shape_cast %reduce_sum3A_322 : vector<1xi32> to vector<1x1x1xi32>
    %reduce_sum3A_324 = vector.extract %reduce_sum3A_323[0, 0, 0] : i32 from vector<1x1x1xi32>
    %ge3A_325 = arith.constant 5120 : i32
    %ge3A_326 = arith.cmpi sge, %reduce_sum3A_324, %ge3A_325 : i32
    %select_n3A_327 = arith.select %ge3A_326, %add3A_316, %select_n3A_314 : i32
    %add3A_328 = arith.constant 1024 : i32
    %add3A_329 = arith.addi %select_n3A_327, %add3A_328 : i32
    %ge3A_330 = vector.broadcast %add3A_329 : i32 to vector<80x128xi32>
    %ge3A_331 = arith.cmpi sge, %select_n3A_53, %ge3A_330 : vector<80x128xi32>
    %convert_element_type3A_332 = arith.extui %ge3A_331 : vector<80x128xi1> to vector<80x128xi32>
    %reduce_sum3A_333 = vector.shape_cast %convert_element_type3A_332 : vector<80x128xi32> to vector<1x80x128xi32>
    %reduce_sum3A_334 = arith.constant dense<0> : vector<1xi32>
    %reduce_sum3A_335 = vector.multi_reduction <add>, %reduce_sum3A_333, %reduce_sum3A_334 [1, 2] : vector<1x80x128xi32> to vector<1xi32>
    %reduce_sum3A_336 = vector.shape_cast %reduce_sum3A_335 : vector<1xi32> to vector<1x1x1xi32>
    %reduce_sum3A_337 = vector.extract %reduce_sum3A_336[0, 0, 0] : i32 from vector<1x1x1xi32>
    %ge3A_338 = arith.constant 5120 : i32
    %ge3A_339 = arith.cmpi sge, %reduce_sum3A_337, %ge3A_338 : i32
    %select_n3A_340 = arith.select %ge3A_339, %add3A_329, %select_n3A_327 : i32
    %add3A_341 = arith.constant 512 : i32
    %add3A_342 = arith.addi %select_n3A_340, %add3A_341 : i32
    %ge3A_343 = vector.broadcast %add3A_342 : i32 to vector<80x128xi32>
    %ge3A_344 = arith.cmpi sge, %select_n3A_53, %ge3A_343 : vector<80x128xi32>
    %convert_element_type3A_345 = arith.extui %ge3A_344 : vector<80x128xi1> to vector<80x128xi32>
    %reduce_sum3A_346 = vector.shape_cast %convert_element_type3A_345 : vector<80x128xi32> to vector<1x80x128xi32>
    %reduce_sum3A_347 = arith.constant dense<0> : vector<1xi32>
    %reduce_sum3A_348 = vector.multi_reduction <add>, %reduce_sum3A_346, %reduce_sum3A_347 [1, 2] : vector<1x80x128xi32> to vector<1xi32>
    %reduce_sum3A_349 = vector.shape_cast %reduce_sum3A_348 : vector<1xi32> to vector<1x1x1xi32>
    %reduce_sum3A_350 = vector.extract %reduce_sum3A_349[0, 0, 0] : i32 from vector<1x1x1xi32>
    %ge3A_351 = arith.constant 5120 : i32
    %ge3A_352 = arith.cmpi sge, %reduce_sum3A_350, %ge3A_351 : i32
    %select_n3A_353 = arith.select %ge3A_352, %add3A_342, %select_n3A_340 : i32
    %add3A_354 = arith.constant 256 : i32
    %add3A_355 = arith.addi %select_n3A_353, %add3A_354 : i32
    %ge3A_356 = vector.broadcast %add3A_355 : i32 to vector<80x128xi32>
    %ge3A_357 = arith.cmpi sge, %select_n3A_53, %ge3A_356 : vector<80x128xi32>
    %convert_element_type3A_358 = arith.extui %ge3A_357 : vector<80x128xi1> to vector<80x128xi32>
    %reduce_sum3A_359 = vector.shape_cast %convert_element_type3A_358 : vector<80x128xi32> to vector<1x80x128xi32>
    %reduce_sum3A_360 = arith.constant dense<0> : vector<1xi32>
    %reduce_sum3A_361 = vector.multi_reduction <add>, %reduce_sum3A_359, %reduce_sum3A_360 [1, 2] : vector<1x80x128xi32> to vector<1xi32>
    %reduce_sum3A_362 = vector.shape_cast %reduce_sum3A_361 : vector<1xi32> to vector<1x1x1xi32>
    %reduce_sum3A_363 = vector.extract %reduce_sum3A_362[0, 0, 0] : i32 from vector<1x1x1xi32>
    %ge3A_364 = arith.constant 5120 : i32
    %ge3A_365 = arith.cmpi sge, %reduce_sum3A_363, %ge3A_364 : i32
    %select_n3A_366 = arith.select %ge3A_365, %add3A_355, %select_n3A_353 : i32
    %add3A_367 = arith.constant 128 : i32
    %add3A_368 = arith.addi %select_n3A_366, %add3A_367 : i32
    %ge3A_369 = vector.broadcast %add3A_368 : i32 to vector<80x128xi32>
    %ge3A_370 = arith.cmpi sge, %select_n3A_53, %ge3A_369 : vector<80x128xi32>
    %convert_element_type3A_371 = arith.extui %ge3A_370 : vector<80x128xi1> to vector<80x128xi32>
    %reduce_sum3A_372 = vector.shape_cast %convert_element_type3A_371 : vector<80x128xi32> to vector<1x80x128xi32>
    %reduce_sum3A_373 = arith.constant dense<0> : vector<1xi32>
    %reduce_sum3A_374 = vector.multi_reduction <add>, %reduce_sum3A_372, %reduce_sum3A_373 [1, 2] : vector<1x80x128xi32> to vector<1xi32>
    %reduce_sum3A_375 = vector.shape_cast %reduce_sum3A_374 : vector<1xi32> to vector<1x1x1xi32>
    %reduce_sum3A_376 = vector.extract %reduce_sum3A_375[0, 0, 0] : i32 from vector<1x1x1xi32>
    %ge3A_377 = arith.constant 5120 : i32
    %ge3A_378 = arith.cmpi sge, %reduce_sum3A_376, %ge3A_377 : i32
    %select_n3A_379 = arith.select %ge3A_378, %add3A_368, %select_n3A_366 : i32
    %add3A_380 = arith.constant 64 : i32
    %add3A_381 = arith.addi %select_n3A_379, %add3A_380 : i32
    %ge3A_382 = vector.broadcast %add3A_381 : i32 to vector<80x128xi32>
    %ge3A_383 = arith.cmpi sge, %select_n3A_53, %ge3A_382 : vector<80x128xi32>
    %convert_element_type3A_384 = arith.extui %ge3A_383 : vector<80x128xi1> to vector<80x128xi32>
    %reduce_sum3A_385 = vector.shape_cast %convert_element_type3A_384 : vector<80x128xi32> to vector<1x80x128xi32>
    %reduce_sum3A_386 = arith.constant dense<0> : vector<1xi32>
    %reduce_sum3A_387 = vector.multi_reduction <add>, %reduce_sum3A_385, %reduce_sum3A_386 [1, 2] : vector<1x80x128xi32> to vector<1xi32>
    %reduce_sum3A_388 = vector.shape_cast %reduce_sum3A_387 : vector<1xi32> to vector<1x1x1xi32>
    %reduce_sum3A_389 = vector.extract %reduce_sum3A_388[0, 0, 0] : i32 from vector<1x1x1xi32>
    %ge3A_390 = arith.constant 5120 : i32
    %ge3A_391 = arith.cmpi sge, %reduce_sum3A_389, %ge3A_390 : i32
    %select_n3A_392 = arith.select %ge3A_391, %add3A_381, %select_n3A_379 : i32
    %add3A_393 = arith.constant 32 : i32
    %add3A_394 = arith.addi %select_n3A_392, %add3A_393 : i32
    %ge3A_395 = vector.broadcast %add3A_394 : i32 to vector<80x128xi32>
    %ge3A_396 = arith.cmpi sge, %select_n3A_53, %ge3A_395 : vector<80x128xi32>
    %convert_element_type3A_397 = arith.extui %ge3A_396 : vector<80x128xi1> to vector<80x128xi32>
    %reduce_sum3A_398 = vector.shape_cast %convert_element_type3A_397 : vector<80x128xi32> to vector<1x80x128xi32>
    %reduce_sum3A_399 = arith.constant dense<0> : vector<1xi32>
    %reduce_sum3A_400 = vector.multi_reduction <add>, %reduce_sum3A_398, %reduce_sum3A_399 [1, 2] : vector<1x80x128xi32> to vector<1xi32>
    %reduce_sum3A_401 = vector.shape_cast %reduce_sum3A_400 : vector<1xi32> to vector<1x1x1xi32>
    %reduce_sum3A_402 = vector.extract %reduce_sum3A_401[0, 0, 0] : i32 from vector<1x1x1xi32>
    %ge3A_403 = arith.constant 5120 : i32
    %ge3A_404 = arith.cmpi sge, %reduce_sum3A_402, %ge3A_403 : i32
    %select_n3A_405 = arith.select %ge3A_404, %add3A_394, %select_n3A_392 : i32
    %add3A_406 = arith.constant 16 : i32
    %add3A_407 = arith.addi %select_n3A_405, %add3A_406 : i32
    %ge3A_408 = vector.broadcast %add3A_407 : i32 to vector<80x128xi32>
    %ge3A_409 = arith.cmpi sge, %select_n3A_53, %ge3A_408 : vector<80x128xi32>
    %convert_element_type3A_410 = arith.extui %ge3A_409 : vector<80x128xi1> to vector<80x128xi32>
    %reduce_sum3A_411 = vector.shape_cast %convert_element_type3A_410 : vector<80x128xi32> to vector<1x80x128xi32>
    %reduce_sum3A_412 = arith.constant dense<0> : vector<1xi32>
    %reduce_sum3A_413 = vector.multi_reduction <add>, %reduce_sum3A_411, %reduce_sum3A_412 [1, 2] : vector<1x80x128xi32> to vector<1xi32>
    %reduce_sum3A_414 = vector.shape_cast %reduce_sum3A_413 : vector<1xi32> to vector<1x1x1xi32>
    %reduce_sum3A_415 = vector.extract %reduce_sum3A_414[0, 0, 0] : i32 from vector<1x1x1xi32>
    %ge3A_416 = arith.constant 5120 : i32
    %ge3A_417 = arith.cmpi sge, %reduce_sum3A_415, %ge3A_416 : i32
    %select_n3A_418 = arith.select %ge3A_417, %add3A_407, %select_n3A_405 : i32
    %add3A_419 = arith.constant 8 : i32
    %add3A_420 = arith.addi %select_n3A_418, %add3A_419 : i32
    %ge3A_421 = vector.broadcast %add3A_420 : i32 to vector<80x128xi32>
    %ge3A_422 = arith.cmpi sge, %select_n3A_53, %ge3A_421 : vector<80x128xi32>
    %convert_element_type3A_423 = arith.extui %ge3A_422 : vector<80x128xi1> to vector<80x128xi32>
    %reduce_sum3A_424 = vector.shape_cast %convert_element_type3A_423 : vector<80x128xi32> to vector<1x80x128xi32>
    %reduce_sum3A_425 = arith.constant dense<0> : vector<1xi32>
    %reduce_sum3A_426 = vector.multi_reduction <add>, %reduce_sum3A_424, %reduce_sum3A_425 [1, 2] : vector<1x80x128xi32> to vector<1xi32>
    %reduce_sum3A_427 = vector.shape_cast %reduce_sum3A_426 : vector<1xi32> to vector<1x1x1xi32>
    %reduce_sum3A_428 = vector.extract %reduce_sum3A_427[0, 0, 0] : i32 from vector<1x1x1xi32>
    %ge3A_429 = arith.constant 5120 : i32
    %ge3A_430 = arith.cmpi sge, %reduce_sum3A_428, %ge3A_429 : i32
    %select_n3A_431 = arith.select %ge3A_430, %add3A_420, %select_n3A_418 : i32
    %add3A_432 = arith.constant 4 : i32
    %add3A_433 = arith.addi %select_n3A_431, %add3A_432 : i32
    %ge3A_434 = vector.broadcast %add3A_433 : i32 to vector<80x128xi32>
    %ge3A_435 = arith.cmpi sge, %select_n3A_53, %ge3A_434 : vector<80x128xi32>
    %convert_element_type3A_436 = arith.extui %ge3A_435 : vector<80x128xi1> to vector<80x128xi32>
    %reduce_sum3A_437 = vector.shape_cast %convert_element_type3A_436 : vector<80x128xi32> to vector<1x80x128xi32>
    %reduce_sum3A_438 = arith.constant dense<0> : vector<1xi32>
    %reduce_sum3A_439 = vector.multi_reduction <add>, %reduce_sum3A_437, %reduce_sum3A_438 [1, 2] : vector<1x80x128xi32> to vector<1xi32>
    %reduce_sum3A_440 = vector.shape_cast %reduce_sum3A_439 : vector<1xi32> to vector<1x1x1xi32>
    %reduce_sum3A_441 = vector.extract %reduce_sum3A_440[0, 0, 0] : i32 from vector<1x1x1xi32>
    %ge3A_442 = arith.constant 5120 : i32
    %ge3A_443 = arith.cmpi sge, %reduce_sum3A_441, %ge3A_442 : i32
    %select_n3A_444 = arith.select %ge3A_443, %add3A_433, %select_n3A_431 : i32
    %add3A_445 = arith.constant 2 : i32
    %add3A_446 = arith.addi %select_n3A_444, %add3A_445 : i32
    %ge3A_447 = vector.broadcast %add3A_446 : i32 to vector<80x128xi32>
    %ge3A_448 = arith.cmpi sge, %select_n3A_53, %ge3A_447 : vector<80x128xi32>
    %convert_element_type3A_449 = arith.extui %ge3A_448 : vector<80x128xi1> to vector<80x128xi32>
    %reduce_sum3A_450 = vector.shape_cast %convert_element_type3A_449 : vector<80x128xi32> to vector<1x80x128xi32>
    %reduce_sum3A_451 = arith.constant dense<0> : vector<1xi32>
    %reduce_sum3A_452 = vector.multi_reduction <add>, %reduce_sum3A_450, %reduce_sum3A_451 [1, 2] : vector<1x80x128xi32> to vector<1xi32>
    %reduce_sum3A_453 = vector.shape_cast %reduce_sum3A_452 : vector<1xi32> to vector<1x1x1xi32>
    %reduce_sum3A_454 = vector.extract %reduce_sum3A_453[0, 0, 0] : i32 from vector<1x1x1xi32>
    %ge3A_455 = arith.constant 5120 : i32
    %ge3A_456 = arith.cmpi sge, %reduce_sum3A_454, %ge3A_455 : i32
    %select_n3A_457 = arith.select %ge3A_456, %add3A_446, %select_n3A_444 : i32
    %add3A_458 = arith.constant 1 : i32
    %add3A_459 = arith.addi %select_n3A_457, %add3A_458 : i32
    %ge3A_460 = vector.broadcast %add3A_459 : i32 to vector<80x128xi32>
    %ge3A_461 = arith.cmpi sge, %select_n3A_53, %ge3A_460 : vector<80x128xi32>
    %convert_element_type3A_462 = arith.extui %ge3A_461 : vector<80x128xi1> to vector<80x128xi32>
    %reduce_sum3A_463 = vector.shape_cast %convert_element_type3A_462 : vector<80x128xi32> to vector<1x80x128xi32>
    %reduce_sum3A_464 = arith.constant dense<0> : vector<1xi32>
    %reduce_sum3A_465 = vector.multi_reduction <add>, %reduce_sum3A_463, %reduce_sum3A_464 [1, 2] : vector<1x80x128xi32> to vector<1xi32>
    %reduce_sum3A_466 = vector.shape_cast %reduce_sum3A_465 : vector<1xi32> to vector<1x1x1xi32>
    %reduce_sum3A_467 = vector.extract %reduce_sum3A_466[0, 0, 0] : i32 from vector<1x1x1xi32>
    %ge3A_468 = arith.constant 5120 : i32
    %ge3A_469 = arith.cmpi sge, %reduce_sum3A_467, %ge3A_468 : i32
    %select_n3A_470 = arith.select %ge3A_469, %add3A_459, %select_n3A_457 : i32
    %gt3A = vector.broadcast %select_n3A_470 : i32 to vector<80x128xi32>
    %gt3A_471 = arith.cmpi sgt, %select_n3A_53, %gt3A : vector<80x128xi32>
    %eq3A = vector.broadcast %select_n3A_470 : i32 to vector<80x128xi32>
    %eq3A_472 = arith.cmpi eq, %select_n3A_53, %eq3A : vector<80x128xi32>
    %convert_element_type3A_473 = arith.extui %gt3A_471 : vector<80x128xi1> to vector<80x128xi32>
    %reduce_sum3A_474 = vector.shape_cast %convert_element_type3A_473 : vector<80x128xi32> to vector<1x80x128xi32>
    %reduce_sum3A_475 = arith.constant dense<0> : vector<1xi32>
    %reduce_sum3A_476 = vector.multi_reduction <add>, %reduce_sum3A_474, %reduce_sum3A_475 [1, 2] : vector<1x80x128xi32> to vector<1xi32>
    %reduce_sum3A_477 = vector.shape_cast %reduce_sum3A_476 : vector<1xi32> to vector<1x1x1xi32>
    %reduce_sum3A_478 = vector.extract %reduce_sum3A_477[0, 0, 0] : i32 from vector<1x1x1xi32>
    %sub3A = arith.constant 5120 : i32
    %sub3A_479 = arith.subi %sub3A, %reduce_sum3A_478 : i32
    %convert_element_type3A_480 = arith.sitofp %sub3A_479 : i32 to f32
    %convert_element_type3A_481 = arith.extui %eq3A_472 : vector<80x128xi1> to vector<80x128xi32>
    %convert_element_type3A_482 = arith.sitofp %convert_element_type3A_481 : vector<80x128xi32> to vector<80x128xf32>
    %iota3A_483 = tpu.iota {dimensions = array<i32: 0>} : vector<128x128xi32>
    %iota3A_484 = tpu.iota {dimensions = array<i32: 1>} : vector<128x128xi32>
    %le3A = arith.cmpi sle, %iota3A_483, %iota3A_484 : vector<128x128xi32>
    %convert_element_type3A_485 = arith.extui %le3A : vector<128x128xi1> to vector<128x128xi32>
    %convert_element_type3A_486 = arith.sitofp %convert_element_type3A_485 : vector<128x128xi32> to vector<128x128xf32>
    %dot_general3A = arith.constant dense<0.000000e+00> : vector<80x128xf32>
    %dot_general3A_487 = tpu.matmul %convert_element_type3A_482, %convert_element_type3A_486, %dot_general3A {dimension_numbers = #tpu.dot_dimension_numbers<[1], [0], [0], [1], [0, 0, 1, 1], [], []>, transpose_lhs_hint = false} : vector<80x128xf32>, vector<128x128xf32>, vector<80x128xf32> -> vector<80x128xf32>
    %iota3A_488 = tpu.iota {dimensions = array<i32: 1>} : vector<80x80xi32>
    %iota3A_489 = tpu.iota {dimensions = array<i32: 0>} : vector<80x80xi32>
    %lt3A_490 = arith.cmpi slt, %iota3A_488, %iota3A_489 : vector<80x80xi32>
    %convert_element_type3A_491 = arith.extui %lt3A_490 : vector<80x80xi1> to vector<80x80xi32>
    %convert_element_type3A_492 = arith.sitofp %convert_element_type3A_491 : vector<80x80xi32> to vector<80x80xf32>
    %reduce_sum3A_493 = arith.constant dense<0.000000e+00> : vector<80xf32>
    %reduce_sum3A_494 = vector.multi_reduction <add>, %convert_element_type3A_482, %reduce_sum3A_493 [1] : vector<80x128xf32> to vector<80xf32>
    %broadcast_in_dim3A_495 = vector.shape_cast %reduce_sum3A_494 : vector<80xf32> to vector<80x1xf32>
    %dot_general3A_496 = arith.constant dense<0.000000e+00> : vector<80x1xf32>
    %dot_general3A_497 = tpu.matmul %convert_element_type3A_492, %broadcast_in_dim3A_495, %dot_general3A_496 {dimension_numbers = #tpu.dot_dimension_numbers<[1], [0], [0], [1], [0, 0, 1, 1], [], []>, transpose_lhs_hint = false} : vector<80x80xf32>, vector<80x1xf32>, vector<80x1xf32> -> vector<80x1xf32>
    %add3A_498 = vector.broadcast %dot_general3A_497 : vector<80x1xf32> to vector<80x128xf32>
    %add3A_499 = arith.addf %dot_general3A_487, %add3A_498 : vector<80x128xf32>
    %sub3A_500 = arith.subf %add3A_499, %convert_element_type3A_482 : vector<80x128xf32>
    %lt3A_501 = vector.broadcast %convert_element_type3A_480 : f32 to vector<80x128xf32>
    %lt3A_502 = arith.cmpf olt, %sub3A_500, %lt3A_501 : vector<80x128xf32>
    %and3A = arith.andi %eq3A_472, %lt3A_502 : vector<80x128xi1>
    %or3A = arith.ori %gt3A_471, %and3A : vector<80x128xi1>
    %convert_element_type3A_503 = arith.extui %or3A : vector<80x128xi1> to vector<80x128xi32>
    %convert_element_type3A_504 = arith.sitofp %convert_element_type3A_503 : vector<80x128xi32> to vector<80x128xf32>
    %bitcast_convert_type3A_505 = tpu.bitcast %select_n3A_47 : vector<80x128xf32> -> vector<80x128xi32>
    %ge3A_506 = arith.constant 0 : i32
    %ge3A_507 = vector.broadcast %ge3A_506 : i32 to vector<80x128xi32>
    %ge3A_508 = arith.cmpi sge, %bitcast_convert_type3A_505, %ge3A_507 : vector<80x128xi32>
    %not3A_509 = arith.constant dense<-1> : vector<80x128xi32>
    %not3A_510 = arith.xori %bitcast_convert_type3A_505, %not3A_509 : vector<80x128xi32>
    %xor3A_511 = arith.constant -2147483648 : i32
    %xor3A_512 = vector.broadcast %xor3A_511 : i32 to vector<80x128xi32>
    %xor3A_513 = arith.xori %not3A_510, %xor3A_512 : vector<80x128xi32>
    %select_n3A_514 = arith.select %ge3A_508, %bitcast_convert_type3A_505, %xor3A_513 : vector<80x128xi1>, vector<80x128xi32>
    %add3A_515 = arith.constant -2147483648 : i32
    %add3A_516 = arith.constant -2147483648 : i32
    %add3A_517 = arith.addi %add3A_515, %add3A_516 : i32
    %ge3A_518 = vector.broadcast %add3A_517 : i32 to vector<80x128xi32>
    %ge3A_519 = arith.cmpi sge, %select_n3A_514, %ge3A_518 : vector<80x128xi32>
    %convert_element_type3A_520 = arith.extui %ge3A_519 : vector<80x128xi1> to vector<80x128xi32>
    %reduce_sum3A_521 = vector.shape_cast %convert_element_type3A_520 : vector<80x128xi32> to vector<1x80x128xi32>
    %reduce_sum3A_522 = arith.constant dense<0> : vector<1xi32>
    %reduce_sum3A_523 = vector.multi_reduction <add>, %reduce_sum3A_521, %reduce_sum3A_522 [1, 2] : vector<1x80x128xi32> to vector<1xi32>
    %reduce_sum3A_524 = vector.shape_cast %reduce_sum3A_523 : vector<1xi32> to vector<1x1x1xi32>
    %reduce_sum3A_525 = vector.extract %reduce_sum3A_524[0, 0, 0] : i32 from vector<1x1x1xi32>
    %ge3A_526 = arith.constant 5120 : i32
    %ge3A_527 = arith.cmpi sge, %reduce_sum3A_525, %ge3A_526 : i32
    %jit3A_528 = arith.constant -2147483648 : i32
    %select_n3A_529 = arith.select %ge3A_527, %add3A_517, %jit3A_528 : i32
    %add3A_530 = arith.constant 1073741824 : i32
    %add3A_531 = arith.addi %select_n3A_529, %add3A_530 : i32
    %ge3A_532 = vector.broadcast %add3A_531 : i32 to vector<80x128xi32>
    %ge3A_533 = arith.cmpi sge, %select_n3A_514, %ge3A_532 : vector<80x128xi32>
    %convert_element_type3A_534 = arith.extui %ge3A_533 : vector<80x128xi1> to vector<80x128xi32>
    %reduce_sum3A_535 = vector.shape_cast %convert_element_type3A_534 : vector<80x128xi32> to vector<1x80x128xi32>
    %reduce_sum3A_536 = arith.constant dense<0> : vector<1xi32>
    %reduce_sum3A_537 = vector.multi_reduction <add>, %reduce_sum3A_535, %reduce_sum3A_536 [1, 2] : vector<1x80x128xi32> to vector<1xi32>
    %reduce_sum3A_538 = vector.shape_cast %reduce_sum3A_537 : vector<1xi32> to vector<1x1x1xi32>
    %reduce_sum3A_539 = vector.extract %reduce_sum3A_538[0, 0, 0] : i32 from vector<1x1x1xi32>
    %ge3A_540 = arith.constant 5120 : i32
    %ge3A_541 = arith.cmpi sge, %reduce_sum3A_539, %ge3A_540 : i32
    %select_n3A_542 = arith.select %ge3A_541, %add3A_531, %select_n3A_529 : i32
    %add3A_543 = arith.constant 536870912 : i32
    %add3A_544 = arith.addi %select_n3A_542, %add3A_543 : i32
    %ge3A_545 = vector.broadcast %add3A_544 : i32 to vector<80x128xi32>
    %ge3A_546 = arith.cmpi sge, %select_n3A_514, %ge3A_545 : vector<80x128xi32>
    %convert_element_type3A_547 = arith.extui %ge3A_546 : vector<80x128xi1> to vector<80x128xi32>
    %reduce_sum3A_548 = vector.shape_cast %convert_element_type3A_547 : vector<80x128xi32> to vector<1x80x128xi32>
    %reduce_sum3A_549 = arith.constant dense<0> : vector<1xi32>
    %reduce_sum3A_550 = vector.multi_reduction <add>, %reduce_sum3A_548, %reduce_sum3A_549 [1, 2] : vector<1x80x128xi32> to vector<1xi32>
    %reduce_sum3A_551 = vector.shape_cast %reduce_sum3A_550 : vector<1xi32> to vector<1x1x1xi32>
    %reduce_sum3A_552 = vector.extract %reduce_sum3A_551[0, 0, 0] : i32 from vector<1x1x1xi32>
    %ge3A_553 = arith.constant 5120 : i32
    %ge3A_554 = arith.cmpi sge, %reduce_sum3A_552, %ge3A_553 : i32
    %select_n3A_555 = arith.select %ge3A_554, %add3A_544, %select_n3A_542 : i32
    %add3A_556 = arith.constant 268435456 : i32
    %add3A_557 = arith.addi %select_n3A_555, %add3A_556 : i32
    %ge3A_558 = vector.broadcast %add3A_557 : i32 to vector<80x128xi32>
    %ge3A_559 = arith.cmpi sge, %select_n3A_514, %ge3A_558 : vector<80x128xi32>
    %convert_element_type3A_560 = arith.extui %ge3A_559 : vector<80x128xi1> to vector<80x128xi32>
    %reduce_sum3A_561 = vector.shape_cast %convert_element_type3A_560 : vector<80x128xi32> to vector<1x80x128xi32>
    %reduce_sum3A_562 = arith.constant dense<0> : vector<1xi32>
    %reduce_sum3A_563 = vector.multi_reduction <add>, %reduce_sum3A_561, %reduce_sum3A_562 [1, 2] : vector<1x80x128xi32> to vector<1xi32>
    %reduce_sum3A_564 = vector.shape_cast %reduce_sum3A_563 : vector<1xi32> to vector<1x1x1xi32>
    %reduce_sum3A_565 = vector.extract %reduce_sum3A_564[0, 0, 0] : i32 from vector<1x1x1xi32>
    %ge3A_566 = arith.constant 5120 : i32
    %ge3A_567 = arith.cmpi sge, %reduce_sum3A_565, %ge3A_566 : i32
    %select_n3A_568 = arith.select %ge3A_567, %add3A_557, %select_n3A_555 : i32
    %add3A_569 = arith.constant 134217728 : i32
    %add3A_570 = arith.addi %select_n3A_568, %add3A_569 : i32
    %ge3A_571 = vector.broadcast %add3A_570 : i32 to vector<80x128xi32>
    %ge3A_572 = arith.cmpi sge, %select_n3A_514, %ge3A_571 : vector<80x128xi32>
    %convert_element_type3A_573 = arith.extui %ge3A_572 : vector<80x128xi1> to vector<80x128xi32>
    %reduce_sum3A_574 = vector.shape_cast %convert_element_type3A_573 : vector<80x128xi32> to vector<1x80x128xi32>
    %reduce_sum3A_575 = arith.constant dense<0> : vector<1xi32>
    %reduce_sum3A_576 = vector.multi_reduction <add>, %reduce_sum3A_574, %reduce_sum3A_575 [1, 2] : vector<1x80x128xi32> to vector<1xi32>
    %reduce_sum3A_577 = vector.shape_cast %reduce_sum3A_576 : vector<1xi32> to vector<1x1x1xi32>
    %reduce_sum3A_578 = vector.extract %reduce_sum3A_577[0, 0, 0] : i32 from vector<1x1x1xi32>
    %ge3A_579 = arith.constant 5120 : i32
    %ge3A_580 = arith.cmpi sge, %reduce_sum3A_578, %ge3A_579 : i32
    %select_n3A_581 = arith.select %ge3A_580, %add3A_570, %select_n3A_568 : i32
    %add3A_582 = arith.constant 67108864 : i32
    %add3A_583 = arith.addi %select_n3A_581, %add3A_582 : i32
    %ge3A_584 = vector.broadcast %add3A_583 : i32 to vector<80x128xi32>
    %ge3A_585 = arith.cmpi sge, %select_n3A_514, %ge3A_584 : vector<80x128xi32>
    %convert_element_type3A_586 = arith.extui %ge3A_585 : vector<80x128xi1> to vector<80x128xi32>
    %reduce_sum3A_587 = vector.shape_cast %convert_element_type3A_586 : vector<80x128xi32> to vector<1x80x128xi32>
    %reduce_sum3A_588 = arith.constant dense<0> : vector<1xi32>
    %reduce_sum3A_589 = vector.multi_reduction <add>, %reduce_sum3A_587, %reduce_sum3A_588 [1, 2] : vector<1x80x128xi32> to vector<1xi32>
    %reduce_sum3A_590 = vector.shape_cast %reduce_sum3A_589 : vector<1xi32> to vector<1x1x1xi32>
    %reduce_sum3A_591 = vector.extract %reduce_sum3A_590[0, 0, 0] : i32 from vector<1x1x1xi32>
    %ge3A_592 = arith.constant 5120 : i32
    %ge3A_593 = arith.cmpi sge, %reduce_sum3A_591, %ge3A_592 : i32
    %select_n3A_594 = arith.select %ge3A_593, %add3A_583, %select_n3A_581 : i32
    %add3A_595 = arith.constant 33554432 : i32
    %add3A_596 = arith.addi %select_n3A_594, %add3A_595 : i32
    %ge3A_597 = vector.broadcast %add3A_596 : i32 to vector<80x128xi32>
    %ge3A_598 = arith.cmpi sge, %select_n3A_514, %ge3A_597 : vector<80x128xi32>
    %convert_element_type3A_599 = arith.extui %ge3A_598 : vector<80x128xi1> to vector<80x128xi32>
    %reduce_sum3A_600 = vector.shape_cast %convert_element_type3A_599 : vector<80x128xi32> to vector<1x80x128xi32>
    %reduce_sum3A_601 = arith.constant dense<0> : vector<1xi32>
    %reduce_sum3A_602 = vector.multi_reduction <add>, %reduce_sum3A_600, %reduce_sum3A_601 [1, 2] : vector<1x80x128xi32> to vector<1xi32>
    %reduce_sum3A_603 = vector.shape_cast %reduce_sum3A_602 : vector<1xi32> to vector<1x1x1xi32>
    %reduce_sum3A_604 = vector.extract %reduce_sum3A_603[0, 0, 0] : i32 from vector<1x1x1xi32>
    %ge3A_605 = arith.constant 5120 : i32
    %ge3A_606 = arith.cmpi sge, %reduce_sum3A_604, %ge3A_605 : i32
    %select_n3A_607 = arith.select %ge3A_606, %add3A_596, %select_n3A_594 : i32
    %add3A_608 = arith.constant 16777216 : i32
    %add3A_609 = arith.addi %select_n3A_607, %add3A_608 : i32
    %ge3A_610 = vector.broadcast %add3A_609 : i32 to vector<80x128xi32>
    %ge3A_611 = arith.cmpi sge, %select_n3A_514, %ge3A_610 : vector<80x128xi32>
    %convert_element_type3A_612 = arith.extui %ge3A_611 : vector<80x128xi1> to vector<80x128xi32>
    %reduce_sum3A_613 = vector.shape_cast %convert_element_type3A_612 : vector<80x128xi32> to vector<1x80x128xi32>
    %reduce_sum3A_614 = arith.constant dense<0> : vector<1xi32>
    %reduce_sum3A_615 = vector.multi_reduction <add>, %reduce_sum3A_613, %reduce_sum3A_614 [1, 2] : vector<1x80x128xi32> to vector<1xi32>
    %reduce_sum3A_616 = vector.shape_cast %reduce_sum3A_615 : vector<1xi32> to vector<1x1x1xi32>
    %reduce_sum3A_617 = vector.extract %reduce_sum3A_616[0, 0, 0] : i32 from vector<1x1x1xi32>
    %ge3A_618 = arith.constant 5120 : i32
    %ge3A_619 = arith.cmpi sge, %reduce_sum3A_617, %ge3A_618 : i32
    %select_n3A_620 = arith.select %ge3A_619, %add3A_609, %select_n3A_607 : i32
    %add3A_621 = arith.constant 8388608 : i32
    %add3A_622 = arith.addi %select_n3A_620, %add3A_621 : i32
    %ge3A_623 = vector.broadcast %add3A_622 : i32 to vector<80x128xi32>
    %ge3A_624 = arith.cmpi sge, %select_n3A_514, %ge3A_623 : vector<80x128xi32>
    %convert_element_type3A_625 = arith.extui %ge3A_624 : vector<80x128xi1> to vector<80x128xi32>
    %reduce_sum3A_626 = vector.shape_cast %convert_element_type3A_625 : vector<80x128xi32> to vector<1x80x128xi32>
    %reduce_sum3A_627 = arith.constant dense<0> : vector<1xi32>
    %reduce_sum3A_628 = vector.multi_reduction <add>, %reduce_sum3A_626, %reduce_sum3A_627 [1, 2] : vector<1x80x128xi32> to vector<1xi32>
    %reduce_sum3A_629 = vector.shape_cast %reduce_sum3A_628 : vector<1xi32> to vector<1x1x1xi32>
    %reduce_sum3A_630 = vector.extract %reduce_sum3A_629[0, 0, 0] : i32 from vector<1x1x1xi32>
    %ge3A_631 = arith.constant 5120 : i32
    %ge3A_632 = arith.cmpi sge, %reduce_sum3A_630, %ge3A_631 : i32
    %select_n3A_633 = arith.select %ge3A_632, %add3A_622, %select_n3A_620 : i32
    %add3A_634 = arith.constant 4194304 : i32
    %add3A_635 = arith.addi %select_n3A_633, %add3A_634 : i32
    %ge3A_636 = vector.broadcast %add3A_635 : i32 to vector<80x128xi32>
    %ge3A_637 = arith.cmpi sge, %select_n3A_514, %ge3A_636 : vector<80x128xi32>
    %convert_element_type3A_638 = arith.extui %ge3A_637 : vector<80x128xi1> to vector<80x128xi32>
    %reduce_sum3A_639 = vector.shape_cast %convert_element_type3A_638 : vector<80x128xi32> to vector<1x80x128xi32>
    %reduce_sum3A_640 = arith.constant dense<0> : vector<1xi32>
    %reduce_sum3A_641 = vector.multi_reduction <add>, %reduce_sum3A_639, %reduce_sum3A_640 [1, 2] : vector<1x80x128xi32> to vector<1xi32>
    %reduce_sum3A_642 = vector.shape_cast %reduce_sum3A_641 : vector<1xi32> to vector<1x1x1xi32>
    %reduce_sum3A_643 = vector.extract %reduce_sum3A_642[0, 0, 0] : i32 from vector<1x1x1xi32>
    %ge3A_644 = arith.constant 5120 : i32
    %ge3A_645 = arith.cmpi sge, %reduce_sum3A_643, %ge3A_644 : i32
    %select_n3A_646 = arith.select %ge3A_645, %add3A_635, %select_n3A_633 : i32
    %add3A_647 = arith.constant 2097152 : i32
    %add3A_648 = arith.addi %select_n3A_646, %add3A_647 : i32
    %ge3A_649 = vector.broadcast %add3A_648 : i32 to vector<80x128xi32>
    %ge3A_650 = arith.cmpi sge, %select_n3A_514, %ge3A_649 : vector<80x128xi32>
    %convert_element_type3A_651 = arith.extui %ge3A_650 : vector<80x128xi1> to vector<80x128xi32>
    %reduce_sum3A_652 = vector.shape_cast %convert_element_type3A_651 : vector<80x128xi32> to vector<1x80x128xi32>
    %reduce_sum3A_653 = arith.constant dense<0> : vector<1xi32>
    %reduce_sum3A_654 = vector.multi_reduction <add>, %reduce_sum3A_652, %reduce_sum3A_653 [1, 2] : vector<1x80x128xi32> to vector<1xi32>
    %reduce_sum3A_655 = vector.shape_cast %reduce_sum3A_654 : vector<1xi32> to vector<1x1x1xi32>
    %reduce_sum3A_656 = vector.extract %reduce_sum3A_655[0, 0, 0] : i32 from vector<1x1x1xi32>
    %ge3A_657 = arith.constant 5120 : i32
    %ge3A_658 = arith.cmpi sge, %reduce_sum3A_656, %ge3A_657 : i32
    %select_n3A_659 = arith.select %ge3A_658, %add3A_648, %select_n3A_646 : i32
    %add3A_660 = arith.constant 1048576 : i32
    %add3A_661 = arith.addi %select_n3A_659, %add3A_660 : i32
    %ge3A_662 = vector.broadcast %add3A_661 : i32 to vector<80x128xi32>
    %ge3A_663 = arith.cmpi sge, %select_n3A_514, %ge3A_662 : vector<80x128xi32>
    %convert_element_type3A_664 = arith.extui %ge3A_663 : vector<80x128xi1> to vector<80x128xi32>
    %reduce_sum3A_665 = vector.shape_cast %convert_element_type3A_664 : vector<80x128xi32> to vector<1x80x128xi32>
    %reduce_sum3A_666 = arith.constant dense<0> : vector<1xi32>
    %reduce_sum3A_667 = vector.multi_reduction <add>, %reduce_sum3A_665, %reduce_sum3A_666 [1, 2] : vector<1x80x128xi32> to vector<1xi32>
    %reduce_sum3A_668 = vector.shape_cast %reduce_sum3A_667 : vector<1xi32> to vector<1x1x1xi32>
    %reduce_sum3A_669 = vector.extract %reduce_sum3A_668[0, 0, 0] : i32 from vector<1x1x1xi32>
    %ge3A_670 = arith.constant 5120 : i32
    %ge3A_671 = arith.cmpi sge, %reduce_sum3A_669, %ge3A_670 : i32
    %select_n3A_672 = arith.select %ge3A_671, %add3A_661, %select_n3A_659 : i32
    %add3A_673 = arith.constant 524288 : i32
    %add3A_674 = arith.addi %select_n3A_672, %add3A_673 : i32
    %ge3A_675 = vector.broadcast %add3A_674 : i32 to vector<80x128xi32>
    %ge3A_676 = arith.cmpi sge, %select_n3A_514, %ge3A_675 : vector<80x128xi32>
    %convert_element_type3A_677 = arith.extui %ge3A_676 : vector<80x128xi1> to vector<80x128xi32>
    %reduce_sum3A_678 = vector.shape_cast %convert_element_type3A_677 : vector<80x128xi32> to vector<1x80x128xi32>
    %reduce_sum3A_679 = arith.constant dense<0> : vector<1xi32>
    %reduce_sum3A_680 = vector.multi_reduction <add>, %reduce_sum3A_678, %reduce_sum3A_679 [1, 2] : vector<1x80x128xi32> to vector<1xi32>
    %reduce_sum3A_681 = vector.shape_cast %reduce_sum3A_680 : vector<1xi32> to vector<1x1x1xi32>
    %reduce_sum3A_682 = vector.extract %reduce_sum3A_681[0, 0, 0] : i32 from vector<1x1x1xi32>
    %ge3A_683 = arith.constant 5120 : i32
    %ge3A_684 = arith.cmpi sge, %reduce_sum3A_682, %ge3A_683 : i32
    %select_n3A_685 = arith.select %ge3A_684, %add3A_674, %select_n3A_672 : i32
    %add3A_686 = arith.constant 262144 : i32
    %add3A_687 = arith.addi %select_n3A_685, %add3A_686 : i32
    %ge3A_688 = vector.broadcast %add3A_687 : i32 to vector<80x128xi32>
    %ge3A_689 = arith.cmpi sge, %select_n3A_514, %ge3A_688 : vector<80x128xi32>
    %convert_element_type3A_690 = arith.extui %ge3A_689 : vector<80x128xi1> to vector<80x128xi32>
    %reduce_sum3A_691 = vector.shape_cast %convert_element_type3A_690 : vector<80x128xi32> to vector<1x80x128xi32>
    %reduce_sum3A_692 = arith.constant dense<0> : vector<1xi32>
    %reduce_sum3A_693 = vector.multi_reduction <add>, %reduce_sum3A_691, %reduce_sum3A_692 [1, 2] : vector<1x80x128xi32> to vector<1xi32>
    %reduce_sum3A_694 = vector.shape_cast %reduce_sum3A_693 : vector<1xi32> to vector<1x1x1xi32>
    %reduce_sum3A_695 = vector.extract %reduce_sum3A_694[0, 0, 0] : i32 from vector<1x1x1xi32>
    %ge3A_696 = arith.constant 5120 : i32
    %ge3A_697 = arith.cmpi sge, %reduce_sum3A_695, %ge3A_696 : i32
    %select_n3A_698 = arith.select %ge3A_697, %add3A_687, %select_n3A_685 : i32
    %add3A_699 = arith.constant 131072 : i32
    %add3A_700 = arith.addi %select_n3A_698, %add3A_699 : i32
    %ge3A_701 = vector.broadcast %add3A_700 : i32 to vector<80x128xi32>
    %ge3A_702 = arith.cmpi sge, %select_n3A_514, %ge3A_701 : vector<80x128xi32>
    %convert_element_type3A_703 = arith.extui %ge3A_702 : vector<80x128xi1> to vector<80x128xi32>
    %reduce_sum3A_704 = vector.shape_cast %convert_element_type3A_703 : vector<80x128xi32> to vector<1x80x128xi32>
    %reduce_sum3A_705 = arith.constant dense<0> : vector<1xi32>
    %reduce_sum3A_706 = vector.multi_reduction <add>, %reduce_sum3A_704, %reduce_sum3A_705 [1, 2] : vector<1x80x128xi32> to vector<1xi32>
    %reduce_sum3A_707 = vector.shape_cast %reduce_sum3A_706 : vector<1xi32> to vector<1x1x1xi32>
    %reduce_sum3A_708 = vector.extract %reduce_sum3A_707[0, 0, 0] : i32 from vector<1x1x1xi32>
    %ge3A_709 = arith.constant 5120 : i32
    %ge3A_710 = arith.cmpi sge, %reduce_sum3A_708, %ge3A_709 : i32
    %select_n3A_711 = arith.select %ge3A_710, %add3A_700, %select_n3A_698 : i32
    %add3A_712 = arith.constant 65536 : i32
    %add3A_713 = arith.addi %select_n3A_711, %add3A_712 : i32
    %ge3A_714 = vector.broadcast %add3A_713 : i32 to vector<80x128xi32>
    %ge3A_715 = arith.cmpi sge, %select_n3A_514, %ge3A_714 : vector<80x128xi32>
    %convert_element_type3A_716 = arith.extui %ge3A_715 : vector<80x128xi1> to vector<80x128xi32>
    %reduce_sum3A_717 = vector.shape_cast %convert_element_type3A_716 : vector<80x128xi32> to vector<1x80x128xi32>
    %reduce_sum3A_718 = arith.constant dense<0> : vector<1xi32>
    %reduce_sum3A_719 = vector.multi_reduction <add>, %reduce_sum3A_717, %reduce_sum3A_718 [1, 2] : vector<1x80x128xi32> to vector<1xi32>
    %reduce_sum3A_720 = vector.shape_cast %reduce_sum3A_719 : vector<1xi32> to vector<1x1x1xi32>
    %reduce_sum3A_721 = vector.extract %reduce_sum3A_720[0, 0, 0] : i32 from vector<1x1x1xi32>
    %ge3A_722 = arith.constant 5120 : i32
    %ge3A_723 = arith.cmpi sge, %reduce_sum3A_721, %ge3A_722 : i32
    %select_n3A_724 = arith.select %ge3A_723, %add3A_713, %select_n3A_711 : i32
    %add3A_725 = arith.constant 32768 : i32
    %add3A_726 = arith.addi %select_n3A_724, %add3A_725 : i32
    %ge3A_727 = vector.broadcast %add3A_726 : i32 to vector<80x128xi32>
    %ge3A_728 = arith.cmpi sge, %select_n3A_514, %ge3A_727 : vector<80x128xi32>
    %convert_element_type3A_729 = arith.extui %ge3A_728 : vector<80x128xi1> to vector<80x128xi32>
    %reduce_sum3A_730 = vector.shape_cast %convert_element_type3A_729 : vector<80x128xi32> to vector<1x80x128xi32>
    %reduce_sum3A_731 = arith.constant dense<0> : vector<1xi32>
    %reduce_sum3A_732 = vector.multi_reduction <add>, %reduce_sum3A_730, %reduce_sum3A_731 [1, 2] : vector<1x80x128xi32> to vector<1xi32>
    %reduce_sum3A_733 = vector.shape_cast %reduce_sum3A_732 : vector<1xi32> to vector<1x1x1xi32>
    %reduce_sum3A_734 = vector.extract %reduce_sum3A_733[0, 0, 0] : i32 from vector<1x1x1xi32>
    %ge3A_735 = arith.constant 5120 : i32
    %ge3A_736 = arith.cmpi sge, %reduce_sum3A_734, %ge3A_735 : i32
    %select_n3A_737 = arith.select %ge3A_736, %add3A_726, %select_n3A_724 : i32
    %add3A_738 = arith.constant 16384 : i32
    %add3A_739 = arith.addi %select_n3A_737, %add3A_738 : i32
    %ge3A_740 = vector.broadcast %add3A_739 : i32 to vector<80x128xi32>
    %ge3A_741 = arith.cmpi sge, %select_n3A_514, %ge3A_740 : vector<80x128xi32>
    %convert_element_type3A_742 = arith.extui %ge3A_741 : vector<80x128xi1> to vector<80x128xi32>
    %reduce_sum3A_743 = vector.shape_cast %convert_element_type3A_742 : vector<80x128xi32> to vector<1x80x128xi32>
    %reduce_sum3A_744 = arith.constant dense<0> : vector<1xi32>
    %reduce_sum3A_745 = vector.multi_reduction <add>, %reduce_sum3A_743, %reduce_sum3A_744 [1, 2] : vector<1x80x128xi32> to vector<1xi32>
    %reduce_sum3A_746 = vector.shape_cast %reduce_sum3A_745 : vector<1xi32> to vector<1x1x1xi32>
    %reduce_sum3A_747 = vector.extract %reduce_sum3A_746[0, 0, 0] : i32 from vector<1x1x1xi32>
    %ge3A_748 = arith.constant 5120 : i32
    %ge3A_749 = arith.cmpi sge, %reduce_sum3A_747, %ge3A_748 : i32
    %select_n3A_750 = arith.select %ge3A_749, %add3A_739, %select_n3A_737 : i32
    %add3A_751 = arith.constant 8192 : i32
    %add3A_752 = arith.addi %select_n3A_750, %add3A_751 : i32
    %ge3A_753 = vector.broadcast %add3A_752 : i32 to vector<80x128xi32>
    %ge3A_754 = arith.cmpi sge, %select_n3A_514, %ge3A_753 : vector<80x128xi32>
    %convert_element_type3A_755 = arith.extui %ge3A_754 : vector<80x128xi1> to vector<80x128xi32>
    %reduce_sum3A_756 = vector.shape_cast %convert_element_type3A_755 : vector<80x128xi32> to vector<1x80x128xi32>
    %reduce_sum3A_757 = arith.constant dense<0> : vector<1xi32>
    %reduce_sum3A_758 = vector.multi_reduction <add>, %reduce_sum3A_756, %reduce_sum3A_757 [1, 2] : vector<1x80x128xi32> to vector<1xi32>
    %reduce_sum3A_759 = vector.shape_cast %reduce_sum3A_758 : vector<1xi32> to vector<1x1x1xi32>
    %reduce_sum3A_760 = vector.extract %reduce_sum3A_759[0, 0, 0] : i32 from vector<1x1x1xi32>
    %ge3A_761 = arith.constant 5120 : i32
    %ge3A_762 = arith.cmpi sge, %reduce_sum3A_760, %ge3A_761 : i32
    %select_n3A_763 = arith.select %ge3A_762, %add3A_752, %select_n3A_750 : i32
    %add3A_764 = arith.constant 4096 : i32
    %add3A_765 = arith.addi %select_n3A_763, %add3A_764 : i32
    %ge3A_766 = vector.broadcast %add3A_765 : i32 to vector<80x128xi32>
    %ge3A_767 = arith.cmpi sge, %select_n3A_514, %ge3A_766 : vector<80x128xi32>
    %convert_element_type3A_768 = arith.extui %ge3A_767 : vector<80x128xi1> to vector<80x128xi32>
    %reduce_sum3A_769 = vector.shape_cast %convert_element_type3A_768 : vector<80x128xi32> to vector<1x80x128xi32>
    %reduce_sum3A_770 = arith.constant dense<0> : vector<1xi32>
    %reduce_sum3A_771 = vector.multi_reduction <add>, %reduce_sum3A_769, %reduce_sum3A_770 [1, 2] : vector<1x80x128xi32> to vector<1xi32>
    %reduce_sum3A_772 = vector.shape_cast %reduce_sum3A_771 : vector<1xi32> to vector<1x1x1xi32>
    %reduce_sum3A_773 = vector.extract %reduce_sum3A_772[0, 0, 0] : i32 from vector<1x1x1xi32>
    %ge3A_774 = arith.constant 5120 : i32
    %ge3A_775 = arith.cmpi sge, %reduce_sum3A_773, %ge3A_774 : i32
    %select_n3A_776 = arith.select %ge3A_775, %add3A_765, %select_n3A_763 : i32
    %add3A_777 = arith.constant 2048 : i32
    %add3A_778 = arith.addi %select_n3A_776, %add3A_777 : i32
    %ge3A_779 = vector.broadcast %add3A_778 : i32 to vector<80x128xi32>
    %ge3A_780 = arith.cmpi sge, %select_n3A_514, %ge3A_779 : vector<80x128xi32>
    %convert_element_type3A_781 = arith.extui %ge3A_780 : vector<80x128xi1> to vector<80x128xi32>
    %reduce_sum3A_782 = vector.shape_cast %convert_element_type3A_781 : vector<80x128xi32> to vector<1x80x128xi32>
    %reduce_sum3A_783 = arith.constant dense<0> : vector<1xi32>
    %reduce_sum3A_784 = vector.multi_reduction <add>, %reduce_sum3A_782, %reduce_sum3A_783 [1, 2] : vector<1x80x128xi32> to vector<1xi32>
    %reduce_sum3A_785 = vector.shape_cast %reduce_sum3A_784 : vector<1xi32> to vector<1x1x1xi32>
    %reduce_sum3A_786 = vector.extract %reduce_sum3A_785[0, 0, 0] : i32 from vector<1x1x1xi32>
    %ge3A_787 = arith.constant 5120 : i32
    %ge3A_788 = arith.cmpi sge, %reduce_sum3A_786, %ge3A_787 : i32
    %select_n3A_789 = arith.select %ge3A_788, %add3A_778, %select_n3A_776 : i32
    %add3A_790 = arith.constant 1024 : i32
    %add3A_791 = arith.addi %select_n3A_789, %add3A_790 : i32
    %ge3A_792 = vector.broadcast %add3A_791 : i32 to vector<80x128xi32>
    %ge3A_793 = arith.cmpi sge, %select_n3A_514, %ge3A_792 : vector<80x128xi32>
    %convert_element_type3A_794 = arith.extui %ge3A_793 : vector<80x128xi1> to vector<80x128xi32>
    %reduce_sum3A_795 = vector.shape_cast %convert_element_type3A_794 : vector<80x128xi32> to vector<1x80x128xi32>
    %reduce_sum3A_796 = arith.constant dense<0> : vector<1xi32>
    %reduce_sum3A_797 = vector.multi_reduction <add>, %reduce_sum3A_795, %reduce_sum3A_796 [1, 2] : vector<1x80x128xi32> to vector<1xi32>
    %reduce_sum3A_798 = vector.shape_cast %reduce_sum3A_797 : vector<1xi32> to vector<1x1x1xi32>
    %reduce_sum3A_799 = vector.extract %reduce_sum3A_798[0, 0, 0] : i32 from vector<1x1x1xi32>
    %ge3A_800 = arith.constant 5120 : i32
    %ge3A_801 = arith.cmpi sge, %reduce_sum3A_799, %ge3A_800 : i32
    %select_n3A_802 = arith.select %ge3A_801, %add3A_791, %select_n3A_789 : i32
    %add3A_803 = arith.constant 512 : i32
    %add3A_804 = arith.addi %select_n3A_802, %add3A_803 : i32
    %ge3A_805 = vector.broadcast %add3A_804 : i32 to vector<80x128xi32>
    %ge3A_806 = arith.cmpi sge, %select_n3A_514, %ge3A_805 : vector<80x128xi32>
    %convert_element_type3A_807 = arith.extui %ge3A_806 : vector<80x128xi1> to vector<80x128xi32>
    %reduce_sum3A_808 = vector.shape_cast %convert_element_type3A_807 : vector<80x128xi32> to vector<1x80x128xi32>
    %reduce_sum3A_809 = arith.constant dense<0> : vector<1xi32>
    %reduce_sum3A_810 = vector.multi_reduction <add>, %reduce_sum3A_808, %reduce_sum3A_809 [1, 2] : vector<1x80x128xi32> to vector<1xi32>
    %reduce_sum3A_811 = vector.shape_cast %reduce_sum3A_810 : vector<1xi32> to vector<1x1x1xi32>
    %reduce_sum3A_812 = vector.extract %reduce_sum3A_811[0, 0, 0] : i32 from vector<1x1x1xi32>
    %ge3A_813 = arith.constant 5120 : i32
    %ge3A_814 = arith.cmpi sge, %reduce_sum3A_812, %ge3A_813 : i32
    %select_n3A_815 = arith.select %ge3A_814, %add3A_804, %select_n3A_802 : i32
    %add3A_816 = arith.constant 256 : i32
    %add3A_817 = arith.addi %select_n3A_815, %add3A_816 : i32
    %ge3A_818 = vector.broadcast %add3A_817 : i32 to vector<80x128xi32>
    %ge3A_819 = arith.cmpi sge, %select_n3A_514, %ge3A_818 : vector<80x128xi32>
    %convert_element_type3A_820 = arith.extui %ge3A_819 : vector<80x128xi1> to vector<80x128xi32>
    %reduce_sum3A_821 = vector.shape_cast %convert_element_type3A_820 : vector<80x128xi32> to vector<1x80x128xi32>
    %reduce_sum3A_822 = arith.constant dense<0> : vector<1xi32>
    %reduce_sum3A_823 = vector.multi_reduction <add>, %reduce_sum3A_821, %reduce_sum3A_822 [1, 2] : vector<1x80x128xi32> to vector<1xi32>
    %reduce_sum3A_824 = vector.shape_cast %reduce_sum3A_823 : vector<1xi32> to vector<1x1x1xi32>
    %reduce_sum3A_825 = vector.extract %reduce_sum3A_824[0, 0, 0] : i32 from vector<1x1x1xi32>
    %ge3A_826 = arith.constant 5120 : i32
    %ge3A_827 = arith.cmpi sge, %reduce_sum3A_825, %ge3A_826 : i32
    %select_n3A_828 = arith.select %ge3A_827, %add3A_817, %select_n3A_815 : i32
    %add3A_829 = arith.constant 128 : i32
    %add3A_830 = arith.addi %select_n3A_828, %add3A_829 : i32
    %ge3A_831 = vector.broadcast %add3A_830 : i32 to vector<80x128xi32>
    %ge3A_832 = arith.cmpi sge, %select_n3A_514, %ge3A_831 : vector<80x128xi32>
    %convert_element_type3A_833 = arith.extui %ge3A_832 : vector<80x128xi1> to vector<80x128xi32>
    %reduce_sum3A_834 = vector.shape_cast %convert_element_type3A_833 : vector<80x128xi32> to vector<1x80x128xi32>
    %reduce_sum3A_835 = arith.constant dense<0> : vector<1xi32>
    %reduce_sum3A_836 = vector.multi_reduction <add>, %reduce_sum3A_834, %reduce_sum3A_835 [1, 2] : vector<1x80x128xi32> to vector<1xi32>
    %reduce_sum3A_837 = vector.shape_cast %reduce_sum3A_836 : vector<1xi32> to vector<1x1x1xi32>
    %reduce_sum3A_838 = vector.extract %reduce_sum3A_837[0, 0, 0] : i32 from vector<1x1x1xi32>
    %ge3A_839 = arith.constant 5120 : i32
    %ge3A_840 = arith.cmpi sge, %reduce_sum3A_838, %ge3A_839 : i32
    %select_n3A_841 = arith.select %ge3A_840, %add3A_830, %select_n3A_828 : i32
    %add3A_842 = arith.constant 64 : i32
    %add3A_843 = arith.addi %select_n3A_841, %add3A_842 : i32
    %ge3A_844 = vector.broadcast %add3A_843 : i32 to vector<80x128xi32>
    %ge3A_845 = arith.cmpi sge, %select_n3A_514, %ge3A_844 : vector<80x128xi32>
    %convert_element_type3A_846 = arith.extui %ge3A_845 : vector<80x128xi1> to vector<80x128xi32>
    %reduce_sum3A_847 = vector.shape_cast %convert_element_type3A_846 : vector<80x128xi32> to vector<1x80x128xi32>
    %reduce_sum3A_848 = arith.constant dense<0> : vector<1xi32>
    %reduce_sum3A_849 = vector.multi_reduction <add>, %reduce_sum3A_847, %reduce_sum3A_848 [1, 2] : vector<1x80x128xi32> to vector<1xi32>
    %reduce_sum3A_850 = vector.shape_cast %reduce_sum3A_849 : vector<1xi32> to vector<1x1x1xi32>
    %reduce_sum3A_851 = vector.extract %reduce_sum3A_850[0, 0, 0] : i32 from vector<1x1x1xi32>
    %ge3A_852 = arith.constant 5120 : i32
    %ge3A_853 = arith.cmpi sge, %reduce_sum3A_851, %ge3A_852 : i32
    %select_n3A_854 = arith.select %ge3A_853, %add3A_843, %select_n3A_841 : i32
    %add3A_855 = arith.constant 32 : i32
    %add3A_856 = arith.addi %select_n3A_854, %add3A_855 : i32
    %ge3A_857 = vector.broadcast %add3A_856 : i32 to vector<80x128xi32>
    %ge3A_858 = arith.cmpi sge, %select_n3A_514, %ge3A_857 : vector<80x128xi32>
    %convert_element_type3A_859 = arith.extui %ge3A_858 : vector<80x128xi1> to vector<80x128xi32>
    %reduce_sum3A_860 = vector.shape_cast %convert_element_type3A_859 : vector<80x128xi32> to vector<1x80x128xi32>
    %reduce_sum3A_861 = arith.constant dense<0> : vector<1xi32>
    %reduce_sum3A_862 = vector.multi_reduction <add>, %reduce_sum3A_860, %reduce_sum3A_861 [1, 2] : vector<1x80x128xi32> to vector<1xi32>
    %reduce_sum3A_863 = vector.shape_cast %reduce_sum3A_862 : vector<1xi32> to vector<1x1x1xi32>
    %reduce_sum3A_864 = vector.extract %reduce_sum3A_863[0, 0, 0] : i32 from vector<1x1x1xi32>
    %ge3A_865 = arith.constant 5120 : i32
    %ge3A_866 = arith.cmpi sge, %reduce_sum3A_864, %ge3A_865 : i32
    %select_n3A_867 = arith.select %ge3A_866, %add3A_856, %select_n3A_854 : i32
    %add3A_868 = arith.constant 16 : i32
    %add3A_869 = arith.addi %select_n3A_867, %add3A_868 : i32
    %ge3A_870 = vector.broadcast %add3A_869 : i32 to vector<80x128xi32>
    %ge3A_871 = arith.cmpi sge, %select_n3A_514, %ge3A_870 : vector<80x128xi32>
    %convert_element_type3A_872 = arith.extui %ge3A_871 : vector<80x128xi1> to vector<80x128xi32>
    %reduce_sum3A_873 = vector.shape_cast %convert_element_type3A_872 : vector<80x128xi32> to vector<1x80x128xi32>
    %reduce_sum3A_874 = arith.constant dense<0> : vector<1xi32>
    %reduce_sum3A_875 = vector.multi_reduction <add>, %reduce_sum3A_873, %reduce_sum3A_874 [1, 2] : vector<1x80x128xi32> to vector<1xi32>
    %reduce_sum3A_876 = vector.shape_cast %reduce_sum3A_875 : vector<1xi32> to vector<1x1x1xi32>
    %reduce_sum3A_877 = vector.extract %reduce_sum3A_876[0, 0, 0] : i32 from vector<1x1x1xi32>
    %ge3A_878 = arith.constant 5120 : i32
    %ge3A_879 = arith.cmpi sge, %reduce_sum3A_877, %ge3A_878 : i32
    %select_n3A_880 = arith.select %ge3A_879, %add3A_869, %select_n3A_867 : i32
    %add3A_881 = arith.constant 8 : i32
    %add3A_882 = arith.addi %select_n3A_880, %add3A_881 : i32
    %ge3A_883 = vector.broadcast %add3A_882 : i32 to vector<80x128xi32>
    %ge3A_884 = arith.cmpi sge, %select_n3A_514, %ge3A_883 : vector<80x128xi32>
    %convert_element_type3A_885 = arith.extui %ge3A_884 : vector<80x128xi1> to vector<80x128xi32>
    %reduce_sum3A_886 = vector.shape_cast %convert_element_type3A_885 : vector<80x128xi32> to vector<1x80x128xi32>
    %reduce_sum3A_887 = arith.constant dense<0> : vector<1xi32>
    %reduce_sum3A_888 = vector.multi_reduction <add>, %reduce_sum3A_886, %reduce_sum3A_887 [1, 2] : vector<1x80x128xi32> to vector<1xi32>
    %reduce_sum3A_889 = vector.shape_cast %reduce_sum3A_888 : vector<1xi32> to vector<1x1x1xi32>
    %reduce_sum3A_890 = vector.extract %reduce_sum3A_889[0, 0, 0] : i32 from vector<1x1x1xi32>
    %ge3A_891 = arith.constant 5120 : i32
    %ge3A_892 = arith.cmpi sge, %reduce_sum3A_890, %ge3A_891 : i32
    %select_n3A_893 = arith.select %ge3A_892, %add3A_882, %select_n3A_880 : i32
    %add3A_894 = arith.constant 4 : i32
    %add3A_895 = arith.addi %select_n3A_893, %add3A_894 : i32
    %ge3A_896 = vector.broadcast %add3A_895 : i32 to vector<80x128xi32>
    %ge3A_897 = arith.cmpi sge, %select_n3A_514, %ge3A_896 : vector<80x128xi32>
    %convert_element_type3A_898 = arith.extui %ge3A_897 : vector<80x128xi1> to vector<80x128xi32>
    %reduce_sum3A_899 = vector.shape_cast %convert_element_type3A_898 : vector<80x128xi32> to vector<1x80x128xi32>
    %reduce_sum3A_900 = arith.constant dense<0> : vector<1xi32>
    %reduce_sum3A_901 = vector.multi_reduction <add>, %reduce_sum3A_899, %reduce_sum3A_900 [1, 2] : vector<1x80x128xi32> to vector<1xi32>
    %reduce_sum3A_902 = vector.shape_cast %reduce_sum3A_901 : vector<1xi32> to vector<1x1x1xi32>
    %reduce_sum3A_903 = vector.extract %reduce_sum3A_902[0, 0, 0] : i32 from vector<1x1x1xi32>
    %ge3A_904 = arith.constant 5120 : i32
    %ge3A_905 = arith.cmpi sge, %reduce_sum3A_903, %ge3A_904 : i32
    %select_n3A_906 = arith.select %ge3A_905, %add3A_895, %select_n3A_893 : i32
    %add3A_907 = arith.constant 2 : i32
    %add3A_908 = arith.addi %select_n3A_906, %add3A_907 : i32
    %ge3A_909 = vector.broadcast %add3A_908 : i32 to vector<80x128xi32>
    %ge3A_910 = arith.cmpi sge, %select_n3A_514, %ge3A_909 : vector<80x128xi32>
    %convert_element_type3A_911 = arith.extui %ge3A_910 : vector<80x128xi1> to vector<80x128xi32>
    %reduce_sum3A_912 = vector.shape_cast %convert_element_type3A_911 : vector<80x128xi32> to vector<1x80x128xi32>
    %reduce_sum3A_913 = arith.constant dense<0> : vector<1xi32>
    %reduce_sum3A_914 = vector.multi_reduction <add>, %reduce_sum3A_912, %reduce_sum3A_913 [1, 2] : vector<1x80x128xi32> to vector<1xi32>
    %reduce_sum3A_915 = vector.shape_cast %reduce_sum3A_914 : vector<1xi32> to vector<1x1x1xi32>
    %reduce_sum3A_916 = vector.extract %reduce_sum3A_915[0, 0, 0] : i32 from vector<1x1x1xi32>
    %ge3A_917 = arith.constant 5120 : i32
    %ge3A_918 = arith.cmpi sge, %reduce_sum3A_916, %ge3A_917 : i32
    %select_n3A_919 = arith.select %ge3A_918, %add3A_908, %select_n3A_906 : i32
    %add3A_920 = arith.constant 1 : i32
    %add3A_921 = arith.addi %select_n3A_919, %add3A_920 : i32
    %ge3A_922 = vector.broadcast %add3A_921 : i32 to vector<80x128xi32>
    %ge3A_923 = arith.cmpi sge, %select_n3A_514, %ge3A_922 : vector<80x128xi32>
    %convert_element_type3A_924 = arith.extui %ge3A_923 : vector<80x128xi1> to vector<80x128xi32>
    %reduce_sum3A_925 = vector.shape_cast %convert_element_type3A_924 : vector<80x128xi32> to vector<1x80x128xi32>
    %reduce_sum3A_926 = arith.constant dense<0> : vector<1xi32>
    %reduce_sum3A_927 = vector.multi_reduction <add>, %reduce_sum3A_925, %reduce_sum3A_926 [1, 2] : vector<1x80x128xi32> to vector<1xi32>
    %reduce_sum3A_928 = vector.shape_cast %reduce_sum3A_927 : vector<1xi32> to vector<1x1x1xi32>
    %reduce_sum3A_929 = vector.extract %reduce_sum3A_928[0, 0, 0] : i32 from vector<1x1x1xi32>
    %ge3A_930 = arith.constant 5120 : i32
    %ge3A_931 = arith.cmpi sge, %reduce_sum3A_929, %ge3A_930 : i32
    %select_n3A_932 = arith.select %ge3A_931, %add3A_921, %select_n3A_919 : i32
    %gt3A_933 = vector.broadcast %select_n3A_932 : i32 to vector<80x128xi32>
    %gt3A_934 = arith.cmpi sgt, %select_n3A_514, %gt3A_933 : vector<80x128xi32>
    %eq3A_935 = vector.broadcast %select_n3A_932 : i32 to vector<80x128xi32>
    %eq3A_936 = arith.cmpi eq, %select_n3A_514, %eq3A_935 : vector<80x128xi32>
    %convert_element_type3A_937 = arith.extui %gt3A_934 : vector<80x128xi1> to vector<80x128xi32>
    %reduce_sum3A_938 = vector.shape_cast %convert_element_type3A_937 : vector<80x128xi32> to vector<1x80x128xi32>
    %reduce_sum3A_939 = arith.constant dense<0> : vector<1xi32>
    %reduce_sum3A_940 = vector.multi_reduction <add>, %reduce_sum3A_938, %reduce_sum3A_939 [1, 2] : vector<1x80x128xi32> to vector<1xi32>
    %reduce_sum3A_941 = vector.shape_cast %reduce_sum3A_940 : vector<1xi32> to vector<1x1x1xi32>
    %reduce_sum3A_942 = vector.extract %reduce_sum3A_941[0, 0, 0] : i32 from vector<1x1x1xi32>
    %sub3A_943 = arith.constant 5120 : i32
    %sub3A_944 = arith.subi %sub3A_943, %reduce_sum3A_942 : i32
    %convert_element_type3A_945 = arith.sitofp %sub3A_944 : i32 to f32
    %convert_element_type3A_946 = arith.extui %eq3A_936 : vector<80x128xi1> to vector<80x128xi32>
    %convert_element_type3A_947 = arith.sitofp %convert_element_type3A_946 : vector<80x128xi32> to vector<80x128xf32>
    %iota3A_948 = tpu.iota {dimensions = array<i32: 0>} : vector<128x128xi32>
    %iota3A_949 = tpu.iota {dimensions = array<i32: 1>} : vector<128x128xi32>
    %le3A_950 = arith.cmpi sle, %iota3A_948, %iota3A_949 : vector<128x128xi32>
    %convert_element_type3A_951 = arith.extui %le3A_950 : vector<128x128xi1> to vector<128x128xi32>
    %convert_element_type3A_952 = arith.sitofp %convert_element_type3A_951 : vector<128x128xi32> to vector<128x128xf32>
    %dot_general3A_953 = arith.constant dense<0.000000e+00> : vector<80x128xf32>
    %dot_general3A_954 = tpu.matmul %convert_element_type3A_947, %convert_element_type3A_952, %dot_general3A_953 {dimension_numbers = #tpu.dot_dimension_numbers<[1], [0], [0], [1], [0, 0, 1, 1], [], []>, transpose_lhs_hint = false} : vector<80x128xf32>, vector<128x128xf32>, vector<80x128xf32> -> vector<80x128xf32>
    %iota3A_955 = tpu.iota {dimensions = array<i32: 1>} : vector<80x80xi32>
    %iota3A_956 = tpu.iota {dimensions = array<i32: 0>} : vector<80x80xi32>
    %lt3A_957 = arith.cmpi slt, %iota3A_955, %iota3A_956 : vector<80x80xi32>
    %convert_element_type3A_958 = arith.extui %lt3A_957 : vector<80x80xi1> to vector<80x80xi32>
    %convert_element_type3A_959 = arith.sitofp %convert_element_type3A_958 : vector<80x80xi32> to vector<80x80xf32>
    %reduce_sum3A_960 = arith.constant dense<0.000000e+00> : vector<80xf32>
    %reduce_sum3A_961 = vector.multi_reduction <add>, %convert_element_type3A_947, %reduce_sum3A_960 [1] : vector<80x128xf32> to vector<80xf32>
    %broadcast_in_dim3A_962 = vector.shape_cast %reduce_sum3A_961 : vector<80xf32> to vector<80x1xf32>
    %dot_general3A_963 = arith.constant dense<0.000000e+00> : vector<80x1xf32>
    %dot_general3A_964 = tpu.matmul %convert_element_type3A_959, %broadcast_in_dim3A_962, %dot_general3A_963 {dimension_numbers = #tpu.dot_dimension_numbers<[1], [0], [0], [1], [0, 0, 1, 1], [], []>, transpose_lhs_hint = false} : vector<80x80xf32>, vector<80x1xf32>, vector<80x1xf32> -> vector<80x1xf32>
    %add3A_965 = vector.broadcast %dot_general3A_964 : vector<80x1xf32> to vector<80x128xf32>
    %add3A_966 = arith.addf %dot_general3A_954, %add3A_965 : vector<80x128xf32>
    %sub3A_967 = arith.subf %add3A_966, %convert_element_type3A_947 : vector<80x128xf32>
    %lt3A_968 = vector.broadcast %convert_element_type3A_945 : f32 to vector<80x128xf32>
    %lt3A_969 = arith.cmpf olt, %sub3A_967, %lt3A_968 : vector<80x128xf32>
    %and3A_970 = arith.andi %eq3A_936, %lt3A_969 : vector<80x128xi1>
    %or3A_971 = arith.ori %gt3A_934, %and3A_970 : vector<80x128xi1>
    %convert_element_type3A_972 = arith.extui %or3A_971 : vector<80x128xi1> to vector<80x128xi32>
    %convert_element_type3A_973 = arith.sitofp %convert_element_type3A_972 : vector<80x128xi32> to vector<80x128xf32>
    %add3A_974 = arith.addf %convert_element_type3A_504, %convert_element_type3A_973 : vector<80x128xf32>
    %jit3A_975 = arith.constant 0.000000e+00 : f32
    %broadcast_in_dim3A_976 = vector.broadcast %jit3A_975 : f32 to vector<80x128xf32>
    %select_n3A_977 = arith.select %lt3A_41, %add3A_974, %broadcast_in_dim3A_976 : vector<80x128xi1>, vector<80x128xf32>
    %reshape3A_978 = vector.shape_cast %select_n3A_977 : vector<80x128xf32> to vector<1x10240xf32>
    %squeeze3A = vector.shape_cast %reshape3A_978 : vector<1x10240xf32> to vector<10240xf32>
    %swap3A_979 = arith.constant 0 : index
    %swap3A_980 = arith.constant 0 : index
    %swap3A_981 = vector.load %arg5[%swap3A_979, %swap3A_980] : memref<1x12288xf32, #tpu.memory_space<vmem>>, vector<1x10240xf32>
    %swap3A_982 = vector.shape_cast %swap3A_981 : vector<1x10240xf32> to vector<10240xf32>
    %swap3A_983 = vector.shape_cast %squeeze3A : vector<10240xf32> to vector<1x10240xf32>
    tpu.vector_store %arg5[%swap3A_979, %swap3A_980], %swap3A_983 {strides = array<i32>} : memref<1x12288xf32, #tpu.memory_space<vmem>>, vector<1x10240xf32>,
    %broadcast_in_dim3A_984 = arith.constant 0.000000e+00 : f32
    %broadcast_in_dim3A_985 = vector.broadcast %broadcast_in_dim3A_984 : f32 to vector<2048xf32>
    %swap3A_986 = arith.constant 0 : index
    %swap3A_987 = arith.constant 10240 : index
    %swap3A_988 = vector.load %arg5[%swap3A_986, %swap3A_987] : memref<1x12288xf32, #tpu.memory_space<vmem>>, vector<1x2048xf32>
    %swap3A_989 = vector.shape_cast %swap3A_988 : vector<1x2048xf32> to vector<2048xf32>
    %swap3A_990 = vector.shape_cast %broadcast_in_dim3A_985 : vector<2048xf32> to vector<1x2048xf32>
    tpu.vector_store %arg5[%swap3A_986, %swap3A_987], %swap3A_990 {strides = array<i32>} : memref<1x12288xf32, #tpu.memory_space<vmem>>, vector<1x2048xf32>,
    %broadcast_in_dim3A_991 = arith.constant 0.000000e+00 : f32
    %broadcast_in_dim3A_992 = vector.broadcast %broadcast_in_dim3A_991 : f32 to vector<2048x1xf32>
    %broadcast_in_dim3A_993 = arith.constant 0.000000e+00 : f32
    %broadcast_in_dim3A_994 = vector.broadcast %broadcast_in_dim3A_993 : f32 to vector<2048x1xf32>
    %scan3A_995 = arith.constant 0 : i32
    %scan3A_996 = arith.constant 12 : i32
    %scan3A_997 = arith.addi %scan3A_995, %scan3A_996 : i32
    %scan3A_998 = arith.constant 1 : i32
    %scan3A_999:2 = scf.for %scan3A_1031 = %scan3A_995 to %scan3A_997 step %scan3A_998 iter_args(%scan3A_1032 = %broadcast_in_dim3A_992, %scan3A_1033 = %broadcast_in_dim3A_994) -> (vector<2048x1xf32>, vector<2048x1xf32>)  : i32 {
      %mul3A_1034 = arith.constant 1024 : i32
      %mul3A_1035 = arith.muli %scan3A_1031, %mul3A_1034 : i32
      %multiple_of3A = tpu.assume_multiple %mul3A_1035, 1024 : i32
      %get3A_1036 = arith.constant 0 : index
      %get3A_1037 = arith.index_cast %multiple_of3A : i32 to index
      %get3A_1038 = vector.load %arg4[%get3A_1036, %get3A_1037] : memref<96x12288xf32, #tpu.memory_space<vmem>>, vector<96x1024xf32>
      %dot_general3A_1039 = arith.constant dense<0.000000e+00> : vector<2048x1024xf32>
      %dot_general3A_1040 = tpu.matmul %get3A_26, %get3A_1038, %dot_general3A_1039 {dimension_numbers = #tpu.dot_dimension_numbers<[0], [0], [1], [1], [0, 1, 1, 1], [], []>, transpose_lhs_hint = false} : vector<96x2048xf32>, vector<96x1024xf32>, vector<2048x1024xf32> -> vector<2048x1024xf32>
      %mul3A_1041 = arith.constant 1.000000e+01 : f32
      %mul3A_1042 = vector.broadcast %mul3A_1041 : f32 to vector<2048x1024xf32>
      %mul3A_1043 = arith.mulf %dot_general3A_1040, %mul3A_1042 : vector<2048x1024xf32>
      %iota3A_1044 = tpu.iota {dimensions = array<i32: 1>} : vector<2048x1024xi32>
      %mul3A_1045 = arith.constant 1024 : i32
      %mul3A_1046 = arith.muli %scan3A_1031, %mul3A_1045 : i32
      %add3A_1047 = vector.broadcast %mul3A_1046 : i32 to vector<2048x1024xi32>
      %add3A_1048 = arith.addi %iota3A_1044, %add3A_1047 : vector<2048x1024xi32>
      %lt3A_1049 = vector.broadcast %min3A_3 : i32 to vector<2048x1024xi32>
      %lt3A_1050 = arith.cmpi slt, %add3A_1048, %lt3A_1049 : vector<2048x1024xi32>
      %ne3A = arith.cmpi ne, %add3A_1048, %iota3A : vector<2048x1024xi32>
      %and3A_1051 = arith.andi %lt3A_1050, %ne3A : vector<2048x1024xi1>
      %ge3A_1052 = arith.constant 2 : i32
      %ge3A_1053 = arith.cmpi sge, %scan3A_1031, %ge3A_1052 : i32
      %mul3A_1054 = arith.constant 1024 : i32
      %mul3A_1055 = arith.muli %scan3A_1031, %mul3A_1054 : i32
      %sub3A_1056 = arith.constant 2048 : i32
      %sub3A_1057 = arith.subi %mul3A_1055, %sub3A_1056 : i32
      %jit3A_1058 = arith.constant 10240 : i32
      %select_n3A_1059 = arith.select %ge3A_1053, %sub3A_1057, %jit3A_1058 : i32
      %multiple_of3A_1060 = tpu.assume_multiple %select_n3A_1059, 1024 : i32
      %get3A_1061 = arith.constant 0 : index
      %get3A_1062 = arith.index_cast %multiple_of3A_1060 : i32 to index
      %get3A_1063 = vector.load %arg5[%get3A_1061, %get3A_1062] : memref<1x12288xf32, #tpu.memory_space<vmem>>, vector<1x1024xf32>
      %get3A_1064 = vector.shape_cast %get3A_1063 : vector<1x1024xf32> to vector<1024xf32>
      %reshape3A_1065 = vector.shape_cast %get3A_1064 : vector<1024xf32> to vector<1x1024xf32>
      %convert_element_type3A_1066 = arith.extui %and3A_1051 : vector<2048x1024xi1> to vector<2048x1024xi32>
      %convert_element_type3A_1067 = arith.sitofp %convert_element_type3A_1066 : vector<2048x1024xi32> to vector<2048x1024xf32>
      %exp3A = math.exp %mul3A_1043 : vector<2048x1024xf32>
      %add3A_1068 = vector.broadcast %reshape3A_1065 : vector<1x1024xf32> to vector<2048x1024xf32>
      %add3A_1069 = arith.addf %convert_element_type3A_1067, %add3A_1068 : vector<2048x1024xf32>
      %mul3A_1070 = arith.mulf %exp3A, %add3A_1069 : vector<2048x1024xf32>
      %reduce_sum3A_1071 = arith.constant dense<0.000000e+00> : vector<2048xf32>
      %reduce_sum3A_1072 = vector.multi_reduction <add>, %mul3A_1070, %reduce_sum3A_1071 [1] : vector<2048x1024xf32> to vector<2048xf32>
      %broadcast_in_dim3A_1073 = vector.shape_cast %reduce_sum3A_1072 : vector<2048xf32> to vector<2048x1xf32>
      %add3A_1074 = arith.addf %scan3A_1032, %broadcast_in_dim3A_1073 : vector<2048x1xf32>
      %jit3A_1075 = arith.constant 0.000000e+00 : f32
      %broadcast_in_dim3A_1076 = vector.broadcast %jit3A_1075 : f32 to vector<2048x1024xf32>
      %select_n3A_1077 = arith.select %and3A_1051, %mul3A_1043, %broadcast_in_dim3A_1076 : vector<2048x1024xi1>, vector<2048x1024xf32>
      %reduce_sum3A_1078 = arith.constant dense<0.000000e+00> : vector<2048xf32>
      %reduce_sum3A_1079 = vector.multi_reduction <add>, %select_n3A_1077, %reduce_sum3A_1078 [1] : vector<2048x1024xf32> to vector<2048xf32>
      %broadcast_in_dim3A_1080 = vector.shape_cast %reduce_sum3A_1079 : vector<2048xf32> to vector<2048x1xf32>
      %add3A_1081 = arith.addf %scan3A_1033, %broadcast_in_dim3A_1080 : vector<2048x1xf32>
      scf.yield %add3A_1074, %add3A_1081 : vector<2048x1xf32>, vector<2048x1xf32>
    }
    %scan3A_1000 = arith.constant 12 : i32
    %convert_element_type3A_1001 = arith.sitofp %min3A_3 : i32 to f32
    %iota3A_1002 = tpu.iota {dimensions = array<i32: 0>} : vector<2048x1xi32>
    %sub3A_1003 = arith.constant 1.000000e+00 : f32
    %sub3A_1004 = arith.subf %convert_element_type3A_1001, %sub3A_1003 : f32
    %log3A = math.log %scan3A_999#0 : vector<2048x1xf32>
    %mul3A_1005 = vector.broadcast %sub3A_1004 : f32 to vector<2048x1xf32>
    %mul3A_1006 = arith.mulf %mul3A_1005, %log3A : vector<2048x1xf32>
    %sub3A_1007 = arith.subf %mul3A_1006, %scan3A_999#1 : vector<2048x1xf32>
    %lt3A_1008 = vector.broadcast %min3A_3 : i32 to vector<2048x1xi32>
    %lt3A_1009 = arith.cmpi slt, %iota3A_1002, %lt3A_1008 : vector<2048x1xi32>
    %jit3A_1010 = arith.constant 0.000000e+00 : f32
    %broadcast_in_dim3A_1011 = vector.broadcast %jit3A_1010 : f32 to vector<2048x1xf32>
    %select_n3A_1012 = arith.select %lt3A_1009, %sub3A_1007, %broadcast_in_dim3A_1011 : vector<2048x1xi1>, vector<2048x1xf32>
    %reduce_sum3A_1013 = vector.shape_cast %select_n3A_1012 : vector<2048x1xf32> to vector<1x2048x1xf32>
    %reduce_sum3A_1014 = arith.constant dense<0.000000e+00> : vector<1xf32>
    %reduce_sum3A_1015 = vector.multi_reduction <add>, %reduce_sum3A_1013, %reduce_sum3A_1014 [1, 2] : vector<1x2048x1xf32> to vector<1xf32>
    %reduce_sum3A_1016 = vector.shape_cast %reduce_sum3A_1015 : vector<1xf32> to vector<1x1x1xf32>
    %reduce_sum3A_1017 = vector.extract %reduce_sum3A_1016[0, 0, 0] : f32 from vector<1x1x1xf32>
    %mul3A_1018 = arith.mulf %convert_element_type3A_1001, %convert_element_type3A_1001 : f32
    %sub3A_1019 = arith.subf %mul3A_1018, %convert_element_type3A_1001 : f32
    %max3A = arith.constant 1.000000e+00 : f32
    %max3A_1020 = arith.maximumf %sub3A_1019, %max3A : f32
    %gt3A_1021 = arith.constant 1 : i32
    %gt3A_1022 = arith.cmpi sgt, %min3A_3, %gt3A_1021 : i32
    %div3A_1023 = arith.divf %reduce_sum3A_1017, %max3A_1020 : f32
    %jit3A_1024 = arith.constant 0.000000e+00 : f32
    %select_n3A_1025 = arith.select %gt3A_1022, %div3A_1023, %jit3A_1024 : f32
    %reshape3A_1026 = vector.broadcast %select_n3A_1025 : f32 to vector<1x1x1xf32>
    %swap3A_1027 = arith.constant 0 : index
    %swap3A_1028 = arith.constant 0 : index
    %swap3A_1029 = arith.constant 0 : index
    %swap3A_1030 = vector.load %arg3[%swap3A_1027, %swap3A_1028, %swap3A_1029] : memref<1x1x1xf32, #tpu.memory_space<vmem>>, vector<1x1x1xf32>
    tpu.vector_store %arg3[%swap3A_1027, %swap3A_1028, %swap3A_1029], %reshape3A_1026 {strides = array<i32>} : memref<1x1x1xf32, #tpu.memory_space<vmem>>, vector<1x1x1xf32>,
    return
  }
  func.func @transform_0(%arg0: i32) -> (i32, i32, i32) {
    %c0_i32 = arith.constant 0 : i32
    %c0_i32_0 = arith.constant 0 : i32
    %c0_i32_1 = arith.constant 0 : i32
    return %arg0, %c0_i32, %c0_i32_0 : i32, i32, i32
  }
  func.func @transform_1(%arg0: i32) -> (i32, i32, i32) {
    %c0_i32 = arith.constant 0 : i32
    %c0_i32_0 = arith.constant 0 : i32
    %c0_i32_1 = arith.constant 0 : i32
    return %arg0, %c0_i32, %c0_i32_0 : i32, i32, i32
  }
  func.func @transform_2(%arg0: i32) -> (i32, i32, i32) {
    %c0_i32 = arith.constant 0 : i32
    %c0_i32_0 = arith.constant 0 : i32
    %c0_i32_1 = arith.constant 0 : i32
    return %arg0, %c0_i32, %c0_i32_0 : i32, i32, i32
  }
}

</mosaic_0001>

<sc_bundles>
// kernel: sc_compact.3.cloned.1.call-start
scs
__scs_entry_jumppad:
0x0: {  	(pc) =	sbr.rel $0x88, $3  }
0x1: {  	(tag) =	ssettag $0x0;
	lr =	simm.s32 $0x1  }
0x2: {  	[smem:$0x3F9F] =	sst lr;
	_ =	strace $0xD0000000  }
0x3: {  	_ = 	snop  }
0x4: {  	_ = 	snop  }
0x5: {  	_ = 	snop  }
0x6: {  	_ = 	snop  }
0x7: {  	_ = 	snop  }
__scs_overlays_trampoline_lowered:
0x8: {  	[smem:$0x3FAE] =	sst s0  }
0x9: {  	[smem:$0x3FAF] =	sst s1  }
0xa: {  	[smem:$0x3FB0] =	sst s2  }
0xb: {  	[smem:$0x3FB1] =	sst s3  }
0xc: {  	[smem:$0x3FB2] =	sst s4  }
0xd: {  	[smem:$0x3FB3] =	sst s5  }
0xe: {  	[smem:$0x3FB4] =	sst s6  }
0xf: {  	[smem:$0x3FB5] =	sst s7  }
0x10: {  	[smem:$0x3FB6] =	sst s8  }
0x11: {  	[smem:$0x3FB7] =	sst s9;
	s0 =	simm.s32 @!p0 $0x0  }
0x12: {  	s1 =	sld [smem:$0x3F9D];
	s0 =	simm.s32 @p0 $0x1  }
0x13: {  	[smem:$0x3FB8] =	sst s0;
	s0 =	simm.s32 @!p1 $0x0  }
0x14: {  	s2 =	sld [smem:$0x3F9C];
	s0 =	simm.s32 @p1 $0x1  }
0x15: {  	[smem:$0x3FB9] =	sst s0;
	s0 =	simm.s32 @!p2 $0x0  }
0x16: {  	s3 =	sld [smem:$0x3FDB];
	s0 =	simm.s32 @p2 $0x1  }
0x17: {  	s4 =	simm.s32 $0x1BF5;
	[smem:$0x3FBB] =	sst s0  }
0x18: {  	s0 =	sld [smem:$0x3F9E];
	_ =	swait.ge [sflag:s4], $0x0  }
0x19: {  	s7 =	sld [smem:$0x3F9F]  }
0x1a: {  	s8 =	sadd.s32 $0xFFFFE003, lr  }
0x1b: {  	s9 =	sadd.s32 $0xFFFFFEF7, lr;
	s5 =	simm.s32 $0xFFFFFFFF;
	p2 =	slt.u32 s8, $0xFFFFF086  }
0x1c: {  	p1 =	slt.u32 s9, $0xF7A;
	s5 =	simm.s32 @!p2 $0x0  }
0x1d: {  	s5 =	simm.s32 @p1 $0x1;
	p0 =	seq.s32 s7, s2  }
0x1e: {  	s7 =	smul.u32 @!p0 $0xF7A, s2;
	p2 =	seq.s32 @!p0 s5, $0x0  }
0x1f: {  	s9 =	smul.u32 $0xF7A, s1;
	s8 =	simm.s32 @!p0 $0x1BF5;
	p2 =	por !p2, p0  }
0x20: {  	[sflag:s8] =	ssyncset.s32 @!p0 $0xFFFFF086;
	s6 =	sadd.s32 @!p0 s3, s7;
	s7 =	simm.s32 @!p0 $0x108  }
0x21: {  	s3 =	sadd.s32 s3, s9;
	s6 =	sadd.s32 @!p0 $0x88, s6;
	s7 =	simm.s32 @p2 $0x1082  }
0x22: {  	[simem:s7], [sflag:s8] =	dma.local @!p0 [hbm:s6], $0xF7A  }
0x23: {  	s9 =	sor.u32 $0xD0000000, s2;
	s6 =	simm.s32 $0x108;
	_ =	swait.ge @!p0 [sflag:s8], $0x0  }
0x24: {  	s3 =	sadd.s32 $0x88, s3;
	s6 =	simm.s32 @!p1 $0x1082;
	[sflag:s4] =	ssyncset.s32 $0xFFFFF086  }
0x25: {  	[simem:s6], [sflag:s4] =	dma.local [hbm:s3], $0xF7A  }
0x26: {  	[smem:$0x3F9F] =	sst s1;
	(tag) =	ssettag s2;
	_ =	strace s9  }
0x27: {  	s1 =	sld [smem:$0x3FAF]  }
0x28: {  	s2 =	sld [smem:$0x3FB0]  }
0x29: {  	s4 =	sld [smem:$0x3FB2]  }
0x2a: {  	p0 =	seq.s32 s5, $0x0;
	s5 =	sld [smem:$0x3FB3]  }
0x2b: {  	s6 =	sld [smem:$0x3FB4]  }
0x2c: {  	s7 =	sld [smem:$0x3FB5]  }
0x2d: {  	s3 =	simm.s32 $0x108;
	s8 =	sld [smem:$0x3FB6]  }
0x2e: {  	s3 =	simm.s32 @!p0 $0x1082;
	s9 =	sld [smem:$0x3FB7]  }
0x2f: {  	lr =	sadd.s32 s0, s3;
	s0 =	sld [smem:$0x3FAE]  }
0x30: {  	s3 =	sld [smem:$0x3FB1]  }
0x31: {  	[smem:$0x3FBA] =	sst s10  }
0x32: {  	s10 =	sld [smem:$0x3FB8];
	_ =	sdelay $0x3  }
0x33: {  	p0 =	seq.s32 s10, $0x1;
	s10 =	sld [smem:$0x3FBA];
	_ =	sdelay $0x3  }
0x34: {  	[smem:$0x3FBA] =	sst s10  }
0x35: {  	s10 =	sld [smem:$0x3FB9];
	_ =	sdelay $0x3  }
0x36: {  	p1 =	seq.s32 s10, $0x1;
	s10 =	sld [smem:$0x3FBA];
	_ =	sdelay $0x3  }
0x37: {  	[smem:$0x3FBA] =	sst s10  }
0x38: {  	s10 =	sld [smem:$0x3FBB]  }
0x39: {  	_ = 	snop;
	(pc) =	sbr.ind lr, $3  }
0x3a: {  	_ = 	snop  }
0x3b: {  	_ = 	snop  }
0x3c: {  	p2 =	seq.s32 s10, $0x1;
	s10 =	sld [smem:$0x3FBA]  }
0x3d: {  	_ =	shalt  }
0x3e: {  	_ =	shalt  }
0x3f: {  	_ =	shalt  }
0x40: {  	_ =	shalt  }
0x41: {  	_ =	shalt  }
0x42: {  	_ =	shalt  }
0x43: {  	_ =	shalt  }
0x44: {  	_ =	shalt  }
0x45: {  	_ =	shalt  }
0x46: {  	_ =	shalt  }
0x47: {  	_ =	shalt  }
0x48: {  	_ =	shalt  }
0x49: {  	_ =	shalt  }
0x4a: {  	_ =	shalt  }
0x4b: {  	_ =	shalt  }
0x4c: {  	_ =	shalt  }
0x4d: {  	_ =	shalt  }
0x4e: {  	_ =	shalt  }
0x4f: {  	_ =	shalt  }
0x50: {  	_ =	shalt  }
0x51: {  	_ =	shalt  }
0x52: {  	_ =	shalt  }
0x53: {  	_ =	shalt  }
0x54: {  	_ =	shalt  }
0x55: {  	_ =	shalt  }
0x56: {  	_ =	shalt  }
0x57: {  	_ =	shalt  }
0x58: {  	_ =	shalt  }
0x59: {  	_ =	shalt  }
0x5a: {  	_ =	shalt  }
0x5b: {  	_ =	shalt  }
0x5c: {  	_ =	shalt  }
0x5d: {  	_ =	shalt  }
0x5e: {  	_ =	shalt  }
0x5f: {  	_ =	shalt  }
0x60: {  	_ =	shalt  }
0x61: {  	_ =	shalt  }
0x62: {  	_ =	shalt  }
0x63: {  	_ =	shalt  }
0x64: {  	_ =	shalt  }
0x65: {  	_ =	shalt  }
0x66: {  	_ =	shalt  }
0x67: {  	_ =	shalt  }
0x68: {  	_ =	shalt  }
0x69: {  	_ =	shalt  }
0x6a: {  	_ =	shalt  }
0x6b: {  	_ =	shalt  }
0x6c: {  	_ =	shalt  }
0x6d: {  	_ =	shalt  }
0x6e: {  	_ =	shalt  }
0x6f: {  	_ =	shalt  }
0x70: {  	_ =	shalt  }
0x71: {  	_ =	shalt  }
0x72: {  	_ =	shalt  }
0x73: {  	_ =	shalt  }
0x74: {  	_ =	shalt  }
0x75: {  	_ =	shalt  }
0x76: {  	_ =	shalt  }
0x77: {  	_ =	shalt  }
0x78: {  	_ =	shalt  }
0x79: {  	_ =	shalt  }
0x7a: {  	_ =	shalt  }
0x7b: {  	_ =	shalt  }
0x7c: {  	_ =	shalt  }
0x7d: {  	_ =	shalt  }
0x7e: {  	_ =	shalt  }
0x7f: {  	_ =	shalt  }
0x80: {  	_ =	shalt  }
0x81: {  	_ =	shalt  }
0x82: {  	_ =	shalt  }
0x83: {  	_ =	shalt  }
0x84: {  	_ =	shalt  }
0x85: {  	_ =	shalt  }
0x86: {  	_ =	shalt  }
0x87: {  	_ =	shalt  }
.Lfunc_end0:
.L_simem_size_0:
called_computation_lowered:
.L_overlay_start_0:
0x88: {  	s2 =	sld [smem:$0x3FD9]  }
0x89: {  	s3 =	sld [smem:$0x3FFE];
	_ =	sdelay $0x1  }
0x8a: {  	s1 =	srdreg.scid  }
0x8b: {  	s0 =	sand.u32 $0x1, s1  }
0x8c: {  	s17 =	sshll.u32 s0, $0xA;
	s2 =	sadd.s32 s3, s2  }
0x8d: {  	s2 =	sadd.s32 s2, s17  }
0x8e: {  	[smem:$0x3FC6] =	sst s2  }
0x8f: {  	_ = 	snop  }
0x90: {  	s2 =	sld [smem:$0x3FD0];
	(tm) =	ssettm $0x1  }
0x91: {  	s18 =	sld [smem:$0x3FFB];
	_ =	sdelay $0x3  }
0x92: {  	_ =	strace s18  }
0x93: {  	s3 =	sld [smem:$0x3FFC];
	_ =	sdelay $0x3  }
0x94: {  	_ =	strace s3  }
0x95: {  	s3 =	sld [smem:$0x3FFD];
	_ =	sdelay $0x3  }
0x96: {  	_ =	strace s3  }
0x97: {  	_ =	strace $0x8FFFFFFF  }
0x98: {  	s19 =	sld [smem:$0x3FDB];
	_ =	sdelay $0x1  }
0x99: {  	s4 =	simm.s32 $_scs_section_size  }
0x9a: {  	s5 =	simm.s32 $_size__tile_overlayer_lowered;
	s6 =	simm.s32 $_tile_overlayer_lowered  }
0x9b: {  	s22 =	simm.s32 $0x1BFF;
	s21 =	sshll.u32 s6, $0x1;
	s3 =	sadd.s32 s4, s19  }
0x9c: {  	s7 =	simm.s32 $0x0;
	s20 =	sshll.u32 s5, $0x1;
	s5 =	sadd.s32 s21, s3  }
0x9d: {  	[timem:s7], [sflag:s22] =	dma.local [hbm:s5], s20  }
0x9e: {  	_ =	swait.ge [sflag:s22], s20  }
0x9f: {  	s4 =	ssub.s32 $0x0, s20;
	[sflag:s22] =	ssyncset.done $0x0  }
0xa0: {  	[sflag:s22] =	ssyncadd.s32 s4;
	_ =	sdelay $0x1  }
0xa1: {  	s23 =	simm.s32 $0x1B8B  }
0xa2: {  	_ =	swait.ge [sflag:s23], $0x1  }
0xa3: {  	[sflag:s23] =	ssyncset.done $0x0  }
0xa4: {  	s25 =	simm.s32 $0x1B8E;
	s24 =	sld [smem:$0x3FFE];
	[sflag:s23] =	ssyncadd.s32 $0xFFFFFFFF  }
0xa5: {  	s26 =	simm.s32 $execute0_lowered;
	[smem:$0x3FD2] =	sst s25  }
0xa6: {  	s5 =	sshll.u32 s26, $0x1;
	_ =	strace $0x80000046;
	[dreg:$0x1] =	wrdreg $0xFFFFFFFF  }
0xa7: {  	s28 =	simm.s32 $_size_execute0_lowered;
	s3 =	sadd.s32 s3, s5;
	[dreg:$0x0] =	wrdreg $0x0  }
0xa8: {  	s5 =	sshll.u32 s28, $0x1;
	[dreg:$0x2] =	wrdreg s3  }
0xa9: {  	[dreg:$0x3] =	wrdreg s5  }
0xaa: {  	[dreg:$0x4] =	wrdreg $0xC0  }
0xab: {  	_ =	task [dreg:s7], $0x5FFFF  }
0xac: {  	[dreg:$0x1] =	wrdreg $0xFFFFFFFF  }
0xad: {  	[dreg:$0x0] =	wrdreg $0x60  }
0xae: {  	[dreg:$0x2] =	wrdreg s24  }
0xaf: {  	[dreg:$0x3] =	wrdreg s2  }
0xb0: {  	[dreg:$0x4] =	wrdreg $0x14D000  }
0xb1: {  	[dreg:$0x5] =	wrdreg $0x9  }
0xb2: {  	_ =	task.clear_ibuf [dreg:s7], $0x6FFFF;
	_ =	strace $0x90000046  }
0xb3: {  	s29 =	simm.s32 $0x9;
	_ =	strace $0x80000048  }
0xb4: {  	_ =	swait.ge [sflag:s29], $0x1  }
0xb5: {  	[sflag:s29] =	ssyncadd.s32 $0xFFFFFFFF  }
0xb6: {  	_ =	strace $0x90000048  }
0xb7: {  	_ =	sfence  }
0xb8: {  	s30 =	sld [smem:$0x0];
	_ =	sdelay $0x2  }
0xb9: {  	s31 =	sshll.u32 s1, $0xD;
	s1 =	sshrl.u32 s1, $0x2  }
0xba: {  	s3 =	sand.u32 $0x4000, s31;
	s1 =	sadd.s32 s1, s30  }
0xbb: {  	s0 =	sor.u32 s3, s0;
	s1 =	sshll.u32 s1, $0x11  }
0xbc: {  	s0 =	sor.u32 s1, s0  }
0xbd: {  	s0 =	sadd.s32 $0x8F2B, s0  }
0xbe: {  	[sflag:s0] =	ssyncadd.remote.s32 $0x1  }
0xbf: {  	_ =	sfence.sel $0xFFFF  }
0xc0: {  	[dreg:$0x0] =	wrdreg $0xFFFFFFFF;
	(pc) =	sbr.abs _section_cstart, $3  }
0xc1: {  	[dreg:$0x1] =	wrdreg $0xFFFFFFFF  }
0xc2: {  	_ =	task.clear_ibuf [dreg:s7], $0x2FFFF;
	_ =	strace $0x9FFFFFFF  }
0xc3: {  	(tm) =	ssettm $0x7FFFFFFF  }
tec
execute0_lowered:
.L_overlay_start_1:
0x0: {  	(tag) =	ssettag $0x1  }
0x1: {  	s0 =	rddreg [dreg:$0x0]  }
0x2: {  	s1 =	rddreg [dreg:$0x1]  }
0x3: {  	s8 =	rddreg [dreg:$0x2];
	s2 =	srdreg.scid  }
0x4: {  	s9 =	simm.s32 $0x0;
	s3 =	stileid.u32;
	s2 =	sand.u32 $0x1, s2  }
0x5: {  	[smem:$0x7FF] =	sst s9;
	s5 =	sshll.u32 s3, $0xE;
	s4 =	sshll.u32 s2, $0x12  }
0x6: {  	_ =	strace $0x80000047;
	s6 =	ssub.s32 $0x2, s2;
	s4 =	sor.u32 s5, s4  }
0x7: {  	[dreg:$0x4] =	wrdreg s5;
	s25 =	sshrl.u32 s6, $0x1;
	s4 =	sshrl.u32 s4, $0x3  }
0x8: {  	s5 =	sadd.s32 $0x10C00, s0;
	s4 =	sadd.s32 s4, s0;
	s0 =	ssub.s32 s6, s25  }
0x9: {  	p0 =	seq.s32 s3, $0xF;
	s0 =	smax.u32 s0, $0x1  }
0xa: {  	[dreg:$0xb] =	wrdreg s0;
	s0 =	simm.s32 @!p0 $0x0  }
0xb: {  	s0 =	simm.s32 @p0 $0x1;
	p0 =	sgt.u32 s3, $0xD  }
0xc: {  	[smem:$0x7EE] =	sst s0;
	s0 =	simm.s32 @!p0 $0x0  }
0xd: {  	s0 =	simm.s32 @p0 $0x1;
	p0 =	sgt.u32 s3, $0xC  }
0xe: {  	[smem:$0x7EF] =	sst s0;
	s0 =	simm.s32 @!p0 $0x0  }
0xf: {  	s0 =	simm.s32 @p0 $0x1;
	p0 =	sgt.u32 s3, $0xB  }
0x10: {  	[smem:$0x7F0] =	sst s0;
	s0 =	simm.s32 @!p0 $0x0  }
0x11: {  	s0 =	simm.s32 @p0 $0x1;
	p0 =	sgt.u32 s3, $0xA  }
0x12: {  	[smem:$0x7F1] =	sst s0;
	s0 =	simm.s32 @!p0 $0x0  }
0x13: {  	s0 =	simm.s32 @p0 $0x1;
	p0 =	sgt.u32 s3, $0x9  }
0x14: {  	[smem:$0x7F2] =	sst s0;
	s0 =	simm.s32 @!p0 $0x0  }
0x15: {  	s10 =	smul.u32 $0x3008, s2;
	s0 =	simm.s32 @p0 $0x1;
	p0 =	sgt.u32 s3, $0x8  }
0x16: {  	s2 =	sshll.u32 s2, $0x1;
	[smem:$0x7F3] =	sst s0;
	s0 =	simm.s32 @!p0 $0x0  }
0x17: {  	s1 =	sadd.s32 s1, s2;
	s0 =	simm.s32 @p0 $0x1;
	p0 =	sgt.u32 s3, $0x7  }
0x18: {  	[dreg:$0x9] =	wrdreg s1;
	s1 =	simm.s32 @!p0 $0x0  }
0x19: {  	s13 =	simm.s32 $0x4000;
	s1 =	simm.s32 @p0 $0x1;
	p0 =	sgt.u32 s3, $0x6  }
0x1a: {  	s7 =	smul.u32 $0x300, s3;
	[smem:$0x7F5] =	sst s1;
	s1 =	simm.s32 @!p0 $0x0  }
0x1b: {  	s28 =	sshll.u32 s3, $0x7;
	s1 =	simm.s32 @p0 $0x1;
	p0 =	sgt.u32 s3, $0x5  }
0x1c: {  	s29 =	sadd.s32 s28, s8;
	[smem:$0x7F6] =	sst s1;
	s1 =	simm.s32 @!p0 $0x0  }
0x1d: {  	[dreg:$0x8] =	wrdreg s29;
	s1 =	simm.s32 @p0 $0x1;
	p0 =	sgt.u32 s3, $0x4  }
0x1e: {  	s26 =	sadd.s32 s7, s10;
	[smem:$0x7F7] =	sst s1;
	s1 =	simm.s32 @!p0 $0x0  }
0x1f: {  	[dreg:$0x5] =	wrdreg s10;
	s1 =	simm.s32 @p0 $0x1;
	p0 =	sgt.u32 s3, $0x3  }
0x20: {  	s31 =	sadd.s32 $0x800, s10;
	[smem:$0x7F8] =	sst s1;
	s1 =	simm.s32 @!p0 $0x0  }
0x21: {  	[dreg:$0xa] =	wrdreg s31;
	s1 =	simm.s32 @p0 $0x1;
	p0 =	sne.s32 s3, $0x0  }
0x22: {  	s4 =	sadd.s32 $0xC00, s4;
	[smem:$0x7F9] =	sst s1;
	s1 =	simm.s32 @!p0 $0x0  }
0x23: {  	[dreg:$0x6] =	wrdreg s4;
	vm2 =	vcmask @!p0 $0x300;
	vm3 =	vcmask @!p0 $0x704;
	s1 =	simm.s32 @p0 $0x1;
	p0 =	sgt.u32 s3, $0x2  }
0x24: {  	s4 =	sshrl.u32 s26, $0x3;
	[smem:$0x7FA] =	sst s1;
	s1 =	simm.s32 @!p0 $0x0  }
0x25: {  	s4 =	sadd.s32 s5, s4;
	s1 =	simm.s32 @p0 $0x1;
	p0 =	sgt.u32 s3, $0x1  }
.Ltmp0:
0x26: {  	[smem:$0x7FB] =	sst s1;
	s1 =	simm.s32 @!p0 $0x0;
	(pc) =	sbr.rel .LBB2_1-.Ltmp0, $4  }
0x27: {  	[dreg:$0x7] =	wrdreg s4;
	s1 =	simm.s32 @p0 $0x1;
	p0 =	seq.s32 s3, $0x0  }
0x28: {  	s14 =	simm.s32 $0x8080;
	[smem:$0x7FC] =	sst s1;
	s1 =	simm.s32 @!p0 $0x0  }
0x29: {  	v1 =	vlaneseq.u32;
	v2 =	vimm.s32 $0x0;
	s30 =	sadd.s32 $0x3000, s10;
	[smem:$0x7F4] =	sst s0;
	s1 =	simm.s32 @p0 $0x1  }
0x2a: {  	vm0 =	vcmask $0x704;
	vm1 =	vmmov $0x1;
	v0 =	vmov s30;
	s4 =	simm.s32 $0x2;
	s0 =	simm.s32 $0x0;
	[smem:$0x7FD] =	sst s1  }
.LBB2_11:
0x2b: {  	s1 =	sadd.s32 $0x1, s1;
	s0 =	rddreg [dreg:$0xb]  }
0x2c: {  	p0 =	sne.s32 s1, s0  }
.Ltmp1:
0x2d: {  	_ = 	snop;
	(pc) =	sbr.rel @!p0 .LBB2_12-.Ltmp1, $2  }
0x2e: {  	_ =	sdelay $0x2  }
0x2f: {  	s9 =	simm.s32 $0x0;
	s4 =	simm.s32 $0x2;
	s0 =	smov.u32 s1  }
.LBB2_1:
0x30: {  	[dreg:$0xc] =	wrdreg s0  }
0x31: {  	s29 =	rddreg [dreg:$0x6]  }
0x32: {  	[tilespmem:s9], [sflag:$0x2] =	stream.linear.gather [hbm4b:s29+s9], $0x4000, $0x38;
	[tilespmem:$0x14D10] =	vst v63  }
0x33: {  	_ =	swait.ge [sflag:s4], $0x4000  }
0x34: {  	[sflag:s4] =	ssyncset.done $0x0  }
0x35: {  	s30 =	simm.s32 $0x0;
	[sflag:s4] =	ssyncadd.s32 $0xFFFFC000  }
0x36: {  	v3 =	vld [tilespmem:s30+$0x0];
	_ =	sdelay $0x4  }
0x37: {  	vm4 =	veq.s32 v3, $0x1  }
0x38: {  	vm5 =	veq.s32 v3, $0x2;
	v4 =	vsel vm4, $0x1, v2  }
0x39: {  	v3 =	vsel vm5, $0x1, v2;
	(xrf0) =	vadd.scan.msk.s32 $0xffff, v4  }
0x3a: {  	(xrf0) =	vadd.scan.msk.s32 $0xffff, v3;
	_ =	sdelay $0x3  }
0x3b: {  	v3 =	vsel vm4, $0xFFFFFFFF, v2  }
0x3c: {  	v4 =	vsel vm5, $0xFFFFFFFF, v2;
	v3 =	vadd.s32 v3, v2;
	v5, _, _ =	vpop (xrf0)  }
0x3d: {  	v4 =	vadd.s32 v4, v2;
	v3 =	vadd.s32 v5, v3;
	v5, _, _ =	vpop (xrf0)  }
0x3e: {  	v5 =	vadd.s32 v5, v4;
	_ =	sdelay $0x1  }
0x3f: {  	s2 =	rddreg [dreg:$0x4];
	v6 =	vmpcnt.ones.xlane vm5  }
0x40: {  	v7 =	vor.u32 s2, v1;
	v4 =	vmpcnt.ones.xlane vm4  }
0x41: {  	[tilespmem:v3+s13+$0x0] =	vst.idx.msk vm4, v7  }
0x42: {  	s31 =	simm.s32 $0x10;
	v4 =	vadd.s32 v2, v4;
	v3 =	vadd.s32 v2, v6;
	[tilespmem:v5+s14+$0x0] =	vst.idx.msk vm5, v7  }
0x43: {  	s1 =	simm.s32 $0x80;
	s0 =	smov.u32 s2;
	v6 =	vmov v4;
	v5 =	vmov v3;
	v7 =	vld [tilespmem:s31+$0x0]  }
.LBB2_2:
0x44: {  	p3 =	sne.s32 s1, $0xFFC0;
	_ =	sdelay $0x3  }
0x45: {  	vm4 =	veq.s32 v7, $0x1  }
0x46: {  	vm5 =	veq.s32 v7, $0x2;
	v8 =	vsel vm4, $0x1, v2;
	v9 =	vmpcnt.ones.xlane vm4  }
0x47: {  	v7 =	vsel vm5, $0x1, v2;
	v10 =	vmpcnt.ones.xlane vm5;
	(xrf0) =	vadd.scan.msk.s32 $0xffff, v8  }
0x48: {  	v4 =	vadd.s32 v4, v9;
	(xrf0) =	vadd.scan.msk.s32 $0xffff, v7  }
0x49: {  	v3 =	vadd.s32 v3, v10;
	_ =	sdelay $0x2  }
0x4a: {  	v7 =	vsel vm4, $0xFFFFFFFF, v2  }
0x4b: {  	v8 =	vsel vm5, $0xFFFFFFFF, v2;
	v7 =	vadd.s32 v7, v6;
	v6 =	vmov v4;
	v9, _, _ =	vpop (xrf0)  }
0x4c: {  	v8 =	vadd.s32 v8, v5;
	v5 =	vmov v3;
	v7 =	vadd.s32 v9, v7;
	v9, _, _ =	vpop (xrf0)  }
0x4d: {  	v8 =	vadd.s32 v9, v8;
	_ =	sdelay $0x1  }
.Ltmp2:
0x4e: {  	s0 =	sadd.s32 $0x10, s0;
	(pc) =	sbr.rel @p3 .LBB2_2-.Ltmp2, $4  }
0x4f: {  	v9 =	vor.u32 s0, v1  }
0x50: {  	[tilespmem:v7+s13+$0x0] =	vst.idx.msk vm4, v9  }
0x51: {  	s2 =	sshra.s32 s1, $0x2;
	[tilespmem:v8+s14+$0x0] =	vst.idx.msk vm5, v9  }
0x52: {  	s1 =	sadd.s32 $0x40, s1;
	v7 =	vld [tilespmem:s2+$0x0]  }
0x53: {  	_ =	sdelay $0x3  }
0x54: {  	vm4 =	veq.s32 v7, $0x1  }
0x55: {  	vm5 =	veq.s32 v7, $0x2;
	v8 =	vsel vm4, $0x1, v2  }
0x56: {  	v7 =	vsel vm5, $0x1, v2;
	(xrf0) =	vadd.scan.msk.s32 $0xffff, v8  }
0x57: {  	(xrf0) =	vadd.scan.msk.s32 $0xffff, v7;
	_ =	sdelay $0x1  }
0x58: {  	v7 =	vsel vm4, $0xFFFFFFFF, v2  }
0x59: {  	v6 =	vadd.s32 v7, v6;
	v7 =	vsel vm5, $0xFFFFFFFF, v2;
	_ =	sdelay $0x1  }
0x5a: {  	v8, _, _ =	vpop (xrf0)  }
0x5b: {  	v5 =	vadd.s32 v7, v5;
	v6 =	vadd.s32 v8, v6;
	v7, _, _ =	vpop (xrf0)  }
0x5c: {  	v5 =	vadd.s32 v7, v5;
	_ =	sdelay $0x1  }
0x5d: {  	s0 =	sadd.s32 $0x10, s0  }
0x5e: {  	v7 =	vor.u32 s0, v1  }
0x5f: {  	[tilespmem:v6+s13+$0x0] =	vst.idx.msk vm4, v7  }
0x60: {  	[tilespmem:v5+s14+$0x0] =	vst.idx.msk vm5, v7  }
0x61: {  	[tilespmem:$0xC980] =	vst v2  }
0x62: {  	[tilespmem:$0xC990] =	vst v2  }
0x63: {  	[tilespmem:$0xC9A0] =	vst v2  }
0x64: {  	[tilespmem:$0xC9B0] =	vst v2  }
0x65: {  	[tilespmem:$0xC9C0] =	vst v2  }
0x66: {  	[tilespmem:$0xC9D0] =	vst v2  }
0x67: {  	[tilespmem:$0xC9E0] =	vst v2  }
0x68: {  	[tilespmem:$0xC9F0] =	vst v2  }
0x69: {  	[tilespmem:$0xCA00] =	vst v2  }
0x6a: {  	[tilespmem:$0xCA10] =	vst v2  }
0x6b: {  	[tilespmem:$0xCA20] =	vst v2  }
0x6c: {  	[tilespmem:$0xCA30] =	vst v2  }
0x6d: {  	[tilespmem:$0xCA40] =	vst v2  }
0x6e: {  	[tilespmem:$0xCA50] =	vst v2  }
0x6f: {  	[tilespmem:$0xCA60] =	vst v2  }
0x70: {  	[tilespmem:$0xCA70] =	vst v2  }
0x71: {  	[tilespmem:$0xCA80] =	vst v2  }
0x72: {  	[tilespmem:$0xCA90] =	vst v2  }
0x73: {  	[tilespmem:$0xCAA0] =	vst v2  }
0x74: {  	[tilespmem:$0xCAB0] =	vst v2  }
0x75: {  	[tilespmem:$0xCAC0] =	vst v2  }
0x76: {  	[tilespmem:$0xCAD0] =	vst v2  }
0x77: {  	[tilespmem:$0xCAE0] =	vst v2  }
0x78: {  	[tilespmem:$0xCAF0] =	vst v2  }
0x79: {  	[tilespmem:$0xCB00] =	vst v2  }
0x7a: {  	[tilespmem:$0xCB10] =	vst v2  }
0x7b: {  	[tilespmem:$0xCB20] =	vst v2  }
0x7c: {  	[tilespmem:$0xCB30] =	vst v2  }
0x7d: {  	[tilespmem:$0xCB40] =	vst v2  }
0x7e: {  	[tilespmem:$0xCB50] =	vst v2  }
0x7f: {  	[tilespmem:$0xCB60] =	vst v2  }
0x80: {  	v5 =	vmpcnt.ones.xlane vm4;
	[tilespmem:$0xCB70] =	vst v2  }
0x81: {  	v6 =	vmpcnt.ones.xlane vm5;
	[tilespmem:$0xCB80] =	vst v2  }
0x82: {  	[tilespmem:$0xCB90] =	vst v2;
	v4 =	vadd.s32 v4, v5  }
0x83: {  	v3 =	vadd.s32 v3, v6;
	[tilespmem:$0xCBA0] =	vst v2;
	(v2sf) =	vpush v4, $0x0  }
0x84: {  	[tilespmem:$0xCBB0] =	vst v2;
	(v2sf) =	vpush v3, $0x0  }
0x85: {  	[tilespmem:$0xCBC0] =	vst v2  }
0x86: {  	[tilespmem:$0xCBD0] =	vst v2  }
0x87: {  	[tilespmem:$0xCBE0] =	vst v2  }
0x88: {  	[tilespmem:$0xCBF0] =	vst v2  }
0x89: {  	[tilespmem:$0xCC00] =	vst v2  }
0x8a: {  	[tilespmem:$0xCC10] =	vst v2  }
0x8b: {  	[tilespmem:$0xCC20] =	vst v2  }
0x8c: {  	[tilespmem:$0xCC30] =	vst v2  }
0x8d: {  	[tilespmem:$0xCC40] =	vst v2  }
0x8e: {  	[tilespmem:$0xCC50] =	vst v2  }
0x8f: {  	[tilespmem:$0xCC60] =	vst v2  }
0x90: {  	s25 =	rddreg [dreg:$0x7];
	s1 =	simm.s32 $0xC980;
	[tilespmem:$0xCC70] =	vst v2  }
0x91: {  	[hbm4b:s25+s9] =	stream.linear.scatter [tilespmem:s1], [sflag:$0x2], $0x300, $0x38;
	[tilespmem:$0x14D10] =	vst v63  }
0x92: {  	s23 =	spop (v2sf)  }
0x93: {  	[dreg:$0xe] =	wrdreg s23;
	s24 =	spop (v2sf)  }
0x94: {  	v3 =	vbroadcast v3, $0x0;
	[dreg:$0xd] =	wrdreg s24  }
0x95: {  	_ =	swait.ge [sflag:s4], $0x300  }
0x96: {  	v3 =	vnsel vm0, $0x0, v3;
	[sflag:s4] =	ssyncset.done $0x0  }
0x97: {  	v3 =	vsel vm1, v4, v3;
	[sflag:s4] =	ssyncadd.s32 $0xFFFFFD00  }
0x98: {  	s28 =	simm.s32 $0xC100;
	s26 =	rddreg [dreg:$0x8];
	[tilespmem:$0xC100] =	vst v3  }
0x99: {  	[spmem:s26] =	stream.linear.scatter [tilespmem:s28], [sflag:$0x2], $0x80, $0x38;
	[tilespmem:$0x14D10] =	vst v63  }
0x9a: {  	_ =	swait.ge [sflag:s4], $0x80  }
0x9b: {  	[sflag:s4] =	ssyncset.done $0x0  }
0x9c: {  	[sflag:s4] =	ssyncadd.s32 $0xFFFFFF80  }
0x9d: {  	[bflag:$0x0] =	sbarrier.arrive $0xFFFF  }
0x9e: {  	s30 =	simm.s32 $0xC180;
	s29 =	rddreg [dreg:$0x2]  }
0x9f: {  	[tilespmem:s30], [sflag:$0x2] =	stream.linear.gather [spmem:s29], $0x800, $0x38;
	[tilespmem:$0x14D10] =	vst v63  }
0xa0: {  	_ =	swait.ge [sflag:s4], $0x800  }
0xa1: {  	[sflag:s4] =	ssyncset.done $0x0  }
0xa2: {  	[sflag:s4] =	ssyncadd.s32 $0xFFFFF800  }
0xa3: {  	v3 =	vld [tilespmem:$0xC180];
	_ =	sdelay $0x1  }
0xa4: {  	v4 =	vld [tilespmem:$0xC200];
	_ =	sdelay $0x1  }
0xa5: {  	v5 =	vld [tilespmem:$0xC280]  }
0xa6: {  	(v2sf) =	vpush v3, $0x0  }
0xa7: {  	(v2sf) =	vpush v3, $0x1;
	v3 =	vld [tilespmem:$0xC300]  }
0xa8: {  	(v2sf) =	vpush v4, $0x0  }
0xa9: {  	(v2sf) =	vpush v4, $0x1;
	v4 =	vld [tilespmem:$0xC380]  }
0xaa: {  	(v2sf) =	vpush v5, $0x0  }
0xab: {  	(v2sf) =	vpush v5, $0x1;
	v5 =	vld [tilespmem:$0xC400]  }
0xac: {  	(v2sf) =	vpush v3, $0x0  }
0xad: {  	(v2sf) =	vpush v3, $0x1;
	v3 =	vld [tilespmem:$0xC480]  }
0xae: {  	(v2sf) =	vpush v4, $0x0  }
0xaf: {  	(v2sf) =	vpush v4, $0x1;
	v4 =	vld [tilespmem:$0xC500]  }
0xb0: {  	(v2sf) =	vpush v5, $0x0  }
0xb1: {  	(v2sf) =	vpush v5, $0x1;
	v5 =	vld [tilespmem:$0xC580]  }
0xb2: {  	(v2sf) =	vpush v3, $0x0  }
0xb3: {  	(v2sf) =	vpush v3, $0x1;
	v3 =	vld [tilespmem:$0xC600]  }
0xb4: {  	(v2sf) =	vpush v4, $0x0  }
0xb5: {  	s17 =	spop (v2sf);
	(v2sf) =	vpush v4, $0x1;
	v4 =	vld [tilespmem:$0xC680]  }
0xb6: {  	s23 =	spop (v2sf);
	(v2sf) =	vpush v5, $0x0  }
0xb7: {  	s16 =	spop (v2sf);
	(v2sf) =	vpush v5, $0x1;
	v5 =	vld [tilespmem:$0xC700]  }
0xb8: {  	s21 =	spop (v2sf);
	(v2sf) =	vpush v3, $0x0  }
0xb9: {  	s15 =	spop (v2sf);
	(v2sf) =	vpush v3, $0x1;
	v3 =	vld [tilespmem:$0xC780]  }
0xba: {  	s4 =	spop (v2sf);
	(v2sf) =	vpush v4, $0x0  }
0xbb: {  	s31 =	sld [smem:$0x7FA];
	s9 =	spop (v2sf);
	(v2sf) =	vpush v4, $0x1;
	v4 =	vld [tilespmem:$0xC800]  }
0xbc: {  	s3 =	spop (v2sf);
	(v2sf) =	vpush v5, $0x0  }
0xbd: {  	s10 =	spop (v2sf);
	(v2sf) =	vpush v5, $0x1;
	v5 =	vld [tilespmem:$0xC880]  }
0xbe: {  	p0 =	seq.s32 s31, $0x1;
	s30 =	spop (v2sf);
	(v2sf) =	vpush v3, $0x0  }
0xbf: {  	s11 =	spop (v2sf);
	(v2sf) =	vpush v3, $0x1;
	v3 =	vld @!p0 [tilespmem:$0xC900]  }
0xc0: {  	s26 =	spop (v2sf);
	(v2sf) =	vpush v4, $0x0  }
0xc1: {  	s8 =	spop (v2sf);
	(v2sf) =	vpush v4, $0x1  }
0xc2: {  	s28 =	spop (v2sf);
	(v2sf) =	vpush v5, $0x0  }
0xc3: {  	s18 =	spop (v2sf);
	(v2sf) =	vpush v5, $0x1  }
0xc4: {  	s31 =	spop (v2sf);
	(v2sf) =	vpush @!p0 v3, $0x1  }
0xc5: {  	s0 =	sadd.s32 @!p0 s17, s16;
	s1 =	sadd.s32 @!p0 s23, s21;
	s7 =	spop (v2sf);
	(v2sf) =	vpush @!p0 v3, $0x0  }
0xc6: {  	s0 =	sadd.s32 @!p0 s15, s0;
	[dreg:$0x16] =	wrdreg s4;
	s2 =	spop (v2sf)  }
0xc7: {  	s1 =	sadd.s32 @!p0 s4, s1;
	s0 =	sadd.s32 @!p0 s9, s0;
	s12 =	spop (v2sf)  }
0xc8: {  	[dreg:$0x15] =	wrdreg s3;
	s1 =	sadd.s32 @!p0 s3, s1;
	s22 =	spop (v2sf)  }
0xc9: {  	s0 =	sadd.s32 @!p0 s10, s0;
	s1 =	sadd.s32 @!p0 s30, s1;
	s19 =	spop (v2sf)  }
0xca: {  	s0 =	sadd.s32 @!p0 s11, s0;
	s1 =	sadd.s32 @!p0 s26, s1;
	s29 =	spop (v2sf)  }
0xcb: {  	s0 =	sadd.s32 @!p0 s8, s0;
	s1 =	sadd.s32 @!p0 s28, s1;
	s20 =	spop (v2sf)  }
0xcc: {  	s0 =	sadd.s32 @!p0 s18, s0;
	s1 =	sadd.s32 @!p0 s31, s1;
	s4 =	spop (v2sf)  }
0xcd: {  	s0 =	sadd.s32 @!p0 s7, s0;
	[dreg:$0x14] =	wrdreg s2;
	s25 =	spop (v2sf)  }
0xce: {  	s1 =	sadd.s32 @!p0 s2, s1;
	s0 =	sadd.s32 @!p0 s12, s0;
	s6 =	spop (v2sf)  }
0xcf: {  	[dreg:$0x13] =	wrdreg s22;
	s1 =	sadd.s32 @!p0 s22, s1;
	s24 =	spop (v2sf)  }
0xd0: {  	s2 =	sadd.s32 @!p0 s19, s0;
	[dreg:$0x12] =	wrdreg s29;
	s0 =	spop (v2sf)  }
0xd1: {  	s3 =	sadd.s32 @!p0 s20, s2;
	s2 =	sadd.s32 @!p0 s29, s1;
	s22 =	spop (v2sf)  }
0xd2: {  	[dreg:$0x11] =	wrdreg s4;
	s3 =	sadd.s32 @!p0 s25, s3;
	s1 =	spop (v2sf)  }
0xd3: {  	s29 =	sadd.s32 @!p0 s4, s2;
	s2 =	sadd.s32 @!p0 s24, s3;
	s4 =	spop @!p0 (v2sf)  }
0xd4: {  	s3 =	sadd.s32 @!p0 s6, s29;
	s2 =	sadd.s32 @!p0 s22, s2;
	s29 =	spop @!p0 (v2sf)  }
0xd5: {  	[dreg:$0x10] =	wrdreg s6;
	s6 =	sadd.s32 @!p0 s29, s2;
	s2 =	sadd.s32 @!p0 s0, s3  }
0xd6: {  	[dreg:$0xf] =	wrdreg s1;
	s29 =	smov.u32 s0;
	v3 =	vmov @!p0 s6;
	s0 =	sadd.s32 @!p0 s1, s2  }
0xd7: {  	s2 =	rddreg [dreg:$0x9];
	s0 =	sadd.s32 @!p0 s4, s0;
	v3 =	vnsel @!p0 vm2, $0x0, v3  }
0xd8: {  	s6 =	sld [smem:$0x7F9];
	v3 =	vsel @!p0 vm3, s0, v3  }
0xd9: {  	s1 =	simm.s32 @!p0 $0x14C80;
	s4 =	sld [smem:$0x7FB];
	s0 =	simm.s32 @!p0 $0x0;
	[tilespmem:$0x14C80] =	vst @!p0 v3  }
0xda: {  	[hbm4b:s2+s0] =	stream.linear.scatter @!p0 [tilespmem:s1], [sflag:$0x2], $0x10, $0x38;
	[tilespmem:$0x14D10] =	vst v63  }
0xdb: {  	s1 =	sld [smem:$0x7FD]  }
0xdc: {  	s2 =	sld [smem:$0x7FC];
	_ =	sdelay $0x1  }
0xdd: {  	p6 =	seq.s32 s6, $0x1;
	s6 =	sld [smem:$0x7F2];
	p4 =	seq.s32 s4, $0x1  }
0xde: {  	s4 =	sld [smem:$0x7F3];
	p2 =	seq.s32 s1, $0x1;
	p3 =	seq.s32 s2, $0x1  }
0xdf: {  	s2 =	sld [smem:$0x7F5];
	s17 =	simm.s32 @p2 $0x0;
	s16 =	simm.s32 @!p3 $0x0  }
0xe0: {  	s3 =	sadd.s32 s17, s16;
	s16 =	sld [smem:$0x7F7]  }
0xe1: {  	s9 =	simm.s32 @!p6 $0x0;
	s15 =	simm.s32 @!p4 $0x0;
	s17 =	sld [smem:$0x7F6]  }
0xe2: {  	s23 =	simm.s32 @p2 $0x0;
	s0 =	sadd.s32 s15, s3;
	s15 =	sld [smem:$0x7F8]  }
0xe3: {  	s21 =	simm.s32 @!p3 $0x0;
	s3 =	sld [smem:$0x7F4];
	s0 =	sadd.s32 s9, s0  }
0xe4: {  	s9 =	sadd.s32 s23, s21;
	p1 =	seq.s32 s16, $0x1;
	s16 =	sld [smem:$0x7F5]  }
0xe5: {  	p5 =	seq.s32 s15, $0x1;
	s11 =	simm.s32 @!p1 $0x0;
	s15 =	sld [smem:$0x7F6]  }
0xe6: {  	p1 =	seq.s32 s17, $0x1;
	s17 =	sld [smem:$0x7F4];
	s10 =	simm.s32 @!p5 $0x0  }
0xe7: {  	s8 =	simm.s32 @!p1 $0x0;
	p1 =	seq.s32 s2, $0x1;
	s2 =	rddreg [dreg:$0x16]  }
0xe8: {  	s30 =	simm.s32 @!p5 $0x0;
	s0 =	sadd.s32 s10, s0;
	s10 =	sld [smem:$0x7EF]  }
0xe9: {  	s18 =	simm.s32 @!p1 $0x0;
	p1 =	seq.s32 s3, $0x1;
	s3 =	rddreg [dreg:$0xe]  }
0xea: {  	s7 =	simm.s32 @!p1 $0x0;
	p1 =	seq.s32 s4, $0x1;
	s4 =	rddreg [dreg:$0x15]  }
0xeb: {  	s2 =	simm.s32 @!p4 $0x0;
	s0 =	sadd.s32 s11, s0;
	s11 =	sld [smem:$0x7EE]  }
0xec: {  	s1 =	sadd.s32 s2, s9;
	p3 =	seq.s32 s15, $0x1;
	s0 =	sadd.s32 s8, s0  }
0xed: {  	s12 =	simm.s32 @!p1 $0x0;
	s8 =	sld [smem:$0x7F0];
	s0 =	sadd.s32 s18, s0  }
0xee: {  	p1 =	seq.s32 s6, $0x1;
	s0 =	sadd.s32 s7, s0;
	s7 =	sld [smem:$0x7F1]  }
0xef: {  	s4 =	simm.s32 @!p6 $0x0;
	s28 =	simm.s32 @!p3 $0x0;
	s6 =	simm.s32 $0x4000  }
0xf0: {  	s19 =	simm.s32 @!p1 $0x0;
	s1 =	sadd.s32 s4, s1;
	s18 =	sld [smem:$0x7F3]  }
0xf1: {  	s0 =	sadd.s32 s12, s0;
	p1 =	seq.s32 s8, $0x1;
	p2 =	seq.s32 s7, $0x1  }
0xf2: {  	s12 =	sld [smem:$0x7F7];
	s0 =	sadd.s32 s19, s0;
	s20 =	simm.s32 @!p2 $0x0  }
0xf3: {  	s25 =	simm.s32 @!p1 $0x0;
	p1 =	seq.s32 s10, $0x1;
	s0 =	sadd.s32 s20, s0  }
0xf4: {  	s24 =	simm.s32 @!p1 $0x0;
	p2 =	seq.s32 s11, $0x1;
	s0 =	sadd.s32 s25, s0  }
0xf5: {  	s4 =	rddreg [dreg:$0x12];
	s22 =	simm.s32 @!p2 $0x0;
	s0 =	sadd.s32 s24, s0  }
0xf6: {  	s1 =	sadd.s32 s30, s1;
	p1 =	seq.s32 s12, $0x1;
	s0 =	sadd.s32 s22, s0  }
0xf7: {  	s26 =	simm.s32 @!p1 $0x0;
	s24 =	sld [smem:$0x7F2];
	s2 =	ssub.s32 $0x800, s0  }
0xf8: {  	s8 =	simm.s32 $0xCD00;
	s1 =	sadd.s32 s26, s1;
	p1 =	sgt.s32 s2, $0x0  }
0xf9: {  	s25 =	rddreg [dreg:$0x14];
	s2 =	simm.s32 @!p1 $0x0;
	p1 =	seq.s32 s16, $0x1  }
0xfa: {  	s1 =	sadd.s32 s28, s1;
	p4 =	seq.s32 s24, $0x1;
	s31 =	simm.s32 @!p1 $0x0  }
0xfb: {  	s4 =	simm.s32 @!p4 $0x0;
	p1 =	slt.s32 s2, s3;
	s1 =	sadd.s32 s31, s1  }
0xfc: {  	s3 =	smov.u32 @p1 s2;
	p1 =	seq.s32 s17, $0x1;
	s31 =	rddreg [dreg:$0x13]  }
0xfd: {  	s25 =	simm.s32 @!p1 $0x0;
	p1 =	seq.s32 s18, $0x1;
	s19 =	sadd.s32 $0x7F, s3  }
0xfe: {  	s20 =	smov.u32 s3;
	s1 =	sadd.s32 s25, s1;
	s31 =	simm.s32 @!p1 $0x0  }
0xff: {  	s22 =	sand.u32 $0x7F, s19;
	s23 =	sshra.s32 s19, $0x1F;
	p6 =	slt.s32 s19, $0x1  }
0x100: {  	s25 =	sld [smem:$0x7F1];
	p5 =	sne.s32 s22, $0x0;
	s3 =	sshrl.u32 s23, $0x19  }
0x101: {  	s1 =	sadd.s32 s31, s1;
	p1 =	por !p6, !p5;
	s2 =	sadd.s32 s3, s19  }
0x102: {  	s3 =	simm.s32 $0x1;
	s1 =	sadd.s32 s4, s1;
	p1 =	por !p1, !p1  }
0x103: {  	s4 =	rddreg [dreg:$0x11];
	s2 =	sshra.s32 s2, $0x7;
	s3 =	simm.s32 @!p1 $0x0  }
0x104: {  	p1 =	seq.s32 s25, $0x1;
	s21 =	ssub.s32 s2, s3;
	s2 =	simm.s32 @!p0 $0x2  }
0x105: {  	s7 =	simm.s32 $0x1;
	s4 =	simm.s32 @!p1 $0x0;
	_ =	swait.ge @!p0 [sflag:s2], $0x10  }
0x106: {  	s1 =	sadd.s32 s4, s1;
	p3 =	sle.s32 s21, $0x0;
	s26 =	rddreg [dreg:$0x5]  }
0x107: {  	s3 =	simm.s32 @!p3 $0x0;
	s4 =	simm.s32 @!p3 $0x10;
	p1 =	por @!p3 $0x1, $0x1  }
0x108: {  	v3 =	vmov s20;
	v7 =	vlaneseq.u32 @!p3;
	[sflag:s2] =	ssyncset.done @!p0 $0x0;
	s28 =	sld [smem:$0x7F0];
	s0 =	sadd.s32 s26, s0  }
0x109: {  	s30 =	sld [smem:$0x7EF];
	v6 =	vor.u32 @!p3 s3, v7;
	v8 =	vor.u32 @!p3 s4, v7;
	s3 =	simm.s32 @!p3 $0x30;
	s4 =	simm.s32 @!p3 $0x40;
	v4 =	vmov s0  }
0x10a: {  	p4 =	por p1, p3;
	s0 =	simm.s32 @!p3 $0x20;
	v10 =	vor.u32 @!p3 s3, v7;
	v5 =	vor.u32 @!p3 s4, v7;
	s3 =	simm.s32 @!p3 $0x60;
	vm4 =	vlt.s32 @!p3 v6, v3  }
0x10b: {  	[sflag:s2] =	ssyncadd.s32 @!p0 $0xFFFFFFF0;
	s4 =	rddreg [dreg:$0x10];
	vm7 =	vlt.s32 @!p3 v8, v3;
	v9 =	vor.u32 @!p3 s0, v7;
	s0 =	simm.s32 $0x70;
	v11 =	vor.u32 @!p3 s3, v7  }
0x10c: {  	s3 =	simm.s32 @!p3 $0x50;
	p1 =	seq.s32 s28, $0x1;
	v6 =	vadd.s32 @!p3 v4, v6;
	p0 =	seq.s32 s30, $0x1;
	vm6 =	vlt.s32 @!p3 v10, v3;
	v12 =	vor.u32 @!p3 s0, v7  }
0x10d: {  	s2 =	simm.s32 @!p4 $0x1;
	s4 =	simm.s32 @!p1 $0x0;
	v7 =	vor.u32 @!p3 s3, v7;
	s29 =	simm.s32 @!p0 $0x0;
	vm8 =	vlt.s32 @!p3 v9, v3;
	v9 =	vadd.s32 @!p3 v4, v9  }
0x10e: {  	s3 =	rddreg [dreg:$0xf];
	_ =	swait.ge @!p4 [sflag:s2], $0x80;
	v13 =	vadd.s32 @!p3 v4, v11;
	vm9 =	vlt.s32 @!p3 v11, v3;
	s0 =	simm.s32 $0xCC80;
	vm5 =	vlt.s32 @!p3 v7, v3  }
0x10f: {  	s1 =	sadd.s32 s4, s1;
	v7 =	vadd.s32 @!p3 v4, v7;
	[sflag:s2] =	ssyncset.done @!p4 $0x0;
	vm10 =	vlt.s32 @!p3 v12, v3;
	v11 =	vadd.s32 @!p3 v4, v12;
	p3 =	por p3, p3  }
0x110: {  	s3 =	simm.s32 @!p2 $0x0;
	s31 =	sadd.s32 s29, s1;
	[sflag:s2] =	ssyncadd.s32 @!p4 $0xFFFFFF80;
	v8 =	vadd.s32 @!p3 v4, v8;
	v10 =	vadd.s32 @!p3 v4, v10;
	v12 =	vsel @!p3 vm10, v11, v0  }
0x111: {  	s1 =	simm.s32 $0x4000;
	s2 =	simm.s32 $0xF0;
	v9 =	vsel @!p3 vm8, v9, v0;
	s22 =	sadd.s32 s3, s31;
	v11 =	vsel @!p3 vm7, v8, v0;
	v8 =	vsel @!p3 vm9, v13, v0;
	[tilespmem:s0+$0x70] =	vst @!p3 v12  }
.LBB2_4:
0x112: {  	p4 =	sge.s32 s7, s21  }
0x113: {  	[tilespmem:s0+$0x10] =	vst @!p3 v11;
	v10 =	vsel @!p3 vm6, v10, v0;
	vm6 =	vlt.s32 @!p3 v5, v3;
	v5 =	vadd.s32 @!p3 v4, v5;
	s1 =	sadd.s32 $0x80, s1;
	s3 =	smov.u32 s2;
	s2 =	sadd.s32 $0x80, s2  }
0x114: {  	v11 =	vsel @!p3 vm4, v6, v0;
	s4 =	sadd.s32 @!p4 $0xFFFFFF90, s3;
	s9 =	sadd.s32 @!p4 $0xFFFFFFA0, s3;
	s10 =	sadd.s32 @!p4 $0xFFFFFFB0, s3;
	[tilespmem:s0+$0x20] =	vst @!p3 v9;
	v6 =	vsel @!p3 vm6, v5, v0;
	v5 =	vsel @!p3 vm5, v7, v0  }
0x115: {  	p6 =	slt.u32 @!p4 s7, $0x10;
	v7 =	vlaneseq.u32 @!p4;
	s11 =	sadd.s32 @!p4 $0xFFFFFFE0, s3;
	p5 =	sne.s32 s2, $0x4070;
	[tilespmem:s0+$0x50] =	vst @!p3 v5  }
0x116: {  	v9 =	vor.u32 @!p4 s4, v7;
	v12 =	vor.u32 @!p4 s9, v7;
	v13 =	vor.u32 @!p4 s10, v7;
	s4 =	sadd.s32 @!p4 $0xFFFFFFC0, s3;
	s9 =	sadd.s32 @!p4 $0xFFFFFFD0, s3;
	s10 =	sadd.s32 @!p4 $0xFFFFFFF0, s3;
	[tilespmem:s0+$0x30] =	vst @!p3 v10  }
0x117: {  	vm4 =	vlt.s32 @!p4 v9, v3;
	v10 =	vor.u32 @!p4 s4, v7;
	v5 =	vor.u32 @!p4 s9, v7;
	[tilespmem:s0+$0x60] =	vst @!p3 v8  }
0x118: {  	p6 =	por p6, p4;
	v14 =	vor.u32 @!p4 s3, v7;
	s3 =	simm.s32 @!p3 $0x80;
	v8 =	vor.u32 @!p4 s10, v7;
	[tilespmem:s0+$0x40] =	vst @!p3 v6  }
0x119: {  	s4 =	simm.s32 @!p6 $0x1;
	vm7 =	vlt.s32 @!p4 v12, v3;
	v7 =	vor.u32 @!p4 s11, v7;
	v6 =	vadd.s32 @!p4 v4, v9;
	[tilespmem:s0+$0x0] =	vst @!p3 v11  }
0x11a: {  	[hbm4b:s5+s3] =	stream.indirect.scatter @!p3 [tilespmem:s6], [sflag:$0x1], $0x1, s0, s3, $0xb8;
	[tilespmem:$0x14D10] =	vst v63  }
.Ltmp3:
0x11b: {  	vm8 =	vlt.s32 @!p4 v13, v3;
	v9 =	vadd.s32 @!p4 v4, v13;
	vm5 =	vlt.s32 @!p4 v7, v3;
	(pc) =	sbr.rel @p5 .LBB2_4-.Ltmp3, $4  }
0x11c: {  	vm6 =	vlt.s32 @!p4 v10, v3;
	v7 =	vadd.s32 @!p4 v4, v7;
	v13 =	vadd.s32 @!p4 v4, v8;
	s6 =	smov.u32 s1;
	s0 =	smov.u32 s8;
	_ =	swait.ge @!p6 [sflag:s4], $0x80  }
0x11d: {  	vm10 =	vlt.s32 @!p4 v14, v3;
	vm9 =	vlt.s32 @!p4 v8, v3;
	v8 =	vadd.s32 @!p4 v4, v14;
	p3 =	por p4, p4;
	[sflag:s4] =	ssyncset.done @!p6 $0x0  }
0x11e: {  	v11 =	vadd.s32 @!p3 v4, v12;
	v10 =	vadd.s32 @!p3 v4, v10;
	v12 =	vsel @!p3 vm10, v8, v0;
	[sflag:s4] =	ssyncadd.s32 @!p6 $0xFFFFFF80  }
0x11f: {  	s7 =	sadd.s32 $0x1, s7;
	s8 =	sadd.s32 $0x80, s8;
	v9 =	vsel @!p3 vm8, v9, v0;
	v8 =	vsel @!p3 vm9, v13, v0;
	v11 =	vsel @!p3 vm7, v11, v0;
	[tilespmem:s0+$0x70] =	vst @!p3 v12  }
0x120: {  	[tilespmem:s0+$0x10] =	vst @!p3 v11  }
0x121: {  	[tilespmem:s0+$0x20] =	vst @!p3 v9  }
0x122: {  	v7 =	vsel @!p3 vm5, v7, v0;
	[tilespmem:s0+$0x60] =	vst @!p3 v8  }
0x123: {  	v9 =	vsel @!p3 vm6, v10, v0;
	[tilespmem:s0+$0x50] =	vst @!p3 v7  }
0x124: {  	vm5 =	vlt.s32 @!p3 v5, v3;
	v3 =	vadd.s32 @!p3 v4, v5;
	v4 =	vsel @!p3 vm4, v6, v0;
	[tilespmem:s0+$0x30] =	vst @!p3 v9  }
0x125: {  	v3 =	vsel @!p3 vm5, v3, v0;
	[tilespmem:s0+$0x0] =	vst @!p3 v4  }
0x126: {  	s1 =	simm.s32 @!p3 $0x80;
	p0 =	slt.s32 s21, $0x1;
	[tilespmem:s0+$0x40] =	vst @!p3 v3  }
0x127: {  	[hbm4b:s5+s1] =	stream.indirect.scatter @!p3 [tilespmem:s6], [sflag:$0x1], $0x1, s0, s1, $0xb8;
	[tilespmem:$0x14D10] =	vst v63  }
0x128: {  	s0 =	simm.s32 @!p0 $0x1  }
0x129: {  	p3 =	seq.s32 @!p0 s21, $0x1;
	_ =	swait.ge @!p0 [sflag:s0], $0x80  }
0x12a: {  	p3 =	por p0, p3;
	[sflag:s0] =	ssyncset.done @!p0 $0x0  }
0x12b: {  	[sflag:s0] =	ssyncadd.s32 @!p0 $0xFFFFFF80;
	s0 =	simm.s32 @!p3 $0x1  }
0x12c: {  	p0 =	slt.u32 @!p3 s21, $0x3;
	_ =	swait.ge @!p3 [sflag:s0], $0x80  }
0x12d: {  	p0 =	por p3, p0;
	[sflag:s0] =	ssyncset.done @!p3 $0x0  }
0x12e: {  	[sflag:s0] =	ssyncadd.s32 @!p3 $0xFFFFFF80;
	s0 =	simm.s32 @!p0 $0x1  }
0x12f: {  	p3 =	seq.s32 @!p0 s21, $0x3;
	_ =	swait.ge @!p0 [sflag:s0], $0x80  }
0x130: {  	p3 =	por p0, p3;
	[sflag:s0] =	ssyncset.done @!p0 $0x0  }
0x131: {  	[sflag:s0] =	ssyncadd.s32 @!p0 $0xFFFFFF80;
	s0 =	simm.s32 @!p3 $0x1  }
0x132: {  	p0 =	slt.u32 @!p3 s21, $0x5;
	_ =	swait.ge @!p3 [sflag:s0], $0x80  }
0x133: {  	p0 =	por p3, p0;
	[sflag:s0] =	ssyncset.done @!p3 $0x0  }
0x134: {  	[sflag:s0] =	ssyncadd.s32 @!p3 $0xFFFFFF80;
	s0 =	simm.s32 @!p0 $0x1  }
0x135: {  	p3 =	seq.s32 @!p0 s21, $0x5;
	_ =	swait.ge @!p0 [sflag:s0], $0x80  }
0x136: {  	p3 =	por p0, p3;
	[sflag:s0] =	ssyncset.done @!p0 $0x0  }
0x137: {  	[sflag:s0] =	ssyncadd.s32 @!p0 $0xFFFFFF80;
	s0 =	simm.s32 @!p3 $0x1  }
0x138: {  	p0 =	slt.u32 @!p3 s21, $0x7;
	_ =	swait.ge @!p3 [sflag:s0], $0x80  }
0x139: {  	p0 =	por p3, p0;
	[sflag:s0] =	ssyncset.done @!p3 $0x0  }
0x13a: {  	[sflag:s0] =	ssyncadd.s32 @!p3 $0xFFFFFF80;
	s0 =	simm.s32 @!p0 $0x1  }
0x13b: {  	p3 =	seq.s32 @!p0 s21, $0x7;
	_ =	swait.ge @!p0 [sflag:s0], $0x80  }
0x13c: {  	p3 =	por p0, p3;
	[sflag:s0] =	ssyncset.done @!p0 $0x0  }
0x13d: {  	[sflag:s0] =	ssyncadd.s32 @!p0 $0xFFFFFF80;
	s0 =	simm.s32 @!p3 $0x1  }
0x13e: {  	p0 =	slt.u32 @!p3 s21, $0x9;
	_ =	swait.ge @!p3 [sflag:s0], $0x80  }
0x13f: {  	p0 =	por p3, p0;
	[sflag:s0] =	ssyncset.done @!p3 $0x0  }
0x140: {  	[sflag:s0] =	ssyncadd.s32 @!p3 $0xFFFFFF80;
	s0 =	simm.s32 @!p0 $0x1  }
0x141: {  	p3 =	seq.s32 @!p0 s21, $0x9;
	_ =	swait.ge @!p0 [sflag:s0], $0x80  }
0x142: {  	p3 =	por p0, p3;
	[sflag:s0] =	ssyncset.done @!p0 $0x0  }
0x143: {  	[sflag:s0] =	ssyncadd.s32 @!p0 $0xFFFFFF80;
	p0 =	slt.u32 @!p3 s21, $0xB  }
0x144: {  	p0 =	por p3, p0  }
.Ltmp4:
0x145: {  	_ = 	snop;
	(pc) =	sbr.rel @p0 .LBB2_7-.Ltmp4, $4  }
0x146: {  	s0 =	simm.s32 @!p3 $0x1  }
0x147: {  	_ =	swait.ge @!p3 [sflag:s0], $0x80  }
0x148: {  	[sflag:s0] =	ssyncset.done @!p3 $0x0  }
0x149: {  	[sflag:s0] =	ssyncadd.s32 @!p3 $0xFFFFFF80  }
0x14a: {  	p3 =	seq.s32 s21, $0xB  }
0x14b: {  	p4 =	slt.u32 @!p3 s21, $0xD  }
0x14c: {  	s0 =	simm.s32 $0x1;
	p5 =	por p4, p3  }
0x14d: {  	_ =	swait.ge [sflag:s0], $0x80;
	p2 =	seq.s32 @!p5 s21, $0xD  }
0x14e: {  	[sflag:s0] =	ssyncset.done $0x0;
	s1 =	simm.s32 @!p2 $0x0;
	p0 =	por @!p3 p2, p4  }
0x14f: {  	[sflag:s0] =	ssyncadd.s32 $0xFFFFFF80;
	s1 =	simm.s32 @p2 $0x1;
	p0 =	por p0, p3  }
0x150: {  	s0 =	simm.s32 @!p3 $0x1;
	[smem:$0x7ED] =	sst s1;
	p1 =	slt.u32 @!p0 s21, $0xF  }
0x151: {  	_ =	swait.ge @!p3 [sflag:s0], $0x80;
	s1 =	simm.s32 @!p1 $0x0  }
0x152: {  	[sflag:s0] =	ssyncset.done @!p3 $0x0;
	s1 =	simm.s32 @p1 $0x1  }
0x153: {  	[sflag:s0] =	ssyncadd.s32 @!p3 $0xFFFFFF80;
	s0 =	simm.s32 @!p5 $0x1;
	[smem:$0x7EC] =	sst s1  }
0x154: {  	_ =	swait.ge @!p5 [sflag:s0], $0x80  }
0x155: {  	[sflag:s0] =	ssyncset.done @!p5 $0x0  }
0x156: {  	[sflag:s0] =	ssyncadd.s32 @!p5 $0xFFFFFF80;
	s0 =	simm.s32 @!p0 $0x1  }
0x157: {  	_ =	swait.ge @!p0 [sflag:s0], $0x80  }
0x158: {  	p1 =	por @!p5 p1, p2;
	s30 =	sld [smem:$0x7EC]  }
0x159: {  	p1 =	por @!p3 p1, p4;
	s31 =	sld [smem:$0x7ED]  }
0x15a: {  	p1 =	por p1, p3  }
0x15b: {  	p6 =	seq.s32 @!p1 s21, $0xF;
	[sflag:s0] =	ssyncset.done @!p0 $0x0;
	p2 =	seq.s32 s30, $0x1  }
0x15c: {  	[sflag:s0] =	ssyncadd.s32 @!p0 $0xFFFFFF80;
	p6 =	por @!p0 p6, p2;
	p0 =	seq.s32 s31, $0x1  }
0x15d: {  	s0 =	simm.s32 @!p1 $0x1;
	p0 =	por @!p5 p6, p0  }
0x15e: {  	_ =	swait.ge @!p1 [sflag:s0], $0x80;
	p0 =	por @!p3 p0, p4  }
0x15f: {  	[sflag:s0] =	ssyncset.done @!p1 $0x0;
	p0 =	por p0, p3  }
0x160: {  	[sflag:s0] =	ssyncadd.s32 @!p1 $0xFFFFFF80;
	s0 =	simm.s32 @!p0 $0x1  }
0x161: {  	_ =	swait.ge @!p0 [sflag:s0], $0x80  }
0x162: {  	[sflag:s0] =	ssyncset.done @!p0 $0x0  }
0x163: {  	[sflag:s0] =	ssyncadd.s32 @!p0 $0xFFFFFF80  }
.LBB2_7:
0x164: {  	s0 =	ssub.s32 $0x2800, s22  }
0x165: {  	p0 =	sgt.s32 s0, $0x0  }
0x166: {  	s3 =	rddreg [dreg:$0xd];
	s0 =	simm.s32 @!p0 $0x0  }
0x167: {  	p0 =	slt.s32 s0, s3  }
0x168: {  	s3 =	smov.u32 @p0 s0  }
0x169: {  	s0 =	sadd.s32 $0x7F, s3  }
0x16a: {  	s1 =	sand.u32 $0x7F, s0  }
0x16b: {  	s2 =	sshra.s32 s0, $0x1F;
	p6 =	slt.s32 s0, $0x1;
	p1 =	sne.s32 s1, $0x0  }
0x16c: {  	s30 =	sshrl.u32 s2, $0x19;
	p0 =	por !p6, !p1  }
0x16d: {  	s1 =	simm.s32 $0x1;
	s0 =	sadd.s32 s30, s0;
	p0 =	por !p0, !p0  }
0x16e: {  	s0 =	sshra.s32 s0, $0x7;
	s1 =	simm.s32 @!p0 $0x0  }
0x16f: {  	s31 =	rddreg [dreg:$0xa];
	s21 =	ssub.s32 s0, s1  }
0x170: {  	s0 =	sadd.s32 s22, s31;
	p3 =	sle.s32 s21, $0x0  }
0x171: {  	v3 =	vmov s3;
	v4 =	vmov s0;
	s0 =	simm.s32 @!p3 $0x0;
	s1 =	simm.s32 @!p3 $0x10;
	v7 =	vlaneseq.u32 @!p3;
	s2 =	simm.s32 @!p3 $0x50  }
0x172: {  	s3 =	simm.s32 @!p3 $0x20;
	s4 =	simm.s32 @!p3 $0x40;
	v8 =	vor.u32 @!p3 s0, v7;
	v9 =	vor.u32 @!p3 s1, v7;
	s1 =	simm.s32 @!p3 $0x30;
	v5 =	vor.u32 @!p3 s2, v7  }
0x173: {  	p0 =	por @!p3 $0x1, $0x1;
	s0 =	simm.s32 $0x70;
	s2 =	simm.s32 @!p3 $0x60;
	v10 =	vor.u32 @!p3 s3, v7;
	v6 =	vor.u32 @!p3 s4, v7;
	v11 =	vor.u32 @!p3 s1, v7  }
0x174: {  	p4 =	por p0, p3;
	v12 =	vadd.s32 @!p3 v4, v9;
	v13 =	vor.u32 @!p3 s2, v7;
	v7 =	vor.u32 @!p3 s0, v7  }
0x175: {  	s1 =	simm.s32 @!p4 $0x1;
	vm4 =	vlt.s32 @!p3 v8, v3;
	v8 =	vadd.s32 @!p3 v4, v8;
	vm5 =	vlt.s32 @!p3 v9, v3  }
0x176: {  	vm6 =	vlt.s32 @!p3 v10, v3;
	v9 =	vadd.s32 @!p3 v4, v10;
	_ =	swait.ge @!p4 [sflag:s1], $0x80;
	v14 =	vadd.s32 @!p3 v4, v7;
	p3 =	por p3, p3  }
0x177: {  	[sflag:s1] =	ssyncset.done @!p4 $0x0;
	v9 =	vsel @!p3 vm6, v9, v0;
	v15 =	vadd.s32 @!p3 v4, v13;
	vm6 =	vlt.s32 @!p3 v7, v3  }
0x178: {  	v7 =	vsel @!p3 vm4, v8, v0;
	s2 =	simm.s32 @!p3 $0x0;
	vm4 =	vlt.s32 @!p3 v11, v3;
	vm7 =	vlt.s32 @!p3 v13, v3;
	[sflag:s1] =	ssyncadd.s32 @!p4 $0xFFFFFF80  }
0x179: {  	s7 =	simm.s32 $0x1;
	v10 =	vsel @!p3 vm5, v12, v0;
	v8 =	vadd.s32 @!p3 v4, v11;
	[tilespmem:s2+$0x10C80] =	vst @!p3 v7;
	v7 =	vsel @!p3 vm6, v14, v0  }
0x17a: {  	s6 =	simm.s32 @!p3 $0x10C80;
	s3 =	simm.s32 @!p3 $0x8080;
	s1 =	simm.s32 $0x200;
	[tilespmem:s2+$0x10CA0] =	vst @!p3 v9;
	v9 =	vsel @!p3 vm4, v8, v0;
	vm4 =	vlt.s32 @!p3 v6, v3;
	v8 =	vsel @!p3 vm7, v15, v0  }
.LBB2_8:
0x17b: {  	p5 =	sge.s32 s7, s21  }
0x17c: {  	[tilespmem:s2+$0x10C90] =	vst @!p3 v10;
	v6 =	vadd.s32 @!p3 v4, v6;
	vm5 =	vlt.s32 @!p3 v5, v3;
	v5 =	vadd.s32 @!p3 v4, v5;
	s0 =	sadd.s32 $0x80, s0;
	s4 =	smov.u32 s1;
	s1 =	sadd.s32 $0x200, s1  }
0x17d: {  	s8 =	sadd.s32 @!p5 $0xFFFFFF90, s0;
	s9 =	sadd.s32 @!p5 $0xFFFFFFA0, s0;
	s10 =	sadd.s32 @!p5 $0xFFFFFFB0, s0;
	[tilespmem:s2+$0x10CB0] =	vst @!p3 v9;
	v6 =	vsel @!p3 vm4, v6, v0;
	v9 =	vsel @!p3 vm5, v5, v0  }
0x17e: {  	p0 =	slt.u32 @!p5 s7, $0x10;
	v10 =	vlaneseq.u32 @!p5;
	s11 =	sadd.s32 @!p5 $0xFFFFFFE0, s0;
	p4 =	sne.s32 s1, $0x10000;
	[tilespmem:s2+$0x10CE0] =	vst @!p3 v8  }
0x17f: {  	v8 =	vor.u32 @!p5 s8, v10;
	v11 =	vor.u32 @!p5 s9, v10;
	s8 =	sadd.s32 @!p5 $0xFFFFFFC0, s0;
	s9 =	sadd.s32 @!p5 $0xFFFFFFD0, s0;
	v5 =	vor.u32 @!p5 s11, v10;
	s11 =	sadd.s32 @!p5 $0xFFFFFFF0, s0;
	[tilespmem:s2+$0x10CC0] =	vst @!p3 v6  }
0x180: {  	p6 =	por p0, p5;
	v12 =	vor.u32 @!p5 s10, v10;
	v13 =	vor.u32 @!p5 s8, v10;
	v6 =	vor.u32 @!p5 s9, v10;
	s8 =	simm.s32 @!p3 $0x80;
	[tilespmem:s2+$0x10CF0] =	vst @!p3 v7  }
0x181: {  	s9 =	simm.s32 @!p6 $0x1;
	v14 =	vor.u32 @!p5 s11, v10;
	v10 =	vor.u32 @!p5 s0, v10;
	v7 =	vadd.s32 @!p5 v4, v11;
	[tilespmem:s2+$0x10CD0] =	vst @!p3 v9  }
0x182: {  	vm4 =	vlt.s32 @!p5 v8, v3;
	v8 =	vadd.s32 @!p5 v4, v8;
	vm5 =	vlt.s32 @!p5 v11, v3;
	[hbm4b:s5+s8] =	stream.indirect.scatter @!p3 [tilespmem:s3], [sflag:$0x1], $0x1, s6, s8, $0xb8;
	[tilespmem:$0x14D10] =	vst v63  }
.Ltmp5:
0x183: {  	vm6 =	vlt.s32 @!p5 v12, v3;
	v11 =	vadd.s32 @!p5 v4, v10;
	v9 =	vadd.s32 @!p5 v4, v12;
	p3 =	por p5, p5;
	_ =	swait.ge @!p6 [sflag:s9], $0x80;
	(pc) =	sbr.rel @p4 .LBB2_8-.Ltmp5, $4  }
0x184: {  	v9 =	vsel @!p3 vm6, v9, v0;
	v12 =	vadd.s32 @!p3 v4, v14;
	vm6 =	vlt.s32 @!p3 v10, v3;
	[sflag:s9] =	ssyncset.done @!p6 $0x0  }
0x185: {  	v8 =	vsel @!p3 vm4, v8, v0;
	s2 =	sshra.s32 @!p3 s4, $0x2;
	vm4 =	vlt.s32 @!p3 v13, v3;
	vm7 =	vlt.s32 @!p3 v14, v3;
	[sflag:s9] =	ssyncadd.s32 @!p6 $0xFFFFFF80  }
0x186: {  	v10 =	vsel @!p3 vm5, v7, v0;
	s6 =	sadd.s32 @!p3 $0x10C80, s2;
	v7 =	vsel @!p3 vm6, v11, v0;
	s3 =	sadd.s32 @!p3 $0x8080, s2;
	[tilespmem:s2+$0x10C80] =	vst @!p3 v8;
	v8 =	vadd.s32 @!p3 v4, v13  }
0x187: {  	s7 =	sadd.s32 $0x1, s7;
	[tilespmem:s2+$0x10CA0] =	vst @!p3 v9;
	v9 =	vsel @!p3 vm4, v8, v0;
	vm4 =	vlt.s32 @!p3 v6, v3;
	v8 =	vsel @!p3 vm7, v12, v0  }
0x188: {  	[tilespmem:s2+$0x10C90] =	vst @!p3 v10  }
0x189: {  	[tilespmem:s2+$0x10CB0] =	vst @!p3 v9  }
0x18a: {  	v6 =	vadd.s32 @!p3 v4, v6;
	[tilespmem:s2+$0x10CE0] =	vst @!p3 v8  }
0x18b: {  	[tilespmem:s2+$0x10CF0] =	vst @!p3 v7;
	v6 =	vsel @!p3 vm4, v6, v0;
	vm4 =	vlt.s32 @!p3 v5, v3;
	v3 =	vadd.s32 @!p3 v4, v5  }
0x18c: {  	[tilespmem:s2+$0x10CC0] =	vst @!p3 v6;
	v3 =	vsel @!p3 vm4, v3, v0  }
0x18d: {  	s0 =	simm.s32 @!p3 $0x80;
	p0 =	slt.s32 s21, $0x1;
	[tilespmem:s2+$0x10CD0] =	vst @!p3 v3  }
0x18e: {  	[hbm4b:s5+s0] =	stream.indirect.scatter @!p3 [tilespmem:s3], [sflag:$0x1], $0x1, s6, s0, $0xb8;
	[tilespmem:$0x14D10] =	vst v63  }
0x18f: {  	s0 =	simm.s32 @!p0 $0x1  }
0x190: {  	p1 =	seq.s32 @!p0 s21, $0x1;
	_ =	swait.ge @!p0 [sflag:s0], $0x80  }
0x191: {  	p1 =	por p0, p1;
	[sflag:s0] =	ssyncset.done @!p0 $0x0  }
0x192: {  	[sflag:s0] =	ssyncadd.s32 @!p0 $0xFFFFFF80;
	s0 =	simm.s32 @!p1 $0x1  }
0x193: {  	p0 =	slt.u32 @!p1 s21, $0x3;
	_ =	swait.ge @!p1 [sflag:s0], $0x80  }
0x194: {  	p0 =	por p1, p0;
	[sflag:s0] =	ssyncset.done @!p1 $0x0  }
0x195: {  	[sflag:s0] =	ssyncadd.s32 @!p1 $0xFFFFFF80;
	s0 =	simm.s32 @!p0 $0x1  }
0x196: {  	p1 =	seq.s32 @!p0 s21, $0x3;
	_ =	swait.ge @!p0 [sflag:s0], $0x80  }
0x197: {  	p1 =	por p0, p1;
	[sflag:s0] =	ssyncset.done @!p0 $0x0  }
0x198: {  	[sflag:s0] =	ssyncadd.s32 @!p0 $0xFFFFFF80;
	s0 =	simm.s32 @!p1 $0x1  }
0x199: {  	p0 =	slt.u32 @!p1 s21, $0x5;
	_ =	swait.ge @!p1 [sflag:s0], $0x80  }
0x19a: {  	p0 =	por p1, p0;
	[sflag:s0] =	ssyncset.done @!p1 $0x0  }
0x19b: {  	[sflag:s0] =	ssyncadd.s32 @!p1 $0xFFFFFF80;
	s0 =	simm.s32 @!p0 $0x1  }
0x19c: {  	p1 =	seq.s32 @!p0 s21, $0x5;
	_ =	swait.ge @!p0 [sflag:s0], $0x80  }
0x19d: {  	p1 =	por p0, p1;
	[sflag:s0] =	ssyncset.done @!p0 $0x0  }
0x19e: {  	[sflag:s0] =	ssyncadd.s32 @!p0 $0xFFFFFF80;
	s0 =	simm.s32 @!p1 $0x1  }
0x19f: {  	p0 =	slt.u32 @!p1 s21, $0x7;
	_ =	swait.ge @!p1 [sflag:s0], $0x80  }
0x1a0: {  	p0 =	por p1, p0;
	[sflag:s0] =	ssyncset.done @!p1 $0x0  }
0x1a1: {  	[sflag:s0] =	ssyncadd.s32 @!p1 $0xFFFFFF80;
	s0 =	simm.s32 @!p0 $0x1  }
0x1a2: {  	p1 =	seq.s32 @!p0 s21, $0x7;
	_ =	swait.ge @!p0 [sflag:s0], $0x80  }
0x1a3: {  	p1 =	por p0, p1;
	[sflag:s0] =	ssyncset.done @!p0 $0x0  }
0x1a4: {  	[sflag:s0] =	ssyncadd.s32 @!p0 $0xFFFFFF80;
	s0 =	simm.s32 @!p1 $0x1  }
0x1a5: {  	p0 =	slt.u32 @!p1 s21, $0x9;
	_ =	swait.ge @!p1 [sflag:s0], $0x80  }
0x1a6: {  	p0 =	por p1, p0;
	[sflag:s0] =	ssyncset.done @!p1 $0x0  }
0x1a7: {  	[sflag:s0] =	ssyncadd.s32 @!p1 $0xFFFFFF80;
	s0 =	simm.s32 @!p0 $0x1  }
0x1a8: {  	p1 =	seq.s32 @!p0 s21, $0x9;
	_ =	swait.ge @!p0 [sflag:s0], $0x80  }
0x1a9: {  	p1 =	por p0, p1;
	[sflag:s0] =	ssyncset.done @!p0 $0x0  }
0x1aa: {  	[sflag:s0] =	ssyncadd.s32 @!p0 $0xFFFFFF80;
	p0 =	slt.u32 @!p1 s21, $0xB  }
0x1ab: {  	p0 =	por p1, p0  }
.Ltmp6:
0x1ac: {  	_ = 	snop;
	(pc) =	sbr.rel @p0 .LBB2_11-.Ltmp6, $4  }
0x1ad: {  	s0 =	simm.s32 @!p1 $0x1  }
0x1ae: {  	_ =	swait.ge @!p1 [sflag:s0], $0x80  }
0x1af: {  	[sflag:s0] =	ssyncset.done @!p1 $0x0  }
0x1b0: {  	s1 =	rddreg [dreg:$0xc];
	[sflag:s0] =	ssyncadd.s32 @!p1 $0xFFFFFF80  }
0x1b1: {  	p3 =	seq.s32 s21, $0xB  }
0x1b2: {  	p4 =	slt.u32 @!p3 s21, $0xD  }
0x1b3: {  	s0 =	simm.s32 $0x1;
	p5 =	por p4, p3  }
0x1b4: {  	_ =	swait.ge [sflag:s0], $0x80;
	p2 =	seq.s32 @!p5 s21, $0xD  }
0x1b5: {  	[sflag:s0] =	ssyncset.done $0x0;
	s2 =	simm.s32 @!p2 $0x0;
	p0 =	por @!p3 p2, p4  }
0x1b6: {  	[sflag:s0] =	ssyncadd.s32 $0xFFFFFF80;
	s2 =	simm.s32 @p2 $0x1;
	p0 =	por p0, p3  }
0x1b7: {  	s0 =	simm.s32 @!p3 $0x1;
	[smem:$0x7EB] =	sst s2;
	p1 =	slt.u32 @!p0 s21, $0xF  }
0x1b8: {  	_ =	swait.ge @!p3 [sflag:s0], $0x80;
	s2 =	simm.s32 @!p1 $0x0  }
0x1b9: {  	[sflag:s0] =	ssyncset.done @!p3 $0x0;
	s2 =	simm.s32 @p1 $0x1  }
0x1ba: {  	[sflag:s0] =	ssyncadd.s32 @!p3 $0xFFFFFF80;
	s0 =	simm.s32 @!p5 $0x1;
	[smem:$0x7EA] =	sst s2  }
0x1bb: {  	_ =	swait.ge @!p5 [sflag:s0], $0x80  }
0x1bc: {  	[sflag:s0] =	ssyncset.done @!p5 $0x0  }
0x1bd: {  	[sflag:s0] =	ssyncadd.s32 @!p5 $0xFFFFFF80;
	s0 =	simm.s32 @!p0 $0x1  }
0x1be: {  	_ =	swait.ge @!p0 [sflag:s0], $0x80  }
0x1bf: {  	p1 =	por @!p5 p1, p2;
	s30 =	sld [smem:$0x7EA]  }
0x1c0: {  	p1 =	por @!p3 p1, p4;
	s31 =	sld [smem:$0x7EB]  }
0x1c1: {  	p1 =	por p1, p3  }
0x1c2: {  	p6 =	seq.s32 @!p1 s21, $0xF;
	[sflag:s0] =	ssyncset.done @!p0 $0x0;
	p2 =	seq.s32 s30, $0x1  }
0x1c3: {  	[sflag:s0] =	ssyncadd.s32 @!p0 $0xFFFFFF80;
	p6 =	por @!p0 p6, p2;
	p0 =	seq.s32 s31, $0x1  }
0x1c4: {  	s0 =	simm.s32 @!p1 $0x1;
	p0 =	por @!p5 p6, p0  }
0x1c5: {  	_ =	swait.ge @!p1 [sflag:s0], $0x80;
	p0 =	por @!p3 p0, p4  }
.Ltmp7:
0x1c6: {  	[sflag:s0] =	ssyncset.done @!p1 $0x0;
	p0 =	por p0, p3;
	(pc) =	sbr.rel .LBB2_11-.Ltmp7, $4  }
0x1c7: {  	[sflag:s0] =	ssyncadd.s32 @!p1 $0xFFFFFF80;
	s0 =	simm.s32 @!p0 $0x1  }
0x1c8: {  	_ =	swait.ge @!p0 [sflag:s0], $0x80  }
0x1c9: {  	[sflag:s0] =	ssyncset.done @!p0 $0x0  }
0x1ca: {  	[sflag:s0] =	ssyncadd.s32 @!p0 $0xFFFFFF80  }
.LBB2_12:
0x1cb: {  	_ =	sfence.sel $0x180000  }
0x1cc: {  	[bflag:$0x0] =	sbarrier.arrive $0xFFFF  }
0x1cd: {  	_ =	strace $0x90000047  }
0x1ce: {  	[bflag:$0x2] =	sbarrier.arrive $0xFFFF  }
0x1cf: {  	s1 =	sld [smem:$0x7FA];
	_ =	sdelay $0x2  }
0x1d0: {  	s0 =	rddreg [dreg:$0x3];
	p0 =	seq.s32 s1, $0x1  }
0x1d1: {  	s0 =	sadd.s32 @!p0 $0x100000, s0  }
0x1d2: {  	[sflag:s0] =	ssyncadd.tile.s32 @!p0 $0x1;
	_ =	shalt  }
.Lfunc_end2:
_tile_overlayer_lowered:
.L_overlay_start_2:
0x1d3: {  	(tag) =	ssettag $0x2  }
0x1d4: {  	s0 =	rddreg [dreg:$0x0];
	s2 =	stileid.u32  }
0x1d5: {  	s1 =	rddreg [dreg:$0x1];
	p0 =	sne.s32 s2, $0x0  }
0x1d6: {  	s3 =	rddreg [dreg:$0x2];
	[bflag:$0x3] =	sbarrier.arrive $0xFFFF;
	s2 =	simm.s32 @!p0 $0x1C02  }
0x1d7: {  	[timem:s3], [sflag:s2] =	dma.local @!p0 [hbm:s0], s1  }
0x1d8: {  	s0 =	simm.s32 @!p0 $0x2  }
0x1d9: {  	_ =	swait.ge @!p0 [sflag:s0], s1  }
0x1da: {  	s1 =	ssub.s32 @!p0 $0x0, s1;
	[sflag:s0] =	ssyncset.done @!p0 $0x0  }
0x1db: {  	[sflag:s0] =	ssyncadd.s32 @!p0 s1  }
0x1dc: {  	[bflag:$0x3] =	sbarrier.arrive $0xFFFF  }
0x1dd: {  	_ =	shalt  }

// kernel: sc_gather.3.cloned.1.call-start
scs
__scs_entry_jumppad:
0x0: {  	(pc) =	sbr.rel $0x88, $3  }
0x1: {  	(tag) =	ssettag $0x0;
	lr =	simm.s32 $0x1  }
0x2: {  	[smem:$0x3F9F] =	sst lr;
	_ =	strace $0xD0000000  }
0x3: {  	_ = 	snop  }
0x4: {  	_ = 	snop  }
0x5: {  	_ = 	snop  }
0x6: {  	_ = 	snop  }
0x7: {  	_ = 	snop  }
__scs_overlays_trampoline_lowered:
0x8: {  	[smem:$0x3FAE] =	sst s0  }
0x9: {  	[smem:$0x3FAF] =	sst s1  }
0xa: {  	[smem:$0x3FB0] =	sst s2  }
0xb: {  	[smem:$0x3FB1] =	sst s3  }
0xc: {  	[smem:$0x3FB2] =	sst s4  }
0xd: {  	[smem:$0x3FB3] =	sst s5  }
0xe: {  	[smem:$0x3FB4] =	sst s6  }
0xf: {  	[smem:$0x3FB5] =	sst s7  }
0x10: {  	[smem:$0x3FB6] =	sst s8  }
0x11: {  	[smem:$0x3FB7] =	sst s9;
	s0 =	simm.s32 @!p0 $0x0  }
0x12: {  	s1 =	sld [smem:$0x3F9D];
	s0 =	simm.s32 @p0 $0x1  }
0x13: {  	[smem:$0x3FB8] =	sst s0;
	s0 =	simm.s32 @!p1 $0x0  }
0x14: {  	s2 =	sld [smem:$0x3F9C];
	s0 =	simm.s32 @p1 $0x1  }
0x15: {  	[smem:$0x3FB9] =	sst s0;
	s0 =	simm.s32 @!p2 $0x0  }
0x16: {  	s3 =	sld [smem:$0x3FDB];
	s0 =	simm.s32 @p2 $0x1  }
0x17: {  	s4 =	simm.s32 $0x1BF5;
	[smem:$0x3FBB] =	sst s0  }
0x18: {  	s0 =	sld [smem:$0x3F9E];
	_ =	swait.ge [sflag:s4], $0x0  }
0x19: {  	s7 =	sld [smem:$0x3F9F]  }
0x1a: {  	s8 =	sadd.s32 $0xFFFFE003, lr  }
0x1b: {  	s9 =	sadd.s32 $0xFFFFFEF7, lr;
	s5 =	simm.s32 $0xFFFFFFFF;
	p2 =	slt.u32 s8, $0xFFFFF086  }
0x1c: {  	p1 =	slt.u32 s9, $0xF7A;
	s5 =	simm.s32 @!p2 $0x0  }
0x1d: {  	s5 =	simm.s32 @p1 $0x1;
	p0 =	seq.s32 s7, s2  }
0x1e: {  	s7 =	smul.u32 @!p0 $0xF7A, s2;
	p2 =	seq.s32 @!p0 s5, $0x0  }
0x1f: {  	s9 =	smul.u32 $0xF7A, s1;
	s8 =	simm.s32 @!p0 $0x1BF5;
	p2 =	por !p2, p0  }
0x20: {  	[sflag:s8] =	ssyncset.s32 @!p0 $0xFFFFF086;
	s6 =	sadd.s32 @!p0 s3, s7;
	s7 =	simm.s32 @!p0 $0x108  }
0x21: {  	s3 =	sadd.s32 s3, s9;
	s6 =	sadd.s32 @!p0 $0x88, s6;
	s7 =	simm.s32 @p2 $0x1082  }
0x22: {  	[simem:s7], [sflag:s8] =	dma.local @!p0 [hbm:s6], $0xF7A  }
0x23: {  	s9 =	sor.u32 $0xD0000000, s2;
	s6 =	simm.s32 $0x108;
	_ =	swait.ge @!p0 [sflag:s8], $0x0  }
0x24: {  	s3 =	sadd.s32 $0x88, s3;
	s6 =	simm.s32 @!p1 $0x1082;
	[sflag:s4] =	ssyncset.s32 $0xFFFFF086  }
0x25: {  	[simem:s6], [sflag:s4] =	dma.local [hbm:s3], $0xF7A  }
0x26: {  	[smem:$0x3F9F] =	sst s1;
	(tag) =	ssettag s2;
	_ =	strace s9  }
0x27: {  	s1 =	sld [smem:$0x3FAF]  }
0x28: {  	s2 =	sld [smem:$0x3FB0]  }
0x29: {  	s4 =	sld [smem:$0x3FB2]  }
0x2a: {  	p0 =	seq.s32 s5, $0x0;
	s5 =	sld [smem:$0x3FB3]  }
0x2b: {  	s6 =	sld [smem:$0x3FB4]  }
0x2c: {  	s7 =	sld [smem:$0x3FB5]  }
0x2d: {  	s3 =	simm.s32 $0x108;
	s8 =	sld [smem:$0x3FB6]  }
0x2e: {  	s3 =	simm.s32 @!p0 $0x1082;
	s9 =	sld [smem:$0x3FB7]  }
0x2f: {  	lr =	sadd.s32 s0, s3;
	s0 =	sld [smem:$0x3FAE]  }
0x30: {  	s3 =	sld [smem:$0x3FB1]  }
0x31: {  	[smem:$0x3FBA] =	sst s10  }
0x32: {  	s10 =	sld [smem:$0x3FB8];
	_ =	sdelay $0x3  }
0x33: {  	p0 =	seq.s32 s10, $0x1;
	s10 =	sld [smem:$0x3FBA];
	_ =	sdelay $0x3  }
0x34: {  	[smem:$0x3FBA] =	sst s10  }
0x35: {  	s10 =	sld [smem:$0x3FB9];
	_ =	sdelay $0x3  }
0x36: {  	p1 =	seq.s32 s10, $0x1;
	s10 =	sld [smem:$0x3FBA];
	_ =	sdelay $0x3  }
0x37: {  	[smem:$0x3FBA] =	sst s10  }
0x38: {  	s10 =	sld [smem:$0x3FBB]  }
0x39: {  	_ = 	snop;
	(pc) =	sbr.ind lr, $3  }
0x3a: {  	_ = 	snop  }
0x3b: {  	_ = 	snop  }
0x3c: {  	p2 =	seq.s32 s10, $0x1;
	s10 =	sld [smem:$0x3FBA]  }
0x3d: {  	_ =	shalt  }
0x3e: {  	_ =	shalt  }
0x3f: {  	_ =	shalt  }
0x40: {  	_ =	shalt  }
0x41: {  	_ =	shalt  }
0x42: {  	_ =	shalt  }
0x43: {  	_ =	shalt  }
0x44: {  	_ =	shalt  }
0x45: {  	_ =	shalt  }
0x46: {  	_ =	shalt  }
0x47: {  	_ =	shalt  }
0x48: {  	_ =	shalt  }
0x49: {  	_ =	shalt  }
0x4a: {  	_ =	shalt  }
0x4b: {  	_ =	shalt  }
0x4c: {  	_ =	shalt  }
0x4d: {  	_ =	shalt  }
0x4e: {  	_ =	shalt  }
0x4f: {  	_ =	shalt  }
0x50: {  	_ =	shalt  }
0x51: {  	_ =	shalt  }
0x52: {  	_ =	shalt  }
0x53: {  	_ =	shalt  }
0x54: {  	_ =	shalt  }
0x55: {  	_ =	shalt  }
0x56: {  	_ =	shalt  }
0x57: {  	_ =	shalt  }
0x58: {  	_ =	shalt  }
0x59: {  	_ =	shalt  }
0x5a: {  	_ =	shalt  }
0x5b: {  	_ =	shalt  }
0x5c: {  	_ =	shalt  }
0x5d: {  	_ =	shalt  }
0x5e: {  	_ =	shalt  }
0x5f: {  	_ =	shalt  }
0x60: {  	_ =	shalt  }
0x61: {  	_ =	shalt  }
0x62: {  	_ =	shalt  }
0x63: {  	_ =	shalt  }
0x64: {  	_ =	shalt  }
0x65: {  	_ =	shalt  }
0x66: {  	_ =	shalt  }
0x67: {  	_ =	shalt  }
0x68: {  	_ =	shalt  }
0x69: {  	_ =	shalt  }
0x6a: {  	_ =	shalt  }
0x6b: {  	_ =	shalt  }
0x6c: {  	_ =	shalt  }
0x6d: {  	_ =	shalt  }
0x6e: {  	_ =	shalt  }
0x6f: {  	_ =	shalt  }
0x70: {  	_ =	shalt  }
0x71: {  	_ =	shalt  }
0x72: {  	_ =	shalt  }
0x73: {  	_ =	shalt  }
0x74: {  	_ =	shalt  }
0x75: {  	_ =	shalt  }
0x76: {  	_ =	shalt  }
0x77: {  	_ =	shalt  }
0x78: {  	_ =	shalt  }
0x79: {  	_ =	shalt  }
0x7a: {  	_ =	shalt  }
0x7b: {  	_ =	shalt  }
0x7c: {  	_ =	shalt  }
0x7d: {  	_ =	shalt  }
0x7e: {  	_ =	shalt  }
0x7f: {  	_ =	shalt  }
0x80: {  	_ =	shalt  }
0x81: {  	_ =	shalt  }
0x82: {  	_ =	shalt  }
0x83: {  	_ =	shalt  }
0x84: {  	_ =	shalt  }
0x85: {  	_ =	shalt  }
0x86: {  	_ =	shalt  }
0x87: {  	_ =	shalt  }
.Lfunc_end0:
.L_simem_size_0:
called_computation.1_lowered:
.L_overlay_start_0:
0x88: {  	s2 =	sld [smem:$0x3FD9]  }
0x89: {  	s3 =	sld [smem:$0x3FFE];
	_ =	sdelay $0x1  }
0x8a: {  	s1 =	srdreg.scid  }
0x8b: {  	s0 =	sand.u32 $0x1, s1  }
0x8c: {  	s17 =	sshll.u32 s0, $0xA;
	s2 =	sadd.s32 s3, s2  }
0x8d: {  	s2 =	sadd.s32 s2, s17  }
0x8e: {  	[smem:$0x3FC6] =	sst s2  }
0x8f: {  	_ = 	snop  }
0x90: {  	s2 =	sld [smem:$0x3FC9];
	(tm) =	ssettm $0x1  }
0x91: {  	s18 =	sld [smem:$0x3FFB];
	_ =	sdelay $0x3  }
0x92: {  	_ =	strace s18  }
0x93: {  	s3 =	sld [smem:$0x3FFC];
	_ =	sdelay $0x3  }
0x94: {  	_ =	strace s3  }
0x95: {  	s3 =	sld [smem:$0x3FFD];
	_ =	sdelay $0x3  }
0x96: {  	_ =	strace s3  }
0x97: {  	_ =	strace $0x8FFFFFFF  }
0x98: {  	s19 =	sld [smem:$0x3FDB];
	_ =	sdelay $0x1  }
0x99: {  	s4 =	simm.s32 $_scs_section_size  }
0x9a: {  	s5 =	simm.s32 $_size__tile_overlayer_lowered;
	s6 =	simm.s32 $_tile_overlayer_lowered  }
0x9b: {  	s22 =	simm.s32 $0x1BFF;
	s21 =	sshll.u32 s6, $0x1;
	s3 =	sadd.s32 s4, s19  }
0x9c: {  	s7 =	simm.s32 $0x0;
	s20 =	sshll.u32 s5, $0x1;
	s5 =	sadd.s32 s21, s3  }
0x9d: {  	[timem:s7], [sflag:s22] =	dma.local [hbm:s5], s20  }
0x9e: {  	_ =	swait.ge [sflag:s22], s20  }
0x9f: {  	s4 =	ssub.s32 $0x0, s20;
	[sflag:s22] =	ssyncset.done $0x0  }
0xa0: {  	[sflag:s22] =	ssyncadd.s32 s4;
	_ =	sdelay $0x1  }
0xa1: {  	s23 =	simm.s32 $0x1B8B  }
0xa2: {  	_ =	swait.ge [sflag:s23], $0x1  }
0xa3: {  	[sflag:s23] =	ssyncset.done $0x0  }
0xa4: {  	s25 =	simm.s32 $0x1B8E;
	s24 =	sld [smem:$0x3FFE];
	[sflag:s23] =	ssyncadd.s32 $0xFFFFFFFF  }
0xa5: {  	s26 =	simm.s32 $execute0_lowered;
	[smem:$0x3FD2] =	sst s25  }
0xa6: {  	s5 =	sshll.u32 s26, $0x1;
	_ =	strace $0x80000049;
	[dreg:$0x1] =	wrdreg $0xFFFFFFFF  }
0xa7: {  	s28 =	simm.s32 $_size_execute0_lowered;
	s3 =	sadd.s32 s3, s5;
	[dreg:$0x0] =	wrdreg $0x0  }
0xa8: {  	s5 =	sshll.u32 s28, $0x1;
	[dreg:$0x2] =	wrdreg s3  }
0xa9: {  	[dreg:$0x3] =	wrdreg s5  }
0xaa: {  	[dreg:$0x4] =	wrdreg $0xC0  }
0xab: {  	_ =	task [dreg:s7], $0x5FFFF  }
0xac: {  	[dreg:$0x1] =	wrdreg $0xFFFFFFFF  }
0xad: {  	[dreg:$0x0] =	wrdreg $0x60  }
0xae: {  	[dreg:$0x2] =	wrdreg s2  }
0xaf: {  	[dreg:$0x3] =	wrdreg s24  }
0xb0: {  	[dreg:$0x4] =	wrdreg $0x9  }
0xb1: {  	_ =	task.clear_ibuf [dreg:s7], $0x5FFFF;
	_ =	strace $0x90000049  }
0xb2: {  	s29 =	simm.s32 $0x9;
	_ =	strace $0x8000004B  }
0xb3: {  	_ =	swait.ge [sflag:s29], $0x1  }
0xb4: {  	[sflag:s29] =	ssyncadd.s32 $0xFFFFFFFF  }
0xb5: {  	_ =	strace $0x9000004B  }
0xb6: {  	_ =	sfence  }
0xb7: {  	s30 =	sld [smem:$0x0];
	_ =	sdelay $0x2  }
0xb8: {  	s31 =	sshll.u32 s1, $0xD;
	s1 =	sshrl.u32 s1, $0x2  }
0xb9: {  	s3 =	sand.u32 $0x4000, s31;
	s1 =	sadd.s32 s1, s30  }
0xba: {  	s0 =	sor.u32 s3, s0;
	s1 =	sshll.u32 s1, $0x11  }
0xbb: {  	s0 =	sor.u32 s1, s0  }
0xbc: {  	s0 =	sadd.s32 $0x8F2B, s0  }
0xbd: {  	[sflag:s0] =	ssyncadd.remote.s32 $0x1  }
0xbe: {  	_ =	sfence.sel $0xFFFF  }
0xbf: {  	[dreg:$0x0] =	wrdreg $0xFFFFFFFF;
	(pc) =	sbr.abs _section_cstart, $3  }
0xc0: {  	[dreg:$0x1] =	wrdreg $0xFFFFFFFF  }
0xc1: {  	_ =	task.clear_ibuf [dreg:s7], $0x2FFFF;
	_ =	strace $0x9FFFFFFF  }
0xc2: {  	(tm) =	ssettm $0x7FFFFFFF  }
0xc3: {  	_ =	shalt  }
tec
execute0_lowered:
.L_overlay_start_1:
0x0: {  	(tag) =	ssettag $0x1  }
0x1: {  	s1 =	rddreg [dreg:$0x0]  }
0x2: {  	s0 =	rddreg [dreg:$0x1]  }
0x3: {  	s2 =	srdreg.scid;
	s3 =	simm.s32 $0x0;
	s6 =	stileid.u32  }
0x4: {  	s10 =	simm.s32 $0x6000;
	s11 =	simm.s32 $0x9080;
	s28 =	simm.s32 $0x11080  }
0x5: {  	s29 =	simm.s32 $0x11880;
	s30 =	simm.s32 $0x12080;
	s31 =	simm.s32 $0x12880  }
0x6: {  	s8 =	simm.s32 $0x14880;
	s9 =	simm.s32 $0x16080;
	s12 =	simm.s32 $0x16880  }
0x7: {  	s13 =	simm.s32 $0x17080;
	s14 =	simm.s32 $0x17880;
	s15 =	simm.s32 $0x18080  }
0x8: {  	s16 =	simm.s32 $0x18880;
	s17 =	simm.s32 $0x1;
	s18 =	simm.s32 $0x19080  }
0x9: {  	s19 =	simm.s32 $0x1C080;
	s2 =	sand.u32 $0x1, s2;
	s6 =	smul.u32 $0x6, s6  }
0xa: {  	s21 =	simm.s32 $0x0;
	[smem:$0x7FF] =	sst s3;
	s4 =	smul.u32 $0x601, s2  }
0xb: {  	s5 =	ssub.s32 $0x2, s2;
	_ =	strace $0x8000004A;
	s2 =	smul.u32 $0x60, s2  }
0xc: {  	s7 =	sshrl.u32 s5, $0x1;
	s4 =	sadd.s32 s4, s0;
	s0 =	sadd.s32 $0x11A00, s0  }
.Ltmp0:
0xd: {  	s26 =	ssub.s32 s5, s7;
	s2 =	sadd.s32 s6, s2;
	(pc) =	sbr.rel .LBB2_1-.Ltmp0, $4  }
0xe: {  	s7 =	sadd.s32 $0x100, s1;
	s5 =	simm.s32 $0x14080;
	[dreg:$0x3] =	wrdreg s0  }
0xf: {  	v0 =	vlaneseq.u32;
	s6 =	simm.s32 $0x15080;
	s4 =	sadd.s32 $0x10C00, s4;
	[dreg:$0x5] =	wrdreg s2  }
0x10: {  	v1 =	vimm.s32 $0x0;
	vm0 =	vmmov $0xffff;
	v3 =	vshrl.u32 v0, $0x3;
	s0 =	smax.u32 s26, $0x1;
	s2 =	simm.s32 $0x13880;
	[dreg:$0x4] =	wrdreg s4  }
0x11: {  	v2 =	vand.u32 $0x7, v0;
	v4 =	vor.u32 $0x8, v0;
	v3 =	vmul.u32 $0x8, v3;
	[dreg:$0x6] =	wrdreg s0;
	s0 =	simm.s32 $0x13080;
	s4 =	simm.s32 $0x15880  }
.LBB2_10:
0x12: {  	s21 =	rddreg [dreg:$0x7]  }
0x13: {  	s20 =	rddreg [dreg:$0x6];
	s21 =	sadd.s32 $0x1, s21  }
0x14: {  	p0 =	sne.s32 s21, s20  }
.Ltmp1:
0x15: {  	_ = 	snop;
	(pc) =	sbr.rel @!p0 .LBB2_11-.Ltmp1, $1  }
0x16: {  	_ =	sdelay $0x3  }
.LBB2_1:
0x17: {  	[dreg:$0x7] =	wrdreg s21  }
0x18: {  	s20 =	rddreg [dreg:$0x4];
	s25 =	simm.s32 $0x2  }
0x19: {  	[tilespmem:s3], [sflag:$0x2] =	stream.linear.gather [hbm4b:s20+s3], $0x3000, $0x38;
	[tilespmem:$0x1F100] =	vst v63  }
0x1a: {  	_ =	swait.ge [sflag:s25], $0x3000  }
0x1b: {  	[sflag:s25] =	ssyncset.done $0x0  }
0x1c: {  	s26 =	simm.s32 $0xFFFFFFFF;
	[sflag:s25] =	ssyncadd.s32 $0xFFFFD000  }
0x1d: {  	v7 =	vadd.s32 s26, v0;
	v6 =	vld [tilespmem:s3+$0x0]  }
0x1e: {  	vm1 =	vgt.s32 v7, $0xFFFFFFFF;
	vm2 =	vgt.s32 v7, $0x0  }
0x1f: {  	v8 =	vnsel vm2, $0x0, v7;
	_ =	sdelay $0x2  }
0x20: {  	v5 =	vshrl.u32 v6, $0x9  }
0x21: {  	[tilespmem:s3+$0x0] =	vst v5  }
0x22: {  	v8 =	vld.idx.msk [tilespmem:v8+s3+$0x0], vm1;
	_ =	sdelay $0x4  }
0x23: {  	vm1 =	vle.s32 v7, $0xFFFFFFFF;
	vm2 =	vne.s32 v5, v8  }
0x24: {  	vm1 =	vmor vm2, vm1  }
0x25: {  	v7 =	vsel vm1, $0x1, v1  }
0x26: {  	(xrf0) =	vadd.scan.msk.s32 $0xffff, v7;
	_ =	sdelay $0x4  }
0x27: {  	v7 =	vsel vm1, $0xFFFFFFFF, v1  }
0x28: {  	v7 =	vadd.s32 v7, v1;
	v8, _, _ =	vpop (xrf0)  }
0x29: {  	v7 =	vadd.s32 v8, v7  }
0x2a: {  	v6 =	vand.u32 $0x1FF, v6;
	v8 =	vmpcnt.ones.xlane vm1;
	v9 =	vshll.u32 v7, $0x9  }
0x2b: {  	s20 =	simm.s32 $0x3000;
	v9 =	vor.u32 v6, v9  }
0x2c: {  	s21 =	simm.s32 $0xF;
	s22 =	simm.s32 $0x0;
	v6 =	vadd.s32 v1, v8;
	[tilespmem:s20+$0x0] =	vst v9  }
.LBB2_2:
0x2d: {  	_ = 	snop  }
0x2e: {  	p0 =	sne.s32 s21, $0x2FEF;
	[tilespmem:v7+s10+$0x0] =	vst.idx.msk vm1, v5;
	s22 =	sadd.s32 $0x10, s22;
	s20 =	sadd.s32 $0x10, s20;
	v7 =	vmov v6  }
0x2f: {  	v9 =	vadd.s32 s21, v0;
	s21 =	sadd.s32 $0x10, s21;
	v8 =	vld [tilespmem:s22+$0x0]  }
0x30: {  	vm1 =	vgt.s32 v9, $0xFFFFFFFF;
	vm2 =	vgt.s32 v9, $0x0  }
0x31: {  	v10 =	vnsel vm2, $0x0, v9;
	_ =	sdelay $0x2  }
0x32: {  	v5 =	vshrl.u32 v8, $0x9  }
0x33: {  	[tilespmem:s22+$0x0] =	vst v5  }
0x34: {  	v10 =	vld.idx.msk [tilespmem:v10+s3+$0x0], vm1;
	_ =	sdelay $0x5  }
0x35: {  	vm1 =	vle.s32 v9, $0xFFFFFFFF;
	vm2 =	vne.s32 v5, v10  }
0x36: {  	vm1 =	vmor vm2, vm1  }
0x37: {  	v9 =	vsel vm1, $0xFFFFFFFF, v1;
	v10 =	vsel vm1, $0x1, v1;
	v11 =	vmpcnt.ones.xlane vm1  }
0x38: {  	(xrf0) =	vadd.scan.msk.s32 $0xffff, v10  }
0x39: {  	v6 =	vadd.s32 v6, v11;
	_ =	sdelay $0x4  }
.Ltmp2:
0x3a: {  	v7 =	vadd.s32 v9, v7;
	v9, _, _ =	vpop (xrf0);
	(pc) =	sbr.rel @p0 .LBB2_2-.Ltmp2, $4  }
0x3b: {  	v7 =	vadd.s32 v9, v7  }
0x3c: {  	v8 =	vand.u32 $0x1FF, v8;
	v9 =	vshll.u32 v7, $0x9  }
0x3d: {  	v8 =	vor.u32 v8, v9  }
0x3e: {  	[tilespmem:s20+$0x0] =	vst v8  }
0x3f: {  	(v2sf) =	vpush v6, $0x0;
	_ =	sdelay $0xa  }
.Ltmp3:
0x40: {  	_ = 	snop;
	(pc) =	sbr.rel .LBB2_4-.Ltmp3, $2  }
0x41: {  	_ =	sdelay $0x2  }
0x42: {  	[tilespmem:v7+s10+$0x0] =	vst.idx.msk vm1, v5;
	v5 =	vbroadcast v6, $0x0;
	s21 =	simm.s32 $0x0;
	s20 =	spop (v2sf)  }
.LBB2_9:
0x43: {  	s23 =	rddreg [dreg:$0x8]  }
0x44: {  	s22 =	smul.u32 $0x600, s23  }
0x45: {  	s24 =	rddreg [dreg:$0x3]  }
0x46: {  	s25 =	simm.s32 $0x2;
	s23 =	smul.u32 $0x3000, s23;
	s22 =	sadd.s32 s24, s22  }
0x47: {  	[hbm4b:s22+s3] =	stream.linear.scatter [tilespmem:s18], [sflag:$0x2], $0x3000, $0x38;
	[tilespmem:$0x1F100] =	vst v63  }
0x48: {  	s21 =	sadd.s32 $0x1, s21;
	s26 =	sshrl.u32 s23, $0x3;
	_ =	swait.ge [sflag:s25], $0x3000  }
0x49: {  	p0 =	sne.s32 s21, $0x3;
	s22 =	sadd.s32 s24, s26;
	[sflag:s25] =	ssyncset.done $0x0  }
.Ltmp4:
0x4a: {  	s22 =	sadd.s32 $0x600, s22;
	[sflag:s25] =	ssyncadd.s32 $0xFFFFD000;
	(pc) =	sbr.rel @!p0 .LBB2_10-.Ltmp4, $4  }
0x4b: {  	[hbm4b:s22+s3] =	stream.linear.scatter [tilespmem:s19], [sflag:$0x2], $0x3000, $0x38;
	[tilespmem:$0x1F100] =	vst v63  }
0x4c: {  	_ =	swait.ge [sflag:s25], $0x3000  }
0x4d: {  	[sflag:s25] =	ssyncset.done $0x0  }
0x4e: {  	[sflag:s25] =	ssyncadd.s32 $0xFFFFD000  }
.LBB2_4:
.Ltmp5:
0x4f: {  	s22 =	sshll.u32 s21, $0x1;
	s23 =	rddreg [dreg:$0x5];
	(pc) =	sbr.rel .LBB2_5-.Ltmp5, $4  }
0x50: {  	s22 =	sadd.s32 s22, s23  }
0x51: {  	[dreg:$0x8] =	wrdreg s22;
	s22 =	sshll.u32 s22, $0x9  }
0x52: {  	s26 =	sor.u32 $0x200, s22  }
0x53: {  	v6 =	vmov s22;
	s22 =	simm.s32 $0x0;
	v7 =	vmov s26  }
.LBB2_8:
0x54: {  	s22 =	sadd.s32 $0x1, s22  }
0x55: {  	p0 =	sne.s32 s22, $0xC0  }
.Ltmp6:
0x56: {  	_ = 	snop;
	(pc) =	sbr.rel @!p0 .LBB2_9-.Ltmp6, $1  }
0x57: {  	_ =	sdelay $0x3  }
.LBB2_5:
0x58: {  	s23 =	sshll.u32 s22, $0x6  }
0x59: {  	p0 =	sge.s32 s23, s20  }
.Ltmp7:
0x5a: {  	_ = 	snop;
	(pc) =	sbr.rel @p0 .LBB2_8-.Ltmp7, $1  }
0x5b: {  	_ =	sdelay $0x3  }
0x5c: {  	v8 =	vld [tilespmem:s23+$0x6000];
	_ =	sdelay $0x2  }
0x5d: {  	v9 =	vor.u32 s23, v0  }
0x5e: {  	vm1 =	vlt.s32 v9, v5  }
0x5f: {  	v8 =	vnsel vm1, $0x0, v8  }
0x60: {  	v9 =	vadd.s32 v6, v8  }
0x61: {  	v10 =	vadd.s32 v7, v8;
	[tilespmem:$0x1F080] =	vst v9  }
0x62: {  	[tilespmem:$0x1F0C0] =	vst v10  }
0x63: {  	v10 =	vld [tilespmem:s23+$0x6010];
	_ =	sdelay $0x1  }
0x64: {  	s24 =	sor.u32 $0x10, s23  }
0x65: {  	v11 =	vor.u32 s24, v0  }
0x66: {  	vm1 =	vlt.s32 v11, v5  }
0x67: {  	v10 =	vnsel vm1, $0x0, v10  }
0x68: {  	v11 =	vadd.s32 v6, v10  }
0x69: {  	v10 =	vadd.s32 v7, v10;
	[tilespmem:$0x1F090] =	vst v11  }
0x6a: {  	[tilespmem:$0x1F0D0] =	vst v10  }
0x6b: {  	v10 =	vld [tilespmem:s23+$0x6020];
	_ =	sdelay $0x1  }
0x6c: {  	s26 =	sor.u32 $0x20, s23  }
0x6d: {  	v11 =	vor.u32 s26, v0  }
0x6e: {  	vm1 =	vlt.s32 v11, v5  }
0x6f: {  	v10 =	vnsel vm1, $0x0, v10  }
0x70: {  	v11 =	vadd.s32 v6, v10  }
0x71: {  	v10 =	vadd.s32 v7, v10;
	[tilespmem:$0x1F0A0] =	vst v11  }
0x72: {  	v9 =	vshll.u32 v9, $0x2;
	[tilespmem:$0x1F0E0] =	vst v10  }
0x73: {  	v8 =	vand.u32 $0x7, v8;
	v9 =	vand.u32 $0xFFFFFFE0, v9;
	v10 =	vld [tilespmem:s23+$0x6030]  }
0x74: {  	v8 =	vor.u32 v8, v9  }
0x75: {  	s24 =	sor.u32 $0x30, s23;
	v9 =	vperm.xlane v8, v2  }
0x76: {  	v11 =	vor.u32 s24, v0  }
0x77: {  	v9 =	vadd.s32 v3, v9;
	vm1 =	vlt.s32 v11, v5  }
0x78: {  	v10 =	vnsel vm1, $0x0, v10  }
0x79: {  	v8 =	vperm.xlane v8, v4;
	v11 =	vadd.s32 v6, v10  }
0x7a: {  	v10 =	vadd.s32 v7, v10;
	[tilespmem:$0x1F0B0] =	vst v11  }
0x7b: {  	v8 =	vadd.s32 v3, v8;
	s23 =	simm.s32 $0x0;
	[tilespmem:$0x1F0F0] =	vst v10  }
0x7c: {  	[tilespmem:s11], [sflag:$0x1] =	stream.indirect_vreg.gather [hbm4b:s1+s23], $0x80, v9, vm0, $0xb8;
	[tilespmem:$0x1F100] =	vst v63  }
0x7d: {  	s25 =	simm.s32 $0x9880  }
0x7e: {  	[tilespmem:s25], [sflag:$0x1] =	stream.indirect_vreg.gather [hbm4b:s7+s23], $0x80, v9, vm0, $0xb8;
	[tilespmem:$0x1F100] =	vst v63  }
0x7f: {  	s26 =	simm.s32 $0xA080  }
0x80: {  	[tilespmem:s26], [sflag:$0x1] =	stream.indirect_vreg.gather [hbm4b:s1+s23], $0x80, v8, vm0, $0xb8;
	[tilespmem:$0x1F100] =	vst v63  }
0x81: {  	s25 =	simm.s32 $0xA880  }
0x82: {  	[tilespmem:s25], [sflag:$0x1] =	stream.indirect_vreg.gather [hbm4b:s7+s23], $0x80, v8, vm0, $0xb8;
	[tilespmem:$0x1F100] =	vst v63  }
0x83: {  	v8 =	vld [tilespmem:$0x1F090];
	_ =	sdelay $0x4  }
0x84: {  	v9 =	vshll.u32 v8, $0x2  }
0x85: {  	v8 =	vand.u32 $0x7, v8;
	v9 =	vand.u32 $0xFFFFFFE0, v9  }
0x86: {  	v8 =	vor.u32 v8, v9  }
0x87: {  	v9 =	vperm.xlane v8, v2;
	_ =	sdelay $0x1  }
0x88: {  	v9 =	vadd.s32 v3, v9;
	_ =	sdelay $0x1  }
0x89: {  	v8 =	vperm.xlane v8, v4;
	_ =	sdelay $0x1  }
0x8a: {  	s26 =	simm.s32 $0xB080;
	v8 =	vadd.s32 v3, v8  }
0x8b: {  	[tilespmem:s26], [sflag:$0x1] =	stream.indirect_vreg.gather [hbm4b:s1+s23], $0x80, v9, vm0, $0xb8;
	[tilespmem:$0x1F100] =	vst v63  }
0x8c: {  	s25 =	simm.s32 $0xB880  }
0x8d: {  	[tilespmem:s25], [sflag:$0x1] =	stream.indirect_vreg.gather [hbm4b:s7+s23], $0x80, v9, vm0, $0xb8;
	[tilespmem:$0x1F100] =	vst v63  }
0x8e: {  	s26 =	simm.s32 $0xC080  }
0x8f: {  	[tilespmem:s26], [sflag:$0x1] =	stream.indirect_vreg.gather [hbm4b:s1+s23], $0x80, v8, vm0, $0xb8;
	[tilespmem:$0x1F100] =	vst v63  }
0x90: {  	s25 =	simm.s32 $0xC880  }
0x91: {  	[tilespmem:s25], [sflag:$0x1] =	stream.indirect_vreg.gather [hbm4b:s7+s23], $0x80, v8, vm0, $0xb8;
	[tilespmem:$0x1F100] =	vst v63  }
0x92: {  	v8 =	vld [tilespmem:$0x1F0A0];
	_ =	sdelay $0x4  }
0x93: {  	v9 =	vshll.u32 v8, $0x2  }
0x94: {  	v8 =	vand.u32 $0x7, v8;
	v9 =	vand.u32 $0xFFFFFFE0, v9  }
0x95: {  	v8 =	vor.u32 v8, v9  }
0x96: {  	v9 =	vperm.xlane v8, v2;
	_ =	sdelay $0x1  }
0x97: {  	v9 =	vadd.s32 v3, v9;
	_ =	sdelay $0x1  }
0x98: {  	v8 =	vperm.xlane v8, v4;
	_ =	sdelay $0x1  }
0x99: {  	s26 =	simm.s32 $0xD080;
	v8 =	vadd.s32 v3, v8  }
0x9a: {  	[tilespmem:s26], [sflag:$0x1] =	stream.indirect_vreg.gather [hbm4b:s1+s23], $0x80, v9, vm0, $0xb8;
	[tilespmem:$0x1F100] =	vst v63  }
0x9b: {  	s25 =	simm.s32 $0xD880  }
0x9c: {  	[tilespmem:s25], [sflag:$0x1] =	stream.indirect_vreg.gather [hbm4b:s7+s23], $0x80, v9, vm0, $0xb8;
	[tilespmem:$0x1F100] =	vst v63  }
0x9d: {  	s26 =	simm.s32 $0xE080  }
0x9e: {  	[tilespmem:s26], [sflag:$0x1] =	stream.indirect_vreg.gather [hbm4b:s1+s23], $0x80, v8, vm0, $0xb8;
	[tilespmem:$0x1F100] =	vst v63  }
0x9f: {  	s25 =	simm.s32 $0xE880  }
0xa0: {  	[tilespmem:s25], [sflag:$0x1] =	stream.indirect_vreg.gather [hbm4b:s7+s23], $0x80, v8, vm0, $0xb8;
	[tilespmem:$0x1F100] =	vst v63  }
0xa1: {  	v8 =	vld [tilespmem:$0x1F0B0];
	_ =	sdelay $0x4  }
0xa2: {  	v9 =	vshll.u32 v8, $0x2  }
0xa3: {  	v8 =	vand.u32 $0x7, v8;
	v9 =	vand.u32 $0xFFFFFFE0, v9  }
0xa4: {  	v8 =	vor.u32 v8, v9  }
0xa5: {  	v9 =	vperm.xlane v8, v2;
	_ =	sdelay $0x1  }
0xa6: {  	v9 =	vadd.s32 v3, v9;
	_ =	sdelay $0x1  }
0xa7: {  	v8 =	vperm.xlane v8, v4;
	_ =	sdelay $0x1  }
0xa8: {  	s26 =	simm.s32 $0xF080;
	v8 =	vadd.s32 v3, v8  }
0xa9: {  	[tilespmem:s26], [sflag:$0x1] =	stream.indirect_vreg.gather [hbm4b:s1+s23], $0x80, v9, vm0, $0xb8;
	[tilespmem:$0x1F100] =	vst v63  }
0xaa: {  	s25 =	simm.s32 $0xF880  }
0xab: {  	[tilespmem:s25], [sflag:$0x1] =	stream.indirect_vreg.gather [hbm4b:s7+s23], $0x80, v9, vm0, $0xb8;
	[tilespmem:$0x1F100] =	vst v63  }
0xac: {  	s26 =	simm.s32 $0x10080  }
0xad: {  	[tilespmem:s26], [sflag:$0x1] =	stream.indirect_vreg.gather [hbm4b:s1+s23], $0x80, v8, vm0, $0xb8;
	[tilespmem:$0x1F100] =	vst v63  }
0xae: {  	s25 =	simm.s32 $0x10880  }
0xaf: {  	[tilespmem:s25], [sflag:$0x1] =	stream.indirect_vreg.gather [hbm4b:s7+s23], $0x80, v8, vm0, $0xb8;
	[tilespmem:$0x1F100] =	vst v63  }
0xb0: {  	v8 =	vld [tilespmem:$0x1F0C0];
	_ =	sdelay $0x4  }
0xb1: {  	v9 =	vshll.u32 v8, $0x2  }
0xb2: {  	v8 =	vand.u32 $0x7, v8;
	v9 =	vand.u32 $0xFFFFFFE0, v9  }
0xb3: {  	v8 =	vor.u32 v8, v9  }
0xb4: {  	v9 =	vperm.xlane v8, v2;
	_ =	sdelay $0x1  }
0xb5: {  	v9 =	vadd.s32 v3, v9;
	_ =	sdelay $0x1  }
0xb6: {  	v8 =	vperm.xlane v8, v4;
	_ =	sdelay $0x1  }
0xb7: {  	v8 =	vadd.s32 v3, v8  }
0xb8: {  	[tilespmem:s28], [sflag:$0x1] =	stream.indirect_vreg.gather [hbm4b:s1+s23], $0x80, v9, vm0, $0xb8;
	[tilespmem:$0x1F100] =	vst v63  }
0xb9: {  	_ = 	snop  }
0xba: {  	[tilespmem:s29], [sflag:$0x1] =	stream.indirect_vreg.gather [hbm4b:s7+s23], $0x80, v9, vm0, $0xb8;
	[tilespmem:$0x1F100] =	vst v63  }
0xbb: {  	_ = 	snop  }
0xbc: {  	[tilespmem:s30], [sflag:$0x1] =	stream.indirect_vreg.gather [hbm4b:s1+s23], $0x80, v8, vm0, $0xb8;
	[tilespmem:$0x1F100] =	vst v63  }
0xbd: {  	_ = 	snop  }
0xbe: {  	[tilespmem:s31], [sflag:$0x1] =	stream.indirect_vreg.gather [hbm4b:s7+s23], $0x80, v8, vm0, $0xb8;
	[tilespmem:$0x1F100] =	vst v63  }
0xbf: {  	v8 =	vld [tilespmem:$0x1F0D0];
	_ =	sdelay $0x4  }
0xc0: {  	v9 =	vshll.u32 v8, $0x2  }
0xc1: {  	v8 =	vand.u32 $0x7, v8;
	v9 =	vand.u32 $0xFFFFFFE0, v9  }
0xc2: {  	v8 =	vor.u32 v8, v9  }
0xc3: {  	v9 =	vperm.xlane v8, v2;
	_ =	sdelay $0x1  }
0xc4: {  	v9 =	vadd.s32 v3, v9;
	_ =	sdelay $0x1  }
0xc5: {  	v8 =	vperm.xlane v8, v4;
	_ =	sdelay $0x1  }
0xc6: {  	v8 =	vadd.s32 v3, v8  }
0xc7: {  	[tilespmem:s0], [sflag:$0x1] =	stream.indirect_vreg.gather [hbm4b:s1+s23], $0x80, v9, vm0, $0xb8;
	[tilespmem:$0x1F100] =	vst v63  }
0xc8: {  	_ = 	snop  }
0xc9: {  	[tilespmem:s2], [sflag:$0x1] =	stream.indirect_vreg.gather [hbm4b:s7+s23], $0x80, v9, vm0, $0xb8;
	[tilespmem:$0x1F100] =	vst v63  }
0xca: {  	_ = 	snop  }
0xcb: {  	[tilespmem:s5], [sflag:$0x1] =	stream.indirect_vreg.gather [hbm4b:s1+s23], $0x80, v8, vm0, $0xb8;
	[tilespmem:$0x1F100] =	vst v63  }
0xcc: {  	_ = 	snop  }
0xcd: {  	[tilespmem:s8], [sflag:$0x1] =	stream.indirect_vreg.gather [hbm4b:s7+s23], $0x80, v8, vm0, $0xb8;
	[tilespmem:$0x1F100] =	vst v63  }
0xce: {  	v8 =	vld [tilespmem:$0x1F0E0];
	_ =	sdelay $0x4  }
0xcf: {  	v9 =	vshll.u32 v8, $0x2  }
0xd0: {  	v8 =	vand.u32 $0x7, v8;
	v9 =	vand.u32 $0xFFFFFFE0, v9  }
0xd1: {  	v8 =	vor.u32 v8, v9  }
0xd2: {  	v9 =	vperm.xlane v8, v2;
	_ =	sdelay $0x1  }
0xd3: {  	v9 =	vadd.s32 v3, v9;
	_ =	sdelay $0x1  }
0xd4: {  	v8 =	vperm.xlane v8, v4;
	_ =	sdelay $0x1  }
0xd5: {  	v8 =	vadd.s32 v3, v8  }
0xd6: {  	[tilespmem:s6], [sflag:$0x1] =	stream.indirect_vreg.gather [hbm4b:s1+s23], $0x80, v9, vm0, $0xb8;
	[tilespmem:$0x1F100] =	vst v63  }
0xd7: {  	_ = 	snop  }
0xd8: {  	[tilespmem:s4], [sflag:$0x1] =	stream.indirect_vreg.gather [hbm4b:s7+s23], $0x80, v9, vm0, $0xb8;
	[tilespmem:$0x1F100] =	vst v63  }
0xd9: {  	_ = 	snop  }
0xda: {  	[tilespmem:s9], [sflag:$0x1] =	stream.indirect_vreg.gather [hbm4b:s1+s23], $0x80, v8, vm0, $0xb8;
	[tilespmem:$0x1F100] =	vst v63  }
0xdb: {  	_ = 	snop  }
0xdc: {  	[tilespmem:s12], [sflag:$0x1] =	stream.indirect_vreg.gather [hbm4b:s7+s23], $0x80, v8, vm0, $0xb8;
	[tilespmem:$0x1F100] =	vst v63  }
0xdd: {  	v8 =	vld [tilespmem:$0x1F0F0];
	_ =	sdelay $0x4  }
0xde: {  	v9 =	vshll.u32 v8, $0x2  }
0xdf: {  	v8 =	vand.u32 $0x7, v8;
	v9 =	vand.u32 $0xFFFFFFE0, v9  }
0xe0: {  	v8 =	vor.u32 v8, v9  }
0xe1: {  	v9 =	vperm.xlane v8, v2;
	_ =	sdelay $0x1  }
0xe2: {  	v9 =	vadd.s32 v3, v9;
	_ =	sdelay $0x1  }
0xe3: {  	v8 =	vperm.xlane v8, v4;
	_ =	sdelay $0x1  }
0xe4: {  	v8 =	vadd.s32 v3, v8  }
0xe5: {  	[tilespmem:s13], [sflag:$0x1] =	stream.indirect_vreg.gather [hbm4b:s1+s23], $0x80, v9, vm0, $0xb8;
	[tilespmem:$0x1F100] =	vst v63  }
0xe6: {  	_ = 	snop  }
0xe7: {  	[tilespmem:s14], [sflag:$0x1] =	stream.indirect_vreg.gather [hbm4b:s7+s23], $0x80, v9, vm0, $0xb8;
	[tilespmem:$0x1F100] =	vst v63  }
0xe8: {  	_ = 	snop  }
0xe9: {  	[tilespmem:s15], [sflag:$0x1] =	stream.indirect_vreg.gather [hbm4b:s1+s23], $0x80, v8, vm0, $0xb8;
	[tilespmem:$0x1F100] =	vst v63  }
0xea: {  	_ = 	snop  }
0xeb: {  	[tilespmem:s16], [sflag:$0x1] =	stream.indirect_vreg.gather [hbm4b:s7+s23], $0x80, v8, vm0, $0xb8;
	[tilespmem:$0x1F100] =	vst v63  }
0xec: {  	_ =	swait.ge [sflag:s17], $0x10000  }
0xed: {  	s26 =	sshll.u32 s22, $0xF;
	[sflag:s17] =	ssyncset.done $0x0  }
0xee: {  	s24 =	simm.s32 $0xFFFFFFFC;
	s25 =	simm.s32 $0x3020;
	v8 =	vmov s26;
	[sflag:s17] =	ssyncadd.s32 $0xFFFF0000  }
.LBB2_7:
0xef: {  	v9 =	vld [tilespmem:s25+$0xFFFFFFE0];
	_ =	sdelay $0x4  }
0xf0: {  	v9 =	vsub.s32 v9, v8  }
0xf1: {  	vm1 =	vgt.s32 v9, $0x0  }
0xf2: {  	v10 =	vnsel vm1, $0x0, v9  }
0xf3: {  	v10 =	vmin.u32 v10, $0x7FFF  }
0xf4: {  	v11 =	vshrl.u32 v10, $0x2  }
0xf5: {  	v12 =	vshll.u32 v10, $0x3;
	v10 =	vand.u32 $0x707F, v10;
	v11 =	vand.u32 $0x380, v11  }
0xf6: {  	vm1 =	vlt.u32 v9, $0x8000;
	v9 =	vand.u32 $0xC00, v12;
	v10 =	vor.u32 v11, v10  }
0xf7: {  	v9 =	vor.u32 v9, v10;
	_ =	sdelay $0x4  }
0xf8: {  	v10 =	vor.u32 s23, v0;
	v11 =	vld.idx.msk [tilespmem:v9+s11+$0x0], vm1  }
0xf9: {  	v9 =	vor.u32 $0x8000, v9;
	_ =	sdelay $0x3  }
0xfa: {  	[tilespmem:v10+s18+$0x0] =	vst.idx.msk vm1, v11  }
0xfb: {  	v9 =	vld.idx.msk [tilespmem:v9+s11+$0x0], vm1;
	_ =	sdelay $0x4  }
0xfc: {  	[tilespmem:v10+s19+$0x0] =	vst.idx.msk vm1, v9  }
0xfd: {  	v9 =	vld [tilespmem:s25+$0xFFFFFFF0];
	_ =	sdelay $0x4  }
0xfe: {  	v9 =	vsub.s32 v9, v8  }
0xff: {  	vm1 =	vgt.s32 v9, $0x0  }
0x100: {  	v10 =	vnsel vm1, $0x0, v9  }
0x101: {  	v10 =	vmin.u32 v10, $0x7FFF  }
0x102: {  	v11 =	vshrl.u32 v10, $0x2  }
0x103: {  	v61 =	vshll.u32 v10, $0x3;
	v10 =	vand.u32 $0x707F, v10;
	v11 =	vand.u32 $0x380, v11  }
0x104: {  	vm1 =	vlt.u32 v9, $0x8000;
	v9 =	vand.u32 $0xC00, v61;
	v10 =	vor.u32 v11, v10  }
0x105: {  	v9 =	vor.u32 v9, v10;
	_ =	sdelay $0x3  }
0x106: {  	s26 =	sadd.s32 $0x10, s23  }
0x107: {  	v10 =	vor.u32 s26, v0;
	v11 =	vld.idx.msk [tilespmem:v9+s11+$0x0], vm1  }
0x108: {  	v9 =	vor.u32 $0x8000, v9;
	_ =	sdelay $0x3  }
0x109: {  	[tilespmem:v10+s18+$0x0] =	vst.idx.msk vm1, v11  }
0x10a: {  	v9 =	vld.idx.msk [tilespmem:v9+s11+$0x0], vm1;
	_ =	sdelay $0x4  }
0x10b: {  	[tilespmem:v10+s19+$0x0] =	vst.idx.msk vm1, v9  }
0x10c: {  	v9 =	vld [tilespmem:s25+$0x0];
	_ =	sdelay $0x4  }
0x10d: {  	v9 =	vsub.s32 v9, v8  }
0x10e: {  	vm1 =	vgt.s32 v9, $0x0  }
0x10f: {  	v10 =	vnsel vm1, $0x0, v9  }
0x110: {  	v10 =	vmin.u32 v10, $0x7FFF  }
0x111: {  	v11 =	vshrl.u32 v10, $0x2  }
0x112: {  	v62 =	vshll.u32 v10, $0x3;
	v10 =	vand.u32 $0x707F, v10;
	v11 =	vand.u32 $0x380, v11  }
0x113: {  	vm1 =	vlt.u32 v9, $0x8000;
	v9 =	vand.u32 $0xC00, v62;
	v10 =	vor.u32 v11, v10  }
0x114: {  	v9 =	vor.u32 v9, v10;
	_ =	sdelay $0x3  }
0x115: {  	s26 =	sadd.s32 $0x20, s23  }
0x116: {  	v10 =	vor.u32 s26, v0;
	v11 =	vld.idx.msk [tilespmem:v9+s11+$0x0], vm1  }
0x117: {  	v9 =	vor.u32 $0x8000, v9;
	_ =	sdelay $0x3  }
0x118: {  	[tilespmem:v10+s18+$0x0] =	vst.idx.msk vm1, v11  }
0x119: {  	v9 =	vld.idx.msk [tilespmem:v9+s11+$0x0], vm1;
	_ =	sdelay $0x4  }
0x11a: {  	[tilespmem:v10+s19+$0x0] =	vst.idx.msk vm1, v9  }
0x11b: {  	v9 =	vld [tilespmem:s25+$0x10];
	_ =	sdelay $0x4  }
0x11c: {  	v9 =	vsub.s32 v9, v8  }
0x11d: {  	vm1 =	vgt.s32 v9, $0x0  }
0x11e: {  	v10 =	vnsel vm1, $0x0, v9  }
0x11f: {  	v10 =	vmin.u32 v10, $0x7FFF  }
0x120: {  	v11 =	vshrl.u32 v10, $0x2  }
0x121: {  	v63 =	vshll.u32 v10, $0x3;
	v10 =	vand.u32 $0x707F, v10;
	v11 =	vand.u32 $0x380, v11  }
0x122: {  	vm1 =	vlt.u32 v9, $0x8000;
	v9 =	vand.u32 $0xC00, v63;
	v10 =	vor.u32 v11, v10  }
0x123: {  	v9 =	vor.u32 v9, v10;
	_ =	sdelay $0x3  }
0x124: {  	s26 =	sadd.s32 $0x30, s23  }
0x125: {  	v11 =	vor.u32 s26, v0;
	v10 =	vld.idx.msk [tilespmem:v9+s11+$0x0], vm1  }
0x126: {  	v9 =	vor.u32 $0x8000, v9;
	_ =	sdelay $0x3  }
0x127: {  	s24 =	sadd.s32 $0x4, s24;
	[tilespmem:v11+s18+$0x0] =	vst.idx.msk vm1, v10  }
0x128: {  	p0 =	slt.u32 s24, $0x2FC;
	v9 =	vld.idx.msk [tilespmem:v9+s11+$0x0], vm1  }
.Ltmp8:
0x129: {  	_ = 	snop;
	(pc) =	sbr.rel @p0 .LBB2_7-.Ltmp8, $2  }
0x12a: {  	_ =	sdelay $0x2  }
0x12b: {  	s23 =	sadd.s32 $0x40, s23;
	s25 =	sadd.s32 $0x40, s25;
	[tilespmem:v11+s19+$0x0] =	vst.idx.msk vm1, v9  }
.Ltmp9:
0x12c: {  	_ = 	snop;
	(pc) =	sbr.rel .LBB2_8-.Ltmp9, $1  }
0x12d: {  	_ =	sdelay $0x3  }
.LBB2_11:
0x12e: {  	_ =	sfence.sel $0x180000  }
0x12f: {  	[bflag:$0x0] =	sbarrier.arrive $0xFFFF  }
0x130: {  	_ =	strace $0x9000004A  }
0x131: {  	s0 =	stileid.u32;
	[bflag:$0x2] =	sbarrier.arrive $0xFFFF  }
0x132: {  	p0 =	sne.s32 s0, $0x0;
	s0 =	rddreg [dreg:$0x2]  }
0x133: {  	s0 =	sadd.s32 @!p0 $0x100000, s0  }
0x134: {  	[sflag:s0] =	ssyncadd.tile.s32 @!p0 $0x1;
	_ =	shalt  }
.Lfunc_end2:
_tile_overlayer_lowered:
.L_overlay_start_2:
0x135: {  	(tag) =	ssettag $0x2  }
0x136: {  	s0 =	rddreg [dreg:$0x0];
	s2 =	stileid.u32  }
0x137: {  	s1 =	rddreg [dreg:$0x1];
	p0 =	sne.s32 s2, $0x0  }
0x138: {  	s3 =	rddreg [dreg:$0x2];
	[bflag:$0x3] =	sbarrier.arrive $0xFFFF;
	s2 =	simm.s32 @!p0 $0x1C02  }
0x139: {  	[timem:s3], [sflag:s2] =	dma.local @!p0 [hbm:s0], s1  }
0x13a: {  	s0 =	simm.s32 @!p0 $0x2  }
0x13b: {  	_ =	swait.ge @!p0 [sflag:s0], s1  }
0x13c: {  	s1 =	ssub.s32 @!p0 $0x0, s1;
	[sflag:s0] =	ssyncset.done @!p0 $0x0  }
0x13d: {  	[sflag:s0] =	ssyncadd.s32 @!p0 s1  }
0x13e: {  	[bflag:$0x3] =	sbarrier.arrive $0xFFFF  }
0x13f: {  	_ =	shalt  }

</sc_bundles>
